<compile_context>
chip_gen: v7x
topology: tpu7x:2x2x1
jax: 0.10.2.dev20260603
libtpu: 0.0.44.dev20260713+nightly
codegen_flags: <defaults>
</compile_context>

<pallas_src>
import functools

import jax
import jax.numpy as jnp
from jax import lax
from jax.experimental import pallas as pl
from jax.experimental.pallas import tpu as pltpu
from jax.experimental.pallas import tpu_sc as plsc

_B, _L, _D = 4096, 50, 64
_NC, _NS = 2, 16
_NW = _NC * _NS
_TPW = (_B * _L) // _NW
_RPW = _B // _NW
_CH = 128
_NCH = _TPW // _CH
_G = _D // 16


@functools.partial(
    pl.kernel,
    out_type=(
        jax.ShapeDtypeStruct((_B * _L, _D), jnp.float32),
        jax.ShapeDtypeStruct((_B, _D), jnp.float32),
    ),
    mesh=plsc.VectorSubcoreMesh(core_axis_name="c", subcore_axis_name="s"),
    compiler_params=pltpu.CompilerParams(use_tc_tiling_on_sc=False),
    scratch_types=[
        pltpu.VMEM((_TPW,), jnp.int32),
        pltpu.VMEM((_TPW,), jnp.float32),
        pltpu.VMEM((_CH, _D), jnp.float32),
        pltpu.VMEM((_CH, _D), jnp.float32),
        pltpu.VMEM((_RPW, _D), jnp.float32),
        pltpu.VMEM((_RPW, _D), jnp.float32),
        pltpu.VMEM((8, _D), jnp.float32),
        pltpu.SemaphoreType.DMA,
        pltpu.SemaphoreType.DMA,
        pltpu.SemaphoreType.DMA,
        pltpu.SemaphoreType.DMA,
    ],
)
def _glove_sc(tid_hbm, mask_hbm, table_hbm, toks_hbm, summ_hbm,
              idx_v, m_v, rows_a, rows_b, sums_v, cnt_v, acc_v,
              gsem_a, gsem_b, osem_a, osem_b):
    wid = lax.axis_index("s") * _NC + lax.axis_index("c")
    base_tok = wid * _TPW
    base_row = wid * _RPW

    z16 = jnp.zeros((16,), jnp.float32)
    one16 = z16 + 1.0

    pltpu.sync_copy(tid_hbm.at[pl.ds(base_tok, _TPW)], idx_v)
    pltpu.sync_copy(mask_hbm.at[pl.ds(base_tok, _TPW)], m_v)

    def gather_desc(c, rows, sem):
        return pltpu.make_async_copy(
            table_hbm.at[idx_v.at[pl.ds(c * _CH, _CH)]], rows, sem)

    def out_desc(c, rows, sem):
        return pltpu.make_async_copy(
            rows, toks_hbm.at[pl.ds(base_tok + c * _CH, _CH)], sem)

    gather_desc(0, rows_a, gsem_a).start()
    gather_desc(1, rows_b, gsem_b).start()

    def flush(b, a0, a1, a2, a3, c16):
        sums_v[b, pl.ds(0, 16)] = a0
        sums_v[b, pl.ds(16, 16)] = a1
        sums_v[b, pl.ds(32, 16)] = a2
        sums_v[b, pl.ds(48, 16)] = a3
        cnt_v[b, pl.ds(0, 16)] = c16

    def accum_chunk(c, rows, st):

        def grp_body(q, st2):
            l, b = st2
            a0 = acc_v[0, pl.ds(0, 16)]
            a1 = acc_v[1, pl.ds(0, 16)]
            a2 = acc_v[2, pl.ds(0, 16)]
            a3 = acc_v[3, pl.ds(0, 16)]
            c16 = acc_v[4, pl.ds(0, 16)]
            mv16 = m_v[pl.ds(c * _CH + q * 16, 16)]
            for j in range(16):
                is_new = l == 0

                @pl.when(jnp.logical_and(is_new, b >= 0))
                def _flush(a0=a0, a1=a1, a2=a2, a3=a3, c16=c16, b=b):
                    flush(b, a0, a1, a2, a3, c16)

                b = jnp.where(is_new, b + 1, b)
                m16 = lax.broadcast(mv16[j], (16,))
                t = q * 16 + j
                a0 = jnp.where(is_new, z16, a0) + rows[t, pl.ds(0, 16)] * m16
                a1 = jnp.where(is_new, z16, a1) + rows[t, pl.ds(16, 16)] * m16
                a2 = jnp.where(is_new, z16, a2) + rows[t, pl.ds(32, 16)] * m16
                a3 = jnp.where(is_new, z16, a3) + rows[t, pl.ds(48, 16)] * m16
                c16 = jnp.where(is_new, z16, c16) + m16
                l = jnp.where(l == _L - 1, 0, l + 1)
            acc_v[0, pl.ds(0, 16)] = a0
            acc_v[1, pl.ds(0, 16)] = a1
            acc_v[2, pl.ds(0, 16)] = a2
            acc_v[3, pl.ds(0, 16)] = a3
            acc_v[4, pl.ds(0, 16)] = c16
            return (l, b)

        return lax.fori_loop(0, _CH // 16, grp_body, st)

    def pair_body(i, st):
        ca = 2 * i
        cb = 2 * i + 1
        gather_desc(ca, rows_a, gsem_a).wait()
        oa = out_desc(ca, rows_a, osem_a)
        oa.start()
        st = accum_chunk(ca, rows_a, st)

        @pl.when(i < _NCH // 2 - 1)
        def _refill_a():
            oa.wait()
            gather_desc(ca + 2, rows_a, gsem_a).start()

        gather_desc(cb, rows_b, gsem_b).wait()
        ob = out_desc(cb, rows_b, osem_b)
        ob.start()
        st = accum_chunk(cb, rows_b, st)

        @pl.when(i < _NCH // 2 - 1)
        def _refill_b():
            ob.wait()
            gather_desc(cb + 2, rows_b, gsem_b).start()

        return st

    st = lax.fori_loop(0, _NCH // 2, pair_body,
                       (jnp.int32(0), jnp.int32(-1)))

    l, b = st
    flush(b,
          acc_v[0, pl.ds(0, 16)], acc_v[1, pl.ds(0, 16)],
          acc_v[2, pl.ds(0, 16)], acc_v[3, pl.ds(0, 16)],
          acc_v[4, pl.ds(0, 16)])

    out_desc(_NCH - 2, rows_a, osem_a).wait()
    out_desc(_NCH - 1, rows_b, osem_b).wait()

    def finalize(r, carry):
        inv16 = one16 / jnp.maximum(cnt_v[r, pl.ds(0, 16)], one16)
        for g in range(_G):
            sl = pl.ds(g * 16, 16)
            sums_v[r, sl] = sums_v[r, sl] * inv16
        return carry

    lax.fori_loop(0, _RPW, finalize, 0)
    pltpu.sync_copy(sums_v, summ_hbm.at[pl.ds(base_row, _RPW)])


def kernel(token_ids, summary_mask, table):
    tid = token_ids.reshape(_B * _L).astype(jnp.int32)
    m = summary_mask.reshape(_B * _L).astype(jnp.float32)
    toks_flat, summary = _glove_sc(tid, m, table)
    return summary, toks_flat.reshape(_B, _L, _D)

# --- scband reference (transcript-rebuilt; emitter-appended) ---
"""Pipeline reference for scband-simple-glove-encoder-32804960207464 (READ-ONLY COPY).

The authoritative reference and input builder live on the scoring server;
editing this copy changes nothing except your own understanding.
"""

import jax, jax.numpy as jnp
import numpy as np

VOCAB = 100000
B = 4096
L = 50
D = 64


def setup_inputs(seed: int = 0) -> dict:
    key = jax.random.key(seed)
    k1, k2, k3 = jax.random.split(key, 3)
    token_ids = jax.random.randint(k1, (B, L), 0, VOCAB)
    summary_mask = jax.random.randint(k2, (B, L), 0, 2).astype(jnp.bool_)
    table = jax.random.normal(k3, (VOCAB, D), dtype=jnp.float32)
    return {"token_ids": token_ids, "summary_mask": summary_mask, "table": table}


def reference(token_ids, summary_mask, table):
    # Embedding lookup: one GloVe vector per (possibly padded) token.
    toks = jnp.take(table, token_ids, axis=0)  # [B, L, D]
    # summary_mask marks tokens that are in-vocab and not stop words;
    # the summary is the mean of those token vectors (matching the
    # this_sum / this_sum_count accumulation in the torch module).
    m = summary_mask.astype(toks.dtype)  # [B, L]
    summed = jnp.sum(toks * m[..., None], axis=1)  # [B, D]
    cnt = jnp.maximum(jnp.sum(m, axis=1), 1.0)  # [B], avoid div-by-zero
    summary = summed / cnt[:, None]  # [B, D]
    return (summary, toks)

if __name__ == "__main__":
    import jax
    _d = setup_inputs()
    print(jax.jit(kernel)(*tuple(_d.values())))

</pallas_src>

<mosaic_0001>
#map = affine_map<(d0, d1) -> (0)>
#map1 = affine_map<(d0, d1) -> (0, 0)>
module attributes {stable_mosaic.version = 14 : i64} {
  func.func @_glove_sc(%arg0: i32, %arg1: i32, %arg2: memref<204800xi32, #tpu.memory_space<hbm>>, %arg3: memref<204800xf32, #tpu.memory_space<hbm>>, %arg4: memref<100000x64xf32, #tpu.memory_space<hbm>>, %arg5: memref<204800x64xf32, #tpu.memory_space<hbm>>, %arg6: memref<4096x64xf32, #tpu.memory_space<hbm>>, %arg7: memref<6400xi32, #tpu.memory_space<vmem>>, %arg8: memref<6400xf32, #tpu.memory_space<vmem>>, %arg9: memref<128x64xf32, #tpu.memory_space<vmem>>, %arg10: memref<128x64xf32, #tpu.memory_space<vmem>>, %arg11: memref<128x64xf32, #tpu.memory_space<vmem>>, %arg12: memref<128x64xf32, #tpu.memory_space<vmem>>, %arg13: memref<8x64xf32, #tpu.memory_space<vmem>>, %arg14: memref<!tpu.dma_semaphore, #tpu.memory_space<semaphore_mem>>, %arg15: memref<!tpu.dma_semaphore, #tpu.memory_space<semaphore_mem>>, %arg16: memref<!tpu.dma_semaphore, #tpu.memory_space<semaphore_mem>>, %arg17: memref<!tpu.dma_semaphore, #tpu.memory_space<semaphore_mem>>) attributes {dimension_semantics = [#tpu.dimension_semantics<core_parallel>, #tpu.dimension_semantics<subcore_parallel>], iteration_bounds = array<i64: 2, 16>, scalar_prefetch = 0 : i64, scratch_operands = 11 : i64, tpu.core_type = #tpu.core_type<sc_vector_subcore>, window_params = [{transform_indices = #map}, {transform_indices = #map}, {transform_indices = #map1}, {transform_indices = #map1}, {transform_indices = #map1}]} {
    %mul3A = arith.constant 2 : i32
    %mul3A_0 = arith.muli %arg1, %mul3A : i32
    %add3A = arith.addi %mul3A_0, %arg0 : i32
    %mul3A_1 = arith.constant 6400 : i32
    %mul3A_2 = arith.muli %add3A, %mul3A_1 : i32
    %mul3A_3 = arith.constant 128 : i32
    %mul3A_4 = arith.muli %add3A, %mul3A_3 : i32
    %broadcast_in_dim3A = arith.constant 0.000000e+00 : f32
    %broadcast_in_dim3A_5 = vector.broadcast %broadcast_in_dim3A : f32 to vector<16xf32>
    %add3A_6 = arith.constant 1.000000e+00 : f32
    %add3A_7 = vector.broadcast %add3A_6 : f32 to vector<16xf32>
    %add3A_8 = arith.addf %broadcast_in_dim3A_5, %add3A_7 : vector<16xf32>
    "tpu.region"() ({
      %run_scoped3A = tpu.sem_alloc : memref<!tpu.dma_semaphore, #tpu.memory_space<semaphore_mem>>
      %dma_start3A_90 = tpu.memref_slice %arg2[%mul3A_2] : memref<204800xi32, #tpu.memory_space<hbm>> -> memref<6400xi32, #tpu.memory_space<hbm>>
      %dma_start3A_91 = tpu.memref_slice %arg2[%mul3A_2] : memref<204800xi32, #tpu.memory_space<hbm>> -> memref<6400xi32, #tpu.memory_space<hbm>>
      tpu.enqueue_dma source(%dma_start3A_91 : memref<6400xi32, #tpu.memory_space<hbm>>) target(%arg7 : memref<6400xi32, #tpu.memory_space<vmem>>) target_semaphore(%run_scoped3A : memref<!tpu.dma_semaphore, #tpu.memory_space<semaphore_mem>>)
      %dma_wait3A_92 = tpu.memref_slice %arg2[%mul3A_2] : memref<204800xi32, #tpu.memory_space<hbm>> -> memref<6400xi32, #tpu.memory_space<hbm>>
      %dma_wait3A_93 = tpu.memref_slice %arg2[%mul3A_2] : memref<204800xi32, #tpu.memory_space<hbm>> -> memref<6400xi32, #tpu.memory_space<hbm>>
      tpu.wait_dma2 semaphore(%run_scoped3A : memref<!tpu.dma_semaphore, #tpu.memory_space<semaphore_mem>>) src(%dma_wait3A_93 : memref<6400xi32, #tpu.memory_space<hbm>>) dst(%arg7 : memref<6400xi32, #tpu.memory_space<vmem>>)
      tpu.yield
    }) : () -> ()
    "tpu.region"() ({
      %run_scoped3A = tpu.sem_alloc : memref<!tpu.dma_semaphore, #tpu.memory_space<semaphore_mem>>
      %dma_start3A_90 = tpu.memref_slice %arg3[%mul3A_2] : memref<204800xf32, #tpu.memory_space<hbm>> -> memref<6400xf32, #tpu.memory_space<hbm>>
      %dma_start3A_91 = tpu.memref_slice %arg3[%mul3A_2] : memref<204800xf32, #tpu.memory_space<hbm>> -> memref<6400xf32, #tpu.memory_space<hbm>>
      tpu.enqueue_dma source(%dma_start3A_91 : memref<6400xf32, #tpu.memory_space<hbm>>) target(%arg8 : memref<6400xf32, #tpu.memory_space<vmem>>) target_semaphore(%run_scoped3A : memref<!tpu.dma_semaphore, #tpu.memory_space<semaphore_mem>>)
      %dma_wait3A_92 = tpu.memref_slice %arg3[%mul3A_2] : memref<204800xf32, #tpu.memory_space<hbm>> -> memref<6400xf32, #tpu.memory_space<hbm>>
      %dma_wait3A_93 = tpu.memref_slice %arg3[%mul3A_2] : memref<204800xf32, #tpu.memory_space<hbm>> -> memref<6400xf32, #tpu.memory_space<hbm>>
      tpu.wait_dma2 semaphore(%run_scoped3A : memref<!tpu.dma_semaphore, #tpu.memory_space<semaphore_mem>>) src(%dma_wait3A_93 : memref<6400xf32, #tpu.memory_space<hbm>>) dst(%arg8 : memref<6400xf32, #tpu.memory_space<vmem>>)
      tpu.yield
    }) : () -> ()
    %dma_start3A = arith.constant 0 : i32
    %dma_start3A_9 = tpu.memref_slice %arg7[%dma_start3A] : memref<6400xi32, #tpu.memory_space<vmem>> -> memref<128xi32, #tpu.memory_space<vmem>>
    %dma_start3A_10 = arith.constant 0 : i32
    %dma_start3A_11 = arith.constant 0 : i32
    %dma_start3A_12 = tpu.memref_slice %arg4[%dma_start3A_10, %dma_start3A_11] : memref<100000x64xf32, #tpu.memory_space<hbm>> -> memref<100000x64xf32, #tpu.memory_space<hbm>>
    tpu.enqueue_indirect_dma source(%dma_start3A_12 : memref<100000x64xf32, #tpu.memory_space<hbm>>) target(%arg9 : memref<128x64xf32, #tpu.memory_space<vmem>>) offsets(%dma_start3A_9 : memref<128xi32, #tpu.memory_space<vmem>>) semaphore(%arg14 : memref<!tpu.dma_semaphore, #tpu.memory_space<semaphore_mem>>)
    %dma_start3A_13 = arith.constant 128 : i32
    %dma_start3A_14 = tpu.memref_slice %arg7[%dma_start3A_13] : memref<6400xi32, #tpu.memory_space<vmem>> -> memref<128xi32, #tpu.memory_space<vmem>>
    %dma_start3A_15 = arith.constant 0 : i32
    %dma_start3A_16 = arith.constant 0 : i32
    %dma_start3A_17 = tpu.memref_slice %arg4[%dma_start3A_15, %dma_start3A_16] : memref<100000x64xf32, #tpu.memory_space<hbm>> -> memref<100000x64xf32, #tpu.memory_space<hbm>>
    tpu.enqueue_indirect_dma source(%dma_start3A_17 : memref<100000x64xf32, #tpu.memory_space<hbm>>) target(%arg10 : memref<128x64xf32, #tpu.memory_space<vmem>>) offsets(%dma_start3A_14 : memref<128xi32, #tpu.memory_space<vmem>>) semaphore(%arg15 : memref<!tpu.dma_semaphore, #tpu.memory_space<semaphore_mem>>)
    %scan3A = arith.constant 0 : i32
    %scan3A_18 = arith.constant -1 : i32
    %scan3A_19 = arith.constant 0 : i32
    %scan3A_20 = arith.constant 25 : i32
    %scan3A_21 = arith.addi %scan3A_19, %scan3A_20 : i32
    %scan3A_22 = arith.constant 1 : i32
    %scan3A_23:2 = scf.for %scan3A_90 = %scan3A_19 to %scan3A_21 step %scan3A_22 iter_args(%scan3A_91 = %scan3A, %scan3A_92 = %scan3A_18) -> (i32, i32)  : i32 {
      %mul3A_93 = arith.constant 2 : i32
      %mul3A_94 = arith.muli %mul3A_93, %scan3A_90 : i32
      %mul3A_95 = arith.constant 2 : i32
      %mul3A_96 = arith.muli %mul3A_95, %scan3A_90 : i32
      %add3A_97 = arith.constant 1 : i32
      %add3A_98 = arith.addi %mul3A_96, %add3A_97 : i32
      %mul3A_99 = arith.constant 128 : i32
      %mul3A_100 = arith.muli %mul3A_94, %mul3A_99 : i32
      %dma_wait3A_101 = tpu.memref_slice %arg7[%mul3A_100] : memref<6400xi32, #tpu.memory_space<vmem>> -> memref<128xi32, #tpu.memory_space<vmem>>
      %dma_wait3A_102 = arith.constant 0 : i32
      %dma_wait3A_103 = arith.constant 0 : i32
      %dma_wait3A_104 = tpu.memref_slice %arg4[%dma_wait3A_102, %dma_wait3A_103] : memref<100000x64xf32, #tpu.memory_space<hbm>> -> memref<100000x64xf32, #tpu.memory_space<hbm>>
      tpu.wait_indirect_dma semaphore(%arg14 : memref<!tpu.dma_semaphore, #tpu.memory_space<semaphore_mem>>) src(%dma_wait3A_104 : memref<100000x64xf32, #tpu.memory_space<hbm>>) dst(%arg9 : memref<128x64xf32, #tpu.memory_space<vmem>>)
      %mul3A_105 = arith.constant 128 : i32
      %mul3A_106 = arith.muli %mul3A_94, %mul3A_105 : i32
      %add3A_107 = arith.addi %mul3A_2, %mul3A_106 : i32
      %dma_start3A_108 = arith.constant 0 : i32
      %dma_start3A_109 = tpu.memref_slice %arg5[%add3A_107, %dma_start3A_108] : memref<204800x64xf32, #tpu.memory_space<hbm>> -> memref<128x64xf32, #tpu.memory_space<hbm>>
      %dma_start3A_110 = arith.constant 0 : i32
      %dma_start3A_111 = tpu.memref_slice %arg5[%add3A_107, %dma_start3A_110] : memref<204800x64xf32, #tpu.memory_space<hbm>> -> memref<128x64xf32, #tpu.memory_space<hbm>>
      tpu.enqueue_dma source(%arg9 : memref<128x64xf32, #tpu.memory_space<vmem>>) target(%dma_start3A_111 : memref<128x64xf32, #tpu.memory_space<hbm>>) target_semaphore(%arg16 : memref<!tpu.dma_semaphore, #tpu.memory_space<semaphore_mem>>)
      %scan3A_112 = arith.constant 0 : i32
      %scan3A_113 = arith.constant 8 : i32
      %scan3A_114 = arith.addi %scan3A_112, %scan3A_113 : i32
      %scan3A_115 = arith.constant 1 : i32
      %scan3A_116:2 = scf.for %scan3A_144 = %scan3A_112 to %scan3A_114 step %scan3A_115 iter_args(%scan3A_145 = %scan3A_91, %scan3A_146 = %scan3A_92) -> (i32, i32)  : i32 {
        %get3A_147 = arith.constant 0 : i32
        %get3A_148 = arith.index_cast %get3A_147 : i32 to index
        %get3A_149 = arith.constant 0 : index
        %get3A_150 = tpu.vector_load %arg13[%get3A_148, %get3A_149] {strides = array<i32>} : memref<8x64xf32, #tpu.memory_space<vmem>>, vector<1x16xf32>,
        %get3A_151 = vector.shape_cast %get3A_150 : vector<1x16xf32> to vector<16xf32>
        %get3A_152 = arith.constant 1 : i32
        %get3A_153 = arith.index_cast %get3A_152 : i32 to index
        %get3A_154 = arith.constant 0 : index
        %get3A_155 = tpu.vector_load %arg13[%get3A_153, %get3A_154] {strides = array<i32>} : memref<8x64xf32, #tpu.memory_space<vmem>>, vector<1x16xf32>,
        %get3A_156 = vector.shape_cast %get3A_155 : vector<1x16xf32> to vector<16xf32>
        %get3A_157 = arith.constant 2 : i32
        %get3A_158 = arith.index_cast %get3A_157 : i32 to index
        %get3A_159 = arith.constant 0 : index
        %get3A_160 = tpu.vector_load %arg13[%get3A_158, %get3A_159] {strides = array<i32>} : memref<8x64xf32, #tpu.memory_space<vmem>>, vector<1x16xf32>,
        %get3A_161 = vector.shape_cast %get3A_160 : vector<1x16xf32> to vector<16xf32>
        %get3A_162 = arith.constant 3 : i32
        %get3A_163 = arith.index_cast %get3A_162 : i32 to index
        %get3A_164 = arith.constant 0 : index
        %get3A_165 = tpu.vector_load %arg13[%get3A_163, %get3A_164] {strides = array<i32>} : memref<8x64xf32, #tpu.memory_space<vmem>>, vector<1x16xf32>,
        %get3A_166 = vector.shape_cast %get3A_165 : vector<1x16xf32> to vector<16xf32>
        %get3A_167 = arith.constant 4 : i32
        %get3A_168 = arith.index_cast %get3A_167 : i32 to index
        %get3A_169 = arith.constant 0 : index
        %get3A_170 = tpu.vector_load %arg13[%get3A_168, %get3A_169] {strides = array<i32>} : memref<8x64xf32, #tpu.memory_space<vmem>>, vector<1x16xf32>,
        %get3A_171 = vector.shape_cast %get3A_170 : vector<1x16xf32> to vector<16xf32>
        %mul3A_172 = arith.constant 128 : i32
        %mul3A_173 = arith.muli %mul3A_94, %mul3A_172 : i32
        %mul3A_174 = arith.constant 16 : i32
        %mul3A_175 = arith.muli %scan3A_144, %mul3A_174 : i32
        %add3A_176 = arith.addi %mul3A_173, %mul3A_175 : i32
        %get3A_177 = arith.index_cast %add3A_176 : i32 to index
        %get3A_178 = tpu.vector_load %arg8[%get3A_177] {strides = array<i32>} : memref<6400xf32, #tpu.memory_space<vmem>>, vector<16xf32>,
        %get3A_179 = vector.shape_cast %get3A_178 : vector<16xf32> to vector<16xf32>
        %eq3A = arith.constant 0 : i32
        %eq3A_180 = arith.cmpi eq, %scan3A_145, %eq3A : i32
        %ge3A = arith.constant 0 : i32
        %ge3A_181 = arith.cmpi sge, %scan3A_146, %ge3A : i32
        %and3A = arith.andi %eq3A_180, %ge3A_181 : i1
        %convert_element_type3A_182 = arith.extui %and3A : i1 to i32
        %cond3A_183 = arith.constant 0 : i32
        %cond3A_184 = arith.cmpi ne, %convert_element_type3A_182, %cond3A_183 : i32
        scf.if %cond3A_184 {
          %swap3A_1067 = arith.index_cast %scan3A_146 : i32 to index
          %swap3A_1068 = arith.constant 0 : index
          %swap3A_1069 = tpu.vector_load %arg11[%swap3A_1067, %swap3A_1068] {strides = array<i32>} : memref<128x64xf32, #tpu.memory_space<vmem>>, vector<1x16xf32>,
          %swap3A_1070 = vector.shape_cast %swap3A_1069 : vector<1x16xf32> to vector<16xf32>
          %swap3A_1071 = vector.shape_cast %get3A_151 : vector<16xf32> to vector<1x16xf32>
          tpu.vector_store %arg11[%swap3A_1067, %swap3A_1068], %swap3A_1071 {strides = array<i32>} : memref<128x64xf32, #tpu.memory_space<vmem>>, vector<1x16xf32>,
          %swap3A_1072 = arith.index_cast %scan3A_146 : i32 to index
          %swap3A_1073 = arith.constant 16 : index
          %swap3A_1074 = tpu.vector_load %arg11[%swap3A_1072, %swap3A_1073] {strides = array<i32>} : memref<128x64xf32, #tpu.memory_space<vmem>>, vector<1x16xf32>,
          %swap3A_1075 = vector.shape_cast %swap3A_1074 : vector<1x16xf32> to vector<16xf32>
          %swap3A_1076 = vector.shape_cast %get3A_156 : vector<16xf32> to vector<1x16xf32>
          tpu.vector_store %arg11[%swap3A_1072, %swap3A_1073], %swap3A_1076 {strides = array<i32>} : memref<128x64xf32, #tpu.memory_space<vmem>>, vector<1x16xf32>,
          %swap3A_1077 = arith.index_cast %scan3A_146 : i32 to index
          %swap3A_1078 = arith.constant 32 : index
          %swap3A_1079 = tpu.vector_load %arg11[%swap3A_1077, %swap3A_1078] {strides = array<i32>} : memref<128x64xf32, #tpu.memory_space<vmem>>, vector<1x16xf32>,
          %swap3A_1080 = vector.shape_cast %swap3A_1079 : vector<1x16xf32> to vector<16xf32>
          %swap3A_1081 = vector.shape_cast %get3A_161 : vector<16xf32> to vector<1x16xf32>
          tpu.vector_store %arg11[%swap3A_1077, %swap3A_1078], %swap3A_1081 {strides = array<i32>} : memref<128x64xf32, #tpu.memory_space<vmem>>, vector<1x16xf32>,
          %swap3A_1082 = arith.index_cast %scan3A_146 : i32 to index
          %swap3A_1083 = arith.constant 48 : index
          %swap3A_1084 = tpu.vector_load %arg11[%swap3A_1082, %swap3A_1083] {strides = array<i32>} : memref<128x64xf32, #tpu.memory_space<vmem>>, vector<1x16xf32>,
          %swap3A_1085 = vector.shape_cast %swap3A_1084 : vector<1x16xf32> to vector<16xf32>
          %swap3A_1086 = vector.shape_cast %get3A_166 : vector<16xf32> to vector<1x16xf32>
          tpu.vector_store %arg11[%swap3A_1082, %swap3A_1083], %swap3A_1086 {strides = array<i32>} : memref<128x64xf32, #tpu.memory_space<vmem>>, vector<1x16xf32>,
          %swap3A_1087 = arith.index_cast %scan3A_146 : i32 to index
          %swap3A_1088 = arith.constant 0 : index
          %swap3A_1089 = tpu.vector_load %arg12[%swap3A_1087, %swap3A_1088] {strides = array<i32>} : memref<128x64xf32, #tpu.memory_space<vmem>>, vector<1x16xf32>,
          %swap3A_1090 = vector.shape_cast %swap3A_1089 : vector<1x16xf32> to vector<16xf32>
          %swap3A_1091 = vector.shape_cast %get3A_171 : vector<16xf32> to vector<1x16xf32>
          tpu.vector_store %arg12[%swap3A_1087, %swap3A_1088], %swap3A_1091 {strides = array<i32>} : memref<128x64xf32, #tpu.memory_space<vmem>>, vector<1x16xf32>,
        } else {
        }
        %add3A_185 = arith.constant 1 : i32
        %add3A_186 = arith.addi %scan3A_146, %add3A_185 : i32
        %select_n3A = arith.select %eq3A_180, %add3A_186, %scan3A_146 : i32
        %slice3A = vector.extract_strided_slice %get3A_179 {offsets = [0], sizes = [1], strides = [1]} : vector<16xf32> to vector<1xf32>
        %squeeze3A = vector.extract %slice3A[0] : f32 from vector<1xf32>
        %broadcast_in_dim3A_187 = vector.broadcast %squeeze3A : f32 to vector<16xf32>
        %mul3A_188 = arith.constant 16 : i32
        %mul3A_189 = arith.muli %scan3A_144, %mul3A_188 : i32
        %add3A_190 = arith.constant 0 : i32
        %add3A_191 = arith.addi %mul3A_189, %add3A_190 : i32
        %select_n3A_192 = arith.select %eq3A_180, %broadcast_in_dim3A_5, %get3A_151 : vector<16xf32>
        %get3A_193 = arith.index_cast %add3A_191 : i32 to index
        %get3A_194 = arith.constant 0 : index
        %get3A_195 = tpu.vector_load %arg9[%get3A_193, %get3A_194] {strides = array<i32>} : memref<128x64xf32, #tpu.memory_space<vmem>>, vector<1x16xf32>,
        %get3A_196 = vector.shape_cast %get3A_195 : vector<1x16xf32> to vector<16xf32>
        %mul3A_197 = arith.mulf %get3A_196, %broadcast_in_dim3A_187 : vector<16xf32>
        %add3A_198 = arith.addf %select_n3A_192, %mul3A_197 : vector<16xf32>
        %select_n3A_199 = arith.select %eq3A_180, %broadcast_in_dim3A_5, %get3A_156 : vector<16xf32>
        %get3A_200 = arith.index_cast %add3A_191 : i32 to index
        %get3A_201 = arith.constant 16 : index
        %get3A_202 = tpu.vector_load %arg9[%get3A_200, %get3A_201] {strides = array<i32>} : memref<128x64xf32, #tpu.memory_space<vmem>>, vector<1x16xf32>,
        %get3A_203 = vector.shape_cast %get3A_202 : vector<1x16xf32> to vector<16xf32>
        %mul3A_204 = arith.mulf %get3A_203, %broadcast_in_dim3A_187 : vector<16xf32>
        %add3A_205 = arith.addf %select_n3A_199, %mul3A_204 : vector<16xf32>
        %select_n3A_206 = arith.select %eq3A_180, %broadcast_in_dim3A_5, %get3A_161 : vector<16xf32>
        %get3A_207 = arith.index_cast %add3A_191 : i32 to index
        %get3A_208 = arith.constant 32 : index
        %get3A_209 = tpu.vector_load %arg9[%get3A_207, %get3A_208] {strides = array<i32>} : memref<128x64xf32, #tpu.memory_space<vmem>>, vector<1x16xf32>,
        %get3A_210 = vector.shape_cast %get3A_209 : vector<1x16xf32> to vector<16xf32>
        %mul3A_211 = arith.mulf %get3A_210, %broadcast_in_dim3A_187 : vector<16xf32>
        %add3A_212 = arith.addf %select_n3A_206, %mul3A_211 : vector<16xf32>
        %select_n3A_213 = arith.select %eq3A_180, %broadcast_in_dim3A_5, %get3A_166 : vector<16xf32>
        %get3A_214 = arith.index_cast %add3A_191 : i32 to index
        %get3A_215 = arith.constant 48 : index
        %get3A_216 = tpu.vector_load %arg9[%get3A_214, %get3A_215] {strides = array<i32>} : memref<128x64xf32, #tpu.memory_space<vmem>>, vector<1x16xf32>,
        %get3A_217 = vector.shape_cast %get3A_216 : vector<1x16xf32> to vector<16xf32>
        %mul3A_218 = arith.mulf %get3A_217, %broadcast_in_dim3A_187 : vector<16xf32>
        %add3A_219 = arith.addf %select_n3A_213, %mul3A_218 : vector<16xf32>
        %select_n3A_220 = arith.select %eq3A_180, %broadcast_in_dim3A_5, %get3A_171 : vector<16xf32>
        %add3A_221 = arith.addf %select_n3A_220, %broadcast_in_dim3A_187 : vector<16xf32>
        %eq3A_222 = arith.constant 49 : i32
        %eq3A_223 = arith.cmpi eq, %scan3A_145, %eq3A_222 : i32
        %add3A_224 = arith.constant 1 : i32
        %add3A_225 = arith.addi %scan3A_145, %add3A_224 : i32
        %jit3A = arith.constant 0 : i32
        %select_n3A_226 = arith.select %eq3A_223, %jit3A, %add3A_225 : i32
        %eq3A_227 = arith.constant 0 : i32
        %eq3A_228 = arith.cmpi eq, %select_n3A_226, %eq3A_227 : i32
        %ge3A_229 = arith.constant 0 : i32
        %ge3A_230 = arith.cmpi sge, %select_n3A, %ge3A_229 : i32
        %and3A_231 = arith.andi %eq3A_228, %ge3A_230 : i1
        %convert_element_type3A_232 = arith.extui %and3A_231 : i1 to i32
        %cond3A_233 = arith.constant 0 : i32
        %cond3A_234 = arith.cmpi ne, %convert_element_type3A_232, %cond3A_233 : i32
        scf.if %cond3A_234 {
          %swap3A_1067 = arith.index_cast %select_n3A : i32 to index
          %swap3A_1068 = arith.constant 0 : index
          %swap3A_1069 = tpu.vector_load %arg11[%swap3A_1067, %swap3A_1068] {strides = array<i32>} : memref<128x64xf32, #tpu.memory_space<vmem>>, vector<1x16xf32>,
          %swap3A_1070 = vector.shape_cast %swap3A_1069 : vector<1x16xf32> to vector<16xf32>
          %swap3A_1071 = vector.shape_cast %add3A_198 : vector<16xf32> to vector<1x16xf32>
          tpu.vector_store %arg11[%swap3A_1067, %swap3A_1068], %swap3A_1071 {strides = array<i32>} : memref<128x64xf32, #tpu.memory_space<vmem>>, vector<1x16xf32>,
          %swap3A_1072 = arith.index_cast %select_n3A : i32 to index
          %swap3A_1073 = arith.constant 16 : index
          %swap3A_1074 = tpu.vector_load %arg11[%swap3A_1072, %swap3A_1073] {strides = array<i32>} : memref<128x64xf32, #tpu.memory_space<vmem>>, vector<1x16xf32>,
          %swap3A_1075 = vector.shape_cast %swap3A_1074 : vector<1x16xf32> to vector<16xf32>
          %swap3A_1076 = vector.shape_cast %add3A_205 : vector<16xf32> to vector<1x16xf32>
          tpu.vector_store %arg11[%swap3A_1072, %swap3A_1073], %swap3A_1076 {strides = array<i32>} : memref<128x64xf32, #tpu.memory_space<vmem>>, vector<1x16xf32>,
          %swap3A_1077 = arith.index_cast %select_n3A : i32 to index
          %swap3A_1078 = arith.constant 32 : index
          %swap3A_1079 = tpu.vector_load %arg11[%swap3A_1077, %swap3A_1078] {strides = array<i32>} : memref<128x64xf32, #tpu.memory_space<vmem>>, vector<1x16xf32>,
          %swap3A_1080 = vector.shape_cast %swap3A_1079 : vector<1x16xf32> to vector<16xf32>
          %swap3A_1081 = vector.shape_cast %add3A_212 : vector<16xf32> to vector<1x16xf32>
          tpu.vector_store %arg11[%swap3A_1077, %swap3A_1078], %swap3A_1081 {strides = array<i32>} : memref<128x64xf32, #tpu.memory_space<vmem>>, vector<1x16xf32>,
          %swap3A_1082 = arith.index_cast %select_n3A : i32 to index
          %swap3A_1083 = arith.constant 48 : index
          %swap3A_1084 = tpu.vector_load %arg11[%swap3A_1082, %swap3A_1083] {strides = array<i32>} : memref<128x64xf32, #tpu.memory_space<vmem>>, vector<1x16xf32>,
          %swap3A_1085 = vector.shape_cast %swap3A_1084 : vector<1x16xf32> to vector<16xf32>
          %swap3A_1086 = vector.shape_cast %add3A_219 : vector<16xf32> to vector<1x16xf32>
          tpu.vector_store %arg11[%swap3A_1082, %swap3A_1083], %swap3A_1086 {strides = array<i32>} : memref<128x64xf32, #tpu.memory_space<vmem>>, vector<1x16xf32>,
          %swap3A_1087 = arith.index_cast %select_n3A : i32 to index
          %swap3A_1088 = arith.constant 0 : index
          %swap3A_1089 = tpu.vector_load %arg12[%swap3A_1087, %swap3A_1088] {strides = array<i32>} : memref<128x64xf32, #tpu.memory_space<vmem>>, vector<1x16xf32>,
          %swap3A_1090 = vector.shape_cast %swap3A_1089 : vector<1x16xf32> to vector<16xf32>
          %swap3A_1091 = vector.shape_cast %add3A_221 : vector<16xf32> to vector<1x16xf32>
          tpu.vector_store %arg12[%swap3A_1087, %swap3A_1088], %swap3A_1091 {strides = array<i32>} : memref<128x64xf32, #tpu.memory_space<vmem>>, vector<1x16xf32>,
        } else {
        }
        %add3A_235 = arith.constant 1 : i32
        %add3A_236 = arith.addi %select_n3A, %add3A_235 : i32
        %select_n3A_237 = arith.select %eq3A_228, %add3A_236, %select_n3A : i32
        %slice3A_238 = vector.extract_strided_slice %get3A_179 {offsets = [1], sizes = [1], strides = [1]} : vector<16xf32> to vector<1xf32>
        %squeeze3A_239 = vector.extract %slice3A_238[0] : f32 from vector<1xf32>
        %broadcast_in_dim3A_240 = vector.broadcast %squeeze3A_239 : f32 to vector<16xf32>
        %mul3A_241 = arith.constant 16 : i32
        %mul3A_242 = arith.muli %scan3A_144, %mul3A_241 : i32
        %add3A_243 = arith.constant 1 : i32
        %add3A_244 = arith.addi %mul3A_242, %add3A_243 : i32
        %select_n3A_245 = arith.select %eq3A_228, %broadcast_in_dim3A_5, %add3A_198 : vector<16xf32>
        %get3A_246 = arith.index_cast %add3A_244 : i32 to index
        %get3A_247 = arith.constant 0 : index
        %get3A_248 = tpu.vector_load %arg9[%get3A_246, %get3A_247] {strides = array<i32>} : memref<128x64xf32, #tpu.memory_space<vmem>>, vector<1x16xf32>,
        %get3A_249 = vector.shape_cast %get3A_248 : vector<1x16xf32> to vector<16xf32>
        %mul3A_250 = arith.mulf %get3A_249, %broadcast_in_dim3A_240 : vector<16xf32>
        %add3A_251 = arith.addf %select_n3A_245, %mul3A_250 : vector<16xf32>
        %select_n3A_252 = arith.select %eq3A_228, %broadcast_in_dim3A_5, %add3A_205 : vector<16xf32>
        %get3A_253 = arith.index_cast %add3A_244 : i32 to index
        %get3A_254 = arith.constant 16 : index
        %get3A_255 = tpu.vector_load %arg9[%get3A_253, %get3A_254] {strides = array<i32>} : memref<128x64xf32, #tpu.memory_space<vmem>>, vector<1x16xf32>,
        %get3A_256 = vector.shape_cast %get3A_255 : vector<1x16xf32> to vector<16xf32>
        %mul3A_257 = arith.mulf %get3A_256, %broadcast_in_dim3A_240 : vector<16xf32>
        %add3A_258 = arith.addf %select_n3A_252, %mul3A_257 : vector<16xf32>
        %select_n3A_259 = arith.select %eq3A_228, %broadcast_in_dim3A_5, %add3A_212 : vector<16xf32>
        %get3A_260 = arith.index_cast %add3A_244 : i32 to index
        %get3A_261 = arith.constant 32 : index
        %get3A_262 = tpu.vector_load %arg9[%get3A_260, %get3A_261] {strides = array<i32>} : memref<128x64xf32, #tpu.memory_space<vmem>>, vector<1x16xf32>,
        %get3A_263 = vector.shape_cast %get3A_262 : vector<1x16xf32> to vector<16xf32>
        %mul3A_264 = arith.mulf %get3A_263, %broadcast_in_dim3A_240 : vector<16xf32>
        %add3A_265 = arith.addf %select_n3A_259, %mul3A_264 : vector<16xf32>
        %select_n3A_266 = arith.select %eq3A_228, %broadcast_in_dim3A_5, %add3A_219 : vector<16xf32>
        %get3A_267 = arith.index_cast %add3A_244 : i32 to index
        %get3A_268 = arith.constant 48 : index
        %get3A_269 = tpu.vector_load %arg9[%get3A_267, %get3A_268] {strides = array<i32>} : memref<128x64xf32, #tpu.memory_space<vmem>>, vector<1x16xf32>,
        %get3A_270 = vector.shape_cast %get3A_269 : vector<1x16xf32> to vector<16xf32>
        %mul3A_271 = arith.mulf %get3A_270, %broadcast_in_dim3A_240 : vector<16xf32>
        %add3A_272 = arith.addf %select_n3A_266, %mul3A_271 : vector<16xf32>
        %select_n3A_273 = arith.select %eq3A_228, %broadcast_in_dim3A_5, %add3A_221 : vector<16xf32>
        %add3A_274 = arith.addf %select_n3A_273, %broadcast_in_dim3A_240 : vector<16xf32>
        %eq3A_275 = arith.constant 49 : i32
        %eq3A_276 = arith.cmpi eq, %select_n3A_226, %eq3A_275 : i32
        %add3A_277 = arith.constant 1 : i32
        %add3A_278 = arith.addi %select_n3A_226, %add3A_277 : i32
        %jit3A_279 = arith.constant 0 : i32
        %select_n3A_280 = arith.select %eq3A_276, %jit3A_279, %add3A_278 : i32
        %eq3A_281 = arith.constant 0 : i32
        %eq3A_282 = arith.cmpi eq, %select_n3A_280, %eq3A_281 : i32
        %ge3A_283 = arith.constant 0 : i32
        %ge3A_284 = arith.cmpi sge, %select_n3A_237, %ge3A_283 : i32
        %and3A_285 = arith.andi %eq3A_282, %ge3A_284 : i1
        %convert_element_type3A_286 = arith.extui %and3A_285 : i1 to i32
        %cond3A_287 = arith.constant 0 : i32
        %cond3A_288 = arith.cmpi ne, %convert_element_type3A_286, %cond3A_287 : i32
        scf.if %cond3A_288 {
          %swap3A_1067 = arith.index_cast %select_n3A_237 : i32 to index
          %swap3A_1068 = arith.constant 0 : index
          %swap3A_1069 = tpu.vector_load %arg11[%swap3A_1067, %swap3A_1068] {strides = array<i32>} : memref<128x64xf32, #tpu.memory_space<vmem>>, vector<1x16xf32>,
          %swap3A_1070 = vector.shape_cast %swap3A_1069 : vector<1x16xf32> to vector<16xf32>
          %swap3A_1071 = vector.shape_cast %add3A_251 : vector<16xf32> to vector<1x16xf32>
          tpu.vector_store %arg11[%swap3A_1067, %swap3A_1068], %swap3A_1071 {strides = array<i32>} : memref<128x64xf32, #tpu.memory_space<vmem>>, vector<1x16xf32>,
          %swap3A_1072 = arith.index_cast %select_n3A_237 : i32 to index
          %swap3A_1073 = arith.constant 16 : index
          %swap3A_1074 = tpu.vector_load %arg11[%swap3A_1072, %swap3A_1073] {strides = array<i32>} : memref<128x64xf32, #tpu.memory_space<vmem>>, vector<1x16xf32>,
          %swap3A_1075 = vector.shape_cast %swap3A_1074 : vector<1x16xf32> to vector<16xf32>
          %swap3A_1076 = vector.shape_cast %add3A_258 : vector<16xf32> to vector<1x16xf32>
          tpu.vector_store %arg11[%swap3A_1072, %swap3A_1073], %swap3A_1076 {strides = array<i32>} : memref<128x64xf32, #tpu.memory_space<vmem>>, vector<1x16xf32>,
          %swap3A_1077 = arith.index_cast %select_n3A_237 : i32 to index
          %swap3A_1078 = arith.constant 32 : index
          %swap3A_1079 = tpu.vector_load %arg11[%swap3A_1077, %swap3A_1078] {strides = array<i32>} : memref<128x64xf32, #tpu.memory_space<vmem>>, vector<1x16xf32>,
          %swap3A_1080 = vector.shape_cast %swap3A_1079 : vector<1x16xf32> to vector<16xf32>
          %swap3A_1081 = vector.shape_cast %add3A_265 : vector<16xf32> to vector<1x16xf32>
          tpu.vector_store %arg11[%swap3A_1077, %swap3A_1078], %swap3A_1081 {strides = array<i32>} : memref<128x64xf32, #tpu.memory_space<vmem>>, vector<1x16xf32>,
          %swap3A_1082 = arith.index_cast %select_n3A_237 : i32 to index
          %swap3A_1083 = arith.constant 48 : index
          %swap3A_1084 = tpu.vector_load %arg11[%swap3A_1082, %swap3A_1083] {strides = array<i32>} : memref<128x64xf32, #tpu.memory_space<vmem>>, vector<1x16xf32>,
          %swap3A_1085 = vector.shape_cast %swap3A_1084 : vector<1x16xf32> to vector<16xf32>
          %swap3A_1086 = vector.shape_cast %add3A_272 : vector<16xf32> to vector<1x16xf32>
          tpu.vector_store %arg11[%swap3A_1082, %swap3A_1083], %swap3A_1086 {strides = array<i32>} : memref<128x64xf32, #tpu.memory_space<vmem>>, vector<1x16xf32>,
          %swap3A_1087 = arith.index_cast %select_n3A_237 : i32 to index
          %swap3A_1088 = arith.constant 0 : index
          %swap3A_1089 = tpu.vector_load %arg12[%swap3A_1087, %swap3A_1088] {strides = array<i32>} : memref<128x64xf32, #tpu.memory_space<vmem>>, vector<1x16xf32>,
          %swap3A_1090 = vector.shape_cast %swap3A_1089 : vector<1x16xf32> to vector<16xf32>
          %swap3A_1091 = vector.shape_cast %add3A_274 : vector<16xf32> to vector<1x16xf32>
          tpu.vector_store %arg12[%swap3A_1087, %swap3A_1088], %swap3A_1091 {strides = array<i32>} : memref<128x64xf32, #tpu.memory_space<vmem>>, vector<1x16xf32>,
        } else {
        }
        %add3A_289 = arith.constant 1 : i32
        %add3A_290 = arith.addi %select_n3A_237, %add3A_289 : i32
        %select_n3A_291 = arith.select %eq3A_282, %add3A_290, %select_n3A_237 : i32
        %slice3A_292 = vector.extract_strided_slice %get3A_179 {offsets = [2], sizes = [1], strides = [1]} : vector<16xf32> to vector<1xf32>
        %squeeze3A_293 = vector.extract %slice3A_292[0] : f32 from vector<1xf32>
        %broadcast_in_dim3A_294 = vector.broadcast %squeeze3A_293 : f32 to vector<16xf32>
        %mul3A_295 = arith.constant 16 : i32
        %mul3A_296 = arith.muli %scan3A_144, %mul3A_295 : i32
        %add3A_297 = arith.constant 2 : i32
        %add3A_298 = arith.addi %mul3A_296, %add3A_297 : i32
        %select_n3A_299 = arith.select %eq3A_282, %broadcast_in_dim3A_5, %add3A_251 : vector<16xf32>
        %get3A_300 = arith.index_cast %add3A_298 : i32 to index
        %get3A_301 = arith.constant 0 : index
        %get3A_302 = tpu.vector_load %arg9[%get3A_300, %get3A_301] {strides = array<i32>} : memref<128x64xf32, #tpu.memory_space<vmem>>, vector<1x16xf32>,
        %get3A_303 = vector.shape_cast %get3A_302 : vector<1x16xf32> to vector<16xf32>
        %mul3A_304 = arith.mulf %get3A_303, %broadcast_in_dim3A_294 : vector<16xf32>
        %add3A_305 = arith.addf %select_n3A_299, %mul3A_304 : vector<16xf32>
        %select_n3A_306 = arith.select %eq3A_282, %broadcast_in_dim3A_5, %add3A_258 : vector<16xf32>
        %get3A_307 = arith.index_cast %add3A_298 : i32 to index
        %get3A_308 = arith.constant 16 : index
        %get3A_309 = tpu.vector_load %arg9[%get3A_307, %get3A_308] {strides = array<i32>} : memref<128x64xf32, #tpu.memory_space<vmem>>, vector<1x16xf32>,
        %get3A_310 = vector.shape_cast %get3A_309 : vector<1x16xf32> to vector<16xf32>
        %mul3A_311 = arith.mulf %get3A_310, %broadcast_in_dim3A_294 : vector<16xf32>
        %add3A_312 = arith.addf %select_n3A_306, %mul3A_311 : vector<16xf32>
        %select_n3A_313 = arith.select %eq3A_282, %broadcast_in_dim3A_5, %add3A_265 : vector<16xf32>
        %get3A_314 = arith.index_cast %add3A_298 : i32 to index
        %get3A_315 = arith.constant 32 : index
        %get3A_316 = tpu.vector_load %arg9[%get3A_314, %get3A_315] {strides = array<i32>} : memref<128x64xf32, #tpu.memory_space<vmem>>, vector<1x16xf32>,
        %get3A_317 = vector.shape_cast %get3A_316 : vector<1x16xf32> to vector<16xf32>
        %mul3A_318 = arith.mulf %get3A_317, %broadcast_in_dim3A_294 : vector<16xf32>
        %add3A_319 = arith.addf %select_n3A_313, %mul3A_318 : vector<16xf32>
        %select_n3A_320 = arith.select %eq3A_282, %broadcast_in_dim3A_5, %add3A_272 : vector<16xf32>
        %get3A_321 = arith.index_cast %add3A_298 : i32 to index
        %get3A_322 = arith.constant 48 : index
        %get3A_323 = tpu.vector_load %arg9[%get3A_321, %get3A_322] {strides = array<i32>} : memref<128x64xf32, #tpu.memory_space<vmem>>, vector<1x16xf32>,
        %get3A_324 = vector.shape_cast %get3A_323 : vector<1x16xf32> to vector<16xf32>
        %mul3A_325 = arith.mulf %get3A_324, %broadcast_in_dim3A_294 : vector<16xf32>
        %add3A_326 = arith.addf %select_n3A_320, %mul3A_325 : vector<16xf32>
        %select_n3A_327 = arith.select %eq3A_282, %broadcast_in_dim3A_5, %add3A_274 : vector<16xf32>
        %add3A_328 = arith.addf %select_n3A_327, %broadcast_in_dim3A_294 : vector<16xf32>
        %eq3A_329 = arith.constant 49 : i32
        %eq3A_330 = arith.cmpi eq, %select_n3A_280, %eq3A_329 : i32
        %add3A_331 = arith.constant 1 : i32
        %add3A_332 = arith.addi %select_n3A_280, %add3A_331 : i32
        %jit3A_333 = arith.constant 0 : i32
        %select_n3A_334 = arith.select %eq3A_330, %jit3A_333, %add3A_332 : i32
        %eq3A_335 = arith.constant 0 : i32
        %eq3A_336 = arith.cmpi eq, %select_n3A_334, %eq3A_335 : i32
        %ge3A_337 = arith.constant 0 : i32
        %ge3A_338 = arith.cmpi sge, %select_n3A_291, %ge3A_337 : i32
        %and3A_339 = arith.andi %eq3A_336, %ge3A_338 : i1
        %convert_element_type3A_340 = arith.extui %and3A_339 : i1 to i32
        %cond3A_341 = arith.constant 0 : i32
        %cond3A_342 = arith.cmpi ne, %convert_element_type3A_340, %cond3A_341 : i32
        scf.if %cond3A_342 {
          %swap3A_1067 = arith.index_cast %select_n3A_291 : i32 to index
          %swap3A_1068 = arith.constant 0 : index
          %swap3A_1069 = tpu.vector_load %arg11[%swap3A_1067, %swap3A_1068] {strides = array<i32>} : memref<128x64xf32, #tpu.memory_space<vmem>>, vector<1x16xf32>,
          %swap3A_1070 = vector.shape_cast %swap3A_1069 : vector<1x16xf32> to vector<16xf32>
          %swap3A_1071 = vector.shape_cast %add3A_305 : vector<16xf32> to vector<1x16xf32>
          tpu.vector_store %arg11[%swap3A_1067, %swap3A_1068], %swap3A_1071 {strides = array<i32>} : memref<128x64xf32, #tpu.memory_space<vmem>>, vector<1x16xf32>,
          %swap3A_1072 = arith.index_cast %select_n3A_291 : i32 to index
          %swap3A_1073 = arith.constant 16 : index
          %swap3A_1074 = tpu.vector_load %arg11[%swap3A_1072, %swap3A_1073] {strides = array<i32>} : memref<128x64xf32, #tpu.memory_space<vmem>>, vector<1x16xf32>,
          %swap3A_1075 = vector.shape_cast %swap3A_1074 : vector<1x16xf32> to vector<16xf32>
          %swap3A_1076 = vector.shape_cast %add3A_312 : vector<16xf32> to vector<1x16xf32>
          tpu.vector_store %arg11[%swap3A_1072, %swap3A_1073], %swap3A_1076 {strides = array<i32>} : memref<128x64xf32, #tpu.memory_space<vmem>>, vector<1x16xf32>,
          %swap3A_1077 = arith.index_cast %select_n3A_291 : i32 to index
          %swap3A_1078 = arith.constant 32 : index
          %swap3A_1079 = tpu.vector_load %arg11[%swap3A_1077, %swap3A_1078] {strides = array<i32>} : memref<128x64xf32, #tpu.memory_space<vmem>>, vector<1x16xf32>,
          %swap3A_1080 = vector.shape_cast %swap3A_1079 : vector<1x16xf32> to vector<16xf32>
          %swap3A_1081 = vector.shape_cast %add3A_319 : vector<16xf32> to vector<1x16xf32>
          tpu.vector_store %arg11[%swap3A_1077, %swap3A_1078], %swap3A_1081 {strides = array<i32>} : memref<128x64xf32, #tpu.memory_space<vmem>>, vector<1x16xf32>,
          %swap3A_1082 = arith.index_cast %select_n3A_291 : i32 to index
          %swap3A_1083 = arith.constant 48 : index
          %swap3A_1084 = tpu.vector_load %arg11[%swap3A_1082, %swap3A_1083] {strides = array<i32>} : memref<128x64xf32, #tpu.memory_space<vmem>>, vector<1x16xf32>,
          %swap3A_1085 = vector.shape_cast %swap3A_1084 : vector<1x16xf32> to vector<16xf32>
          %swap3A_1086 = vector.shape_cast %add3A_326 : vector<16xf32> to vector<1x16xf32>
          tpu.vector_store %arg11[%swap3A_1082, %swap3A_1083], %swap3A_1086 {strides = array<i32>} : memref<128x64xf32, #tpu.memory_space<vmem>>, vector<1x16xf32>,
          %swap3A_1087 = arith.index_cast %select_n3A_291 : i32 to index
          %swap3A_1088 = arith.constant 0 : index
          %swap3A_1089 = tpu.vector_load %arg12[%swap3A_1087, %swap3A_1088] {strides = array<i32>} : memref<128x64xf32, #tpu.memory_space<vmem>>, vector<1x16xf32>,
          %swap3A_1090 = vector.shape_cast %swap3A_1089 : vector<1x16xf32> to vector<16xf32>
          %swap3A_1091 = vector.shape_cast %add3A_328 : vector<16xf32> to vector<1x16xf32>
          tpu.vector_store %arg12[%swap3A_1087, %swap3A_1088], %swap3A_1091 {strides = array<i32>} : memref<128x64xf32, #tpu.memory_space<vmem>>, vector<1x16xf32>,
        } else {
        }
        %add3A_343 = arith.constant 1 : i32
        %add3A_344 = arith.addi %select_n3A_291, %add3A_343 : i32
        %select_n3A_345 = arith.select %eq3A_336, %add3A_344, %select_n3A_291 : i32
        %slice3A_346 = vector.extract_strided_slice %get3A_179 {offsets = [3], sizes = [1], strides = [1]} : vector<16xf32> to vector<1xf32>
        %squeeze3A_347 = vector.extract %slice3A_346[0] : f32 from vector<1xf32>
        %broadcast_in_dim3A_348 = vector.broadcast %squeeze3A_347 : f32 to vector<16xf32>
        %mul3A_349 = arith.constant 16 : i32
        %mul3A_350 = arith.muli %scan3A_144, %mul3A_349 : i32
        %add3A_351 = arith.constant 3 : i32
        %add3A_352 = arith.addi %mul3A_350, %add3A_351 : i32
        %select_n3A_353 = arith.select %eq3A_336, %broadcast_in_dim3A_5, %add3A_305 : vector<16xf32>
        %get3A_354 = arith.index_cast %add3A_352 : i32 to index
        %get3A_355 = arith.constant 0 : index
        %get3A_356 = tpu.vector_load %arg9[%get3A_354, %get3A_355] {strides = array<i32>} : memref<128x64xf32, #tpu.memory_space<vmem>>, vector<1x16xf32>,
        %get3A_357 = vector.shape_cast %get3A_356 : vector<1x16xf32> to vector<16xf32>
        %mul3A_358 = arith.mulf %get3A_357, %broadcast_in_dim3A_348 : vector<16xf32>
        %add3A_359 = arith.addf %select_n3A_353, %mul3A_358 : vector<16xf32>
        %select_n3A_360 = arith.select %eq3A_336, %broadcast_in_dim3A_5, %add3A_312 : vector<16xf32>
        %get3A_361 = arith.index_cast %add3A_352 : i32 to index
        %get3A_362 = arith.constant 16 : index
        %get3A_363 = tpu.vector_load %arg9[%get3A_361, %get3A_362] {strides = array<i32>} : memref<128x64xf32, #tpu.memory_space<vmem>>, vector<1x16xf32>,
        %get3A_364 = vector.shape_cast %get3A_363 : vector<1x16xf32> to vector<16xf32>
        %mul3A_365 = arith.mulf %get3A_364, %broadcast_in_dim3A_348 : vector<16xf32>
        %add3A_366 = arith.addf %select_n3A_360, %mul3A_365 : vector<16xf32>
        %select_n3A_367 = arith.select %eq3A_336, %broadcast_in_dim3A_5, %add3A_319 : vector<16xf32>
        %get3A_368 = arith.index_cast %add3A_352 : i32 to index
        %get3A_369 = arith.constant 32 : index
        %get3A_370 = tpu.vector_load %arg9[%get3A_368, %get3A_369] {strides = array<i32>} : memref<128x64xf32, #tpu.memory_space<vmem>>, vector<1x16xf32>,
        %get3A_371 = vector.shape_cast %get3A_370 : vector<1x16xf32> to vector<16xf32>
        %mul3A_372 = arith.mulf %get3A_371, %broadcast_in_dim3A_348 : vector<16xf32>
        %add3A_373 = arith.addf %select_n3A_367, %mul3A_372 : vector<16xf32>
        %select_n3A_374 = arith.select %eq3A_336, %broadcast_in_dim3A_5, %add3A_326 : vector<16xf32>
        %get3A_375 = arith.index_cast %add3A_352 : i32 to index
        %get3A_376 = arith.constant 48 : index
        %get3A_377 = tpu.vector_load %arg9[%get3A_375, %get3A_376] {strides = array<i32>} : memref<128x64xf32, #tpu.memory_space<vmem>>, vector<1x16xf32>,
        %get3A_378 = vector.shape_cast %get3A_377 : vector<1x16xf32> to vector<16xf32>
        %mul3A_379 = arith.mulf %get3A_378, %broadcast_in_dim3A_348 : vector<16xf32>
        %add3A_380 = arith.addf %select_n3A_374, %mul3A_379 : vector<16xf32>
        %select_n3A_381 = arith.select %eq3A_336, %broadcast_in_dim3A_5, %add3A_328 : vector<16xf32>
        %add3A_382 = arith.addf %select_n3A_381, %broadcast_in_dim3A_348 : vector<16xf32>
        %eq3A_383 = arith.constant 49 : i32
        %eq3A_384 = arith.cmpi eq, %select_n3A_334, %eq3A_383 : i32
        %add3A_385 = arith.constant 1 : i32
        %add3A_386 = arith.addi %select_n3A_334, %add3A_385 : i32
        %jit3A_387 = arith.constant 0 : i32
        %select_n3A_388 = arith.select %eq3A_384, %jit3A_387, %add3A_386 : i32
        %eq3A_389 = arith.constant 0 : i32
        %eq3A_390 = arith.cmpi eq, %select_n3A_388, %eq3A_389 : i32
        %ge3A_391 = arith.constant 0 : i32
        %ge3A_392 = arith.cmpi sge, %select_n3A_345, %ge3A_391 : i32
        %and3A_393 = arith.andi %eq3A_390, %ge3A_392 : i1
        %convert_element_type3A_394 = arith.extui %and3A_393 : i1 to i32
        %cond3A_395 = arith.constant 0 : i32
        %cond3A_396 = arith.cmpi ne, %convert_element_type3A_394, %cond3A_395 : i32
        scf.if %cond3A_396 {
          %swap3A_1067 = arith.index_cast %select_n3A_345 : i32 to index
          %swap3A_1068 = arith.constant 0 : index
          %swap3A_1069 = tpu.vector_load %arg11[%swap3A_1067, %swap3A_1068] {strides = array<i32>} : memref<128x64xf32, #tpu.memory_space<vmem>>, vector<1x16xf32>,
          %swap3A_1070 = vector.shape_cast %swap3A_1069 : vector<1x16xf32> to vector<16xf32>
          %swap3A_1071 = vector.shape_cast %add3A_359 : vector<16xf32> to vector<1x16xf32>
          tpu.vector_store %arg11[%swap3A_1067, %swap3A_1068], %swap3A_1071 {strides = array<i32>} : memref<128x64xf32, #tpu.memory_space<vmem>>, vector<1x16xf32>,
          %swap3A_1072 = arith.index_cast %select_n3A_345 : i32 to index
          %swap3A_1073 = arith.constant 16 : index
          %swap3A_1074 = tpu.vector_load %arg11[%swap3A_1072, %swap3A_1073] {strides = array<i32>} : memref<128x64xf32, #tpu.memory_space<vmem>>, vector<1x16xf32>,
          %swap3A_1075 = vector.shape_cast %swap3A_1074 : vector<1x16xf32> to vector<16xf32>
          %swap3A_1076 = vector.shape_cast %add3A_366 : vector<16xf32> to vector<1x16xf32>
          tpu.vector_store %arg11[%swap3A_1072, %swap3A_1073], %swap3A_1076 {strides = array<i32>} : memref<128x64xf32, #tpu.memory_space<vmem>>, vector<1x16xf32>,
          %swap3A_1077 = arith.index_cast %select_n3A_345 : i32 to index
          %swap3A_1078 = arith.constant 32 : index
          %swap3A_1079 = tpu.vector_load %arg11[%swap3A_1077, %swap3A_1078] {strides = array<i32>} : memref<128x64xf32, #tpu.memory_space<vmem>>, vector<1x16xf32>,
          %swap3A_1080 = vector.shape_cast %swap3A_1079 : vector<1x16xf32> to vector<16xf32>
          %swap3A_1081 = vector.shape_cast %add3A_373 : vector<16xf32> to vector<1x16xf32>
          tpu.vector_store %arg11[%swap3A_1077, %swap3A_1078], %swap3A_1081 {strides = array<i32>} : memref<128x64xf32, #tpu.memory_space<vmem>>, vector<1x16xf32>,
          %swap3A_1082 = arith.index_cast %select_n3A_345 : i32 to index
          %swap3A_1083 = arith.constant 48 : index
          %swap3A_1084 = tpu.vector_load %arg11[%swap3A_1082, %swap3A_1083] {strides = array<i32>} : memref<128x64xf32, #tpu.memory_space<vmem>>, vector<1x16xf32>,
          %swap3A_1085 = vector.shape_cast %swap3A_1084 : vector<1x16xf32> to vector<16xf32>
          %swap3A_1086 = vector.shape_cast %add3A_380 : vector<16xf32> to vector<1x16xf32>
          tpu.vector_store %arg11[%swap3A_1082, %swap3A_1083], %swap3A_1086 {strides = array<i32>} : memref<128x64xf32, #tpu.memory_space<vmem>>, vector<1x16xf32>,
          %swap3A_1087 = arith.index_cast %select_n3A_345 : i32 to index
          %swap3A_1088 = arith.constant 0 : index
          %swap3A_1089 = tpu.vector_load %arg12[%swap3A_1087, %swap3A_1088] {strides = array<i32>} : memref<128x64xf32, #tpu.memory_space<vmem>>, vector<1x16xf32>,
          %swap3A_1090 = vector.shape_cast %swap3A_1089 : vector<1x16xf32> to vector<16xf32>
          %swap3A_1091 = vector.shape_cast %add3A_382 : vector<16xf32> to vector<1x16xf32>
          tpu.vector_store %arg12[%swap3A_1087, %swap3A_1088], %swap3A_1091 {strides = array<i32>} : memref<128x64xf32, #tpu.memory_space<vmem>>, vector<1x16xf32>,
        } else {
        }
        %add3A_397 = arith.constant 1 : i32
        %add3A_398 = arith.addi %select_n3A_345, %add3A_397 : i32
        %select_n3A_399 = arith.select %eq3A_390, %add3A_398, %select_n3A_345 : i32
        %slice3A_400 = vector.extract_strided_slice %get3A_179 {offsets = [4], sizes = [1], strides = [1]} : vector<16xf32> to vector<1xf32>
        %squeeze3A_401 = vector.extract %slice3A_400[0] : f32 from vector<1xf32>
        %broadcast_in_dim3A_402 = vector.broadcast %squeeze3A_401 : f32 to vector<16xf32>
        %mul3A_403 = arith.constant 16 : i32
        %mul3A_404 = arith.muli %scan3A_144, %mul3A_403 : i32
        %add3A_405 = arith.constant 4 : i32
        %add3A_406 = arith.addi %mul3A_404, %add3A_405 : i32
        %select_n3A_407 = arith.select %eq3A_390, %broadcast_in_dim3A_5, %add3A_359 : vector<16xf32>
        %get3A_408 = arith.index_cast %add3A_406 : i32 to index
        %get3A_409 = arith.constant 0 : index
        %get3A_410 = tpu.vector_load %arg9[%get3A_408, %get3A_409] {strides = array<i32>} : memref<128x64xf32, #tpu.memory_space<vmem>>, vector<1x16xf32>,
        %get3A_411 = vector.shape_cast %get3A_410 : vector<1x16xf32> to vector<16xf32>
        %mul3A_412 = arith.mulf %get3A_411, %broadcast_in_dim3A_402 : vector<16xf32>
        %add3A_413 = arith.addf %select_n3A_407, %mul3A_412 : vector<16xf32>
        %select_n3A_414 = arith.select %eq3A_390, %broadcast_in_dim3A_5, %add3A_366 : vector<16xf32>
        %get3A_415 = arith.index_cast %add3A_406 : i32 to index
        %get3A_416 = arith.constant 16 : index
        %get3A_417 = tpu.vector_load %arg9[%get3A_415, %get3A_416] {strides = array<i32>} : memref<128x64xf32, #tpu.memory_space<vmem>>, vector<1x16xf32>,
        %get3A_418 = vector.shape_cast %get3A_417 : vector<1x16xf32> to vector<16xf32>
        %mul3A_419 = arith.mulf %get3A_418, %broadcast_in_dim3A_402 : vector<16xf32>
        %add3A_420 = arith.addf %select_n3A_414, %mul3A_419 : vector<16xf32>
        %select_n3A_421 = arith.select %eq3A_390, %broadcast_in_dim3A_5, %add3A_373 : vector<16xf32>
        %get3A_422 = arith.index_cast %add3A_406 : i32 to index
        %get3A_423 = arith.constant 32 : index
        %get3A_424 = tpu.vector_load %arg9[%get3A_422, %get3A_423] {strides = array<i32>} : memref<128x64xf32, #tpu.memory_space<vmem>>, vector<1x16xf32>,
        %get3A_425 = vector.shape_cast %get3A_424 : vector<1x16xf32> to vector<16xf32>
        %mul3A_426 = arith.mulf %get3A_425, %broadcast_in_dim3A_402 : vector<16xf32>
        %add3A_427 = arith.addf %select_n3A_421, %mul3A_426 : vector<16xf32>
        %select_n3A_428 = arith.select %eq3A_390, %broadcast_in_dim3A_5, %add3A_380 : vector<16xf32>
        %get3A_429 = arith.index_cast %add3A_406 : i32 to index
        %get3A_430 = arith.constant 48 : index
        %get3A_431 = tpu.vector_load %arg9[%get3A_429, %get3A_430] {strides = array<i32>} : memref<128x64xf32, #tpu.memory_space<vmem>>, vector<1x16xf32>,
        %get3A_432 = vector.shape_cast %get3A_431 : vector<1x16xf32> to vector<16xf32>
        %mul3A_433 = arith.mulf %get3A_432, %broadcast_in_dim3A_402 : vector<16xf32>
        %add3A_434 = arith.addf %select_n3A_428, %mul3A_433 : vector<16xf32>
        %select_n3A_435 = arith.select %eq3A_390, %broadcast_in_dim3A_5, %add3A_382 : vector<16xf32>
        %add3A_436 = arith.addf %select_n3A_435, %broadcast_in_dim3A_402 : vector<16xf32>
        %eq3A_437 = arith.constant 49 : i32
        %eq3A_438 = arith.cmpi eq, %select_n3A_388, %eq3A_437 : i32
        %add3A_439 = arith.constant 1 : i32
        %add3A_440 = arith.addi %select_n3A_388, %add3A_439 : i32
        %jit3A_441 = arith.constant 0 : i32
        %select_n3A_442 = arith.select %eq3A_438, %jit3A_441, %add3A_440 : i32
        %eq3A_443 = arith.constant 0 : i32
        %eq3A_444 = arith.cmpi eq, %select_n3A_442, %eq3A_443 : i32
        %ge3A_445 = arith.constant 0 : i32
        %ge3A_446 = arith.cmpi sge, %select_n3A_399, %ge3A_445 : i32
        %and3A_447 = arith.andi %eq3A_444, %ge3A_446 : i1
        %convert_element_type3A_448 = arith.extui %and3A_447 : i1 to i32
        %cond3A_449 = arith.constant 0 : i32
        %cond3A_450 = arith.cmpi ne, %convert_element_type3A_448, %cond3A_449 : i32
        scf.if %cond3A_450 {
          %swap3A_1067 = arith.index_cast %select_n3A_399 : i32 to index
          %swap3A_1068 = arith.constant 0 : index
          %swap3A_1069 = tpu.vector_load %arg11[%swap3A_1067, %swap3A_1068] {strides = array<i32>} : memref<128x64xf32, #tpu.memory_space<vmem>>, vector<1x16xf32>,
          %swap3A_1070 = vector.shape_cast %swap3A_1069 : vector<1x16xf32> to vector<16xf32>
          %swap3A_1071 = vector.shape_cast %add3A_413 : vector<16xf32> to vector<1x16xf32>
          tpu.vector_store %arg11[%swap3A_1067, %swap3A_1068], %swap3A_1071 {strides = array<i32>} : memref<128x64xf32, #tpu.memory_space<vmem>>, vector<1x16xf32>,
          %swap3A_1072 = arith.index_cast %select_n3A_399 : i32 to index
          %swap3A_1073 = arith.constant 16 : index
          %swap3A_1074 = tpu.vector_load %arg11[%swap3A_1072, %swap3A_1073] {strides = array<i32>} : memref<128x64xf32, #tpu.memory_space<vmem>>, vector<1x16xf32>,
          %swap3A_1075 = vector.shape_cast %swap3A_1074 : vector<1x16xf32> to vector<16xf32>
          %swap3A_1076 = vector.shape_cast %add3A_420 : vector<16xf32> to vector<1x16xf32>
          tpu.vector_store %arg11[%swap3A_1072, %swap3A_1073], %swap3A_1076 {strides = array<i32>} : memref<128x64xf32, #tpu.memory_space<vmem>>, vector<1x16xf32>,
          %swap3A_1077 = arith.index_cast %select_n3A_399 : i32 to index
          %swap3A_1078 = arith.constant 32 : index
          %swap3A_1079 = tpu.vector_load %arg11[%swap3A_1077, %swap3A_1078] {strides = array<i32>} : memref<128x64xf32, #tpu.memory_space<vmem>>, vector<1x16xf32>,
          %swap3A_1080 = vector.shape_cast %swap3A_1079 : vector<1x16xf32> to vector<16xf32>
          %swap3A_1081 = vector.shape_cast %add3A_427 : vector<16xf32> to vector<1x16xf32>
          tpu.vector_store %arg11[%swap3A_1077, %swap3A_1078], %swap3A_1081 {strides = array<i32>} : memref<128x64xf32, #tpu.memory_space<vmem>>, vector<1x16xf32>,
          %swap3A_1082 = arith.index_cast %select_n3A_399 : i32 to index
          %swap3A_1083 = arith.constant 48 : index
          %swap3A_1084 = tpu.vector_load %arg11[%swap3A_1082, %swap3A_1083] {strides = array<i32>} : memref<128x64xf32, #tpu.memory_space<vmem>>, vector<1x16xf32>,
          %swap3A_1085 = vector.shape_cast %swap3A_1084 : vector<1x16xf32> to vector<16xf32>
          %swap3A_1086 = vector.shape_cast %add3A_434 : vector<16xf32> to vector<1x16xf32>
          tpu.vector_store %arg11[%swap3A_1082, %swap3A_1083], %swap3A_1086 {strides = array<i32>} : memref<128x64xf32, #tpu.memory_space<vmem>>, vector<1x16xf32>,
          %swap3A_1087 = arith.index_cast %select_n3A_399 : i32 to index
          %swap3A_1088 = arith.constant 0 : index
          %swap3A_1089 = tpu.vector_load %arg12[%swap3A_1087, %swap3A_1088] {strides = array<i32>} : memref<128x64xf32, #tpu.memory_space<vmem>>, vector<1x16xf32>,
          %swap3A_1090 = vector.shape_cast %swap3A_1089 : vector<1x16xf32> to vector<16xf32>
          %swap3A_1091 = vector.shape_cast %add3A_436 : vector<16xf32> to vector<1x16xf32>
          tpu.vector_store %arg12[%swap3A_1087, %swap3A_1088], %swap3A_1091 {strides = array<i32>} : memref<128x64xf32, #tpu.memory_space<vmem>>, vector<1x16xf32>,
        } else {
        }
        %add3A_451 = arith.constant 1 : i32
        %add3A_452 = arith.addi %select_n3A_399, %add3A_451 : i32
        %select_n3A_453 = arith.select %eq3A_444, %add3A_452, %select_n3A_399 : i32
        %slice3A_454 = vector.extract_strided_slice %get3A_179 {offsets = [5], sizes = [1], strides = [1]} : vector<16xf32> to vector<1xf32>
        %squeeze3A_455 = vector.extract %slice3A_454[0] : f32 from vector<1xf32>
        %broadcast_in_dim3A_456 = vector.broadcast %squeeze3A_455 : f32 to vector<16xf32>
        %mul3A_457 = arith.constant 16 : i32
        %mul3A_458 = arith.muli %scan3A_144, %mul3A_457 : i32
        %add3A_459 = arith.constant 5 : i32
        %add3A_460 = arith.addi %mul3A_458, %add3A_459 : i32
        %select_n3A_461 = arith.select %eq3A_444, %broadcast_in_dim3A_5, %add3A_413 : vector<16xf32>
        %get3A_462 = arith.index_cast %add3A_460 : i32 to index
        %get3A_463 = arith.constant 0 : index
        %get3A_464 = tpu.vector_load %arg9[%get3A_462, %get3A_463] {strides = array<i32>} : memref<128x64xf32, #tpu.memory_space<vmem>>, vector<1x16xf32>,
        %get3A_465 = vector.shape_cast %get3A_464 : vector<1x16xf32> to vector<16xf32>
        %mul3A_466 = arith.mulf %get3A_465, %broadcast_in_dim3A_456 : vector<16xf32>
        %add3A_467 = arith.addf %select_n3A_461, %mul3A_466 : vector<16xf32>
        %select_n3A_468 = arith.select %eq3A_444, %broadcast_in_dim3A_5, %add3A_420 : vector<16xf32>
        %get3A_469 = arith.index_cast %add3A_460 : i32 to index
        %get3A_470 = arith.constant 16 : index
        %get3A_471 = tpu.vector_load %arg9[%get3A_469, %get3A_470] {strides = array<i32>} : memref<128x64xf32, #tpu.memory_space<vmem>>, vector<1x16xf32>,
        %get3A_472 = vector.shape_cast %get3A_471 : vector<1x16xf32> to vector<16xf32>
        %mul3A_473 = arith.mulf %get3A_472, %broadcast_in_dim3A_456 : vector<16xf32>
        %add3A_474 = arith.addf %select_n3A_468, %mul3A_473 : vector<16xf32>
        %select_n3A_475 = arith.select %eq3A_444, %broadcast_in_dim3A_5, %add3A_427 : vector<16xf32>
        %get3A_476 = arith.index_cast %add3A_460 : i32 to index
        %get3A_477 = arith.constant 32 : index
        %get3A_478 = tpu.vector_load %arg9[%get3A_476, %get3A_477] {strides = array<i32>} : memref<128x64xf32, #tpu.memory_space<vmem>>, vector<1x16xf32>,
        %get3A_479 = vector.shape_cast %get3A_478 : vector<1x16xf32> to vector<16xf32>
        %mul3A_480 = arith.mulf %get3A_479, %broadcast_in_dim3A_456 : vector<16xf32>
        %add3A_481 = arith.addf %select_n3A_475, %mul3A_480 : vector<16xf32>
        %select_n3A_482 = arith.select %eq3A_444, %broadcast_in_dim3A_5, %add3A_434 : vector<16xf32>
        %get3A_483 = arith.index_cast %add3A_460 : i32 to index
        %get3A_484 = arith.constant 48 : index
        %get3A_485 = tpu.vector_load %arg9[%get3A_483, %get3A_484] {strides = array<i32>} : memref<128x64xf32, #tpu.memory_space<vmem>>, vector<1x16xf32>,
        %get3A_486 = vector.shape_cast %get3A_485 : vector<1x16xf32> to vector<16xf32>
        %mul3A_487 = arith.mulf %get3A_486, %broadcast_in_dim3A_456 : vector<16xf32>
        %add3A_488 = arith.addf %select_n3A_482, %mul3A_487 : vector<16xf32>
        %select_n3A_489 = arith.select %eq3A_444, %broadcast_in_dim3A_5, %add3A_436 : vector<16xf32>
        %add3A_490 = arith.addf %select_n3A_489, %broadcast_in_dim3A_456 : vector<16xf32>
        %eq3A_491 = arith.constant 49 : i32
        %eq3A_492 = arith.cmpi eq, %select_n3A_442, %eq3A_491 : i32
        %add3A_493 = arith.constant 1 : i32
        %add3A_494 = arith.addi %select_n3A_442, %add3A_493 : i32
        %jit3A_495 = arith.constant 0 : i32
        %select_n3A_496 = arith.select %eq3A_492, %jit3A_495, %add3A_494 : i32
        %eq3A_497 = arith.constant 0 : i32
        %eq3A_498 = arith.cmpi eq, %select_n3A_496, %eq3A_497 : i32
        %ge3A_499 = arith.constant 0 : i32
        %ge3A_500 = arith.cmpi sge, %select_n3A_453, %ge3A_499 : i32
        %and3A_501 = arith.andi %eq3A_498, %ge3A_500 : i1
        %convert_element_type3A_502 = arith.extui %and3A_501 : i1 to i32
        %cond3A_503 = arith.constant 0 : i32
        %cond3A_504 = arith.cmpi ne, %convert_element_type3A_502, %cond3A_503 : i32
        scf.if %cond3A_504 {
          %swap3A_1067 = arith.index_cast %select_n3A_453 : i32 to index
          %swap3A_1068 = arith.constant 0 : index
          %swap3A_1069 = tpu.vector_load %arg11[%swap3A_1067, %swap3A_1068] {strides = array<i32>} : memref<128x64xf32, #tpu.memory_space<vmem>>, vector<1x16xf32>,
          %swap3A_1070 = vector.shape_cast %swap3A_1069 : vector<1x16xf32> to vector<16xf32>
          %swap3A_1071 = vector.shape_cast %add3A_467 : vector<16xf32> to vector<1x16xf32>
          tpu.vector_store %arg11[%swap3A_1067, %swap3A_1068], %swap3A_1071 {strides = array<i32>} : memref<128x64xf32, #tpu.memory_space<vmem>>, vector<1x16xf32>,
          %swap3A_1072 = arith.index_cast %select_n3A_453 : i32 to index
          %swap3A_1073 = arith.constant 16 : index
          %swap3A_1074 = tpu.vector_load %arg11[%swap3A_1072, %swap3A_1073] {strides = array<i32>} : memref<128x64xf32, #tpu.memory_space<vmem>>, vector<1x16xf32>,
          %swap3A_1075 = vector.shape_cast %swap3A_1074 : vector<1x16xf32> to vector<16xf32>
          %swap3A_1076 = vector.shape_cast %add3A_474 : vector<16xf32> to vector<1x16xf32>
          tpu.vector_store %arg11[%swap3A_1072, %swap3A_1073], %swap3A_1076 {strides = array<i32>} : memref<128x64xf32, #tpu.memory_space<vmem>>, vector<1x16xf32>,
          %swap3A_1077 = arith.index_cast %select_n3A_453 : i32 to index
          %swap3A_1078 = arith.constant 32 : index
          %swap3A_1079 = tpu.vector_load %arg11[%swap3A_1077, %swap3A_1078] {strides = array<i32>} : memref<128x64xf32, #tpu.memory_space<vmem>>, vector<1x16xf32>,
          %swap3A_1080 = vector.shape_cast %swap3A_1079 : vector<1x16xf32> to vector<16xf32>
          %swap3A_1081 = vector.shape_cast %add3A_481 : vector<16xf32> to vector<1x16xf32>
          tpu.vector_store %arg11[%swap3A_1077, %swap3A_1078], %swap3A_1081 {strides = array<i32>} : memref<128x64xf32, #tpu.memory_space<vmem>>, vector<1x16xf32>,
          %swap3A_1082 = arith.index_cast %select_n3A_453 : i32 to index
          %swap3A_1083 = arith.constant 48 : index
          %swap3A_1084 = tpu.vector_load %arg11[%swap3A_1082, %swap3A_1083] {strides = array<i32>} : memref<128x64xf32, #tpu.memory_space<vmem>>, vector<1x16xf32>,
          %swap3A_1085 = vector.shape_cast %swap3A_1084 : vector<1x16xf32> to vector<16xf32>
          %swap3A_1086 = vector.shape_cast %add3A_488 : vector<16xf32> to vector<1x16xf32>
          tpu.vector_store %arg11[%swap3A_1082, %swap3A_1083], %swap3A_1086 {strides = array<i32>} : memref<128x64xf32, #tpu.memory_space<vmem>>, vector<1x16xf32>,
          %swap3A_1087 = arith.index_cast %select_n3A_453 : i32 to index
          %swap3A_1088 = arith.constant 0 : index
          %swap3A_1089 = tpu.vector_load %arg12[%swap3A_1087, %swap3A_1088] {strides = array<i32>} : memref<128x64xf32, #tpu.memory_space<vmem>>, vector<1x16xf32>,
          %swap3A_1090 = vector.shape_cast %swap3A_1089 : vector<1x16xf32> to vector<16xf32>
          %swap3A_1091 = vector.shape_cast %add3A_490 : vector<16xf32> to vector<1x16xf32>
          tpu.vector_store %arg12[%swap3A_1087, %swap3A_1088], %swap3A_1091 {strides = array<i32>} : memref<128x64xf32, #tpu.memory_space<vmem>>, vector<1x16xf32>,
        } else {
        }
        %add3A_505 = arith.constant 1 : i32
        %add3A_506 = arith.addi %select_n3A_453, %add3A_505 : i32
        %select_n3A_507 = arith.select %eq3A_498, %add3A_506, %select_n3A_453 : i32
        %slice3A_508 = vector.extract_strided_slice %get3A_179 {offsets = [6], sizes = [1], strides = [1]} : vector<16xf32> to vector<1xf32>
        %squeeze3A_509 = vector.extract %slice3A_508[0] : f32 from vector<1xf32>
        %broadcast_in_dim3A_510 = vector.broadcast %squeeze3A_509 : f32 to vector<16xf32>
        %mul3A_511 = arith.constant 16 : i32
        %mul3A_512 = arith.muli %scan3A_144, %mul3A_511 : i32
        %add3A_513 = arith.constant 6 : i32
        %add3A_514 = arith.addi %mul3A_512, %add3A_513 : i32
        %select_n3A_515 = arith.select %eq3A_498, %broadcast_in_dim3A_5, %add3A_467 : vector<16xf32>
        %get3A_516 = arith.index_cast %add3A_514 : i32 to index
        %get3A_517 = arith.constant 0 : index
        %get3A_518 = tpu.vector_load %arg9[%get3A_516, %get3A_517] {strides = array<i32>} : memref<128x64xf32, #tpu.memory_space<vmem>>, vector<1x16xf32>,
        %get3A_519 = vector.shape_cast %get3A_518 : vector<1x16xf32> to vector<16xf32>
        %mul3A_520 = arith.mulf %get3A_519, %broadcast_in_dim3A_510 : vector<16xf32>
        %add3A_521 = arith.addf %select_n3A_515, %mul3A_520 : vector<16xf32>
        %select_n3A_522 = arith.select %eq3A_498, %broadcast_in_dim3A_5, %add3A_474 : vector<16xf32>
        %get3A_523 = arith.index_cast %add3A_514 : i32 to index
        %get3A_524 = arith.constant 16 : index
        %get3A_525 = tpu.vector_load %arg9[%get3A_523, %get3A_524] {strides = array<i32>} : memref<128x64xf32, #tpu.memory_space<vmem>>, vector<1x16xf32>,
        %get3A_526 = vector.shape_cast %get3A_525 : vector<1x16xf32> to vector<16xf32>
        %mul3A_527 = arith.mulf %get3A_526, %broadcast_in_dim3A_510 : vector<16xf32>
        %add3A_528 = arith.addf %select_n3A_522, %mul3A_527 : vector<16xf32>
        %select_n3A_529 = arith.select %eq3A_498, %broadcast_in_dim3A_5, %add3A_481 : vector<16xf32>
        %get3A_530 = arith.index_cast %add3A_514 : i32 to index
        %get3A_531 = arith.constant 32 : index
        %get3A_532 = tpu.vector_load %arg9[%get3A_530, %get3A_531] {strides = array<i32>} : memref<128x64xf32, #tpu.memory_space<vmem>>, vector<1x16xf32>,
        %get3A_533 = vector.shape_cast %get3A_532 : vector<1x16xf32> to vector<16xf32>
        %mul3A_534 = arith.mulf %get3A_533, %broadcast_in_dim3A_510 : vector<16xf32>
        %add3A_535 = arith.addf %select_n3A_529, %mul3A_534 : vector<16xf32>
        %select_n3A_536 = arith.select %eq3A_498, %broadcast_in_dim3A_5, %add3A_488 : vector<16xf32>
        %get3A_537 = arith.index_cast %add3A_514 : i32 to index
        %get3A_538 = arith.constant 48 : index
        %get3A_539 = tpu.vector_load %arg9[%get3A_537, %get3A_538] {strides = array<i32>} : memref<128x64xf32, #tpu.memory_space<vmem>>, vector<1x16xf32>,
        %get3A_540 = vector.shape_cast %get3A_539 : vector<1x16xf32> to vector<16xf32>
        %mul3A_541 = arith.mulf %get3A_540, %broadcast_in_dim3A_510 : vector<16xf32>
        %add3A_542 = arith.addf %select_n3A_536, %mul3A_541 : vector<16xf32>
        %select_n3A_543 = arith.select %eq3A_498, %broadcast_in_dim3A_5, %add3A_490 : vector<16xf32>
        %add3A_544 = arith.addf %select_n3A_543, %broadcast_in_dim3A_510 : vector<16xf32>
        %eq3A_545 = arith.constant 49 : i32
        %eq3A_546 = arith.cmpi eq, %select_n3A_496, %eq3A_545 : i32
        %add3A_547 = arith.constant 1 : i32
        %add3A_548 = arith.addi %select_n3A_496, %add3A_547 : i32
        %jit3A_549 = arith.constant 0 : i32
        %select_n3A_550 = arith.select %eq3A_546, %jit3A_549, %add3A_548 : i32
        %eq3A_551 = arith.constant 0 : i32
        %eq3A_552 = arith.cmpi eq, %select_n3A_550, %eq3A_551 : i32
        %ge3A_553 = arith.constant 0 : i32
        %ge3A_554 = arith.cmpi sge, %select_n3A_507, %ge3A_553 : i32
        %and3A_555 = arith.andi %eq3A_552, %ge3A_554 : i1
        %convert_element_type3A_556 = arith.extui %and3A_555 : i1 to i32
        %cond3A_557 = arith.constant 0 : i32
        %cond3A_558 = arith.cmpi ne, %convert_element_type3A_556, %cond3A_557 : i32
        scf.if %cond3A_558 {
          %swap3A_1067 = arith.index_cast %select_n3A_507 : i32 to index
          %swap3A_1068 = arith.constant 0 : index
          %swap3A_1069 = tpu.vector_load %arg11[%swap3A_1067, %swap3A_1068] {strides = array<i32>} : memref<128x64xf32, #tpu.memory_space<vmem>>, vector<1x16xf32>,
          %swap3A_1070 = vector.shape_cast %swap3A_1069 : vector<1x16xf32> to vector<16xf32>
          %swap3A_1071 = vector.shape_cast %add3A_521 : vector<16xf32> to vector<1x16xf32>
          tpu.vector_store %arg11[%swap3A_1067, %swap3A_1068], %swap3A_1071 {strides = array<i32>} : memref<128x64xf32, #tpu.memory_space<vmem>>, vector<1x16xf32>,
          %swap3A_1072 = arith.index_cast %select_n3A_507 : i32 to index
          %swap3A_1073 = arith.constant 16 : index
          %swap3A_1074 = tpu.vector_load %arg11[%swap3A_1072, %swap3A_1073] {strides = array<i32>} : memref<128x64xf32, #tpu.memory_space<vmem>>, vector<1x16xf32>,
          %swap3A_1075 = vector.shape_cast %swap3A_1074 : vector<1x16xf32> to vector<16xf32>
          %swap3A_1076 = vector.shape_cast %add3A_528 : vector<16xf32> to vector<1x16xf32>
          tpu.vector_store %arg11[%swap3A_1072, %swap3A_1073], %swap3A_1076 {strides = array<i32>} : memref<128x64xf32, #tpu.memory_space<vmem>>, vector<1x16xf32>,
          %swap3A_1077 = arith.index_cast %select_n3A_507 : i32 to index
          %swap3A_1078 = arith.constant 32 : index
          %swap3A_1079 = tpu.vector_load %arg11[%swap3A_1077, %swap3A_1078] {strides = array<i32>} : memref<128x64xf32, #tpu.memory_space<vmem>>, vector<1x16xf32>,
          %swap3A_1080 = vector.shape_cast %swap3A_1079 : vector<1x16xf32> to vector<16xf32>
          %swap3A_1081 = vector.shape_cast %add3A_535 : vector<16xf32> to vector<1x16xf32>
          tpu.vector_store %arg11[%swap3A_1077, %swap3A_1078], %swap3A_1081 {strides = array<i32>} : memref<128x64xf32, #tpu.memory_space<vmem>>, vector<1x16xf32>,
          %swap3A_1082 = arith.index_cast %select_n3A_507 : i32 to index
          %swap3A_1083 = arith.constant 48 : index
          %swap3A_1084 = tpu.vector_load %arg11[%swap3A_1082, %swap3A_1083] {strides = array<i32>} : memref<128x64xf32, #tpu.memory_space<vmem>>, vector<1x16xf32>,
          %swap3A_1085 = vector.shape_cast %swap3A_1084 : vector<1x16xf32> to vector<16xf32>
          %swap3A_1086 = vector.shape_cast %add3A_542 : vector<16xf32> to vector<1x16xf32>
          tpu.vector_store %arg11[%swap3A_1082, %swap3A_1083], %swap3A_1086 {strides = array<i32>} : memref<128x64xf32, #tpu.memory_space<vmem>>, vector<1x16xf32>,
          %swap3A_1087 = arith.index_cast %select_n3A_507 : i32 to index
          %swap3A_1088 = arith.constant 0 : index
          %swap3A_1089 = tpu.vector_load %arg12[%swap3A_1087, %swap3A_1088] {strides = array<i32>} : memref<128x64xf32, #tpu.memory_space<vmem>>, vector<1x16xf32>,
          %swap3A_1090 = vector.shape_cast %swap3A_1089 : vector<1x16xf32> to vector<16xf32>
          %swap3A_1091 = vector.shape_cast %add3A_544 : vector<16xf32> to vector<1x16xf32>
          tpu.vector_store %arg12[%swap3A_1087, %swap3A_1088], %swap3A_1091 {strides = array<i32>} : memref<128x64xf32, #tpu.memory_space<vmem>>, vector<1x16xf32>,
        } else {
        }
        %add3A_559 = arith.constant 1 : i32
        %add3A_560 = arith.addi %select_n3A_507, %add3A_559 : i32
        %select_n3A_561 = arith.select %eq3A_552, %add3A_560, %select_n3A_507 : i32
        %slice3A_562 = vector.extract_strided_slice %get3A_179 {offsets = [7], sizes = [1], strides = [1]} : vector<16xf32> to vector<1xf32>
        %squeeze3A_563 = vector.extract %slice3A_562[0] : f32 from vector<1xf32>
        %broadcast_in_dim3A_564 = vector.broadcast %squeeze3A_563 : f32 to vector<16xf32>
        %mul3A_565 = arith.constant 16 : i32
        %mul3A_566 = arith.muli %scan3A_144, %mul3A_565 : i32
        %add3A_567 = arith.constant 7 : i32
        %add3A_568 = arith.addi %mul3A_566, %add3A_567 : i32
        %select_n3A_569 = arith.select %eq3A_552, %broadcast_in_dim3A_5, %add3A_521 : vector<16xf32>
        %get3A_570 = arith.index_cast %add3A_568 : i32 to index
        %get3A_571 = arith.constant 0 : index
        %get3A_572 = tpu.vector_load %arg9[%get3A_570, %get3A_571] {strides = array<i32>} : memref<128x64xf32, #tpu.memory_space<vmem>>, vector<1x16xf32>,
        %get3A_573 = vector.shape_cast %get3A_572 : vector<1x16xf32> to vector<16xf32>
        %mul3A_574 = arith.mulf %get3A_573, %broadcast_in_dim3A_564 : vector<16xf32>
        %add3A_575 = arith.addf %select_n3A_569, %mul3A_574 : vector<16xf32>
        %select_n3A_576 = arith.select %eq3A_552, %broadcast_in_dim3A_5, %add3A_528 : vector<16xf32>
        %get3A_577 = arith.index_cast %add3A_568 : i32 to index
        %get3A_578 = arith.constant 16 : index
        %get3A_579 = tpu.vector_load %arg9[%get3A_577, %get3A_578] {strides = array<i32>} : memref<128x64xf32, #tpu.memory_space<vmem>>, vector<1x16xf32>,
        %get3A_580 = vector.shape_cast %get3A_579 : vector<1x16xf32> to vector<16xf32>
        %mul3A_581 = arith.mulf %get3A_580, %broadcast_in_dim3A_564 : vector<16xf32>
        %add3A_582 = arith.addf %select_n3A_576, %mul3A_581 : vector<16xf32>
        %select_n3A_583 = arith.select %eq3A_552, %broadcast_in_dim3A_5, %add3A_535 : vector<16xf32>
        %get3A_584 = arith.index_cast %add3A_568 : i32 to index
        %get3A_585 = arith.constant 32 : index
        %get3A_586 = tpu.vector_load %arg9[%get3A_584, %get3A_585] {strides = array<i32>} : memref<128x64xf32, #tpu.memory_space<vmem>>, vector<1x16xf32>,
        %get3A_587 = vector.shape_cast %get3A_586 : vector<1x16xf32> to vector<16xf32>
        %mul3A_588 = arith.mulf %get3A_587, %broadcast_in_dim3A_564 : vector<16xf32>
        %add3A_589 = arith.addf %select_n3A_583, %mul3A_588 : vector<16xf32>
        %select_n3A_590 = arith.select %eq3A_552, %broadcast_in_dim3A_5, %add3A_542 : vector<16xf32>
        %get3A_591 = arith.index_cast %add3A_568 : i32 to index
        %get3A_592 = arith.constant 48 : index
        %get3A_593 = tpu.vector_load %arg9[%get3A_591, %get3A_592] {strides = array<i32>} : memref<128x64xf32, #tpu.memory_space<vmem>>, vector<1x16xf32>,
        %get3A_594 = vector.shape_cast %get3A_593 : vector<1x16xf32> to vector<16xf32>
        %mul3A_595 = arith.mulf %get3A_594, %broadcast_in_dim3A_564 : vector<16xf32>
        %add3A_596 = arith.addf %select_n3A_590, %mul3A_595 : vector<16xf32>
        %select_n3A_597 = arith.select %eq3A_552, %broadcast_in_dim3A_5, %add3A_544 : vector<16xf32>
        %add3A_598 = arith.addf %select_n3A_597, %broadcast_in_dim3A_564 : vector<16xf32>
        %eq3A_599 = arith.constant 49 : i32
        %eq3A_600 = arith.cmpi eq, %select_n3A_550, %eq3A_599 : i32
        %add3A_601 = arith.constant 1 : i32
        %add3A_602 = arith.addi %select_n3A_550, %add3A_601 : i32
        %jit3A_603 = arith.constant 0 : i32
        %select_n3A_604 = arith.select %eq3A_600, %jit3A_603, %add3A_602 : i32
        %eq3A_605 = arith.constant 0 : i32
        %eq3A_606 = arith.cmpi eq, %select_n3A_604, %eq3A_605 : i32
        %ge3A_607 = arith.constant 0 : i32
        %ge3A_608 = arith.cmpi sge, %select_n3A_561, %ge3A_607 : i32
        %and3A_609 = arith.andi %eq3A_606, %ge3A_608 : i1
        %convert_element_type3A_610 = arith.extui %and3A_609 : i1 to i32
        %cond3A_611 = arith.constant 0 : i32
        %cond3A_612 = arith.cmpi ne, %convert_element_type3A_610, %cond3A_611 : i32
        scf.if %cond3A_612 {
          %swap3A_1067 = arith.index_cast %select_n3A_561 : i32 to index
          %swap3A_1068 = arith.constant 0 : index
          %swap3A_1069 = tpu.vector_load %arg11[%swap3A_1067, %swap3A_1068] {strides = array<i32>} : memref<128x64xf32, #tpu.memory_space<vmem>>, vector<1x16xf32>,
          %swap3A_1070 = vector.shape_cast %swap3A_1069 : vector<1x16xf32> to vector<16xf32>
          %swap3A_1071 = vector.shape_cast %add3A_575 : vector<16xf32> to vector<1x16xf32>
          tpu.vector_store %arg11[%swap3A_1067, %swap3A_1068], %swap3A_1071 {strides = array<i32>} : memref<128x64xf32, #tpu.memory_space<vmem>>, vector<1x16xf32>,
          %swap3A_1072 = arith.index_cast %select_n3A_561 : i32 to index
          %swap3A_1073 = arith.constant 16 : index
          %swap3A_1074 = tpu.vector_load %arg11[%swap3A_1072, %swap3A_1073] {strides = array<i32>} : memref<128x64xf32, #tpu.memory_space<vmem>>, vector<1x16xf32>,
          %swap3A_1075 = vector.shape_cast %swap3A_1074 : vector<1x16xf32> to vector<16xf32>
          %swap3A_1076 = vector.shape_cast %add3A_582 : vector<16xf32> to vector<1x16xf32>
          tpu.vector_store %arg11[%swap3A_1072, %swap3A_1073], %swap3A_1076 {strides = array<i32>} : memref<128x64xf32, #tpu.memory_space<vmem>>, vector<1x16xf32>,
          %swap3A_1077 = arith.index_cast %select_n3A_561 : i32 to index
          %swap3A_1078 = arith.constant 32 : index
          %swap3A_1079 = tpu.vector_load %arg11[%swap3A_1077, %swap3A_1078] {strides = array<i32>} : memref<128x64xf32, #tpu.memory_space<vmem>>, vector<1x16xf32>,
          %swap3A_1080 = vector.shape_cast %swap3A_1079 : vector<1x16xf32> to vector<16xf32>
          %swap3A_1081 = vector.shape_cast %add3A_589 : vector<16xf32> to vector<1x16xf32>
          tpu.vector_store %arg11[%swap3A_1077, %swap3A_1078], %swap3A_1081 {strides = array<i32>} : memref<128x64xf32, #tpu.memory_space<vmem>>, vector<1x16xf32>,
          %swap3A_1082 = arith.index_cast %select_n3A_561 : i32 to index
          %swap3A_1083 = arith.constant 48 : index
          %swap3A_1084 = tpu.vector_load %arg11[%swap3A_1082, %swap3A_1083] {strides = array<i32>} : memref<128x64xf32, #tpu.memory_space<vmem>>, vector<1x16xf32>,
          %swap3A_1085 = vector.shape_cast %swap3A_1084 : vector<1x16xf32> to vector<16xf32>
          %swap3A_1086 = vector.shape_cast %add3A_596 : vector<16xf32> to vector<1x16xf32>
          tpu.vector_store %arg11[%swap3A_1082, %swap3A_1083], %swap3A_1086 {strides = array<i32>} : memref<128x64xf32, #tpu.memory_space<vmem>>, vector<1x16xf32>,
          %swap3A_1087 = arith.index_cast %select_n3A_561 : i32 to index
          %swap3A_1088 = arith.constant 0 : index
          %swap3A_1089 = tpu.vector_load %arg12[%swap3A_1087, %swap3A_1088] {strides = array<i32>} : memref<128x64xf32, #tpu.memory_space<vmem>>, vector<1x16xf32>,
          %swap3A_1090 = vector.shape_cast %swap3A_1089 : vector<1x16xf32> to vector<16xf32>
          %swap3A_1091 = vector.shape_cast %add3A_598 : vector<16xf32> to vector<1x16xf32>
          tpu.vector_store %arg12[%swap3A_1087, %swap3A_1088], %swap3A_1091 {strides = array<i32>} : memref<128x64xf32, #tpu.memory_space<vmem>>, vector<1x16xf32>,
        } else {
        }
        %add3A_613 = arith.constant 1 : i32
        %add3A_614 = arith.addi %select_n3A_561, %add3A_613 : i32
        %select_n3A_615 = arith.select %eq3A_606, %add3A_614, %select_n3A_561 : i32
        %slice3A_616 = vector.extract_strided_slice %get3A_179 {offsets = [8], sizes = [1], strides = [1]} : vector<16xf32> to vector<1xf32>
        %squeeze3A_617 = vector.extract %slice3A_616[0] : f32 from vector<1xf32>
        %broadcast_in_dim3A_618 = vector.broadcast %squeeze3A_617 : f32 to vector<16xf32>
        %mul3A_619 = arith.constant 16 : i32
        %mul3A_620 = arith.muli %scan3A_144, %mul3A_619 : i32
        %add3A_621 = arith.constant 8 : i32
        %add3A_622 = arith.addi %mul3A_620, %add3A_621 : i32
        %select_n3A_623 = arith.select %eq3A_606, %broadcast_in_dim3A_5, %add3A_575 : vector<16xf32>
        %get3A_624 = arith.index_cast %add3A_622 : i32 to index
        %get3A_625 = arith.constant 0 : index
        %get3A_626 = tpu.vector_load %arg9[%get3A_624, %get3A_625] {strides = array<i32>} : memref<128x64xf32, #tpu.memory_space<vmem>>, vector<1x16xf32>,
        %get3A_627 = vector.shape_cast %get3A_626 : vector<1x16xf32> to vector<16xf32>
        %mul3A_628 = arith.mulf %get3A_627, %broadcast_in_dim3A_618 : vector<16xf32>
        %add3A_629 = arith.addf %select_n3A_623, %mul3A_628 : vector<16xf32>
        %select_n3A_630 = arith.select %eq3A_606, %broadcast_in_dim3A_5, %add3A_582 : vector<16xf32>
        %get3A_631 = arith.index_cast %add3A_622 : i32 to index
        %get3A_632 = arith.constant 16 : index
        %get3A_633 = tpu.vector_load %arg9[%get3A_631, %get3A_632] {strides = array<i32>} : memref<128x64xf32, #tpu.memory_space<vmem>>, vector<1x16xf32>,
        %get3A_634 = vector.shape_cast %get3A_633 : vector<1x16xf32> to vector<16xf32>
        %mul3A_635 = arith.mulf %get3A_634, %broadcast_in_dim3A_618 : vector<16xf32>
        %add3A_636 = arith.addf %select_n3A_630, %mul3A_635 : vector<16xf32>
        %select_n3A_637 = arith.select %eq3A_606, %broadcast_in_dim3A_5, %add3A_589 : vector<16xf32>
        %get3A_638 = arith.index_cast %add3A_622 : i32 to index
        %get3A_639 = arith.constant 32 : index
        %get3A_640 = tpu.vector_load %arg9[%get3A_638, %get3A_639] {strides = array<i32>} : memref<128x64xf32, #tpu.memory_space<vmem>>, vector<1x16xf32>,
        %get3A_641 = vector.shape_cast %get3A_640 : vector<1x16xf32> to vector<16xf32>
        %mul3A_642 = arith.mulf %get3A_641, %broadcast_in_dim3A_618 : vector<16xf32>
        %add3A_643 = arith.addf %select_n3A_637, %mul3A_642 : vector<16xf32>
        %select_n3A_644 = arith.select %eq3A_606, %broadcast_in_dim3A_5, %add3A_596 : vector<16xf32>
        %get3A_645 = arith.index_cast %add3A_622 : i32 to index
        %get3A_646 = arith.constant 48 : index
        %get3A_647 = tpu.vector_load %arg9[%get3A_645, %get3A_646] {strides = array<i32>} : memref<128x64xf32, #tpu.memory_space<vmem>>, vector<1x16xf32>,
        %get3A_648 = vector.shape_cast %get3A_647 : vector<1x16xf32> to vector<16xf32>
        %mul3A_649 = arith.mulf %get3A_648, %broadcast_in_dim3A_618 : vector<16xf32>
        %add3A_650 = arith.addf %select_n3A_644, %mul3A_649 : vector<16xf32>
        %select_n3A_651 = arith.select %eq3A_606, %broadcast_in_dim3A_5, %add3A_598 : vector<16xf32>
        %add3A_652 = arith.addf %select_n3A_651, %broadcast_in_dim3A_618 : vector<16xf32>
        %eq3A_653 = arith.constant 49 : i32
        %eq3A_654 = arith.cmpi eq, %select_n3A_604, %eq3A_653 : i32
        %add3A_655 = arith.constant 1 : i32
        %add3A_656 = arith.addi %select_n3A_604, %add3A_655 : i32
        %jit3A_657 = arith.constant 0 : i32
        %select_n3A_658 = arith.select %eq3A_654, %jit3A_657, %add3A_656 : i32
        %eq3A_659 = arith.constant 0 : i32
        %eq3A_660 = arith.cmpi eq, %select_n3A_658, %eq3A_659 : i32
        %ge3A_661 = arith.constant 0 : i32
        %ge3A_662 = arith.cmpi sge, %select_n3A_615, %ge3A_661 : i32
        %and3A_663 = arith.andi %eq3A_660, %ge3A_662 : i1
        %convert_element_type3A_664 = arith.extui %and3A_663 : i1 to i32
        %cond3A_665 = arith.constant 0 : i32
        %cond3A_666 = arith.cmpi ne, %convert_element_type3A_664, %cond3A_665 : i32
        scf.if %cond3A_666 {
          %swap3A_1067 = arith.index_cast %select_n3A_615 : i32 to index
          %swap3A_1068 = arith.constant 0 : index
          %swap3A_1069 = tpu.vector_load %arg11[%swap3A_1067, %swap3A_1068] {strides = array<i32>} : memref<128x64xf32, #tpu.memory_space<vmem>>, vector<1x16xf32>,
          %swap3A_1070 = vector.shape_cast %swap3A_1069 : vector<1x16xf32> to vector<16xf32>
          %swap3A_1071 = vector.shape_cast %add3A_629 : vector<16xf32> to vector<1x16xf32>
          tpu.vector_store %arg11[%swap3A_1067, %swap3A_1068], %swap3A_1071 {strides = array<i32>} : memref<128x64xf32, #tpu.memory_space<vmem>>, vector<1x16xf32>,
          %swap3A_1072 = arith.index_cast %select_n3A_615 : i32 to index
          %swap3A_1073 = arith.constant 16 : index
          %swap3A_1074 = tpu.vector_load %arg11[%swap3A_1072, %swap3A_1073] {strides = array<i32>} : memref<128x64xf32, #tpu.memory_space<vmem>>, vector<1x16xf32>,
          %swap3A_1075 = vector.shape_cast %swap3A_1074 : vector<1x16xf32> to vector<16xf32>
          %swap3A_1076 = vector.shape_cast %add3A_636 : vector<16xf32> to vector<1x16xf32>
          tpu.vector_store %arg11[%swap3A_1072, %swap3A_1073], %swap3A_1076 {strides = array<i32>} : memref<128x64xf32, #tpu.memory_space<vmem>>, vector<1x16xf32>,
          %swap3A_1077 = arith.index_cast %select_n3A_615 : i32 to index
          %swap3A_1078 = arith.constant 32 : index
          %swap3A_1079 = tpu.vector_load %arg11[%swap3A_1077, %swap3A_1078] {strides = array<i32>} : memref<128x64xf32, #tpu.memory_space<vmem>>, vector<1x16xf32>,
          %swap3A_1080 = vector.shape_cast %swap3A_1079 : vector<1x16xf32> to vector<16xf32>
          %swap3A_1081 = vector.shape_cast %add3A_643 : vector<16xf32> to vector<1x16xf32>
          tpu.vector_store %arg11[%swap3A_1077, %swap3A_1078], %swap3A_1081 {strides = array<i32>} : memref<128x64xf32, #tpu.memory_space<vmem>>, vector<1x16xf32>,
          %swap3A_1082 = arith.index_cast %select_n3A_615 : i32 to index
          %swap3A_1083 = arith.constant 48 : index
          %swap3A_1084 = tpu.vector_load %arg11[%swap3A_1082, %swap3A_1083] {strides = array<i32>} : memref<128x64xf32, #tpu.memory_space<vmem>>, vector<1x16xf32>,
          %swap3A_1085 = vector.shape_cast %swap3A_1084 : vector<1x16xf32> to vector<16xf32>
          %swap3A_1086 = vector.shape_cast %add3A_650 : vector<16xf32> to vector<1x16xf32>
          tpu.vector_store %arg11[%swap3A_1082, %swap3A_1083], %swap3A_1086 {strides = array<i32>} : memref<128x64xf32, #tpu.memory_space<vmem>>, vector<1x16xf32>,
          %swap3A_1087 = arith.index_cast %select_n3A_615 : i32 to index
          %swap3A_1088 = arith.constant 0 : index
          %swap3A_1089 = tpu.vector_load %arg12[%swap3A_1087, %swap3A_1088] {strides = array<i32>} : memref<128x64xf32, #tpu.memory_space<vmem>>, vector<1x16xf32>,
          %swap3A_1090 = vector.shape_cast %swap3A_1089 : vector<1x16xf32> to vector<16xf32>
          %swap3A_1091 = vector.shape_cast %add3A_652 : vector<16xf32> to vector<1x16xf32>
          tpu.vector_store %arg12[%swap3A_1087, %swap3A_1088], %swap3A_1091 {strides = array<i32>} : memref<128x64xf32, #tpu.memory_space<vmem>>, vector<1x16xf32>,
        } else {
        }
        %add3A_667 = arith.constant 1 : i32
        %add3A_668 = arith.addi %select_n3A_615, %add3A_667 : i32
        %select_n3A_669 = arith.select %eq3A_660, %add3A_668, %select_n3A_615 : i32
        %slice3A_670 = vector.extract_strided_slice %get3A_179 {offsets = [9], sizes = [1], strides = [1]} : vector<16xf32> to vector<1xf32>
        %squeeze3A_671 = vector.extract %slice3A_670[0] : f32 from vector<1xf32>
        %broadcast_in_dim3A_672 = vector.broadcast %squeeze3A_671 : f32 to vector<16xf32>
        %mul3A_673 = arith.constant 16 : i32
        %mul3A_674 = arith.muli %scan3A_144, %mul3A_673 : i32
        %add3A_675 = arith.constant 9 : i32
        %add3A_676 = arith.addi %mul3A_674, %add3A_675 : i32
        %select_n3A_677 = arith.select %eq3A_660, %broadcast_in_dim3A_5, %add3A_629 : vector<16xf32>
        %get3A_678 = arith.index_cast %add3A_676 : i32 to index
        %get3A_679 = arith.constant 0 : index
        %get3A_680 = tpu.vector_load %arg9[%get3A_678, %get3A_679] {strides = array<i32>} : memref<128x64xf32, #tpu.memory_space<vmem>>, vector<1x16xf32>,
        %get3A_681 = vector.shape_cast %get3A_680 : vector<1x16xf32> to vector<16xf32>
        %mul3A_682 = arith.mulf %get3A_681, %broadcast_in_dim3A_672 : vector<16xf32>
        %add3A_683 = arith.addf %select_n3A_677, %mul3A_682 : vector<16xf32>
        %select_n3A_684 = arith.select %eq3A_660, %broadcast_in_dim3A_5, %add3A_636 : vector<16xf32>
        %get3A_685 = arith.index_cast %add3A_676 : i32 to index
        %get3A_686 = arith.constant 16 : index
        %get3A_687 = tpu.vector_load %arg9[%get3A_685, %get3A_686] {strides = array<i32>} : memref<128x64xf32, #tpu.memory_space<vmem>>, vector<1x16xf32>,
        %get3A_688 = vector.shape_cast %get3A_687 : vector<1x16xf32> to vector<16xf32>
        %mul3A_689 = arith.mulf %get3A_688, %broadcast_in_dim3A_672 : vector<16xf32>
        %add3A_690 = arith.addf %select_n3A_684, %mul3A_689 : vector<16xf32>
        %select_n3A_691 = arith.select %eq3A_660, %broadcast_in_dim3A_5, %add3A_643 : vector<16xf32>
        %get3A_692 = arith.index_cast %add3A_676 : i32 to index
        %get3A_693 = arith.constant 32 : index
        %get3A_694 = tpu.vector_load %arg9[%get3A_692, %get3A_693] {strides = array<i32>} : memref<128x64xf32, #tpu.memory_space<vmem>>, vector<1x16xf32>,
        %get3A_695 = vector.shape_cast %get3A_694 : vector<1x16xf32> to vector<16xf32>
        %mul3A_696 = arith.mulf %get3A_695, %broadcast_in_dim3A_672 : vector<16xf32>
        %add3A_697 = arith.addf %select_n3A_691, %mul3A_696 : vector<16xf32>
        %select_n3A_698 = arith.select %eq3A_660, %broadcast_in_dim3A_5, %add3A_650 : vector<16xf32>
        %get3A_699 = arith.index_cast %add3A_676 : i32 to index
        %get3A_700 = arith.constant 48 : index
        %get3A_701 = tpu.vector_load %arg9[%get3A_699, %get3A_700] {strides = array<i32>} : memref<128x64xf32, #tpu.memory_space<vmem>>, vector<1x16xf32>,
        %get3A_702 = vector.shape_cast %get3A_701 : vector<1x16xf32> to vector<16xf32>
        %mul3A_703 = arith.mulf %get3A_702, %broadcast_in_dim3A_672 : vector<16xf32>
        %add3A_704 = arith.addf %select_n3A_698, %mul3A_703 : vector<16xf32>
        %select_n3A_705 = arith.select %eq3A_660, %broadcast_in_dim3A_5, %add3A_652 : vector<16xf32>
        %add3A_706 = arith.addf %select_n3A_705, %broadcast_in_dim3A_672 : vector<16xf32>
        %eq3A_707 = arith.constant 49 : i32
        %eq3A_708 = arith.cmpi eq, %select_n3A_658, %eq3A_707 : i32
        %add3A_709 = arith.constant 1 : i32
        %add3A_710 = arith.addi %select_n3A_658, %add3A_709 : i32
        %jit3A_711 = arith.constant 0 : i32
        %select_n3A_712 = arith.select %eq3A_708, %jit3A_711, %add3A_710 : i32
        %eq3A_713 = arith.constant 0 : i32
        %eq3A_714 = arith.cmpi eq, %select_n3A_712, %eq3A_713 : i32
        %ge3A_715 = arith.constant 0 : i32
        %ge3A_716 = arith.cmpi sge, %select_n3A_669, %ge3A_715 : i32
        %and3A_717 = arith.andi %eq3A_714, %ge3A_716 : i1
        %convert_element_type3A_718 = arith.extui %and3A_717 : i1 to i32
        %cond3A_719 = arith.constant 0 : i32
        %cond3A_720 = arith.cmpi ne, %convert_element_type3A_718, %cond3A_719 : i32
        scf.if %cond3A_720 {
          %swap3A_1067 = arith.index_cast %select_n3A_669 : i32 to index
          %swap3A_1068 = arith.constant 0 : index
          %swap3A_1069 = tpu.vector_load %arg11[%swap3A_1067, %swap3A_1068] {strides = array<i32>} : memref<128x64xf32, #tpu.memory_space<vmem>>, vector<1x16xf32>,
          %swap3A_1070 = vector.shape_cast %swap3A_1069 : vector<1x16xf32> to vector<16xf32>
          %swap3A_1071 = vector.shape_cast %add3A_683 : vector<16xf32> to vector<1x16xf32>
          tpu.vector_store %arg11[%swap3A_1067, %swap3A_1068], %swap3A_1071 {strides = array<i32>} : memref<128x64xf32, #tpu.memory_space<vmem>>, vector<1x16xf32>,
          %swap3A_1072 = arith.index_cast %select_n3A_669 : i32 to index
          %swap3A_1073 = arith.constant 16 : index
          %swap3A_1074 = tpu.vector_load %arg11[%swap3A_1072, %swap3A_1073] {strides = array<i32>} : memref<128x64xf32, #tpu.memory_space<vmem>>, vector<1x16xf32>,
          %swap3A_1075 = vector.shape_cast %swap3A_1074 : vector<1x16xf32> to vector<16xf32>
          %swap3A_1076 = vector.shape_cast %add3A_690 : vector<16xf32> to vector<1x16xf32>
          tpu.vector_store %arg11[%swap3A_1072, %swap3A_1073], %swap3A_1076 {strides = array<i32>} : memref<128x64xf32, #tpu.memory_space<vmem>>, vector<1x16xf32>,
          %swap3A_1077 = arith.index_cast %select_n3A_669 : i32 to index
          %swap3A_1078 = arith.constant 32 : index
          %swap3A_1079 = tpu.vector_load %arg11[%swap3A_1077, %swap3A_1078] {strides = array<i32>} : memref<128x64xf32, #tpu.memory_space<vmem>>, vector<1x16xf32>,
          %swap3A_1080 = vector.shape_cast %swap3A_1079 : vector<1x16xf32> to vector<16xf32>
          %swap3A_1081 = vector.shape_cast %add3A_697 : vector<16xf32> to vector<1x16xf32>
          tpu.vector_store %arg11[%swap3A_1077, %swap3A_1078], %swap3A_1081 {strides = array<i32>} : memref<128x64xf32, #tpu.memory_space<vmem>>, vector<1x16xf32>,
          %swap3A_1082 = arith.index_cast %select_n3A_669 : i32 to index
          %swap3A_1083 = arith.constant 48 : index
          %swap3A_1084 = tpu.vector_load %arg11[%swap3A_1082, %swap3A_1083] {strides = array<i32>} : memref<128x64xf32, #tpu.memory_space<vmem>>, vector<1x16xf32>,
          %swap3A_1085 = vector.shape_cast %swap3A_1084 : vector<1x16xf32> to vector<16xf32>
          %swap3A_1086 = vector.shape_cast %add3A_704 : vector<16xf32> to vector<1x16xf32>
          tpu.vector_store %arg11[%swap3A_1082, %swap3A_1083], %swap3A_1086 {strides = array<i32>} : memref<128x64xf32, #tpu.memory_space<vmem>>, vector<1x16xf32>,
          %swap3A_1087 = arith.index_cast %select_n3A_669 : i32 to index
          %swap3A_1088 = arith.constant 0 : index
          %swap3A_1089 = tpu.vector_load %arg12[%swap3A_1087, %swap3A_1088] {strides = array<i32>} : memref<128x64xf32, #tpu.memory_space<vmem>>, vector<1x16xf32>,
          %swap3A_1090 = vector.shape_cast %swap3A_1089 : vector<1x16xf32> to vector<16xf32>
          %swap3A_1091 = vector.shape_cast %add3A_706 : vector<16xf32> to vector<1x16xf32>
          tpu.vector_store %arg12[%swap3A_1087, %swap3A_1088], %swap3A_1091 {strides = array<i32>} : memref<128x64xf32, #tpu.memory_space<vmem>>, vector<1x16xf32>,
        } else {
        }
        %add3A_721 = arith.constant 1 : i32
        %add3A_722 = arith.addi %select_n3A_669, %add3A_721 : i32
        %select_n3A_723 = arith.select %eq3A_714, %add3A_722, %select_n3A_669 : i32
        %slice3A_724 = vector.extract_strided_slice %get3A_179 {offsets = [10], sizes = [1], strides = [1]} : vector<16xf32> to vector<1xf32>
        %squeeze3A_725 = vector.extract %slice3A_724[0] : f32 from vector<1xf32>
        %broadcast_in_dim3A_726 = vector.broadcast %squeeze3A_725 : f32 to vector<16xf32>
        %mul3A_727 = arith.constant 16 : i32
        %mul3A_728 = arith.muli %scan3A_144, %mul3A_727 : i32
        %add3A_729 = arith.constant 10 : i32
        %add3A_730 = arith.addi %mul3A_728, %add3A_729 : i32
        %select_n3A_731 = arith.select %eq3A_714, %broadcast_in_dim3A_5, %add3A_683 : vector<16xf32>
        %get3A_732 = arith.index_cast %add3A_730 : i32 to index
        %get3A_733 = arith.constant 0 : index
        %get3A_734 = tpu.vector_load %arg9[%get3A_732, %get3A_733] {strides = array<i32>} : memref<128x64xf32, #tpu.memory_space<vmem>>, vector<1x16xf32>,
        %get3A_735 = vector.shape_cast %get3A_734 : vector<1x16xf32> to vector<16xf32>
        %mul3A_736 = arith.mulf %get3A_735, %broadcast_in_dim3A_726 : vector<16xf32>
        %add3A_737 = arith.addf %select_n3A_731, %mul3A_736 : vector<16xf32>
        %select_n3A_738 = arith.select %eq3A_714, %broadcast_in_dim3A_5, %add3A_690 : vector<16xf32>
        %get3A_739 = arith.index_cast %add3A_730 : i32 to index
        %get3A_740 = arith.constant 16 : index
        %get3A_741 = tpu.vector_load %arg9[%get3A_739, %get3A_740] {strides = array<i32>} : memref<128x64xf32, #tpu.memory_space<vmem>>, vector<1x16xf32>,
        %get3A_742 = vector.shape_cast %get3A_741 : vector<1x16xf32> to vector<16xf32>
        %mul3A_743 = arith.mulf %get3A_742, %broadcast_in_dim3A_726 : vector<16xf32>
        %add3A_744 = arith.addf %select_n3A_738, %mul3A_743 : vector<16xf32>
        %select_n3A_745 = arith.select %eq3A_714, %broadcast_in_dim3A_5, %add3A_697 : vector<16xf32>
        %get3A_746 = arith.index_cast %add3A_730 : i32 to index
        %get3A_747 = arith.constant 32 : index
        %get3A_748 = tpu.vector_load %arg9[%get3A_746, %get3A_747] {strides = array<i32>} : memref<128x64xf32, #tpu.memory_space<vmem>>, vector<1x16xf32>,
        %get3A_749 = vector.shape_cast %get3A_748 : vector<1x16xf32> to vector<16xf32>
        %mul3A_750 = arith.mulf %get3A_749, %broadcast_in_dim3A_726 : vector<16xf32>
        %add3A_751 = arith.addf %select_n3A_745, %mul3A_750 : vector<16xf32>
        %select_n3A_752 = arith.select %eq3A_714, %broadcast_in_dim3A_5, %add3A_704 : vector<16xf32>
        %get3A_753 = arith.index_cast %add3A_730 : i32 to index
        %get3A_754 = arith.constant 48 : index
        %get3A_755 = tpu.vector_load %arg9[%get3A_753, %get3A_754] {strides = array<i32>} : memref<128x64xf32, #tpu.memory_space<vmem>>, vector<1x16xf32>,
        %get3A_756 = vector.shape_cast %get3A_755 : vector<1x16xf32> to vector<16xf32>
        %mul3A_757 = arith.mulf %get3A_756, %broadcast_in_dim3A_726 : vector<16xf32>
        %add3A_758 = arith.addf %select_n3A_752, %mul3A_757 : vector<16xf32>
        %select_n3A_759 = arith.select %eq3A_714, %broadcast_in_dim3A_5, %add3A_706 : vector<16xf32>
        %add3A_760 = arith.addf %select_n3A_759, %broadcast_in_dim3A_726 : vector<16xf32>
        %eq3A_761 = arith.constant 49 : i32
        %eq3A_762 = arith.cmpi eq, %select_n3A_712, %eq3A_761 : i32
        %add3A_763 = arith.constant 1 : i32
        %add3A_764 = arith.addi %select_n3A_712, %add3A_763 : i32
        %jit3A_765 = arith.constant 0 : i32
        %select_n3A_766 = arith.select %eq3A_762, %jit3A_765, %add3A_764 : i32
        %eq3A_767 = arith.constant 0 : i32
        %eq3A_768 = arith.cmpi eq, %select_n3A_766, %eq3A_767 : i32
        %ge3A_769 = arith.constant 0 : i32
        %ge3A_770 = arith.cmpi sge, %select_n3A_723, %ge3A_769 : i32
        %and3A_771 = arith.andi %eq3A_768, %ge3A_770 : i1
        %convert_element_type3A_772 = arith.extui %and3A_771 : i1 to i32
        %cond3A_773 = arith.constant 0 : i32
        %cond3A_774 = arith.cmpi ne, %convert_element_type3A_772, %cond3A_773 : i32
        scf.if %cond3A_774 {
          %swap3A_1067 = arith.index_cast %select_n3A_723 : i32 to index
          %swap3A_1068 = arith.constant 0 : index
          %swap3A_1069 = tpu.vector_load %arg11[%swap3A_1067, %swap3A_1068] {strides = array<i32>} : memref<128x64xf32, #tpu.memory_space<vmem>>, vector<1x16xf32>,
          %swap3A_1070 = vector.shape_cast %swap3A_1069 : vector<1x16xf32> to vector<16xf32>
          %swap3A_1071 = vector.shape_cast %add3A_737 : vector<16xf32> to vector<1x16xf32>
          tpu.vector_store %arg11[%swap3A_1067, %swap3A_1068], %swap3A_1071 {strides = array<i32>} : memref<128x64xf32, #tpu.memory_space<vmem>>, vector<1x16xf32>,
          %swap3A_1072 = arith.index_cast %select_n3A_723 : i32 to index
          %swap3A_1073 = arith.constant 16 : index
          %swap3A_1074 = tpu.vector_load %arg11[%swap3A_1072, %swap3A_1073] {strides = array<i32>} : memref<128x64xf32, #tpu.memory_space<vmem>>, vector<1x16xf32>,
          %swap3A_1075 = vector.shape_cast %swap3A_1074 : vector<1x16xf32> to vector<16xf32>
          %swap3A_1076 = vector.shape_cast %add3A_744 : vector<16xf32> to vector<1x16xf32>
          tpu.vector_store %arg11[%swap3A_1072, %swap3A_1073], %swap3A_1076 {strides = array<i32>} : memref<128x64xf32, #tpu.memory_space<vmem>>, vector<1x16xf32>,
          %swap3A_1077 = arith.index_cast %select_n3A_723 : i32 to index
          %swap3A_1078 = arith.constant 32 : index
          %swap3A_1079 = tpu.vector_load %arg11[%swap3A_1077, %swap3A_1078] {strides = array<i32>} : memref<128x64xf32, #tpu.memory_space<vmem>>, vector<1x16xf32>,
          %swap3A_1080 = vector.shape_cast %swap3A_1079 : vector<1x16xf32> to vector<16xf32>
          %swap3A_1081 = vector.shape_cast %add3A_751 : vector<16xf32> to vector<1x16xf32>
          tpu.vector_store %arg11[%swap3A_1077, %swap3A_1078], %swap3A_1081 {strides = array<i32>} : memref<128x64xf32, #tpu.memory_space<vmem>>, vector<1x16xf32>,
          %swap3A_1082 = arith.index_cast %select_n3A_723 : i32 to index
          %swap3A_1083 = arith.constant 48 : index
          %swap3A_1084 = tpu.vector_load %arg11[%swap3A_1082, %swap3A_1083] {strides = array<i32>} : memref<128x64xf32, #tpu.memory_space<vmem>>, vector<1x16xf32>,
          %swap3A_1085 = vector.shape_cast %swap3A_1084 : vector<1x16xf32> to vector<16xf32>
          %swap3A_1086 = vector.shape_cast %add3A_758 : vector<16xf32> to vector<1x16xf32>
          tpu.vector_store %arg11[%swap3A_1082, %swap3A_1083], %swap3A_1086 {strides = array<i32>} : memref<128x64xf32, #tpu.memory_space<vmem>>, vector<1x16xf32>,
          %swap3A_1087 = arith.index_cast %select_n3A_723 : i32 to index
          %swap3A_1088 = arith.constant 0 : index
          %swap3A_1089 = tpu.vector_load %arg12[%swap3A_1087, %swap3A_1088] {strides = array<i32>} : memref<128x64xf32, #tpu.memory_space<vmem>>, vector<1x16xf32>,
          %swap3A_1090 = vector.shape_cast %swap3A_1089 : vector<1x16xf32> to vector<16xf32>
          %swap3A_1091 = vector.shape_cast %add3A_760 : vector<16xf32> to vector<1x16xf32>
          tpu.vector_store %arg12[%swap3A_1087, %swap3A_1088], %swap3A_1091 {strides = array<i32>} : memref<128x64xf32, #tpu.memory_space<vmem>>, vector<1x16xf32>,
        } else {
        }
        %add3A_775 = arith.constant 1 : i32
        %add3A_776 = arith.addi %select_n3A_723, %add3A_775 : i32
        %select_n3A_777 = arith.select %eq3A_768, %add3A_776, %select_n3A_723 : i32
        %slice3A_778 = vector.extract_strided_slice %get3A_179 {offsets = [11], sizes = [1], strides = [1]} : vector<16xf32> to vector<1xf32>
        %squeeze3A_779 = vector.extract %slice3A_778[0] : f32 from vector<1xf32>
        %broadcast_in_dim3A_780 = vector.broadcast %squeeze3A_779 : f32 to vector<16xf32>
        %mul3A_781 = arith.constant 16 : i32
        %mul3A_782 = arith.muli %scan3A_144, %mul3A_781 : i32
        %add3A_783 = arith.constant 11 : i32
        %add3A_784 = arith.addi %mul3A_782, %add3A_783 : i32
        %select_n3A_785 = arith.select %eq3A_768, %broadcast_in_dim3A_5, %add3A_737 : vector<16xf32>
        %get3A_786 = arith.index_cast %add3A_784 : i32 to index
        %get3A_787 = arith.constant 0 : index
        %get3A_788 = tpu.vector_load %arg9[%get3A_786, %get3A_787] {strides = array<i32>} : memref<128x64xf32, #tpu.memory_space<vmem>>, vector<1x16xf32>,
        %get3A_789 = vector.shape_cast %get3A_788 : vector<1x16xf32> to vector<16xf32>
        %mul3A_790 = arith.mulf %get3A_789, %broadcast_in_dim3A_780 : vector<16xf32>
        %add3A_791 = arith.addf %select_n3A_785, %mul3A_790 : vector<16xf32>
        %select_n3A_792 = arith.select %eq3A_768, %broadcast_in_dim3A_5, %add3A_744 : vector<16xf32>
        %get3A_793 = arith.index_cast %add3A_784 : i32 to index
        %get3A_794 = arith.constant 16 : index
        %get3A_795 = tpu.vector_load %arg9[%get3A_793, %get3A_794] {strides = array<i32>} : memref<128x64xf32, #tpu.memory_space<vmem>>, vector<1x16xf32>,
        %get3A_796 = vector.shape_cast %get3A_795 : vector<1x16xf32> to vector<16xf32>
        %mul3A_797 = arith.mulf %get3A_796, %broadcast_in_dim3A_780 : vector<16xf32>
        %add3A_798 = arith.addf %select_n3A_792, %mul3A_797 : vector<16xf32>
        %select_n3A_799 = arith.select %eq3A_768, %broadcast_in_dim3A_5, %add3A_751 : vector<16xf32>
        %get3A_800 = arith.index_cast %add3A_784 : i32 to index
        %get3A_801 = arith.constant 32 : index
        %get3A_802 = tpu.vector_load %arg9[%get3A_800, %get3A_801] {strides = array<i32>} : memref<128x64xf32, #tpu.memory_space<vmem>>, vector<1x16xf32>,
        %get3A_803 = vector.shape_cast %get3A_802 : vector<1x16xf32> to vector<16xf32>
        %mul3A_804 = arith.mulf %get3A_803, %broadcast_in_dim3A_780 : vector<16xf32>
        %add3A_805 = arith.addf %select_n3A_799, %mul3A_804 : vector<16xf32>
        %select_n3A_806 = arith.select %eq3A_768, %broadcast_in_dim3A_5, %add3A_758 : vector<16xf32>
        %get3A_807 = arith.index_cast %add3A_784 : i32 to index
        %get3A_808 = arith.constant 48 : index
        %get3A_809 = tpu.vector_load %arg9[%get3A_807, %get3A_808] {strides = array<i32>} : memref<128x64xf32, #tpu.memory_space<vmem>>, vector<1x16xf32>,
        %get3A_810 = vector.shape_cast %get3A_809 : vector<1x16xf32> to vector<16xf32>
        %mul3A_811 = arith.mulf %get3A_810, %broadcast_in_dim3A_780 : vector<16xf32>
        %add3A_812 = arith.addf %select_n3A_806, %mul3A_811 : vector<16xf32>
        %select_n3A_813 = arith.select %eq3A_768, %broadcast_in_dim3A_5, %add3A_760 : vector<16xf32>
        %add3A_814 = arith.addf %select_n3A_813, %broadcast_in_dim3A_780 : vector<16xf32>
        %eq3A_815 = arith.constant 49 : i32
        %eq3A_816 = arith.cmpi eq, %select_n3A_766, %eq3A_815 : i32
        %add3A_817 = arith.constant 1 : i32
        %add3A_818 = arith.addi %select_n3A_766, %add3A_817 : i32
        %jit3A_819 = arith.constant 0 : i32
        %select_n3A_820 = arith.select %eq3A_816, %jit3A_819, %add3A_818 : i32
        %eq3A_821 = arith.constant 0 : i32
        %eq3A_822 = arith.cmpi eq, %select_n3A_820, %eq3A_821 : i32
        %ge3A_823 = arith.constant 0 : i32
        %ge3A_824 = arith.cmpi sge, %select_n3A_777, %ge3A_823 : i32
        %and3A_825 = arith.andi %eq3A_822, %ge3A_824 : i1
        %convert_element_type3A_826 = arith.extui %and3A_825 : i1 to i32
        %cond3A_827 = arith.constant 0 : i32
        %cond3A_828 = arith.cmpi ne, %convert_element_type3A_826, %cond3A_827 : i32
        scf.if %cond3A_828 {
          %swap3A_1067 = arith.index_cast %select_n3A_777 : i32 to index
          %swap3A_1068 = arith.constant 0 : index
          %swap3A_1069 = tpu.vector_load %arg11[%swap3A_1067, %swap3A_1068] {strides = array<i32>} : memref<128x64xf32, #tpu.memory_space<vmem>>, vector<1x16xf32>,
          %swap3A_1070 = vector.shape_cast %swap3A_1069 : vector<1x16xf32> to vector<16xf32>
          %swap3A_1071 = vector.shape_cast %add3A_791 : vector<16xf32> to vector<1x16xf32>
          tpu.vector_store %arg11[%swap3A_1067, %swap3A_1068], %swap3A_1071 {strides = array<i32>} : memref<128x64xf32, #tpu.memory_space<vmem>>, vector<1x16xf32>,
          %swap3A_1072 = arith.index_cast %select_n3A_777 : i32 to index
          %swap3A_1073 = arith.constant 16 : index
          %swap3A_1074 = tpu.vector_load %arg11[%swap3A_1072, %swap3A_1073] {strides = array<i32>} : memref<128x64xf32, #tpu.memory_space<vmem>>, vector<1x16xf32>,
          %swap3A_1075 = vector.shape_cast %swap3A_1074 : vector<1x16xf32> to vector<16xf32>
          %swap3A_1076 = vector.shape_cast %add3A_798 : vector<16xf32> to vector<1x16xf32>
          tpu.vector_store %arg11[%swap3A_1072, %swap3A_1073], %swap3A_1076 {strides = array<i32>} : memref<128x64xf32, #tpu.memory_space<vmem>>, vector<1x16xf32>,
          %swap3A_1077 = arith.index_cast %select_n3A_777 : i32 to index
          %swap3A_1078 = arith.constant 32 : index
          %swap3A_1079 = tpu.vector_load %arg11[%swap3A_1077, %swap3A_1078] {strides = array<i32>} : memref<128x64xf32, #tpu.memory_space<vmem>>, vector<1x16xf32>,
          %swap3A_1080 = vector.shape_cast %swap3A_1079 : vector<1x16xf32> to vector<16xf32>
          %swap3A_1081 = vector.shape_cast %add3A_805 : vector<16xf32> to vector<1x16xf32>
          tpu.vector_store %arg11[%swap3A_1077, %swap3A_1078], %swap3A_1081 {strides = array<i32>} : memref<128x64xf32, #tpu.memory_space<vmem>>, vector<1x16xf32>,
          %swap3A_1082 = arith.index_cast %select_n3A_777 : i32 to index
          %swap3A_1083 = arith.constant 48 : index
          %swap3A_1084 = tpu.vector_load %arg11[%swap3A_1082, %swap3A_1083] {strides = array<i32>} : memref<128x64xf32, #tpu.memory_space<vmem>>, vector<1x16xf32>,
          %swap3A_1085 = vector.shape_cast %swap3A_1084 : vector<1x16xf32> to vector<16xf32>
          %swap3A_1086 = vector.shape_cast %add3A_812 : vector<16xf32> to vector<1x16xf32>
          tpu.vector_store %arg11[%swap3A_1082, %swap3A_1083], %swap3A_1086 {strides = array<i32>} : memref<128x64xf32, #tpu.memory_space<vmem>>, vector<1x16xf32>,
          %swap3A_1087 = arith.index_cast %select_n3A_777 : i32 to index
          %swap3A_1088 = arith.constant 0 : index
          %swap3A_1089 = tpu.vector_load %arg12[%swap3A_1087, %swap3A_1088] {strides = array<i32>} : memref<128x64xf32, #tpu.memory_space<vmem>>, vector<1x16xf32>,
          %swap3A_1090 = vector.shape_cast %swap3A_1089 : vector<1x16xf32> to vector<16xf32>
          %swap3A_1091 = vector.shape_cast %add3A_814 : vector<16xf32> to vector<1x16xf32>
          tpu.vector_store %arg12[%swap3A_1087, %swap3A_1088], %swap3A_1091 {strides = array<i32>} : memref<128x64xf32, #tpu.memory_space<vmem>>, vector<1x16xf32>,
        } else {
        }
        %add3A_829 = arith.constant 1 : i32
        %add3A_830 = arith.addi %select_n3A_777, %add3A_829 : i32
        %select_n3A_831 = arith.select %eq3A_822, %add3A_830, %select_n3A_777 : i32
        %slice3A_832 = vector.extract_strided_slice %get3A_179 {offsets = [12], sizes = [1], strides = [1]} : vector<16xf32> to vector<1xf32>
        %squeeze3A_833 = vector.extract %slice3A_832[0] : f32 from vector<1xf32>
        %broadcast_in_dim3A_834 = vector.broadcast %squeeze3A_833 : f32 to vector<16xf32>
        %mul3A_835 = arith.constant 16 : i32
        %mul3A_836 = arith.muli %scan3A_144, %mul3A_835 : i32
        %add3A_837 = arith.constant 12 : i32
        %add3A_838 = arith.addi %mul3A_836, %add3A_837 : i32
        %select_n3A_839 = arith.select %eq3A_822, %broadcast_in_dim3A_5, %add3A_791 : vector<16xf32>
        %get3A_840 = arith.index_cast %add3A_838 : i32 to index
        %get3A_841 = arith.constant 0 : index
        %get3A_842 = tpu.vector_load %arg9[%get3A_840, %get3A_841] {strides = array<i32>} : memref<128x64xf32, #tpu.memory_space<vmem>>, vector<1x16xf32>,
        %get3A_843 = vector.shape_cast %get3A_842 : vector<1x16xf32> to vector<16xf32>
        %mul3A_844 = arith.mulf %get3A_843, %broadcast_in_dim3A_834 : vector<16xf32>
        %add3A_845 = arith.addf %select_n3A_839, %mul3A_844 : vector<16xf32>
        %select_n3A_846 = arith.select %eq3A_822, %broadcast_in_dim3A_5, %add3A_798 : vector<16xf32>
        %get3A_847 = arith.index_cast %add3A_838 : i32 to index
        %get3A_848 = arith.constant 16 : index
        %get3A_849 = tpu.vector_load %arg9[%get3A_847, %get3A_848] {strides = array<i32>} : memref<128x64xf32, #tpu.memory_space<vmem>>, vector<1x16xf32>,
        %get3A_850 = vector.shape_cast %get3A_849 : vector<1x16xf32> to vector<16xf32>
        %mul3A_851 = arith.mulf %get3A_850, %broadcast_in_dim3A_834 : vector<16xf32>
        %add3A_852 = arith.addf %select_n3A_846, %mul3A_851 : vector<16xf32>
        %select_n3A_853 = arith.select %eq3A_822, %broadcast_in_dim3A_5, %add3A_805 : vector<16xf32>
        %get3A_854 = arith.index_cast %add3A_838 : i32 to index
        %get3A_855 = arith.constant 32 : index
        %get3A_856 = tpu.vector_load %arg9[%get3A_854, %get3A_855] {strides = array<i32>} : memref<128x64xf32, #tpu.memory_space<vmem>>, vector<1x16xf32>,
        %get3A_857 = vector.shape_cast %get3A_856 : vector<1x16xf32> to vector<16xf32>
        %mul3A_858 = arith.mulf %get3A_857, %broadcast_in_dim3A_834 : vector<16xf32>
        %add3A_859 = arith.addf %select_n3A_853, %mul3A_858 : vector<16xf32>
        %select_n3A_860 = arith.select %eq3A_822, %broadcast_in_dim3A_5, %add3A_812 : vector<16xf32>
        %get3A_861 = arith.index_cast %add3A_838 : i32 to index
        %get3A_862 = arith.constant 48 : index
        %get3A_863 = tpu.vector_load %arg9[%get3A_861, %get3A_862] {strides = array<i32>} : memref<128x64xf32, #tpu.memory_space<vmem>>, vector<1x16xf32>,
        %get3A_864 = vector.shape_cast %get3A_863 : vector<1x16xf32> to vector<16xf32>
        %mul3A_865 = arith.mulf %get3A_864, %broadcast_in_dim3A_834 : vector<16xf32>
        %add3A_866 = arith.addf %select_n3A_860, %mul3A_865 : vector<16xf32>
        %select_n3A_867 = arith.select %eq3A_822, %broadcast_in_dim3A_5, %add3A_814 : vector<16xf32>
        %add3A_868 = arith.addf %select_n3A_867, %broadcast_in_dim3A_834 : vector<16xf32>
        %eq3A_869 = arith.constant 49 : i32
        %eq3A_870 = arith.cmpi eq, %select_n3A_820, %eq3A_869 : i32
        %add3A_871 = arith.constant 1 : i32
        %add3A_872 = arith.addi %select_n3A_820, %add3A_871 : i32
        %jit3A_873 = arith.constant 0 : i32
        %select_n3A_874 = arith.select %eq3A_870, %jit3A_873, %add3A_872 : i32
        %eq3A_875 = arith.constant 0 : i32
        %eq3A_876 = arith.cmpi eq, %select_n3A_874, %eq3A_875 : i32
        %ge3A_877 = arith.constant 0 : i32
        %ge3A_878 = arith.cmpi sge, %select_n3A_831, %ge3A_877 : i32
        %and3A_879 = arith.andi %eq3A_876, %ge3A_878 : i1
        %convert_element_type3A_880 = arith.extui %and3A_879 : i1 to i32
        %cond3A_881 = arith.constant 0 : i32
        %cond3A_882 = arith.cmpi ne, %convert_element_type3A_880, %cond3A_881 : i32
        scf.if %cond3A_882 {
          %swap3A_1067 = arith.index_cast %select_n3A_831 : i32 to index
          %swap3A_1068 = arith.constant 0 : index
          %swap3A_1069 = tpu.vector_load %arg11[%swap3A_1067, %swap3A_1068] {strides = array<i32>} : memref<128x64xf32, #tpu.memory_space<vmem>>, vector<1x16xf32>,
          %swap3A_1070 = vector.shape_cast %swap3A_1069 : vector<1x16xf32> to vector<16xf32>
          %swap3A_1071 = vector.shape_cast %add3A_845 : vector<16xf32> to vector<1x16xf32>
          tpu.vector_store %arg11[%swap3A_1067, %swap3A_1068], %swap3A_1071 {strides = array<i32>} : memref<128x64xf32, #tpu.memory_space<vmem>>, vector<1x16xf32>,
          %swap3A_1072 = arith.index_cast %select_n3A_831 : i32 to index
          %swap3A_1073 = arith.constant 16 : index
          %swap3A_1074 = tpu.vector_load %arg11[%swap3A_1072, %swap3A_1073] {strides = array<i32>} : memref<128x64xf32, #tpu.memory_space<vmem>>, vector<1x16xf32>,
          %swap3A_1075 = vector.shape_cast %swap3A_1074 : vector<1x16xf32> to vector<16xf32>
          %swap3A_1076 = vector.shape_cast %add3A_852 : vector<16xf32> to vector<1x16xf32>
          tpu.vector_store %arg11[%swap3A_1072, %swap3A_1073], %swap3A_1076 {strides = array<i32>} : memref<128x64xf32, #tpu.memory_space<vmem>>, vector<1x16xf32>,
          %swap3A_1077 = arith.index_cast %select_n3A_831 : i32 to index
          %swap3A_1078 = arith.constant 32 : index
          %swap3A_1079 = tpu.vector_load %arg11[%swap3A_1077, %swap3A_1078] {strides = array<i32>} : memref<128x64xf32, #tpu.memory_space<vmem>>, vector<1x16xf32>,
          %swap3A_1080 = vector.shape_cast %swap3A_1079 : vector<1x16xf32> to vector<16xf32>
          %swap3A_1081 = vector.shape_cast %add3A_859 : vector<16xf32> to vector<1x16xf32>
          tpu.vector_store %arg11[%swap3A_1077, %swap3A_1078], %swap3A_1081 {strides = array<i32>} : memref<128x64xf32, #tpu.memory_space<vmem>>, vector<1x16xf32>,
          %swap3A_1082 = arith.index_cast %select_n3A_831 : i32 to index
          %swap3A_1083 = arith.constant 48 : index
          %swap3A_1084 = tpu.vector_load %arg11[%swap3A_1082, %swap3A_1083] {strides = array<i32>} : memref<128x64xf32, #tpu.memory_space<vmem>>, vector<1x16xf32>,
          %swap3A_1085 = vector.shape_cast %swap3A_1084 : vector<1x16xf32> to vector<16xf32>
          %swap3A_1086 = vector.shape_cast %add3A_866 : vector<16xf32> to vector<1x16xf32>
          tpu.vector_store %arg11[%swap3A_1082, %swap3A_1083], %swap3A_1086 {strides = array<i32>} : memref<128x64xf32, #tpu.memory_space<vmem>>, vector<1x16xf32>,
          %swap3A_1087 = arith.index_cast %select_n3A_831 : i32 to index
          %swap3A_1088 = arith.constant 0 : index
          %swap3A_1089 = tpu.vector_load %arg12[%swap3A_1087, %swap3A_1088] {strides = array<i32>} : memref<128x64xf32, #tpu.memory_space<vmem>>, vector<1x16xf32>,
          %swap3A_1090 = vector.shape_cast %swap3A_1089 : vector<1x16xf32> to vector<16xf32>
          %swap3A_1091 = vector.shape_cast %add3A_868 : vector<16xf32> to vector<1x16xf32>
          tpu.vector_store %arg12[%swap3A_1087, %swap3A_1088], %swap3A_1091 {strides = array<i32>} : memref<128x64xf32, #tpu.memory_space<vmem>>, vector<1x16xf32>,
        } else {
        }
        %add3A_883 = arith.constant 1 : i32
        %add3A_884 = arith.addi %select_n3A_831, %add3A_883 : i32
        %select_n3A_885 = arith.select %eq3A_876, %add3A_884, %select_n3A_831 : i32
        %slice3A_886 = vector.extract_strided_slice %get3A_179 {offsets = [13], sizes = [1], strides = [1]} : vector<16xf32> to vector<1xf32>
        %squeeze3A_887 = vector.extract %slice3A_886[0] : f32 from vector<1xf32>
        %broadcast_in_dim3A_888 = vector.broadcast %squeeze3A_887 : f32 to vector<16xf32>
        %mul3A_889 = arith.constant 16 : i32
        %mul3A_890 = arith.muli %scan3A_144, %mul3A_889 : i32
        %add3A_891 = arith.constant 13 : i32
        %add3A_892 = arith.addi %mul3A_890, %add3A_891 : i32
        %select_n3A_893 = arith.select %eq3A_876, %broadcast_in_dim3A_5, %add3A_845 : vector<16xf32>
        %get3A_894 = arith.index_cast %add3A_892 : i32 to index
        %get3A_895 = arith.constant 0 : index
        %get3A_896 = tpu.vector_load %arg9[%get3A_894, %get3A_895] {strides = array<i32>} : memref<128x64xf32, #tpu.memory_space<vmem>>, vector<1x16xf32>,
        %get3A_897 = vector.shape_cast %get3A_896 : vector<1x16xf32> to vector<16xf32>
        %mul3A_898 = arith.mulf %get3A_897, %broadcast_in_dim3A_888 : vector<16xf32>
        %add3A_899 = arith.addf %select_n3A_893, %mul3A_898 : vector<16xf32>
        %select_n3A_900 = arith.select %eq3A_876, %broadcast_in_dim3A_5, %add3A_852 : vector<16xf32>
        %get3A_901 = arith.index_cast %add3A_892 : i32 to index
        %get3A_902 = arith.constant 16 : index
        %get3A_903 = tpu.vector_load %arg9[%get3A_901, %get3A_902] {strides = array<i32>} : memref<128x64xf32, #tpu.memory_space<vmem>>, vector<1x16xf32>,
        %get3A_904 = vector.shape_cast %get3A_903 : vector<1x16xf32> to vector<16xf32>
        %mul3A_905 = arith.mulf %get3A_904, %broadcast_in_dim3A_888 : vector<16xf32>
        %add3A_906 = arith.addf %select_n3A_900, %mul3A_905 : vector<16xf32>
        %select_n3A_907 = arith.select %eq3A_876, %broadcast_in_dim3A_5, %add3A_859 : vector<16xf32>
        %get3A_908 = arith.index_cast %add3A_892 : i32 to index
        %get3A_909 = arith.constant 32 : index
        %get3A_910 = tpu.vector_load %arg9[%get3A_908, %get3A_909] {strides = array<i32>} : memref<128x64xf32, #tpu.memory_space<vmem>>, vector<1x16xf32>,
        %get3A_911 = vector.shape_cast %get3A_910 : vector<1x16xf32> to vector<16xf32>
        %mul3A_912 = arith.mulf %get3A_911, %broadcast_in_dim3A_888 : vector<16xf32>
        %add3A_913 = arith.addf %select_n3A_907, %mul3A_912 : vector<16xf32>
        %select_n3A_914 = arith.select %eq3A_876, %broadcast_in_dim3A_5, %add3A_866 : vector<16xf32>
        %get3A_915 = arith.index_cast %add3A_892 : i32 to index
        %get3A_916 = arith.constant 48 : index
        %get3A_917 = tpu.vector_load %arg9[%get3A_915, %get3A_916] {strides = array<i32>} : memref<128x64xf32, #tpu.memory_space<vmem>>, vector<1x16xf32>,
        %get3A_918 = vector.shape_cast %get3A_917 : vector<1x16xf32> to vector<16xf32>
        %mul3A_919 = arith.mulf %get3A_918, %broadcast_in_dim3A_888 : vector<16xf32>
        %add3A_920 = arith.addf %select_n3A_914, %mul3A_919 : vector<16xf32>
        %select_n3A_921 = arith.select %eq3A_876, %broadcast_in_dim3A_5, %add3A_868 : vector<16xf32>
        %add3A_922 = arith.addf %select_n3A_921, %broadcast_in_dim3A_888 : vector<16xf32>
        %eq3A_923 = arith.constant 49 : i32
        %eq3A_924 = arith.cmpi eq, %select_n3A_874, %eq3A_923 : i32
        %add3A_925 = arith.constant 1 : i32
        %add3A_926 = arith.addi %select_n3A_874, %add3A_925 : i32
        %jit3A_927 = arith.constant 0 : i32
        %select_n3A_928 = arith.select %eq3A_924, %jit3A_927, %add3A_926 : i32
        %eq3A_929 = arith.constant 0 : i32
        %eq3A_930 = arith.cmpi eq, %select_n3A_928, %eq3A_929 : i32
        %ge3A_931 = arith.constant 0 : i32
        %ge3A_932 = arith.cmpi sge, %select_n3A_885, %ge3A_931 : i32
        %and3A_933 = arith.andi %eq3A_930, %ge3A_932 : i1
        %convert_element_type3A_934 = arith.extui %and3A_933 : i1 to i32
        %cond3A_935 = arith.constant 0 : i32
        %cond3A_936 = arith.cmpi ne, %convert_element_type3A_934, %cond3A_935 : i32
        scf.if %cond3A_936 {
          %swap3A_1067 = arith.index_cast %select_n3A_885 : i32 to index
          %swap3A_1068 = arith.constant 0 : index
          %swap3A_1069 = tpu.vector_load %arg11[%swap3A_1067, %swap3A_1068] {strides = array<i32>} : memref<128x64xf32, #tpu.memory_space<vmem>>, vector<1x16xf32>,
          %swap3A_1070 = vector.shape_cast %swap3A_1069 : vector<1x16xf32> to vector<16xf32>
          %swap3A_1071 = vector.shape_cast %add3A_899 : vector<16xf32> to vector<1x16xf32>
          tpu.vector_store %arg11[%swap3A_1067, %swap3A_1068], %swap3A_1071 {strides = array<i32>} : memref<128x64xf32, #tpu.memory_space<vmem>>, vector<1x16xf32>,
          %swap3A_1072 = arith.index_cast %select_n3A_885 : i32 to index
          %swap3A_1073 = arith.constant 16 : index
          %swap3A_1074 = tpu.vector_load %arg11[%swap3A_1072, %swap3A_1073] {strides = array<i32>} : memref<128x64xf32, #tpu.memory_space<vmem>>, vector<1x16xf32>,
          %swap3A_1075 = vector.shape_cast %swap3A_1074 : vector<1x16xf32> to vector<16xf32>
          %swap3A_1076 = vector.shape_cast %add3A_906 : vector<16xf32> to vector<1x16xf32>
          tpu.vector_store %arg11[%swap3A_1072, %swap3A_1073], %swap3A_1076 {strides = array<i32>} : memref<128x64xf32, #tpu.memory_space<vmem>>, vector<1x16xf32>,
          %swap3A_1077 = arith.index_cast %select_n3A_885 : i32 to index
          %swap3A_1078 = arith.constant 32 : index
          %swap3A_1079 = tpu.vector_load %arg11[%swap3A_1077, %swap3A_1078] {strides = array<i32>} : memref<128x64xf32, #tpu.memory_space<vmem>>, vector<1x16xf32>,
          %swap3A_1080 = vector.shape_cast %swap3A_1079 : vector<1x16xf32> to vector<16xf32>
          %swap3A_1081 = vector.shape_cast %add3A_913 : vector<16xf32> to vector<1x16xf32>
          tpu.vector_store %arg11[%swap3A_1077, %swap3A_1078], %swap3A_1081 {strides = array<i32>} : memref<128x64xf32, #tpu.memory_space<vmem>>, vector<1x16xf32>,
          %swap3A_1082 = arith.index_cast %select_n3A_885 : i32 to index
          %swap3A_1083 = arith.constant 48 : index
          %swap3A_1084 = tpu.vector_load %arg11[%swap3A_1082, %swap3A_1083] {strides = array<i32>} : memref<128x64xf32, #tpu.memory_space<vmem>>, vector<1x16xf32>,
          %swap3A_1085 = vector.shape_cast %swap3A_1084 : vector<1x16xf32> to vector<16xf32>
          %swap3A_1086 = vector.shape_cast %add3A_920 : vector<16xf32> to vector<1x16xf32>
          tpu.vector_store %arg11[%swap3A_1082, %swap3A_1083], %swap3A_1086 {strides = array<i32>} : memref<128x64xf32, #tpu.memory_space<vmem>>, vector<1x16xf32>,
          %swap3A_1087 = arith.index_cast %select_n3A_885 : i32 to index
          %swap3A_1088 = arith.constant 0 : index
          %swap3A_1089 = tpu.vector_load %arg12[%swap3A_1087, %swap3A_1088] {strides = array<i32>} : memref<128x64xf32, #tpu.memory_space<vmem>>, vector<1x16xf32>,
          %swap3A_1090 = vector.shape_cast %swap3A_1089 : vector<1x16xf32> to vector<16xf32>
          %swap3A_1091 = vector.shape_cast %add3A_922 : vector<16xf32> to vector<1x16xf32>
          tpu.vector_store %arg12[%swap3A_1087, %swap3A_1088], %swap3A_1091 {strides = array<i32>} : memref<128x64xf32, #tpu.memory_space<vmem>>, vector<1x16xf32>,
        } else {
        }
        %add3A_937 = arith.constant 1 : i32
        %add3A_938 = arith.addi %select_n3A_885, %add3A_937 : i32
        %select_n3A_939 = arith.select %eq3A_930, %add3A_938, %select_n3A_885 : i32
        %slice3A_940 = vector.extract_strided_slice %get3A_179 {offsets = [14], sizes = [1], strides = [1]} : vector<16xf32> to vector<1xf32>
        %squeeze3A_941 = vector.extract %slice3A_940[0] : f32 from vector<1xf32>
        %broadcast_in_dim3A_942 = vector.broadcast %squeeze3A_941 : f32 to vector<16xf32>
        %mul3A_943 = arith.constant 16 : i32
        %mul3A_944 = arith.muli %scan3A_144, %mul3A_943 : i32
        %add3A_945 = arith.constant 14 : i32
        %add3A_946 = arith.addi %mul3A_944, %add3A_945 : i32
        %select_n3A_947 = arith.select %eq3A_930, %broadcast_in_dim3A_5, %add3A_899 : vector<16xf32>
        %get3A_948 = arith.index_cast %add3A_946 : i32 to index
        %get3A_949 = arith.constant 0 : index
        %get3A_950 = tpu.vector_load %arg9[%get3A_948, %get3A_949] {strides = array<i32>} : memref<128x64xf32, #tpu.memory_space<vmem>>, vector<1x16xf32>,
        %get3A_951 = vector.shape_cast %get3A_950 : vector<1x16xf32> to vector<16xf32>
        %mul3A_952 = arith.mulf %get3A_951, %broadcast_in_dim3A_942 : vector<16xf32>
        %add3A_953 = arith.addf %select_n3A_947, %mul3A_952 : vector<16xf32>
        %select_n3A_954 = arith.select %eq3A_930, %broadcast_in_dim3A_5, %add3A_906 : vector<16xf32>
        %get3A_955 = arith.index_cast %add3A_946 : i32 to index
        %get3A_956 = arith.constant 16 : index
        %get3A_957 = tpu.vector_load %arg9[%get3A_955, %get3A_956] {strides = array<i32>} : memref<128x64xf32, #tpu.memory_space<vmem>>, vector<1x16xf32>,
        %get3A_958 = vector.shape_cast %get3A_957 : vector<1x16xf32> to vector<16xf32>
        %mul3A_959 = arith.mulf %get3A_958, %broadcast_in_dim3A_942 : vector<16xf32>
        %add3A_960 = arith.addf %select_n3A_954, %mul3A_959 : vector<16xf32>
        %select_n3A_961 = arith.select %eq3A_930, %broadcast_in_dim3A_5, %add3A_913 : vector<16xf32>
        %get3A_962 = arith.index_cast %add3A_946 : i32 to index
        %get3A_963 = arith.constant 32 : index
        %get3A_964 = tpu.vector_load %arg9[%get3A_962, %get3A_963] {strides = array<i32>} : memref<128x64xf32, #tpu.memory_space<vmem>>, vector<1x16xf32>,
        %get3A_965 = vector.shape_cast %get3A_964 : vector<1x16xf32> to vector<16xf32>
        %mul3A_966 = arith.mulf %get3A_965, %broadcast_in_dim3A_942 : vector<16xf32>
        %add3A_967 = arith.addf %select_n3A_961, %mul3A_966 : vector<16xf32>
        %select_n3A_968 = arith.select %eq3A_930, %broadcast_in_dim3A_5, %add3A_920 : vector<16xf32>
        %get3A_969 = arith.index_cast %add3A_946 : i32 to index
        %get3A_970 = arith.constant 48 : index
        %get3A_971 = tpu.vector_load %arg9[%get3A_969, %get3A_970] {strides = array<i32>} : memref<128x64xf32, #tpu.memory_space<vmem>>, vector<1x16xf32>,
        %get3A_972 = vector.shape_cast %get3A_971 : vector<1x16xf32> to vector<16xf32>
        %mul3A_973 = arith.mulf %get3A_972, %broadcast_in_dim3A_942 : vector<16xf32>
        %add3A_974 = arith.addf %select_n3A_968, %mul3A_973 : vector<16xf32>
        %select_n3A_975 = arith.select %eq3A_930, %broadcast_in_dim3A_5, %add3A_922 : vector<16xf32>
        %add3A_976 = arith.addf %select_n3A_975, %broadcast_in_dim3A_942 : vector<16xf32>
        %eq3A_977 = arith.constant 49 : i32
        %eq3A_978 = arith.cmpi eq, %select_n3A_928, %eq3A_977 : i32
        %add3A_979 = arith.constant 1 : i32
        %add3A_980 = arith.addi %select_n3A_928, %add3A_979 : i32
        %jit3A_981 = arith.constant 0 : i32
        %select_n3A_982 = arith.select %eq3A_978, %jit3A_981, %add3A_980 : i32
        %eq3A_983 = arith.constant 0 : i32
        %eq3A_984 = arith.cmpi eq, %select_n3A_982, %eq3A_983 : i32
        %ge3A_985 = arith.constant 0 : i32
        %ge3A_986 = arith.cmpi sge, %select_n3A_939, %ge3A_985 : i32
        %and3A_987 = arith.andi %eq3A_984, %ge3A_986 : i1
        %convert_element_type3A_988 = arith.extui %and3A_987 : i1 to i32
        %cond3A_989 = arith.constant 0 : i32
        %cond3A_990 = arith.cmpi ne, %convert_element_type3A_988, %cond3A_989 : i32
        scf.if %cond3A_990 {
          %swap3A_1067 = arith.index_cast %select_n3A_939 : i32 to index
          %swap3A_1068 = arith.constant 0 : index
          %swap3A_1069 = tpu.vector_load %arg11[%swap3A_1067, %swap3A_1068] {strides = array<i32>} : memref<128x64xf32, #tpu.memory_space<vmem>>, vector<1x16xf32>,
          %swap3A_1070 = vector.shape_cast %swap3A_1069 : vector<1x16xf32> to vector<16xf32>
          %swap3A_1071 = vector.shape_cast %add3A_953 : vector<16xf32> to vector<1x16xf32>
          tpu.vector_store %arg11[%swap3A_1067, %swap3A_1068], %swap3A_1071 {strides = array<i32>} : memref<128x64xf32, #tpu.memory_space<vmem>>, vector<1x16xf32>,
          %swap3A_1072 = arith.index_cast %select_n3A_939 : i32 to index
          %swap3A_1073 = arith.constant 16 : index
          %swap3A_1074 = tpu.vector_load %arg11[%swap3A_1072, %swap3A_1073] {strides = array<i32>} : memref<128x64xf32, #tpu.memory_space<vmem>>, vector<1x16xf32>,
          %swap3A_1075 = vector.shape_cast %swap3A_1074 : vector<1x16xf32> to vector<16xf32>
          %swap3A_1076 = vector.shape_cast %add3A_960 : vector<16xf32> to vector<1x16xf32>
          tpu.vector_store %arg11[%swap3A_1072, %swap3A_1073], %swap3A_1076 {strides = array<i32>} : memref<128x64xf32, #tpu.memory_space<vmem>>, vector<1x16xf32>,
          %swap3A_1077 = arith.index_cast %select_n3A_939 : i32 to index
          %swap3A_1078 = arith.constant 32 : index
          %swap3A_1079 = tpu.vector_load %arg11[%swap3A_1077, %swap3A_1078] {strides = array<i32>} : memref<128x64xf32, #tpu.memory_space<vmem>>, vector<1x16xf32>,
          %swap3A_1080 = vector.shape_cast %swap3A_1079 : vector<1x16xf32> to vector<16xf32>
          %swap3A_1081 = vector.shape_cast %add3A_967 : vector<16xf32> to vector<1x16xf32>
          tpu.vector_store %arg11[%swap3A_1077, %swap3A_1078], %swap3A_1081 {strides = array<i32>} : memref<128x64xf32, #tpu.memory_space<vmem>>, vector<1x16xf32>,
          %swap3A_1082 = arith.index_cast %select_n3A_939 : i32 to index
          %swap3A_1083 = arith.constant 48 : index
          %swap3A_1084 = tpu.vector_load %arg11[%swap3A_1082, %swap3A_1083] {strides = array<i32>} : memref<128x64xf32, #tpu.memory_space<vmem>>, vector<1x16xf32>,
          %swap3A_1085 = vector.shape_cast %swap3A_1084 : vector<1x16xf32> to vector<16xf32>
          %swap3A_1086 = vector.shape_cast %add3A_974 : vector<16xf32> to vector<1x16xf32>
          tpu.vector_store %arg11[%swap3A_1082, %swap3A_1083], %swap3A_1086 {strides = array<i32>} : memref<128x64xf32, #tpu.memory_space<vmem>>, vector<1x16xf32>,
          %swap3A_1087 = arith.index_cast %select_n3A_939 : i32 to index
          %swap3A_1088 = arith.constant 0 : index
          %swap3A_1089 = tpu.vector_load %arg12[%swap3A_1087, %swap3A_1088] {strides = array<i32>} : memref<128x64xf32, #tpu.memory_space<vmem>>, vector<1x16xf32>,
          %swap3A_1090 = vector.shape_cast %swap3A_1089 : vector<1x16xf32> to vector<16xf32>
          %swap3A_1091 = vector.shape_cast %add3A_976 : vector<16xf32> to vector<1x16xf32>
          tpu.vector_store %arg12[%swap3A_1087, %swap3A_1088], %swap3A_1091 {strides = array<i32>} : memref<128x64xf32, #tpu.memory_space<vmem>>, vector<1x16xf32>,
        } else {
        }
        %add3A_991 = arith.constant 1 : i32
        %add3A_992 = arith.addi %select_n3A_939, %add3A_991 : i32
        %select_n3A_993 = arith.select %eq3A_984, %add3A_992, %select_n3A_939 : i32
        %slice3A_994 = vector.extract_strided_slice %get3A_179 {offsets = [15], sizes = [1], strides = [1]} : vector<16xf32> to vector<1xf32>
        %squeeze3A_995 = vector.extract %slice3A_994[0] : f32 from vector<1xf32>
        %broadcast_in_dim3A_996 = vector.broadcast %squeeze3A_995 : f32 to vector<16xf32>
        %mul3A_997 = arith.constant 16 : i32
        %mul3A_998 = arith.muli %scan3A_144, %mul3A_997 : i32
        %add3A_999 = arith.constant 15 : i32
        %add3A_1000 = arith.addi %mul3A_998, %add3A_999 : i32
        %select_n3A_1001 = arith.select %eq3A_984, %broadcast_in_dim3A_5, %add3A_953 : vector<16xf32>
        %get3A_1002 = arith.index_cast %add3A_1000 : i32 to index
        %get3A_1003 = arith.constant 0 : index
        %get3A_1004 = tpu.vector_load %arg9[%get3A_1002, %get3A_1003] {strides = array<i32>} : memref<128x64xf32, #tpu.memory_space<vmem>>, vector<1x16xf32>,
        %get3A_1005 = vector.shape_cast %get3A_1004 : vector<1x16xf32> to vector<16xf32>
        %mul3A_1006 = arith.mulf %get3A_1005, %broadcast_in_dim3A_996 : vector<16xf32>
        %add3A_1007 = arith.addf %select_n3A_1001, %mul3A_1006 : vector<16xf32>
        %select_n3A_1008 = arith.select %eq3A_984, %broadcast_in_dim3A_5, %add3A_960 : vector<16xf32>
        %get3A_1009 = arith.index_cast %add3A_1000 : i32 to index
        %get3A_1010 = arith.constant 16 : index
        %get3A_1011 = tpu.vector_load %arg9[%get3A_1009, %get3A_1010] {strides = array<i32>} : memref<128x64xf32, #tpu.memory_space<vmem>>, vector<1x16xf32>,
        %get3A_1012 = vector.shape_cast %get3A_1011 : vector<1x16xf32> to vector<16xf32>
        %mul3A_1013 = arith.mulf %get3A_1012, %broadcast_in_dim3A_996 : vector<16xf32>
        %add3A_1014 = arith.addf %select_n3A_1008, %mul3A_1013 : vector<16xf32>
        %select_n3A_1015 = arith.select %eq3A_984, %broadcast_in_dim3A_5, %add3A_967 : vector<16xf32>
        %get3A_1016 = arith.index_cast %add3A_1000 : i32 to index
        %get3A_1017 = arith.constant 32 : index
        %get3A_1018 = tpu.vector_load %arg9[%get3A_1016, %get3A_1017] {strides = array<i32>} : memref<128x64xf32, #tpu.memory_space<vmem>>, vector<1x16xf32>,
        %get3A_1019 = vector.shape_cast %get3A_1018 : vector<1x16xf32> to vector<16xf32>
        %mul3A_1020 = arith.mulf %get3A_1019, %broadcast_in_dim3A_996 : vector<16xf32>
        %add3A_1021 = arith.addf %select_n3A_1015, %mul3A_1020 : vector<16xf32>
        %select_n3A_1022 = arith.select %eq3A_984, %broadcast_in_dim3A_5, %add3A_974 : vector<16xf32>
        %get3A_1023 = arith.index_cast %add3A_1000 : i32 to index
        %get3A_1024 = arith.constant 48 : index
        %get3A_1025 = tpu.vector_load %arg9[%get3A_1023, %get3A_1024] {strides = array<i32>} : memref<128x64xf32, #tpu.memory_space<vmem>>, vector<1x16xf32>,
        %get3A_1026 = vector.shape_cast %get3A_1025 : vector<1x16xf32> to vector<16xf32>
        %mul3A_1027 = arith.mulf %get3A_1026, %broadcast_in_dim3A_996 : vector<16xf32>
        %add3A_1028 = arith.addf %select_n3A_1022, %mul3A_1027 : vector<16xf32>
        %select_n3A_1029 = arith.select %eq3A_984, %broadcast_in_dim3A_5, %add3A_976 : vector<16xf32>
        %add3A_1030 = arith.addf %select_n3A_1029, %broadcast_in_dim3A_996 : vector<16xf32>
        %eq3A_1031 = arith.constant 49 : i32
        %eq3A_1032 = arith.cmpi eq, %select_n3A_982, %eq3A_1031 : i32
        %add3A_1033 = arith.constant 1 : i32
        %add3A_1034 = arith.addi %select_n3A_982, %add3A_1033 : i32
        %jit3A_1035 = arith.constant 0 : i32
        %select_n3A_1036 = arith.select %eq3A_1032, %jit3A_1035, %add3A_1034 : i32
        %swap3A_1037 = arith.constant 0 : i32
        %swap3A_1038 = arith.index_cast %swap3A_1037 : i32 to index
        %swap3A_1039 = arith.constant 0 : index
        %swap3A_1040 = tpu.vector_load %arg13[%swap3A_1038, %swap3A_1039] {strides = array<i32>} : memref<8x64xf32, #tpu.memory_space<vmem>>, vector<1x16xf32>,
        %swap3A_1041 = vector.shape_cast %swap3A_1040 : vector<1x16xf32> to vector<16xf32>
        %swap3A_1042 = vector.shape_cast %add3A_1007 : vector<16xf32> to vector<1x16xf32>
        tpu.vector_store %arg13[%swap3A_1038, %swap3A_1039], %swap3A_1042 {strides = array<i32>} : memref<8x64xf32, #tpu.memory_space<vmem>>, vector<1x16xf32>,
        %swap3A_1043 = arith.constant 1 : i32
        %swap3A_1044 = arith.index_cast %swap3A_1043 : i32 to index
        %swap3A_1045 = arith.constant 0 : index
        %swap3A_1046 = tpu.vector_load %arg13[%swap3A_1044, %swap3A_1045] {strides = array<i32>} : memref<8x64xf32, #tpu.memory_space<vmem>>, vector<1x16xf32>,
        %swap3A_1047 = vector.shape_cast %swap3A_1046 : vector<1x16xf32> to vector<16xf32>
        %swap3A_1048 = vector.shape_cast %add3A_1014 : vector<16xf32> to vector<1x16xf32>
        tpu.vector_store %arg13[%swap3A_1044, %swap3A_1045], %swap3A_1048 {strides = array<i32>} : memref<8x64xf32, #tpu.memory_space<vmem>>, vector<1x16xf32>,
        %swap3A_1049 = arith.constant 2 : i32
        %swap3A_1050 = arith.index_cast %swap3A_1049 : i32 to index
        %swap3A_1051 = arith.constant 0 : index
        %swap3A_1052 = tpu.vector_load %arg13[%swap3A_1050, %swap3A_1051] {strides = array<i32>} : memref<8x64xf32, #tpu.memory_space<vmem>>, vector<1x16xf32>,
        %swap3A_1053 = vector.shape_cast %swap3A_1052 : vector<1x16xf32> to vector<16xf32>
        %swap3A_1054 = vector.shape_cast %add3A_1021 : vector<16xf32> to vector<1x16xf32>
        tpu.vector_store %arg13[%swap3A_1050, %swap3A_1051], %swap3A_1054 {strides = array<i32>} : memref<8x64xf32, #tpu.memory_space<vmem>>, vector<1x16xf32>,
        %swap3A_1055 = arith.constant 3 : i32
        %swap3A_1056 = arith.index_cast %swap3A_1055 : i32 to index
        %swap3A_1057 = arith.constant 0 : index
        %swap3A_1058 = tpu.vector_load %arg13[%swap3A_1056, %swap3A_1057] {strides = array<i32>} : memref<8x64xf32, #tpu.memory_space<vmem>>, vector<1x16xf32>,
        %swap3A_1059 = vector.shape_cast %swap3A_1058 : vector<1x16xf32> to vector<16xf32>
        %swap3A_1060 = vector.shape_cast %add3A_1028 : vector<16xf32> to vector<1x16xf32>
        tpu.vector_store %arg13[%swap3A_1056, %swap3A_1057], %swap3A_1060 {strides = array<i32>} : memref<8x64xf32, #tpu.memory_space<vmem>>, vector<1x16xf32>,
        %swap3A_1061 = arith.constant 4 : i32
        %swap3A_1062 = arith.index_cast %swap3A_1061 : i32 to index
        %swap3A_1063 = arith.constant 0 : index
        %swap3A_1064 = tpu.vector_load %arg13[%swap3A_1062, %swap3A_1063] {strides = array<i32>} : memref<8x64xf32, #tpu.memory_space<vmem>>, vector<1x16xf32>,
        %swap3A_1065 = vector.shape_cast %swap3A_1064 : vector<1x16xf32> to vector<16xf32>
        %swap3A_1066 = vector.shape_cast %add3A_1030 : vector<16xf32> to vector<1x16xf32>
        tpu.vector_store %arg13[%swap3A_1062, %swap3A_1063], %swap3A_1066 {strides = array<i32>} : memref<8x64xf32, #tpu.memory_space<vmem>>, vector<1x16xf32>,
        scf.yield %select_n3A_1036, %select_n3A_993 : i32, i32
      }
      %scan3A_117 = arith.constant 8 : i32
      %lt3A = arith.constant 24 : i32
      %lt3A_118 = arith.cmpi slt, %scan3A_90, %lt3A : i32
      %convert_element_type3A = arith.extui %lt3A_118 : i1 to i32
      %cond3A = arith.constant 0 : i32
      %cond3A_119 = arith.cmpi ne, %convert_element_type3A, %cond3A : i32
      scf.if %cond3A_119 {
        %dma_wait3A_144 = arith.constant 0 : i32
        %dma_wait3A_145 = tpu.memref_slice %arg5[%add3A_107, %dma_wait3A_144] : memref<204800x64xf32, #tpu.memory_space<hbm>> -> memref<128x64xf32, #tpu.memory_space<hbm>>
        %dma_wait3A_146 = arith.constant 0 : i32
        %dma_wait3A_147 = tpu.memref_slice %arg5[%add3A_107, %dma_wait3A_146] : memref<204800x64xf32, #tpu.memory_space<hbm>> -> memref<128x64xf32, #tpu.memory_space<hbm>>
        tpu.wait_dma2 semaphore(%arg16 : memref<!tpu.dma_semaphore, #tpu.memory_space<semaphore_mem>>) src(%arg9 : memref<128x64xf32, #tpu.memory_space<vmem>>) dst(%dma_wait3A_147 : memref<128x64xf32, #tpu.memory_space<hbm>>)
        %add3A_148 = arith.constant 2 : i32
        %add3A_149 = arith.addi %mul3A_94, %add3A_148 : i32
        %mul3A_150 = arith.constant 128 : i32
        %mul3A_151 = arith.muli %add3A_149, %mul3A_150 : i32
        %dma_start3A_152 = tpu.memref_slice %arg7[%mul3A_151] : memref<6400xi32, #tpu.memory_space<vmem>> -> memref<128xi32, #tpu.memory_space<vmem>>
        %dma_start3A_153 = arith.constant 0 : i32
        %dma_start3A_154 = arith.constant 0 : i32
        %dma_start3A_155 = tpu.memref_slice %arg4[%dma_start3A_153, %dma_start3A_154] : memref<100000x64xf32, #tpu.memory_space<hbm>> -> memref<100000x64xf32, #tpu.memory_space<hbm>>
        tpu.enqueue_indirect_dma source(%dma_start3A_155 : memref<100000x64xf32, #tpu.memory_space<hbm>>) target(%arg9 : memref<128x64xf32, #tpu.memory_space<vmem>>) offsets(%dma_start3A_152 : memref<128xi32, #tpu.memory_space<vmem>>) semaphore(%arg14 : memref<!tpu.dma_semaphore, #tpu.memory_space<semaphore_mem>>)
      } else {
      }
      %mul3A_120 = arith.constant 128 : i32
      %mul3A_121 = arith.muli %add3A_98, %mul3A_120 : i32
      %dma_wait3A_122 = tpu.memref_slice %arg7[%mul3A_121] : memref<6400xi32, #tpu.memory_space<vmem>> -> memref<128xi32, #tpu.memory_space<vmem>>
      %dma_wait3A_123 = arith.constant 0 : i32
      %dma_wait3A_124 = arith.constant 0 : i32
      %dma_wait3A_125 = tpu.memref_slice %arg4[%dma_wait3A_123, %dma_wait3A_124] : memref<100000x64xf32, #tpu.memory_space<hbm>> -> memref<100000x64xf32, #tpu.memory_space<hbm>>
      tpu.wait_indirect_dma semaphore(%arg15 : memref<!tpu.dma_semaphore, #tpu.memory_space<semaphore_mem>>) src(%dma_wait3A_125 : memref<100000x64xf32, #tpu.memory_space<hbm>>) dst(%arg10 : memref<128x64xf32, #tpu.memory_space<vmem>>)
      %mul3A_126 = arith.constant 128 : i32
      %mul3A_127 = arith.muli %add3A_98, %mul3A_126 : i32
      %add3A_128 = arith.addi %mul3A_2, %mul3A_127 : i32
      %dma_start3A_129 = arith.constant 0 : i32
      %dma_start3A_130 = tpu.memref_slice %arg5[%add3A_128, %dma_start3A_129] : memref<204800x64xf32, #tpu.memory_space<hbm>> -> memref<128x64xf32, #tpu.memory_space<hbm>>
      %dma_start3A_131 = arith.constant 0 : i32
      %dma_start3A_132 = tpu.memref_slice %arg5[%add3A_128, %dma_start3A_131] : memref<204800x64xf32, #tpu.memory_space<hbm>> -> memref<128x64xf32, #tpu.memory_space<hbm>>
      tpu.enqueue_dma source(%arg10 : memref<128x64xf32, #tpu.memory_space<vmem>>) target(%dma_start3A_132 : memref<128x64xf32, #tpu.memory_space<hbm>>) target_semaphore(%arg17 : memref<!tpu.dma_semaphore, #tpu.memory_space<semaphore_mem>>)
      %scan3A_133 = arith.constant 0 : i32
      %scan3A_134 = arith.constant 8 : i32
      %scan3A_135 = arith.addi %scan3A_133, %scan3A_134 : i32
      %scan3A_136 = arith.constant 1 : i32
      %scan3A_137:2 = scf.for %scan3A_144 = %scan3A_133 to %scan3A_135 step %scan3A_136 iter_args(%scan3A_145 = %scan3A_116#0, %scan3A_146 = %scan3A_116#1) -> (i32, i32)  : i32 {
        %get3A_147 = arith.constant 0 : i32
        %get3A_148 = arith.index_cast %get3A_147 : i32 to index
        %get3A_149 = arith.constant 0 : index
        %get3A_150 = tpu.vector_load %arg13[%get3A_148, %get3A_149] {strides = array<i32>} : memref<8x64xf32, #tpu.memory_space<vmem>>, vector<1x16xf32>,
        %get3A_151 = vector.shape_cast %get3A_150 : vector<1x16xf32> to vector<16xf32>
        %get3A_152 = arith.constant 1 : i32
        %get3A_153 = arith.index_cast %get3A_152 : i32 to index
        %get3A_154 = arith.constant 0 : index
        %get3A_155 = tpu.vector_load %arg13[%get3A_153, %get3A_154] {strides = array<i32>} : memref<8x64xf32, #tpu.memory_space<vmem>>, vector<1x16xf32>,
        %get3A_156 = vector.shape_cast %get3A_155 : vector<1x16xf32> to vector<16xf32>
        %get3A_157 = arith.constant 2 : i32
        %get3A_158 = arith.index_cast %get3A_157 : i32 to index
        %get3A_159 = arith.constant 0 : index
        %get3A_160 = tpu.vector_load %arg13[%get3A_158, %get3A_159] {strides = array<i32>} : memref<8x64xf32, #tpu.memory_space<vmem>>, vector<1x16xf32>,
        %get3A_161 = vector.shape_cast %get3A_160 : vector<1x16xf32> to vector<16xf32>
        %get3A_162 = arith.constant 3 : i32
        %get3A_163 = arith.index_cast %get3A_162 : i32 to index
        %get3A_164 = arith.constant 0 : index
        %get3A_165 = tpu.vector_load %arg13[%get3A_163, %get3A_164] {strides = array<i32>} : memref<8x64xf32, #tpu.memory_space<vmem>>, vector<1x16xf32>,
        %get3A_166 = vector.shape_cast %get3A_165 : vector<1x16xf32> to vector<16xf32>
        %get3A_167 = arith.constant 4 : i32
        %get3A_168 = arith.index_cast %get3A_167 : i32 to index
        %get3A_169 = arith.constant 0 : index
        %get3A_170 = tpu.vector_load %arg13[%get3A_168, %get3A_169] {strides = array<i32>} : memref<8x64xf32, #tpu.memory_space<vmem>>, vector<1x16xf32>,
        %get3A_171 = vector.shape_cast %get3A_170 : vector<1x16xf32> to vector<16xf32>
        %mul3A_172 = arith.constant 128 : i32
        %mul3A_173 = arith.muli %add3A_98, %mul3A_172 : i32
        %mul3A_174 = arith.constant 16 : i32
        %mul3A_175 = arith.muli %scan3A_144, %mul3A_174 : i32
        %add3A_176 = arith.addi %mul3A_173, %mul3A_175 : i32
        %get3A_177 = arith.index_cast %add3A_176 : i32 to index
        %get3A_178 = tpu.vector_load %arg8[%get3A_177] {strides = array<i32>} : memref<6400xf32, #tpu.memory_space<vmem>>, vector<16xf32>,
        %get3A_179 = vector.shape_cast %get3A_178 : vector<16xf32> to vector<16xf32>
        %eq3A = arith.constant 0 : i32
        %eq3A_180 = arith.cmpi eq, %scan3A_145, %eq3A : i32
        %ge3A = arith.constant 0 : i32
        %ge3A_181 = arith.cmpi sge, %scan3A_146, %ge3A : i32
        %and3A = arith.andi %eq3A_180, %ge3A_181 : i1
        %convert_element_type3A_182 = arith.extui %and3A : i1 to i32
        %cond3A_183 = arith.constant 0 : i32
        %cond3A_184 = arith.cmpi ne, %convert_element_type3A_182, %cond3A_183 : i32
        scf.if %cond3A_184 {
          %swap3A_1067 = arith.index_cast %scan3A_146 : i32 to index
          %swap3A_1068 = arith.constant 0 : index
          %swap3A_1069 = tpu.vector_load %arg11[%swap3A_1067, %swap3A_1068] {strides = array<i32>} : memref<128x64xf32, #tpu.memory_space<vmem>>, vector<1x16xf32>,
          %swap3A_1070 = vector.shape_cast %swap3A_1069 : vector<1x16xf32> to vector<16xf32>
          %swap3A_1071 = vector.shape_cast %get3A_151 : vector<16xf32> to vector<1x16xf32>
          tpu.vector_store %arg11[%swap3A_1067, %swap3A_1068], %swap3A_1071 {strides = array<i32>} : memref<128x64xf32, #tpu.memory_space<vmem>>, vector<1x16xf32>,
          %swap3A_1072 = arith.index_cast %scan3A_146 : i32 to index
          %swap3A_1073 = arith.constant 16 : index
          %swap3A_1074 = tpu.vector_load %arg11[%swap3A_1072, %swap3A_1073] {strides = array<i32>} : memref<128x64xf32, #tpu.memory_space<vmem>>, vector<1x16xf32>,
          %swap3A_1075 = vector.shape_cast %swap3A_1074 : vector<1x16xf32> to vector<16xf32>
          %swap3A_1076 = vector.shape_cast %get3A_156 : vector<16xf32> to vector<1x16xf32>
          tpu.vector_store %arg11[%swap3A_1072, %swap3A_1073], %swap3A_1076 {strides = array<i32>} : memref<128x64xf32, #tpu.memory_space<vmem>>, vector<1x16xf32>,
          %swap3A_1077 = arith.index_cast %scan3A_146 : i32 to index
          %swap3A_1078 = arith.constant 32 : index
          %swap3A_1079 = tpu.vector_load %arg11[%swap3A_1077, %swap3A_1078] {strides = array<i32>} : memref<128x64xf32, #tpu.memory_space<vmem>>, vector<1x16xf32>,
          %swap3A_1080 = vector.shape_cast %swap3A_1079 : vector<1x16xf32> to vector<16xf32>
          %swap3A_1081 = vector.shape_cast %get3A_161 : vector<16xf32> to vector<1x16xf32>
          tpu.vector_store %arg11[%swap3A_1077, %swap3A_1078], %swap3A_1081 {strides = array<i32>} : memref<128x64xf32, #tpu.memory_space<vmem>>, vector<1x16xf32>,
          %swap3A_1082 = arith.index_cast %scan3A_146 : i32 to index
          %swap3A_1083 = arith.constant 48 : index
          %swap3A_1084 = tpu.vector_load %arg11[%swap3A_1082, %swap3A_1083] {strides = array<i32>} : memref<128x64xf32, #tpu.memory_space<vmem>>, vector<1x16xf32>,
          %swap3A_1085 = vector.shape_cast %swap3A_1084 : vector<1x16xf32> to vector<16xf32>
          %swap3A_1086 = vector.shape_cast %get3A_166 : vector<16xf32> to vector<1x16xf32>
          tpu.vector_store %arg11[%swap3A_1082, %swap3A_1083], %swap3A_1086 {strides = array<i32>} : memref<128x64xf32, #tpu.memory_space<vmem>>, vector<1x16xf32>,
          %swap3A_1087 = arith.index_cast %scan3A_146 : i32 to index
          %swap3A_1088 = arith.constant 0 : index
          %swap3A_1089 = tpu.vector_load %arg12[%swap3A_1087, %swap3A_1088] {strides = array<i32>} : memref<128x64xf32, #tpu.memory_space<vmem>>, vector<1x16xf32>,
          %swap3A_1090 = vector.shape_cast %swap3A_1089 : vector<1x16xf32> to vector<16xf32>
          %swap3A_1091 = vector.shape_cast %get3A_171 : vector<16xf32> to vector<1x16xf32>
          tpu.vector_store %arg12[%swap3A_1087, %swap3A_1088], %swap3A_1091 {strides = array<i32>} : memref<128x64xf32, #tpu.memory_space<vmem>>, vector<1x16xf32>,
        } else {
        }
        %add3A_185 = arith.constant 1 : i32
        %add3A_186 = arith.addi %scan3A_146, %add3A_185 : i32
        %select_n3A = arith.select %eq3A_180, %add3A_186, %scan3A_146 : i32
        %slice3A = vector.extract_strided_slice %get3A_179 {offsets = [0], sizes = [1], strides = [1]} : vector<16xf32> to vector<1xf32>
        %squeeze3A = vector.extract %slice3A[0] : f32 from vector<1xf32>
        %broadcast_in_dim3A_187 = vector.broadcast %squeeze3A : f32 to vector<16xf32>
        %mul3A_188 = arith.constant 16 : i32
        %mul3A_189 = arith.muli %scan3A_144, %mul3A_188 : i32
        %add3A_190 = arith.constant 0 : i32
        %add3A_191 = arith.addi %mul3A_189, %add3A_190 : i32
        %select_n3A_192 = arith.select %eq3A_180, %broadcast_in_dim3A_5, %get3A_151 : vector<16xf32>
        %get3A_193 = arith.index_cast %add3A_191 : i32 to index
        %get3A_194 = arith.constant 0 : index
        %get3A_195 = tpu.vector_load %arg10[%get3A_193, %get3A_194] {strides = array<i32>} : memref<128x64xf32, #tpu.memory_space<vmem>>, vector<1x16xf32>,
        %get3A_196 = vector.shape_cast %get3A_195 : vector<1x16xf32> to vector<16xf32>
        %mul3A_197 = arith.mulf %get3A_196, %broadcast_in_dim3A_187 : vector<16xf32>
        %add3A_198 = arith.addf %select_n3A_192, %mul3A_197 : vector<16xf32>
        %select_n3A_199 = arith.select %eq3A_180, %broadcast_in_dim3A_5, %get3A_156 : vector<16xf32>
        %get3A_200 = arith.index_cast %add3A_191 : i32 to index
        %get3A_201 = arith.constant 16 : index
        %get3A_202 = tpu.vector_load %arg10[%get3A_200, %get3A_201] {strides = array<i32>} : memref<128x64xf32, #tpu.memory_space<vmem>>, vector<1x16xf32>,
        %get3A_203 = vector.shape_cast %get3A_202 : vector<1x16xf32> to vector<16xf32>
        %mul3A_204 = arith.mulf %get3A_203, %broadcast_in_dim3A_187 : vector<16xf32>
        %add3A_205 = arith.addf %select_n3A_199, %mul3A_204 : vector<16xf32>
        %select_n3A_206 = arith.select %eq3A_180, %broadcast_in_dim3A_5, %get3A_161 : vector<16xf32>
        %get3A_207 = arith.index_cast %add3A_191 : i32 to index
        %get3A_208 = arith.constant 32 : index
        %get3A_209 = tpu.vector_load %arg10[%get3A_207, %get3A_208] {strides = array<i32>} : memref<128x64xf32, #tpu.memory_space<vmem>>, vector<1x16xf32>,
        %get3A_210 = vector.shape_cast %get3A_209 : vector<1x16xf32> to vector<16xf32>
        %mul3A_211 = arith.mulf %get3A_210, %broadcast_in_dim3A_187 : vector<16xf32>
        %add3A_212 = arith.addf %select_n3A_206, %mul3A_211 : vector<16xf32>
        %select_n3A_213 = arith.select %eq3A_180, %broadcast_in_dim3A_5, %get3A_166 : vector<16xf32>
        %get3A_214 = arith.index_cast %add3A_191 : i32 to index
        %get3A_215 = arith.constant 48 : index
        %get3A_216 = tpu.vector_load %arg10[%get3A_214, %get3A_215] {strides = array<i32>} : memref<128x64xf32, #tpu.memory_space<vmem>>, vector<1x16xf32>,
        %get3A_217 = vector.shape_cast %get3A_216 : vector<1x16xf32> to vector<16xf32>
        %mul3A_218 = arith.mulf %get3A_217, %broadcast_in_dim3A_187 : vector<16xf32>
        %add3A_219 = arith.addf %select_n3A_213, %mul3A_218 : vector<16xf32>
        %select_n3A_220 = arith.select %eq3A_180, %broadcast_in_dim3A_5, %get3A_171 : vector<16xf32>
        %add3A_221 = arith.addf %select_n3A_220, %broadcast_in_dim3A_187 : vector<16xf32>
        %eq3A_222 = arith.constant 49 : i32
        %eq3A_223 = arith.cmpi eq, %scan3A_145, %eq3A_222 : i32
        %add3A_224 = arith.constant 1 : i32
        %add3A_225 = arith.addi %scan3A_145, %add3A_224 : i32
        %jit3A = arith.constant 0 : i32
        %select_n3A_226 = arith.select %eq3A_223, %jit3A, %add3A_225 : i32
        %eq3A_227 = arith.constant 0 : i32
        %eq3A_228 = arith.cmpi eq, %select_n3A_226, %eq3A_227 : i32
        %ge3A_229 = arith.constant 0 : i32
        %ge3A_230 = arith.cmpi sge, %select_n3A, %ge3A_229 : i32
        %and3A_231 = arith.andi %eq3A_228, %ge3A_230 : i1
        %convert_element_type3A_232 = arith.extui %and3A_231 : i1 to i32
        %cond3A_233 = arith.constant 0 : i32
        %cond3A_234 = arith.cmpi ne, %convert_element_type3A_232, %cond3A_233 : i32
        scf.if %cond3A_234 {
          %swap3A_1067 = arith.index_cast %select_n3A : i32 to index
          %swap3A_1068 = arith.constant 0 : index
          %swap3A_1069 = tpu.vector_load %arg11[%swap3A_1067, %swap3A_1068] {strides = array<i32>} : memref<128x64xf32, #tpu.memory_space<vmem>>, vector<1x16xf32>,
          %swap3A_1070 = vector.shape_cast %swap3A_1069 : vector<1x16xf32> to vector<16xf32>
          %swap3A_1071 = vector.shape_cast %add3A_198 : vector<16xf32> to vector<1x16xf32>
          tpu.vector_store %arg11[%swap3A_1067, %swap3A_1068], %swap3A_1071 {strides = array<i32>} : memref<128x64xf32, #tpu.memory_space<vmem>>, vector<1x16xf32>,
          %swap3A_1072 = arith.index_cast %select_n3A : i32 to index
          %swap3A_1073 = arith.constant 16 : index
          %swap3A_1074 = tpu.vector_load %arg11[%swap3A_1072, %swap3A_1073] {strides = array<i32>} : memref<128x64xf32, #tpu.memory_space<vmem>>, vector<1x16xf32>,
          %swap3A_1075 = vector.shape_cast %swap3A_1074 : vector<1x16xf32> to vector<16xf32>
          %swap3A_1076 = vector.shape_cast %add3A_205 : vector<16xf32> to vector<1x16xf32>
          tpu.vector_store %arg11[%swap3A_1072, %swap3A_1073], %swap3A_1076 {strides = array<i32>} : memref<128x64xf32, #tpu.memory_space<vmem>>, vector<1x16xf32>,
          %swap3A_1077 = arith.index_cast %select_n3A : i32 to index
          %swap3A_1078 = arith.constant 32 : index
          %swap3A_1079 = tpu.vector_load %arg11[%swap3A_1077, %swap3A_1078] {strides = array<i32>} : memref<128x64xf32, #tpu.memory_space<vmem>>, vector<1x16xf32>,
          %swap3A_1080 = vector.shape_cast %swap3A_1079 : vector<1x16xf32> to vector<16xf32>
          %swap3A_1081 = vector.shape_cast %add3A_212 : vector<16xf32> to vector<1x16xf32>
          tpu.vector_store %arg11[%swap3A_1077, %swap3A_1078], %swap3A_1081 {strides = array<i32>} : memref<128x64xf32, #tpu.memory_space<vmem>>, vector<1x16xf32>,
          %swap3A_1082 = arith.index_cast %select_n3A : i32 to index
          %swap3A_1083 = arith.constant 48 : index
          %swap3A_1084 = tpu.vector_load %arg11[%swap3A_1082, %swap3A_1083] {strides = array<i32>} : memref<128x64xf32, #tpu.memory_space<vmem>>, vector<1x16xf32>,
          %swap3A_1085 = vector.shape_cast %swap3A_1084 : vector<1x16xf32> to vector<16xf32>
          %swap3A_1086 = vector.shape_cast %add3A_219 : vector<16xf32> to vector<1x16xf32>
          tpu.vector_store %arg11[%swap3A_1082, %swap3A_1083], %swap3A_1086 {strides = array<i32>} : memref<128x64xf32, #tpu.memory_space<vmem>>, vector<1x16xf32>,
          %swap3A_1087 = arith.index_cast %select_n3A : i32 to index
          %swap3A_1088 = arith.constant 0 : index
          %swap3A_1089 = tpu.vector_load %arg12[%swap3A_1087, %swap3A_1088] {strides = array<i32>} : memref<128x64xf32, #tpu.memory_space<vmem>>, vector<1x16xf32>,
          %swap3A_1090 = vector.shape_cast %swap3A_1089 : vector<1x16xf32> to vector<16xf32>
          %swap3A_1091 = vector.shape_cast %add3A_221 : vector<16xf32> to vector<1x16xf32>
          tpu.vector_store %arg12[%swap3A_1087, %swap3A_1088], %swap3A_1091 {strides = array<i32>} : memref<128x64xf32, #tpu.memory_space<vmem>>, vector<1x16xf32>,
        } else {
        }
        %add3A_235 = arith.constant 1 : i32
        %add3A_236 = arith.addi %select_n3A, %add3A_235 : i32
        %select_n3A_237 = arith.select %eq3A_228, %add3A_236, %select_n3A : i32
        %slice3A_238 = vector.extract_strided_slice %get3A_179 {offsets = [1], sizes = [1], strides = [1]} : vector<16xf32> to vector<1xf32>
        %squeeze3A_239 = vector.extract %slice3A_238[0] : f32 from vector<1xf32>
        %broadcast_in_dim3A_240 = vector.broadcast %squeeze3A_239 : f32 to vector<16xf32>
        %mul3A_241 = arith.constant 16 : i32
        %mul3A_242 = arith.muli %scan3A_144, %mul3A_241 : i32
        %add3A_243 = arith.constant 1 : i32
        %add3A_244 = arith.addi %mul3A_242, %add3A_243 : i32
        %select_n3A_245 = arith.select %eq3A_228, %broadcast_in_dim3A_5, %add3A_198 : vector<16xf32>
        %get3A_246 = arith.index_cast %add3A_244 : i32 to index
        %get3A_247 = arith.constant 0 : index
        %get3A_248 = tpu.vector_load %arg10[%get3A_246, %get3A_247] {strides = array<i32>} : memref<128x64xf32, #tpu.memory_space<vmem>>, vector<1x16xf32>,
        %get3A_249 = vector.shape_cast %get3A_248 : vector<1x16xf32> to vector<16xf32>
        %mul3A_250 = arith.mulf %get3A_249, %broadcast_in_dim3A_240 : vector<16xf32>
        %add3A_251 = arith.addf %select_n3A_245, %mul3A_250 : vector<16xf32>
        %select_n3A_252 = arith.select %eq3A_228, %broadcast_in_dim3A_5, %add3A_205 : vector<16xf32>
        %get3A_253 = arith.index_cast %add3A_244 : i32 to index
        %get3A_254 = arith.constant 16 : index
        %get3A_255 = tpu.vector_load %arg10[%get3A_253, %get3A_254] {strides = array<i32>} : memref<128x64xf32, #tpu.memory_space<vmem>>, vector<1x16xf32>,
        %get3A_256 = vector.shape_cast %get3A_255 : vector<1x16xf32> to vector<16xf32>
        %mul3A_257 = arith.mulf %get3A_256, %broadcast_in_dim3A_240 : vector<16xf32>
        %add3A_258 = arith.addf %select_n3A_252, %mul3A_257 : vector<16xf32>
        %select_n3A_259 = arith.select %eq3A_228, %broadcast_in_dim3A_5, %add3A_212 : vector<16xf32>
        %get3A_260 = arith.index_cast %add3A_244 : i32 to index
        %get3A_261 = arith.constant 32 : index
        %get3A_262 = tpu.vector_load %arg10[%get3A_260, %get3A_261] {strides = array<i32>} : memref<128x64xf32, #tpu.memory_space<vmem>>, vector<1x16xf32>,
        %get3A_263 = vector.shape_cast %get3A_262 : vector<1x16xf32> to vector<16xf32>
        %mul3A_264 = arith.mulf %get3A_263, %broadcast_in_dim3A_240 : vector<16xf32>
        %add3A_265 = arith.addf %select_n3A_259, %mul3A_264 : vector<16xf32>
        %select_n3A_266 = arith.select %eq3A_228, %broadcast_in_dim3A_5, %add3A_219 : vector<16xf32>
        %get3A_267 = arith.index_cast %add3A_244 : i32 to index
        %get3A_268 = arith.constant 48 : index
        %get3A_269 = tpu.vector_load %arg10[%get3A_267, %get3A_268] {strides = array<i32>} : memref<128x64xf32, #tpu.memory_space<vmem>>, vector<1x16xf32>,
        %get3A_270 = vector.shape_cast %get3A_269 : vector<1x16xf32> to vector<16xf32>
        %mul3A_271 = arith.mulf %get3A_270, %broadcast_in_dim3A_240 : vector<16xf32>
        %add3A_272 = arith.addf %select_n3A_266, %mul3A_271 : vector<16xf32>
        %select_n3A_273 = arith.select %eq3A_228, %broadcast_in_dim3A_5, %add3A_221 : vector<16xf32>
        %add3A_274 = arith.addf %select_n3A_273, %broadcast_in_dim3A_240 : vector<16xf32>
        %eq3A_275 = arith.constant 49 : i32
        %eq3A_276 = arith.cmpi eq, %select_n3A_226, %eq3A_275 : i32
        %add3A_277 = arith.constant 1 : i32
        %add3A_278 = arith.addi %select_n3A_226, %add3A_277 : i32
        %jit3A_279 = arith.constant 0 : i32
        %select_n3A_280 = arith.select %eq3A_276, %jit3A_279, %add3A_278 : i32
        %eq3A_281 = arith.constant 0 : i32
        %eq3A_282 = arith.cmpi eq, %select_n3A_280, %eq3A_281 : i32
        %ge3A_283 = arith.constant 0 : i32
        %ge3A_284 = arith.cmpi sge, %select_n3A_237, %ge3A_283 : i32
        %and3A_285 = arith.andi %eq3A_282, %ge3A_284 : i1
        %convert_element_type3A_286 = arith.extui %and3A_285 : i1 to i32
        %cond3A_287 = arith.constant 0 : i32
        %cond3A_288 = arith.cmpi ne, %convert_element_type3A_286, %cond3A_287 : i32
        scf.if %cond3A_288 {
          %swap3A_1067 = arith.index_cast %select_n3A_237 : i32 to index
          %swap3A_1068 = arith.constant 0 : index
          %swap3A_1069 = tpu.vector_load %arg11[%swap3A_1067, %swap3A_1068] {strides = array<i32>} : memref<128x64xf32, #tpu.memory_space<vmem>>, vector<1x16xf32>,
          %swap3A_1070 = vector.shape_cast %swap3A_1069 : vector<1x16xf32> to vector<16xf32>
          %swap3A_1071 = vector.shape_cast %add3A_251 : vector<16xf32> to vector<1x16xf32>
          tpu.vector_store %arg11[%swap3A_1067, %swap3A_1068], %swap3A_1071 {strides = array<i32>} : memref<128x64xf32, #tpu.memory_space<vmem>>, vector<1x16xf32>,
          %swap3A_1072 = arith.index_cast %select_n3A_237 : i32 to index
          %swap3A_1073 = arith.constant 16 : index
          %swap3A_1074 = tpu.vector_load %arg11[%swap3A_1072, %swap3A_1073] {strides = array<i32>} : memref<128x64xf32, #tpu.memory_space<vmem>>, vector<1x16xf32>,
          %swap3A_1075 = vector.shape_cast %swap3A_1074 : vector<1x16xf32> to vector<16xf32>
          %swap3A_1076 = vector.shape_cast %add3A_258 : vector<16xf32> to vector<1x16xf32>
          tpu.vector_store %arg11[%swap3A_1072, %swap3A_1073], %swap3A_1076 {strides = array<i32>} : memref<128x64xf32, #tpu.memory_space<vmem>>, vector<1x16xf32>,
          %swap3A_1077 = arith.index_cast %select_n3A_237 : i32 to index
          %swap3A_1078 = arith.constant 32 : index
          %swap3A_1079 = tpu.vector_load %arg11[%swap3A_1077, %swap3A_1078] {strides = array<i32>} : memref<128x64xf32, #tpu.memory_space<vmem>>, vector<1x16xf32>,
          %swap3A_1080 = vector.shape_cast %swap3A_1079 : vector<1x16xf32> to vector<16xf32>
          %swap3A_1081 = vector.shape_cast %add3A_265 : vector<16xf32> to vector<1x16xf32>
          tpu.vector_store %arg11[%swap3A_1077, %swap3A_1078], %swap3A_1081 {strides = array<i32>} : memref<128x64xf32, #tpu.memory_space<vmem>>, vector<1x16xf32>,
          %swap3A_1082 = arith.index_cast %select_n3A_237 : i32 to index
          %swap3A_1083 = arith.constant 48 : index
          %swap3A_1084 = tpu.vector_load %arg11[%swap3A_1082, %swap3A_1083] {strides = array<i32>} : memref<128x64xf32, #tpu.memory_space<vmem>>, vector<1x16xf32>,
          %swap3A_1085 = vector.shape_cast %swap3A_1084 : vector<1x16xf32> to vector<16xf32>
          %swap3A_1086 = vector.shape_cast %add3A_272 : vector<16xf32> to vector<1x16xf32>
          tpu.vector_store %arg11[%swap3A_1082, %swap3A_1083], %swap3A_1086 {strides = array<i32>} : memref<128x64xf32, #tpu.memory_space<vmem>>, vector<1x16xf32>,
          %swap3A_1087 = arith.index_cast %select_n3A_237 : i32 to index
          %swap3A_1088 = arith.constant 0 : index
          %swap3A_1089 = tpu.vector_load %arg12[%swap3A_1087, %swap3A_1088] {strides = array<i32>} : memref<128x64xf32, #tpu.memory_space<vmem>>, vector<1x16xf32>,
          %swap3A_1090 = vector.shape_cast %swap3A_1089 : vector<1x16xf32> to vector<16xf32>
          %swap3A_1091 = vector.shape_cast %add3A_274 : vector<16xf32> to vector<1x16xf32>
          tpu.vector_store %arg12[%swap3A_1087, %swap3A_1088], %swap3A_1091 {strides = array<i32>} : memref<128x64xf32, #tpu.memory_space<vmem>>, vector<1x16xf32>,
        } else {
        }
        %add3A_289 = arith.constant 1 : i32
        %add3A_290 = arith.addi %select_n3A_237, %add3A_289 : i32
        %select_n3A_291 = arith.select %eq3A_282, %add3A_290, %select_n3A_237 : i32
        %slice3A_292 = vector.extract_strided_slice %get3A_179 {offsets = [2], sizes = [1], strides = [1]} : vector<16xf32> to vector<1xf32>
        %squeeze3A_293 = vector.extract %slice3A_292[0] : f32 from vector<1xf32>
        %broadcast_in_dim3A_294 = vector.broadcast %squeeze3A_293 : f32 to vector<16xf32>
        %mul3A_295 = arith.constant 16 : i32
        %mul3A_296 = arith.muli %scan3A_144, %mul3A_295 : i32
        %add3A_297 = arith.constant 2 : i32
        %add3A_298 = arith.addi %mul3A_296, %add3A_297 : i32
        %select_n3A_299 = arith.select %eq3A_282, %broadcast_in_dim3A_5, %add3A_251 : vector<16xf32>
        %get3A_300 = arith.index_cast %add3A_298 : i32 to index
        %get3A_301 = arith.constant 0 : index
        %get3A_302 = tpu.vector_load %arg10[%get3A_300, %get3A_301] {strides = array<i32>} : memref<128x64xf32, #tpu.memory_space<vmem>>, vector<1x16xf32>,
        %get3A_303 = vector.shape_cast %get3A_302 : vector<1x16xf32> to vector<16xf32>
        %mul3A_304 = arith.mulf %get3A_303, %broadcast_in_dim3A_294 : vector<16xf32>
        %add3A_305 = arith.addf %select_n3A_299, %mul3A_304 : vector<16xf32>
        %select_n3A_306 = arith.select %eq3A_282, %broadcast_in_dim3A_5, %add3A_258 : vector<16xf32>
        %get3A_307 = arith.index_cast %add3A_298 : i32 to index
        %get3A_308 = arith.constant 16 : index
        %get3A_309 = tpu.vector_load %arg10[%get3A_307, %get3A_308] {strides = array<i32>} : memref<128x64xf32, #tpu.memory_space<vmem>>, vector<1x16xf32>,
        %get3A_310 = vector.shape_cast %get3A_309 : vector<1x16xf32> to vector<16xf32>
        %mul3A_311 = arith.mulf %get3A_310, %broadcast_in_dim3A_294 : vector<16xf32>
        %add3A_312 = arith.addf %select_n3A_306, %mul3A_311 : vector<16xf32>
        %select_n3A_313 = arith.select %eq3A_282, %broadcast_in_dim3A_5, %add3A_265 : vector<16xf32>
        %get3A_314 = arith.index_cast %add3A_298 : i32 to index
        %get3A_315 = arith.constant 32 : index
        %get3A_316 = tpu.vector_load %arg10[%get3A_314, %get3A_315] {strides = array<i32>} : memref<128x64xf32, #tpu.memory_space<vmem>>, vector<1x16xf32>,
        %get3A_317 = vector.shape_cast %get3A_316 : vector<1x16xf32> to vector<16xf32>
        %mul3A_318 = arith.mulf %get3A_317, %broadcast_in_dim3A_294 : vector<16xf32>
        %add3A_319 = arith.addf %select_n3A_313, %mul3A_318 : vector<16xf32>
        %select_n3A_320 = arith.select %eq3A_282, %broadcast_in_dim3A_5, %add3A_272 : vector<16xf32>
        %get3A_321 = arith.index_cast %add3A_298 : i32 to index
        %get3A_322 = arith.constant 48 : index
        %get3A_323 = tpu.vector_load %arg10[%get3A_321, %get3A_322] {strides = array<i32>} : memref<128x64xf32, #tpu.memory_space<vmem>>, vector<1x16xf32>,
        %get3A_324 = vector.shape_cast %get3A_323 : vector<1x16xf32> to vector<16xf32>
        %mul3A_325 = arith.mulf %get3A_324, %broadcast_in_dim3A_294 : vector<16xf32>
        %add3A_326 = arith.addf %select_n3A_320, %mul3A_325 : vector<16xf32>
        %select_n3A_327 = arith.select %eq3A_282, %broadcast_in_dim3A_5, %add3A_274 : vector<16xf32>
        %add3A_328 = arith.addf %select_n3A_327, %broadcast_in_dim3A_294 : vector<16xf32>
        %eq3A_329 = arith.constant 49 : i32
        %eq3A_330 = arith.cmpi eq, %select_n3A_280, %eq3A_329 : i32
        %add3A_331 = arith.constant 1 : i32
        %add3A_332 = arith.addi %select_n3A_280, %add3A_331 : i32
        %jit3A_333 = arith.constant 0 : i32
        %select_n3A_334 = arith.select %eq3A_330, %jit3A_333, %add3A_332 : i32
        %eq3A_335 = arith.constant 0 : i32
        %eq3A_336 = arith.cmpi eq, %select_n3A_334, %eq3A_335 : i32
        %ge3A_337 = arith.constant 0 : i32
        %ge3A_338 = arith.cmpi sge, %select_n3A_291, %ge3A_337 : i32
        %and3A_339 = arith.andi %eq3A_336, %ge3A_338 : i1
        %convert_element_type3A_340 = arith.extui %and3A_339 : i1 to i32
        %cond3A_341 = arith.constant 0 : i32
        %cond3A_342 = arith.cmpi ne, %convert_element_type3A_340, %cond3A_341 : i32
        scf.if %cond3A_342 {
          %swap3A_1067 = arith.index_cast %select_n3A_291 : i32 to index
          %swap3A_1068 = arith.constant 0 : index
          %swap3A_1069 = tpu.vector_load %arg11[%swap3A_1067, %swap3A_1068] {strides = array<i32>} : memref<128x64xf32, #tpu.memory_space<vmem>>, vector<1x16xf32>,
          %swap3A_1070 = vector.shape_cast %swap3A_1069 : vector<1x16xf32> to vector<16xf32>
          %swap3A_1071 = vector.shape_cast %add3A_305 : vector<16xf32> to vector<1x16xf32>
          tpu.vector_store %arg11[%swap3A_1067, %swap3A_1068], %swap3A_1071 {strides = array<i32>} : memref<128x64xf32, #tpu.memory_space<vmem>>, vector<1x16xf32>,
          %swap3A_1072 = arith.index_cast %select_n3A_291 : i32 to index
          %swap3A_1073 = arith.constant 16 : index
          %swap3A_1074 = tpu.vector_load %arg11[%swap3A_1072, %swap3A_1073] {strides = array<i32>} : memref<128x64xf32, #tpu.memory_space<vmem>>, vector<1x16xf32>,
          %swap3A_1075 = vector.shape_cast %swap3A_1074 : vector<1x16xf32> to vector<16xf32>
          %swap3A_1076 = vector.shape_cast %add3A_312 : vector<16xf32> to vector<1x16xf32>
          tpu.vector_store %arg11[%swap3A_1072, %swap3A_1073], %swap3A_1076 {strides = array<i32>} : memref<128x64xf32, #tpu.memory_space<vmem>>, vector<1x16xf32>,
          %swap3A_1077 = arith.index_cast %select_n3A_291 : i32 to index
          %swap3A_1078 = arith.constant 32 : index
          %swap3A_1079 = tpu.vector_load %arg11[%swap3A_1077, %swap3A_1078] {strides = array<i32>} : memref<128x64xf32, #tpu.memory_space<vmem>>, vector<1x16xf32>,
          %swap3A_1080 = vector.shape_cast %swap3A_1079 : vector<1x16xf32> to vector<16xf32>
          %swap3A_1081 = vector.shape_cast %add3A_319 : vector<16xf32> to vector<1x16xf32>
          tpu.vector_store %arg11[%swap3A_1077, %swap3A_1078], %swap3A_1081 {strides = array<i32>} : memref<128x64xf32, #tpu.memory_space<vmem>>, vector<1x16xf32>,
          %swap3A_1082 = arith.index_cast %select_n3A_291 : i32 to index
          %swap3A_1083 = arith.constant 48 : index
          %swap3A_1084 = tpu.vector_load %arg11[%swap3A_1082, %swap3A_1083] {strides = array<i32>} : memref<128x64xf32, #tpu.memory_space<vmem>>, vector<1x16xf32>,
          %swap3A_1085 = vector.shape_cast %swap3A_1084 : vector<1x16xf32> to vector<16xf32>
          %swap3A_1086 = vector.shape_cast %add3A_326 : vector<16xf32> to vector<1x16xf32>
          tpu.vector_store %arg11[%swap3A_1082, %swap3A_1083], %swap3A_1086 {strides = array<i32>} : memref<128x64xf32, #tpu.memory_space<vmem>>, vector<1x16xf32>,
          %swap3A_1087 = arith.index_cast %select_n3A_291 : i32 to index
          %swap3A_1088 = arith.constant 0 : index
          %swap3A_1089 = tpu.vector_load %arg12[%swap3A_1087, %swap3A_1088] {strides = array<i32>} : memref<128x64xf32, #tpu.memory_space<vmem>>, vector<1x16xf32>,
          %swap3A_1090 = vector.shape_cast %swap3A_1089 : vector<1x16xf32> to vector<16xf32>
          %swap3A_1091 = vector.shape_cast %add3A_328 : vector<16xf32> to vector<1x16xf32>
          tpu.vector_store %arg12[%swap3A_1087, %swap3A_1088], %swap3A_1091 {strides = array<i32>} : memref<128x64xf32, #tpu.memory_space<vmem>>, vector<1x16xf32>,
        } else {
        }
        %add3A_343 = arith.constant 1 : i32
        %add3A_344 = arith.addi %select_n3A_291, %add3A_343 : i32
        %select_n3A_345 = arith.select %eq3A_336, %add3A_344, %select_n3A_291 : i32
        %slice3A_346 = vector.extract_strided_slice %get3A_179 {offsets = [3], sizes = [1], strides = [1]} : vector<16xf32> to vector<1xf32>
        %squeeze3A_347 = vector.extract %slice3A_346[0] : f32 from vector<1xf32>
        %broadcast_in_dim3A_348 = vector.broadcast %squeeze3A_347 : f32 to vector<16xf32>
        %mul3A_349 = arith.constant 16 : i32
        %mul3A_350 = arith.muli %scan3A_144, %mul3A_349 : i32
        %add3A_351 = arith.constant 3 : i32
        %add3A_352 = arith.addi %mul3A_350, %add3A_351 : i32
        %select_n3A_353 = arith.select %eq3A_336, %broadcast_in_dim3A_5, %add3A_305 : vector<16xf32>
        %get3A_354 = arith.index_cast %add3A_352 : i32 to index
        %get3A_355 = arith.constant 0 : index
        %get3A_356 = tpu.vector_load %arg10[%get3A_354, %get3A_355] {strides = array<i32>} : memref<128x64xf32, #tpu.memory_space<vmem>>, vector<1x16xf32>,
        %get3A_357 = vector.shape_cast %get3A_356 : vector<1x16xf32> to vector<16xf32>
        %mul3A_358 = arith.mulf %get3A_357, %broadcast_in_dim3A_348 : vector<16xf32>
        %add3A_359 = arith.addf %select_n3A_353, %mul3A_358 : vector<16xf32>
        %select_n3A_360 = arith.select %eq3A_336, %broadcast_in_dim3A_5, %add3A_312 : vector<16xf32>
        %get3A_361 = arith.index_cast %add3A_352 : i32 to index
        %get3A_362 = arith.constant 16 : index
        %get3A_363 = tpu.vector_load %arg10[%get3A_361, %get3A_362] {strides = array<i32>} : memref<128x64xf32, #tpu.memory_space<vmem>>, vector<1x16xf32>,
        %get3A_364 = vector.shape_cast %get3A_363 : vector<1x16xf32> to vector<16xf32>
        %mul3A_365 = arith.mulf %get3A_364, %broadcast_in_dim3A_348 : vector<16xf32>
        %add3A_366 = arith.addf %select_n3A_360, %mul3A_365 : vector<16xf32>
        %select_n3A_367 = arith.select %eq3A_336, %broadcast_in_dim3A_5, %add3A_319 : vector<16xf32>
        %get3A_368 = arith.index_cast %add3A_352 : i32 to index
        %get3A_369 = arith.constant 32 : index
        %get3A_370 = tpu.vector_load %arg10[%get3A_368, %get3A_369] {strides = array<i32>} : memref<128x64xf32, #tpu.memory_space<vmem>>, vector<1x16xf32>,
        %get3A_371 = vector.shape_cast %get3A_370 : vector<1x16xf32> to vector<16xf32>
        %mul3A_372 = arith.mulf %get3A_371, %broadcast_in_dim3A_348 : vector<16xf32>
        %add3A_373 = arith.addf %select_n3A_367, %mul3A_372 : vector<16xf32>
        %select_n3A_374 = arith.select %eq3A_336, %broadcast_in_dim3A_5, %add3A_326 : vector<16xf32>
        %get3A_375 = arith.index_cast %add3A_352 : i32 to index
        %get3A_376 = arith.constant 48 : index
        %get3A_377 = tpu.vector_load %arg10[%get3A_375, %get3A_376] {strides = array<i32>} : memref<128x64xf32, #tpu.memory_space<vmem>>, vector<1x16xf32>,
        %get3A_378 = vector.shape_cast %get3A_377 : vector<1x16xf32> to vector<16xf32>
        %mul3A_379 = arith.mulf %get3A_378, %broadcast_in_dim3A_348 : vector<16xf32>
        %add3A_380 = arith.addf %select_n3A_374, %mul3A_379 : vector<16xf32>
        %select_n3A_381 = arith.select %eq3A_336, %broadcast_in_dim3A_5, %add3A_328 : vector<16xf32>
        %add3A_382 = arith.addf %select_n3A_381, %broadcast_in_dim3A_348 : vector<16xf32>
        %eq3A_383 = arith.constant 49 : i32
        %eq3A_384 = arith.cmpi eq, %select_n3A_334, %eq3A_383 : i32
        %add3A_385 = arith.constant 1 : i32
        %add3A_386 = arith.addi %select_n3A_334, %add3A_385 : i32
        %jit3A_387 = arith.constant 0 : i32
        %select_n3A_388 = arith.select %eq3A_384, %jit3A_387, %add3A_386 : i32
        %eq3A_389 = arith.constant 0 : i32
        %eq3A_390 = arith.cmpi eq, %select_n3A_388, %eq3A_389 : i32
        %ge3A_391 = arith.constant 0 : i32
        %ge3A_392 = arith.cmpi sge, %select_n3A_345, %ge3A_391 : i32
        %and3A_393 = arith.andi %eq3A_390, %ge3A_392 : i1
        %convert_element_type3A_394 = arith.extui %and3A_393 : i1 to i32
        %cond3A_395 = arith.constant 0 : i32
        %cond3A_396 = arith.cmpi ne, %convert_element_type3A_394, %cond3A_395 : i32
        scf.if %cond3A_396 {
          %swap3A_1067 = arith.index_cast %select_n3A_345 : i32 to index
          %swap3A_1068 = arith.constant 0 : index
          %swap3A_1069 = tpu.vector_load %arg11[%swap3A_1067, %swap3A_1068] {strides = array<i32>} : memref<128x64xf32, #tpu.memory_space<vmem>>, vector<1x16xf32>,
          %swap3A_1070 = vector.shape_cast %swap3A_1069 : vector<1x16xf32> to vector<16xf32>
          %swap3A_1071 = vector.shape_cast %add3A_359 : vector<16xf32> to vector<1x16xf32>
          tpu.vector_store %arg11[%swap3A_1067, %swap3A_1068], %swap3A_1071 {strides = array<i32>} : memref<128x64xf32, #tpu.memory_space<vmem>>, vector<1x16xf32>,
          %swap3A_1072 = arith.index_cast %select_n3A_345 : i32 to index
          %swap3A_1073 = arith.constant 16 : index
          %swap3A_1074 = tpu.vector_load %arg11[%swap3A_1072, %swap3A_1073] {strides = array<i32>} : memref<128x64xf32, #tpu.memory_space<vmem>>, vector<1x16xf32>,
          %swap3A_1075 = vector.shape_cast %swap3A_1074 : vector<1x16xf32> to vector<16xf32>
          %swap3A_1076 = vector.shape_cast %add3A_366 : vector<16xf32> to vector<1x16xf32>
          tpu.vector_store %arg11[%swap3A_1072, %swap3A_1073], %swap3A_1076 {strides = array<i32>} : memref<128x64xf32, #tpu.memory_space<vmem>>, vector<1x16xf32>,
          %swap3A_1077 = arith.index_cast %select_n3A_345 : i32 to index
          %swap3A_1078 = arith.constant 32 : index
          %swap3A_1079 = tpu.vector_load %arg11[%swap3A_1077, %swap3A_1078] {strides = array<i32>} : memref<128x64xf32, #tpu.memory_space<vmem>>, vector<1x16xf32>,
          %swap3A_1080 = vector.shape_cast %swap3A_1079 : vector<1x16xf32> to vector<16xf32>
          %swap3A_1081 = vector.shape_cast %add3A_373 : vector<16xf32> to vector<1x16xf32>
          tpu.vector_store %arg11[%swap3A_1077, %swap3A_1078], %swap3A_1081 {strides = array<i32>} : memref<128x64xf32, #tpu.memory_space<vmem>>, vector<1x16xf32>,
          %swap3A_1082 = arith.index_cast %select_n3A_345 : i32 to index
          %swap3A_1083 = arith.constant 48 : index
          %swap3A_1084 = tpu.vector_load %arg11[%swap3A_1082, %swap3A_1083] {strides = array<i32>} : memref<128x64xf32, #tpu.memory_space<vmem>>, vector<1x16xf32>,
          %swap3A_1085 = vector.shape_cast %swap3A_1084 : vector<1x16xf32> to vector<16xf32>
          %swap3A_1086 = vector.shape_cast %add3A_380 : vector<16xf32> to vector<1x16xf32>
          tpu.vector_store %arg11[%swap3A_1082, %swap3A_1083], %swap3A_1086 {strides = array<i32>} : memref<128x64xf32, #tpu.memory_space<vmem>>, vector<1x16xf32>,
          %swap3A_1087 = arith.index_cast %select_n3A_345 : i32 to index
          %swap3A_1088 = arith.constant 0 : index
          %swap3A_1089 = tpu.vector_load %arg12[%swap3A_1087, %swap3A_1088] {strides = array<i32>} : memref<128x64xf32, #tpu.memory_space<vmem>>, vector<1x16xf32>,
          %swap3A_1090 = vector.shape_cast %swap3A_1089 : vector<1x16xf32> to vector<16xf32>
          %swap3A_1091 = vector.shape_cast %add3A_382 : vector<16xf32> to vector<1x16xf32>
          tpu.vector_store %arg12[%swap3A_1087, %swap3A_1088], %swap3A_1091 {strides = array<i32>} : memref<128x64xf32, #tpu.memory_space<vmem>>, vector<1x16xf32>,
        } else {
        }
        %add3A_397 = arith.constant 1 : i32
        %add3A_398 = arith.addi %select_n3A_345, %add3A_397 : i32
        %select_n3A_399 = arith.select %eq3A_390, %add3A_398, %select_n3A_345 : i32
        %slice3A_400 = vector.extract_strided_slice %get3A_179 {offsets = [4], sizes = [1], strides = [1]} : vector<16xf32> to vector<1xf32>
        %squeeze3A_401 = vector.extract %slice3A_400[0] : f32 from vector<1xf32>
        %broadcast_in_dim3A_402 = vector.broadcast %squeeze3A_401 : f32 to vector<16xf32>
        %mul3A_403 = arith.constant 16 : i32
        %mul3A_404 = arith.muli %scan3A_144, %mul3A_403 : i32
        %add3A_405 = arith.constant 4 : i32
        %add3A_406 = arith.addi %mul3A_404, %add3A_405 : i32
        %select_n3A_407 = arith.select %eq3A_390, %broadcast_in_dim3A_5, %add3A_359 : vector<16xf32>
        %get3A_408 = arith.index_cast %add3A_406 : i32 to index
        %get3A_409 = arith.constant 0 : index
        %get3A_410 = tpu.vector_load %arg10[%get3A_408, %get3A_409] {strides = array<i32>} : memref<128x64xf32, #tpu.memory_space<vmem>>, vector<1x16xf32>,
        %get3A_411 = vector.shape_cast %get3A_410 : vector<1x16xf32> to vector<16xf32>
        %mul3A_412 = arith.mulf %get3A_411, %broadcast_in_dim3A_402 : vector<16xf32>
        %add3A_413 = arith.addf %select_n3A_407, %mul3A_412 : vector<16xf32>
        %select_n3A_414 = arith.select %eq3A_390, %broadcast_in_dim3A_5, %add3A_366 : vector<16xf32>
        %get3A_415 = arith.index_cast %add3A_406 : i32 to index
        %get3A_416 = arith.constant 16 : index
        %get3A_417 = tpu.vector_load %arg10[%get3A_415, %get3A_416] {strides = array<i32>} : memref<128x64xf32, #tpu.memory_space<vmem>>, vector<1x16xf32>,
        %get3A_418 = vector.shape_cast %get3A_417 : vector<1x16xf32> to vector<16xf32>
        %mul3A_419 = arith.mulf %get3A_418, %broadcast_in_dim3A_402 : vector<16xf32>
        %add3A_420 = arith.addf %select_n3A_414, %mul3A_419 : vector<16xf32>
        %select_n3A_421 = arith.select %eq3A_390, %broadcast_in_dim3A_5, %add3A_373 : vector<16xf32>
        %get3A_422 = arith.index_cast %add3A_406 : i32 to index
        %get3A_423 = arith.constant 32 : index
        %get3A_424 = tpu.vector_load %arg10[%get3A_422, %get3A_423] {strides = array<i32>} : memref<128x64xf32, #tpu.memory_space<vmem>>, vector<1x16xf32>,
        %get3A_425 = vector.shape_cast %get3A_424 : vector<1x16xf32> to vector<16xf32>
        %mul3A_426 = arith.mulf %get3A_425, %broadcast_in_dim3A_402 : vector<16xf32>
        %add3A_427 = arith.addf %select_n3A_421, %mul3A_426 : vector<16xf32>
        %select_n3A_428 = arith.select %eq3A_390, %broadcast_in_dim3A_5, %add3A_380 : vector<16xf32>
        %get3A_429 = arith.index_cast %add3A_406 : i32 to index
        %get3A_430 = arith.constant 48 : index
        %get3A_431 = tpu.vector_load %arg10[%get3A_429, %get3A_430] {strides = array<i32>} : memref<128x64xf32, #tpu.memory_space<vmem>>, vector<1x16xf32>,
        %get3A_432 = vector.shape_cast %get3A_431 : vector<1x16xf32> to vector<16xf32>
        %mul3A_433 = arith.mulf %get3A_432, %broadcast_in_dim3A_402 : vector<16xf32>
        %add3A_434 = arith.addf %select_n3A_428, %mul3A_433 : vector<16xf32>
        %select_n3A_435 = arith.select %eq3A_390, %broadcast_in_dim3A_5, %add3A_382 : vector<16xf32>
        %add3A_436 = arith.addf %select_n3A_435, %broadcast_in_dim3A_402 : vector<16xf32>
        %eq3A_437 = arith.constant 49 : i32
        %eq3A_438 = arith.cmpi eq, %select_n3A_388, %eq3A_437 : i32
        %add3A_439 = arith.constant 1 : i32
        %add3A_440 = arith.addi %select_n3A_388, %add3A_439 : i32
        %jit3A_441 = arith.constant 0 : i32
        %select_n3A_442 = arith.select %eq3A_438, %jit3A_441, %add3A_440 : i32
        %eq3A_443 = arith.constant 0 : i32
        %eq3A_444 = arith.cmpi eq, %select_n3A_442, %eq3A_443 : i32
        %ge3A_445 = arith.constant 0 : i32
        %ge3A_446 = arith.cmpi sge, %select_n3A_399, %ge3A_445 : i32
        %and3A_447 = arith.andi %eq3A_444, %ge3A_446 : i1
        %convert_element_type3A_448 = arith.extui %and3A_447 : i1 to i32
        %cond3A_449 = arith.constant 0 : i32
        %cond3A_450 = arith.cmpi ne, %convert_element_type3A_448, %cond3A_449 : i32
        scf.if %cond3A_450 {
          %swap3A_1067 = arith.index_cast %select_n3A_399 : i32 to index
          %swap3A_1068 = arith.constant 0 : index
          %swap3A_1069 = tpu.vector_load %arg11[%swap3A_1067, %swap3A_1068] {strides = array<i32>} : memref<128x64xf32, #tpu.memory_space<vmem>>, vector<1x16xf32>,
          %swap3A_1070 = vector.shape_cast %swap3A_1069 : vector<1x16xf32> to vector<16xf32>
          %swap3A_1071 = vector.shape_cast %add3A_413 : vector<16xf32> to vector<1x16xf32>
          tpu.vector_store %arg11[%swap3A_1067, %swap3A_1068], %swap3A_1071 {strides = array<i32>} : memref<128x64xf32, #tpu.memory_space<vmem>>, vector<1x16xf32>,
          %swap3A_1072 = arith.index_cast %select_n3A_399 : i32 to index
          %swap3A_1073 = arith.constant 16 : index
          %swap3A_1074 = tpu.vector_load %arg11[%swap3A_1072, %swap3A_1073] {strides = array<i32>} : memref<128x64xf32, #tpu.memory_space<vmem>>, vector<1x16xf32>,
          %swap3A_1075 = vector.shape_cast %swap3A_1074 : vector<1x16xf32> to vector<16xf32>
          %swap3A_1076 = vector.shape_cast %add3A_420 : vector<16xf32> to vector<1x16xf32>
          tpu.vector_store %arg11[%swap3A_1072, %swap3A_1073], %swap3A_1076 {strides = array<i32>} : memref<128x64xf32, #tpu.memory_space<vmem>>, vector<1x16xf32>,
          %swap3A_1077 = arith.index_cast %select_n3A_399 : i32 to index
          %swap3A_1078 = arith.constant 32 : index
          %swap3A_1079 = tpu.vector_load %arg11[%swap3A_1077, %swap3A_1078] {strides = array<i32>} : memref<128x64xf32, #tpu.memory_space<vmem>>, vector<1x16xf32>,
          %swap3A_1080 = vector.shape_cast %swap3A_1079 : vector<1x16xf32> to vector<16xf32>
          %swap3A_1081 = vector.shape_cast %add3A_427 : vector<16xf32> to vector<1x16xf32>
          tpu.vector_store %arg11[%swap3A_1077, %swap3A_1078], %swap3A_1081 {strides = array<i32>} : memref<128x64xf32, #tpu.memory_space<vmem>>, vector<1x16xf32>,
          %swap3A_1082 = arith.index_cast %select_n3A_399 : i32 to index
          %swap3A_1083 = arith.constant 48 : index
          %swap3A_1084 = tpu.vector_load %arg11[%swap3A_1082, %swap3A_1083] {strides = array<i32>} : memref<128x64xf32, #tpu.memory_space<vmem>>, vector<1x16xf32>,
          %swap3A_1085 = vector.shape_cast %swap3A_1084 : vector<1x16xf32> to vector<16xf32>
          %swap3A_1086 = vector.shape_cast %add3A_434 : vector<16xf32> to vector<1x16xf32>
          tpu.vector_store %arg11[%swap3A_1082, %swap3A_1083], %swap3A_1086 {strides = array<i32>} : memref<128x64xf32, #tpu.memory_space<vmem>>, vector<1x16xf32>,
          %swap3A_1087 = arith.index_cast %select_n3A_399 : i32 to index
          %swap3A_1088 = arith.constant 0 : index
          %swap3A_1089 = tpu.vector_load %arg12[%swap3A_1087, %swap3A_1088] {strides = array<i32>} : memref<128x64xf32, #tpu.memory_space<vmem>>, vector<1x16xf32>,
          %swap3A_1090 = vector.shape_cast %swap3A_1089 : vector<1x16xf32> to vector<16xf32>
          %swap3A_1091 = vector.shape_cast %add3A_436 : vector<16xf32> to vector<1x16xf32>
          tpu.vector_store %arg12[%swap3A_1087, %swap3A_1088], %swap3A_1091 {strides = array<i32>} : memref<128x64xf32, #tpu.memory_space<vmem>>, vector<1x16xf32>,
        } else {
        }
        %add3A_451 = arith.constant 1 : i32
        %add3A_452 = arith.addi %select_n3A_399, %add3A_451 : i32
        %select_n3A_453 = arith.select %eq3A_444, %add3A_452, %select_n3A_399 : i32
        %slice3A_454 = vector.extract_strided_slice %get3A_179 {offsets = [5], sizes = [1], strides = [1]} : vector<16xf32> to vector<1xf32>
        %squeeze3A_455 = vector.extract %slice3A_454[0] : f32 from vector<1xf32>
        %broadcast_in_dim3A_456 = vector.broadcast %squeeze3A_455 : f32 to vector<16xf32>
        %mul3A_457 = arith.constant 16 : i32
        %mul3A_458 = arith.muli %scan3A_144, %mul3A_457 : i32
        %add3A_459 = arith.constant 5 : i32
        %add3A_460 = arith.addi %mul3A_458, %add3A_459 : i32
        %select_n3A_461 = arith.select %eq3A_444, %broadcast_in_dim3A_5, %add3A_413 : vector<16xf32>
        %get3A_462 = arith.index_cast %add3A_460 : i32 to index
        %get3A_463 = arith.constant 0 : index
        %get3A_464 = tpu.vector_load %arg10[%get3A_462, %get3A_463] {strides = array<i32>} : memref<128x64xf32, #tpu.memory_space<vmem>>, vector<1x16xf32>,
        %get3A_465 = vector.shape_cast %get3A_464 : vector<1x16xf32> to vector<16xf32>
        %mul3A_466 = arith.mulf %get3A_465, %broadcast_in_dim3A_456 : vector<16xf32>
        %add3A_467 = arith.addf %select_n3A_461, %mul3A_466 : vector<16xf32>
        %select_n3A_468 = arith.select %eq3A_444, %broadcast_in_dim3A_5, %add3A_420 : vector<16xf32>
        %get3A_469 = arith.index_cast %add3A_460 : i32 to index
        %get3A_470 = arith.constant 16 : index
        %get3A_471 = tpu.vector_load %arg10[%get3A_469, %get3A_470] {strides = array<i32>} : memref<128x64xf32, #tpu.memory_space<vmem>>, vector<1x16xf32>,
        %get3A_472 = vector.shape_cast %get3A_471 : vector<1x16xf32> to vector<16xf32>
        %mul3A_473 = arith.mulf %get3A_472, %broadcast_in_dim3A_456 : vector<16xf32>
        %add3A_474 = arith.addf %select_n3A_468, %mul3A_473 : vector<16xf32>
        %select_n3A_475 = arith.select %eq3A_444, %broadcast_in_dim3A_5, %add3A_427 : vector<16xf32>
        %get3A_476 = arith.index_cast %add3A_460 : i32 to index
        %get3A_477 = arith.constant 32 : index
        %get3A_478 = tpu.vector_load %arg10[%get3A_476, %get3A_477] {strides = array<i32>} : memref<128x64xf32, #tpu.memory_space<vmem>>, vector<1x16xf32>,
        %get3A_479 = vector.shape_cast %get3A_478 : vector<1x16xf32> to vector<16xf32>
        %mul3A_480 = arith.mulf %get3A_479, %broadcast_in_dim3A_456 : vector<16xf32>
        %add3A_481 = arith.addf %select_n3A_475, %mul3A_480 : vector<16xf32>
        %select_n3A_482 = arith.select %eq3A_444, %broadcast_in_dim3A_5, %add3A_434 : vector<16xf32>
        %get3A_483 = arith.index_cast %add3A_460 : i32 to index
        %get3A_484 = arith.constant 48 : index
        %get3A_485 = tpu.vector_load %arg10[%get3A_483, %get3A_484] {strides = array<i32>} : memref<128x64xf32, #tpu.memory_space<vmem>>, vector<1x16xf32>,
        %get3A_486 = vector.shape_cast %get3A_485 : vector<1x16xf32> to vector<16xf32>
        %mul3A_487 = arith.mulf %get3A_486, %broadcast_in_dim3A_456 : vector<16xf32>
        %add3A_488 = arith.addf %select_n3A_482, %mul3A_487 : vector<16xf32>
        %select_n3A_489 = arith.select %eq3A_444, %broadcast_in_dim3A_5, %add3A_436 : vector<16xf32>
        %add3A_490 = arith.addf %select_n3A_489, %broadcast_in_dim3A_456 : vector<16xf32>
        %eq3A_491 = arith.constant 49 : i32
        %eq3A_492 = arith.cmpi eq, %select_n3A_442, %eq3A_491 : i32
        %add3A_493 = arith.constant 1 : i32
        %add3A_494 = arith.addi %select_n3A_442, %add3A_493 : i32
        %jit3A_495 = arith.constant 0 : i32
        %select_n3A_496 = arith.select %eq3A_492, %jit3A_495, %add3A_494 : i32
        %eq3A_497 = arith.constant 0 : i32
        %eq3A_498 = arith.cmpi eq, %select_n3A_496, %eq3A_497 : i32
        %ge3A_499 = arith.constant 0 : i32
        %ge3A_500 = arith.cmpi sge, %select_n3A_453, %ge3A_499 : i32
        %and3A_501 = arith.andi %eq3A_498, %ge3A_500 : i1
        %convert_element_type3A_502 = arith.extui %and3A_501 : i1 to i32
        %cond3A_503 = arith.constant 0 : i32
        %cond3A_504 = arith.cmpi ne, %convert_element_type3A_502, %cond3A_503 : i32
        scf.if %cond3A_504 {
          %swap3A_1067 = arith.index_cast %select_n3A_453 : i32 to index
          %swap3A_1068 = arith.constant 0 : index
          %swap3A_1069 = tpu.vector_load %arg11[%swap3A_1067, %swap3A_1068] {strides = array<i32>} : memref<128x64xf32, #tpu.memory_space<vmem>>, vector<1x16xf32>,
          %swap3A_1070 = vector.shape_cast %swap3A_1069 : vector<1x16xf32> to vector<16xf32>
          %swap3A_1071 = vector.shape_cast %add3A_467 : vector<16xf32> to vector<1x16xf32>
          tpu.vector_store %arg11[%swap3A_1067, %swap3A_1068], %swap3A_1071 {strides = array<i32>} : memref<128x64xf32, #tpu.memory_space<vmem>>, vector<1x16xf32>,
          %swap3A_1072 = arith.index_cast %select_n3A_453 : i32 to index
          %swap3A_1073 = arith.constant 16 : index
          %swap3A_1074 = tpu.vector_load %arg11[%swap3A_1072, %swap3A_1073] {strides = array<i32>} : memref<128x64xf32, #tpu.memory_space<vmem>>, vector<1x16xf32>,
          %swap3A_1075 = vector.shape_cast %swap3A_1074 : vector<1x16xf32> to vector<16xf32>
          %swap3A_1076 = vector.shape_cast %add3A_474 : vector<16xf32> to vector<1x16xf32>
          tpu.vector_store %arg11[%swap3A_1072, %swap3A_1073], %swap3A_1076 {strides = array<i32>} : memref<128x64xf32, #tpu.memory_space<vmem>>, vector<1x16xf32>,
          %swap3A_1077 = arith.index_cast %select_n3A_453 : i32 to index
          %swap3A_1078 = arith.constant 32 : index
          %swap3A_1079 = tpu.vector_load %arg11[%swap3A_1077, %swap3A_1078] {strides = array<i32>} : memref<128x64xf32, #tpu.memory_space<vmem>>, vector<1x16xf32>,
          %swap3A_1080 = vector.shape_cast %swap3A_1079 : vector<1x16xf32> to vector<16xf32>
          %swap3A_1081 = vector.shape_cast %add3A_481 : vector<16xf32> to vector<1x16xf32>
          tpu.vector_store %arg11[%swap3A_1077, %swap3A_1078], %swap3A_1081 {strides = array<i32>} : memref<128x64xf32, #tpu.memory_space<vmem>>, vector<1x16xf32>,
          %swap3A_1082 = arith.index_cast %select_n3A_453 : i32 to index
          %swap3A_1083 = arith.constant 48 : index
          %swap3A_1084 = tpu.vector_load %arg11[%swap3A_1082, %swap3A_1083] {strides = array<i32>} : memref<128x64xf32, #tpu.memory_space<vmem>>, vector<1x16xf32>,
          %swap3A_1085 = vector.shape_cast %swap3A_1084 : vector<1x16xf32> to vector<16xf32>
          %swap3A_1086 = vector.shape_cast %add3A_488 : vector<16xf32> to vector<1x16xf32>
          tpu.vector_store %arg11[%swap3A_1082, %swap3A_1083], %swap3A_1086 {strides = array<i32>} : memref<128x64xf32, #tpu.memory_space<vmem>>, vector<1x16xf32>,
          %swap3A_1087 = arith.index_cast %select_n3A_453 : i32 to index
          %swap3A_1088 = arith.constant 0 : index
          %swap3A_1089 = tpu.vector_load %arg12[%swap3A_1087, %swap3A_1088] {strides = array<i32>} : memref<128x64xf32, #tpu.memory_space<vmem>>, vector<1x16xf32>,
          %swap3A_1090 = vector.shape_cast %swap3A_1089 : vector<1x16xf32> to vector<16xf32>
          %swap3A_1091 = vector.shape_cast %add3A_490 : vector<16xf32> to vector<1x16xf32>
          tpu.vector_store %arg12[%swap3A_1087, %swap3A_1088], %swap3A_1091 {strides = array<i32>} : memref<128x64xf32, #tpu.memory_space<vmem>>, vector<1x16xf32>,
        } else {
        }
        %add3A_505 = arith.constant 1 : i32
        %add3A_506 = arith.addi %select_n3A_453, %add3A_505 : i32
        %select_n3A_507 = arith.select %eq3A_498, %add3A_506, %select_n3A_453 : i32
        %slice3A_508 = vector.extract_strided_slice %get3A_179 {offsets = [6], sizes = [1], strides = [1]} : vector<16xf32> to vector<1xf32>
        %squeeze3A_509 = vector.extract %slice3A_508[0] : f32 from vector<1xf32>
        %broadcast_in_dim3A_510 = vector.broadcast %squeeze3A_509 : f32 to vector<16xf32>
        %mul3A_511 = arith.constant 16 : i32
        %mul3A_512 = arith.muli %scan3A_144, %mul3A_511 : i32
        %add3A_513 = arith.constant 6 : i32
        %add3A_514 = arith.addi %mul3A_512, %add3A_513 : i32
        %select_n3A_515 = arith.select %eq3A_498, %broadcast_in_dim3A_5, %add3A_467 : vector<16xf32>
        %get3A_516 = arith.index_cast %add3A_514 : i32 to index
        %get3A_517 = arith.constant 0 : index
        %get3A_518 = tpu.vector_load %arg10[%get3A_516, %get3A_517] {strides = array<i32>} : memref<128x64xf32, #tpu.memory_space<vmem>>, vector<1x16xf32>,
        %get3A_519 = vector.shape_cast %get3A_518 : vector<1x16xf32> to vector<16xf32>
        %mul3A_520 = arith.mulf %get3A_519, %broadcast_in_dim3A_510 : vector<16xf32>
        %add3A_521 = arith.addf %select_n3A_515, %mul3A_520 : vector<16xf32>
        %select_n3A_522 = arith.select %eq3A_498, %broadcast_in_dim3A_5, %add3A_474 : vector<16xf32>
        %get3A_523 = arith.index_cast %add3A_514 : i32 to index
        %get3A_524 = arith.constant 16 : index
        %get3A_525 = tpu.vector_load %arg10[%get3A_523, %get3A_524] {strides = array<i32>} : memref<128x64xf32, #tpu.memory_space<vmem>>, vector<1x16xf32>,
        %get3A_526 = vector.shape_cast %get3A_525 : vector<1x16xf32> to vector<16xf32>
        %mul3A_527 = arith.mulf %get3A_526, %broadcast_in_dim3A_510 : vector<16xf32>
        %add3A_528 = arith.addf %select_n3A_522, %mul3A_527 : vector<16xf32>
        %select_n3A_529 = arith.select %eq3A_498, %broadcast_in_dim3A_5, %add3A_481 : vector<16xf32>
        %get3A_530 = arith.index_cast %add3A_514 : i32 to index
        %get3A_531 = arith.constant 32 : index
        %get3A_532 = tpu.vector_load %arg10[%get3A_530, %get3A_531] {strides = array<i32>} : memref<128x64xf32, #tpu.memory_space<vmem>>, vector<1x16xf32>,
        %get3A_533 = vector.shape_cast %get3A_532 : vector<1x16xf32> to vector<16xf32>
        %mul3A_534 = arith.mulf %get3A_533, %broadcast_in_dim3A_510 : vector<16xf32>
        %add3A_535 = arith.addf %select_n3A_529, %mul3A_534 : vector<16xf32>
        %select_n3A_536 = arith.select %eq3A_498, %broadcast_in_dim3A_5, %add3A_488 : vector<16xf32>
        %get3A_537 = arith.index_cast %add3A_514 : i32 to index
        %get3A_538 = arith.constant 48 : index
        %get3A_539 = tpu.vector_load %arg10[%get3A_537, %get3A_538] {strides = array<i32>} : memref<128x64xf32, #tpu.memory_space<vmem>>, vector<1x16xf32>,
        %get3A_540 = vector.shape_cast %get3A_539 : vector<1x16xf32> to vector<16xf32>
        %mul3A_541 = arith.mulf %get3A_540, %broadcast_in_dim3A_510 : vector<16xf32>
        %add3A_542 = arith.addf %select_n3A_536, %mul3A_541 : vector<16xf32>
        %select_n3A_543 = arith.select %eq3A_498, %broadcast_in_dim3A_5, %add3A_490 : vector<16xf32>
        %add3A_544 = arith.addf %select_n3A_543, %broadcast_in_dim3A_510 : vector<16xf32>
        %eq3A_545 = arith.constant 49 : i32
        %eq3A_546 = arith.cmpi eq, %select_n3A_496, %eq3A_545 : i32
        %add3A_547 = arith.constant 1 : i32
        %add3A_548 = arith.addi %select_n3A_496, %add3A_547 : i32
        %jit3A_549 = arith.constant 0 : i32
        %select_n3A_550 = arith.select %eq3A_546, %jit3A_549, %add3A_548 : i32
        %eq3A_551 = arith.constant 0 : i32
        %eq3A_552 = arith.cmpi eq, %select_n3A_550, %eq3A_551 : i32
        %ge3A_553 = arith.constant 0 : i32
        %ge3A_554 = arith.cmpi sge, %select_n3A_507, %ge3A_553 : i32
        %and3A_555 = arith.andi %eq3A_552, %ge3A_554 : i1
        %convert_element_type3A_556 = arith.extui %and3A_555 : i1 to i32
        %cond3A_557 = arith.constant 0 : i32
        %cond3A_558 = arith.cmpi ne, %convert_element_type3A_556, %cond3A_557 : i32
        scf.if %cond3A_558 {
          %swap3A_1067 = arith.index_cast %select_n3A_507 : i32 to index
          %swap3A_1068 = arith.constant 0 : index
          %swap3A_1069 = tpu.vector_load %arg11[%swap3A_1067, %swap3A_1068] {strides = array<i32>} : memref<128x64xf32, #tpu.memory_space<vmem>>, vector<1x16xf32>,
          %swap3A_1070 = vector.shape_cast %swap3A_1069 : vector<1x16xf32> to vector<16xf32>
          %swap3A_1071 = vector.shape_cast %add3A_521 : vector<16xf32> to vector<1x16xf32>
          tpu.vector_store %arg11[%swap3A_1067, %swap3A_1068], %swap3A_1071 {strides = array<i32>} : memref<128x64xf32, #tpu.memory_space<vmem>>, vector<1x16xf32>,
          %swap3A_1072 = arith.index_cast %select_n3A_507 : i32 to index
          %swap3A_1073 = arith.constant 16 : index
          %swap3A_1074 = tpu.vector_load %arg11[%swap3A_1072, %swap3A_1073] {strides = array<i32>} : memref<128x64xf32, #tpu.memory_space<vmem>>, vector<1x16xf32>,
          %swap3A_1075 = vector.shape_cast %swap3A_1074 : vector<1x16xf32> to vector<16xf32>
          %swap3A_1076 = vector.shape_cast %add3A_528 : vector<16xf32> to vector<1x16xf32>
          tpu.vector_store %arg11[%swap3A_1072, %swap3A_1073], %swap3A_1076 {strides = array<i32>} : memref<128x64xf32, #tpu.memory_space<vmem>>, vector<1x16xf32>,
          %swap3A_1077 = arith.index_cast %select_n3A_507 : i32 to index
          %swap3A_1078 = arith.constant 32 : index
          %swap3A_1079 = tpu.vector_load %arg11[%swap3A_1077, %swap3A_1078] {strides = array<i32>} : memref<128x64xf32, #tpu.memory_space<vmem>>, vector<1x16xf32>,
          %swap3A_1080 = vector.shape_cast %swap3A_1079 : vector<1x16xf32> to vector<16xf32>
          %swap3A_1081 = vector.shape_cast %add3A_535 : vector<16xf32> to vector<1x16xf32>
          tpu.vector_store %arg11[%swap3A_1077, %swap3A_1078], %swap3A_1081 {strides = array<i32>} : memref<128x64xf32, #tpu.memory_space<vmem>>, vector<1x16xf32>,
          %swap3A_1082 = arith.index_cast %select_n3A_507 : i32 to index
          %swap3A_1083 = arith.constant 48 : index
          %swap3A_1084 = tpu.vector_load %arg11[%swap3A_1082, %swap3A_1083] {strides = array<i32>} : memref<128x64xf32, #tpu.memory_space<vmem>>, vector<1x16xf32>,
          %swap3A_1085 = vector.shape_cast %swap3A_1084 : vector<1x16xf32> to vector<16xf32>
          %swap3A_1086 = vector.shape_cast %add3A_542 : vector<16xf32> to vector<1x16xf32>
          tpu.vector_store %arg11[%swap3A_1082, %swap3A_1083], %swap3A_1086 {strides = array<i32>} : memref<128x64xf32, #tpu.memory_space<vmem>>, vector<1x16xf32>,
          %swap3A_1087 = arith.index_cast %select_n3A_507 : i32 to index
          %swap3A_1088 = arith.constant 0 : index
          %swap3A_1089 = tpu.vector_load %arg12[%swap3A_1087, %swap3A_1088] {strides = array<i32>} : memref<128x64xf32, #tpu.memory_space<vmem>>, vector<1x16xf32>,
          %swap3A_1090 = vector.shape_cast %swap3A_1089 : vector<1x16xf32> to vector<16xf32>
          %swap3A_1091 = vector.shape_cast %add3A_544 : vector<16xf32> to vector<1x16xf32>
          tpu.vector_store %arg12[%swap3A_1087, %swap3A_1088], %swap3A_1091 {strides = array<i32>} : memref<128x64xf32, #tpu.memory_space<vmem>>, vector<1x16xf32>,
        } else {
        }
        %add3A_559 = arith.constant 1 : i32
        %add3A_560 = arith.addi %select_n3A_507, %add3A_559 : i32
        %select_n3A_561 = arith.select %eq3A_552, %add3A_560, %select_n3A_507 : i32
        %slice3A_562 = vector.extract_strided_slice %get3A_179 {offsets = [7], sizes = [1], strides = [1]} : vector<16xf32> to vector<1xf32>
        %squeeze3A_563 = vector.extract %slice3A_562[0] : f32 from vector<1xf32>
        %broadcast_in_dim3A_564 = vector.broadcast %squeeze3A_563 : f32 to vector<16xf32>
        %mul3A_565 = arith.constant 16 : i32
        %mul3A_566 = arith.muli %scan3A_144, %mul3A_565 : i32
        %add3A_567 = arith.constant 7 : i32
        %add3A_568 = arith.addi %mul3A_566, %add3A_567 : i32
        %select_n3A_569 = arith.select %eq3A_552, %broadcast_in_dim3A_5, %add3A_521 : vector<16xf32>
        %get3A_570 = arith.index_cast %add3A_568 : i32 to index
        %get3A_571 = arith.constant 0 : index
        %get3A_572 = tpu.vector_load %arg10[%get3A_570, %get3A_571] {strides = array<i32>} : memref<128x64xf32, #tpu.memory_space<vmem>>, vector<1x16xf32>,
        %get3A_573 = vector.shape_cast %get3A_572 : vector<1x16xf32> to vector<16xf32>
        %mul3A_574 = arith.mulf %get3A_573, %broadcast_in_dim3A_564 : vector<16xf32>
        %add3A_575 = arith.addf %select_n3A_569, %mul3A_574 : vector<16xf32>
        %select_n3A_576 = arith.select %eq3A_552, %broadcast_in_dim3A_5, %add3A_528 : vector<16xf32>
        %get3A_577 = arith.index_cast %add3A_568 : i32 to index
        %get3A_578 = arith.constant 16 : index
        %get3A_579 = tpu.vector_load %arg10[%get3A_577, %get3A_578] {strides = array<i32>} : memref<128x64xf32, #tpu.memory_space<vmem>>, vector<1x16xf32>,
        %get3A_580 = vector.shape_cast %get3A_579 : vector<1x16xf32> to vector<16xf32>
        %mul3A_581 = arith.mulf %get3A_580, %broadcast_in_dim3A_564 : vector<16xf32>
        %add3A_582 = arith.addf %select_n3A_576, %mul3A_581 : vector<16xf32>
        %select_n3A_583 = arith.select %eq3A_552, %broadcast_in_dim3A_5, %add3A_535 : vector<16xf32>
        %get3A_584 = arith.index_cast %add3A_568 : i32 to index
        %get3A_585 = arith.constant 32 : index
        %get3A_586 = tpu.vector_load %arg10[%get3A_584, %get3A_585] {strides = array<i32>} : memref<128x64xf32, #tpu.memory_space<vmem>>, vector<1x16xf32>,
        %get3A_587 = vector.shape_cast %get3A_586 : vector<1x16xf32> to vector<16xf32>
        %mul3A_588 = arith.mulf %get3A_587, %broadcast_in_dim3A_564 : vector<16xf32>
        %add3A_589 = arith.addf %select_n3A_583, %mul3A_588 : vector<16xf32>
        %select_n3A_590 = arith.select %eq3A_552, %broadcast_in_dim3A_5, %add3A_542 : vector<16xf32>
        %get3A_591 = arith.index_cast %add3A_568 : i32 to index
        %get3A_592 = arith.constant 48 : index
        %get3A_593 = tpu.vector_load %arg10[%get3A_591, %get3A_592] {strides = array<i32>} : memref<128x64xf32, #tpu.memory_space<vmem>>, vector<1x16xf32>,
        %get3A_594 = vector.shape_cast %get3A_593 : vector<1x16xf32> to vector<16xf32>
        %mul3A_595 = arith.mulf %get3A_594, %broadcast_in_dim3A_564 : vector<16xf32>
        %add3A_596 = arith.addf %select_n3A_590, %mul3A_595 : vector<16xf32>
        %select_n3A_597 = arith.select %eq3A_552, %broadcast_in_dim3A_5, %add3A_544 : vector<16xf32>
        %add3A_598 = arith.addf %select_n3A_597, %broadcast_in_dim3A_564 : vector<16xf32>
        %eq3A_599 = arith.constant 49 : i32
        %eq3A_600 = arith.cmpi eq, %select_n3A_550, %eq3A_599 : i32
        %add3A_601 = arith.constant 1 : i32
        %add3A_602 = arith.addi %select_n3A_550, %add3A_601 : i32
        %jit3A_603 = arith.constant 0 : i32
        %select_n3A_604 = arith.select %eq3A_600, %jit3A_603, %add3A_602 : i32
        %eq3A_605 = arith.constant 0 : i32
        %eq3A_606 = arith.cmpi eq, %select_n3A_604, %eq3A_605 : i32
        %ge3A_607 = arith.constant 0 : i32
        %ge3A_608 = arith.cmpi sge, %select_n3A_561, %ge3A_607 : i32
        %and3A_609 = arith.andi %eq3A_606, %ge3A_608 : i1
        %convert_element_type3A_610 = arith.extui %and3A_609 : i1 to i32
        %cond3A_611 = arith.constant 0 : i32
        %cond3A_612 = arith.cmpi ne, %convert_element_type3A_610, %cond3A_611 : i32
        scf.if %cond3A_612 {
          %swap3A_1067 = arith.index_cast %select_n3A_561 : i32 to index
          %swap3A_1068 = arith.constant 0 : index
          %swap3A_1069 = tpu.vector_load %arg11[%swap3A_1067, %swap3A_1068] {strides = array<i32>} : memref<128x64xf32, #tpu.memory_space<vmem>>, vector<1x16xf32>,
          %swap3A_1070 = vector.shape_cast %swap3A_1069 : vector<1x16xf32> to vector<16xf32>
          %swap3A_1071 = vector.shape_cast %add3A_575 : vector<16xf32> to vector<1x16xf32>
          tpu.vector_store %arg11[%swap3A_1067, %swap3A_1068], %swap3A_1071 {strides = array<i32>} : memref<128x64xf32, #tpu.memory_space<vmem>>, vector<1x16xf32>,
          %swap3A_1072 = arith.index_cast %select_n3A_561 : i32 to index
          %swap3A_1073 = arith.constant 16 : index
          %swap3A_1074 = tpu.vector_load %arg11[%swap3A_1072, %swap3A_1073] {strides = array<i32>} : memref<128x64xf32, #tpu.memory_space<vmem>>, vector<1x16xf32>,
          %swap3A_1075 = vector.shape_cast %swap3A_1074 : vector<1x16xf32> to vector<16xf32>
          %swap3A_1076 = vector.shape_cast %add3A_582 : vector<16xf32> to vector<1x16xf32>
          tpu.vector_store %arg11[%swap3A_1072, %swap3A_1073], %swap3A_1076 {strides = array<i32>} : memref<128x64xf32, #tpu.memory_space<vmem>>, vector<1x16xf32>,
          %swap3A_1077 = arith.index_cast %select_n3A_561 : i32 to index
          %swap3A_1078 = arith.constant 32 : index
          %swap3A_1079 = tpu.vector_load %arg11[%swap3A_1077, %swap3A_1078] {strides = array<i32>} : memref<128x64xf32, #tpu.memory_space<vmem>>, vector<1x16xf32>,
          %swap3A_1080 = vector.shape_cast %swap3A_1079 : vector<1x16xf32> to vector<16xf32>
          %swap3A_1081 = vector.shape_cast %add3A_589 : vector<16xf32> to vector<1x16xf32>
          tpu.vector_store %arg11[%swap3A_1077, %swap3A_1078], %swap3A_1081 {strides = array<i32>} : memref<128x64xf32, #tpu.memory_space<vmem>>, vector<1x16xf32>,
          %swap3A_1082 = arith.index_cast %select_n3A_561 : i32 to index
          %swap3A_1083 = arith.constant 48 : index
          %swap3A_1084 = tpu.vector_load %arg11[%swap3A_1082, %swap3A_1083] {strides = array<i32>} : memref<128x64xf32, #tpu.memory_space<vmem>>, vector<1x16xf32>,
          %swap3A_1085 = vector.shape_cast %swap3A_1084 : vector<1x16xf32> to vector<16xf32>
          %swap3A_1086 = vector.shape_cast %add3A_596 : vector<16xf32> to vector<1x16xf32>
          tpu.vector_store %arg11[%swap3A_1082, %swap3A_1083], %swap3A_1086 {strides = array<i32>} : memref<128x64xf32, #tpu.memory_space<vmem>>, vector<1x16xf32>,
          %swap3A_1087 = arith.index_cast %select_n3A_561 : i32 to index
          %swap3A_1088 = arith.constant 0 : index
          %swap3A_1089 = tpu.vector_load %arg12[%swap3A_1087, %swap3A_1088] {strides = array<i32>} : memref<128x64xf32, #tpu.memory_space<vmem>>, vector<1x16xf32>,
          %swap3A_1090 = vector.shape_cast %swap3A_1089 : vector<1x16xf32> to vector<16xf32>
          %swap3A_1091 = vector.shape_cast %add3A_598 : vector<16xf32> to vector<1x16xf32>
          tpu.vector_store %arg12[%swap3A_1087, %swap3A_1088], %swap3A_1091 {strides = array<i32>} : memref<128x64xf32, #tpu.memory_space<vmem>>, vector<1x16xf32>,
        } else {
        }
        %add3A_613 = arith.constant 1 : i32
        %add3A_614 = arith.addi %select_n3A_561, %add3A_613 : i32
        %select_n3A_615 = arith.select %eq3A_606, %add3A_614, %select_n3A_561 : i32
        %slice3A_616 = vector.extract_strided_slice %get3A_179 {offsets = [8], sizes = [1], strides = [1]} : vector<16xf32> to vector<1xf32>
        %squeeze3A_617 = vector.extract %slice3A_616[0] : f32 from vector<1xf32>
        %broadcast_in_dim3A_618 = vector.broadcast %squeeze3A_617 : f32 to vector<16xf32>
        %mul3A_619 = arith.constant 16 : i32
        %mul3A_620 = arith.muli %scan3A_144, %mul3A_619 : i32
        %add3A_621 = arith.constant 8 : i32
        %add3A_622 = arith.addi %mul3A_620, %add3A_621 : i32
        %select_n3A_623 = arith.select %eq3A_606, %broadcast_in_dim3A_5, %add3A_575 : vector<16xf32>
        %get3A_624 = arith.index_cast %add3A_622 : i32 to index
        %get3A_625 = arith.constant 0 : index
        %get3A_626 = tpu.vector_load %arg10[%get3A_624, %get3A_625] {strides = array<i32>} : memref<128x64xf32, #tpu.memory_space<vmem>>, vector<1x16xf32>,
        %get3A_627 = vector.shape_cast %get3A_626 : vector<1x16xf32> to vector<16xf32>
        %mul3A_628 = arith.mulf %get3A_627, %broadcast_in_dim3A_618 : vector<16xf32>
        %add3A_629 = arith.addf %select_n3A_623, %mul3A_628 : vector<16xf32>
        %select_n3A_630 = arith.select %eq3A_606, %broadcast_in_dim3A_5, %add3A_582 : vector<16xf32>
        %get3A_631 = arith.index_cast %add3A_622 : i32 to index
        %get3A_632 = arith.constant 16 : index
        %get3A_633 = tpu.vector_load %arg10[%get3A_631, %get3A_632] {strides = array<i32>} : memref<128x64xf32, #tpu.memory_space<vmem>>, vector<1x16xf32>,
        %get3A_634 = vector.shape_cast %get3A_633 : vector<1x16xf32> to vector<16xf32>
        %mul3A_635 = arith.mulf %get3A_634, %broadcast_in_dim3A_618 : vector<16xf32>
        %add3A_636 = arith.addf %select_n3A_630, %mul3A_635 : vector<16xf32>
        %select_n3A_637 = arith.select %eq3A_606, %broadcast_in_dim3A_5, %add3A_589 : vector<16xf32>
        %get3A_638 = arith.index_cast %add3A_622 : i32 to index
        %get3A_639 = arith.constant 32 : index
        %get3A_640 = tpu.vector_load %arg10[%get3A_638, %get3A_639] {strides = array<i32>} : memref<128x64xf32, #tpu.memory_space<vmem>>, vector<1x16xf32>,
        %get3A_641 = vector.shape_cast %get3A_640 : vector<1x16xf32> to vector<16xf32>
        %mul3A_642 = arith.mulf %get3A_641, %broadcast_in_dim3A_618 : vector<16xf32>
        %add3A_643 = arith.addf %select_n3A_637, %mul3A_642 : vector<16xf32>
        %select_n3A_644 = arith.select %eq3A_606, %broadcast_in_dim3A_5, %add3A_596 : vector<16xf32>
        %get3A_645 = arith.index_cast %add3A_622 : i32 to index
        %get3A_646 = arith.constant 48 : index
        %get3A_647 = tpu.vector_load %arg10[%get3A_645, %get3A_646] {strides = array<i32>} : memref<128x64xf32, #tpu.memory_space<vmem>>, vector<1x16xf32>,
        %get3A_648 = vector.shape_cast %get3A_647 : vector<1x16xf32> to vector<16xf32>
        %mul3A_649 = arith.mulf %get3A_648, %broadcast_in_dim3A_618 : vector<16xf32>
        %add3A_650 = arith.addf %select_n3A_644, %mul3A_649 : vector<16xf32>
        %select_n3A_651 = arith.select %eq3A_606, %broadcast_in_dim3A_5, %add3A_598 : vector<16xf32>
        %add3A_652 = arith.addf %select_n3A_651, %broadcast_in_dim3A_618 : vector<16xf32>
        %eq3A_653 = arith.constant 49 : i32
        %eq3A_654 = arith.cmpi eq, %select_n3A_604, %eq3A_653 : i32
        %add3A_655 = arith.constant 1 : i32
        %add3A_656 = arith.addi %select_n3A_604, %add3A_655 : i32
        %jit3A_657 = arith.constant 0 : i32
        %select_n3A_658 = arith.select %eq3A_654, %jit3A_657, %add3A_656 : i32
        %eq3A_659 = arith.constant 0 : i32
        %eq3A_660 = arith.cmpi eq, %select_n3A_658, %eq3A_659 : i32
        %ge3A_661 = arith.constant 0 : i32
        %ge3A_662 = arith.cmpi sge, %select_n3A_615, %ge3A_661 : i32
        %and3A_663 = arith.andi %eq3A_660, %ge3A_662 : i1
        %convert_element_type3A_664 = arith.extui %and3A_663 : i1 to i32
        %cond3A_665 = arith.constant 0 : i32
        %cond3A_666 = arith.cmpi ne, %convert_element_type3A_664, %cond3A_665 : i32
        scf.if %cond3A_666 {
          %swap3A_1067 = arith.index_cast %select_n3A_615 : i32 to index
          %swap3A_1068 = arith.constant 0 : index
          %swap3A_1069 = tpu.vector_load %arg11[%swap3A_1067, %swap3A_1068] {strides = array<i32>} : memref<128x64xf32, #tpu.memory_space<vmem>>, vector<1x16xf32>,
          %swap3A_1070 = vector.shape_cast %swap3A_1069 : vector<1x16xf32> to vector<16xf32>
          %swap3A_1071 = vector.shape_cast %add3A_629 : vector<16xf32> to vector<1x16xf32>
          tpu.vector_store %arg11[%swap3A_1067, %swap3A_1068], %swap3A_1071 {strides = array<i32>} : memref<128x64xf32, #tpu.memory_space<vmem>>, vector<1x16xf32>,
          %swap3A_1072 = arith.index_cast %select_n3A_615 : i32 to index
          %swap3A_1073 = arith.constant 16 : index
          %swap3A_1074 = tpu.vector_load %arg11[%swap3A_1072, %swap3A_1073] {strides = array<i32>} : memref<128x64xf32, #tpu.memory_space<vmem>>, vector<1x16xf32>,
          %swap3A_1075 = vector.shape_cast %swap3A_1074 : vector<1x16xf32> to vector<16xf32>
          %swap3A_1076 = vector.shape_cast %add3A_636 : vector<16xf32> to vector<1x16xf32>
          tpu.vector_store %arg11[%swap3A_1072, %swap3A_1073], %swap3A_1076 {strides = array<i32>} : memref<128x64xf32, #tpu.memory_space<vmem>>, vector<1x16xf32>,
          %swap3A_1077 = arith.index_cast %select_n3A_615 : i32 to index
          %swap3A_1078 = arith.constant 32 : index
          %swap3A_1079 = tpu.vector_load %arg11[%swap3A_1077, %swap3A_1078] {strides = array<i32>} : memref<128x64xf32, #tpu.memory_space<vmem>>, vector<1x16xf32>,
          %swap3A_1080 = vector.shape_cast %swap3A_1079 : vector<1x16xf32> to vector<16xf32>
          %swap3A_1081 = vector.shape_cast %add3A_643 : vector<16xf32> to vector<1x16xf32>
          tpu.vector_store %arg11[%swap3A_1077, %swap3A_1078], %swap3A_1081 {strides = array<i32>} : memref<128x64xf32, #tpu.memory_space<vmem>>, vector<1x16xf32>,
          %swap3A_1082 = arith.index_cast %select_n3A_615 : i32 to index
          %swap3A_1083 = arith.constant 48 : index
          %swap3A_1084 = tpu.vector_load %arg11[%swap3A_1082, %swap3A_1083] {strides = array<i32>} : memref<128x64xf32, #tpu.memory_space<vmem>>, vector<1x16xf32>,
          %swap3A_1085 = vector.shape_cast %swap3A_1084 : vector<1x16xf32> to vector<16xf32>
          %swap3A_1086 = vector.shape_cast %add3A_650 : vector<16xf32> to vector<1x16xf32>
          tpu.vector_store %arg11[%swap3A_1082, %swap3A_1083], %swap3A_1086 {strides = array<i32>} : memref<128x64xf32, #tpu.memory_space<vmem>>, vector<1x16xf32>,
          %swap3A_1087 = arith.index_cast %select_n3A_615 : i32 to index
          %swap3A_1088 = arith.constant 0 : index
          %swap3A_1089 = tpu.vector_load %arg12[%swap3A_1087, %swap3A_1088] {strides = array<i32>} : memref<128x64xf32, #tpu.memory_space<vmem>>, vector<1x16xf32>,
          %swap3A_1090 = vector.shape_cast %swap3A_1089 : vector<1x16xf32> to vector<16xf32>
          %swap3A_1091 = vector.shape_cast %add3A_652 : vector<16xf32> to vector<1x16xf32>
          tpu.vector_store %arg12[%swap3A_1087, %swap3A_1088], %swap3A_1091 {strides = array<i32>} : memref<128x64xf32, #tpu.memory_space<vmem>>, vector<1x16xf32>,
        } else {
        }
        %add3A_667 = arith.constant 1 : i32
        %add3A_668 = arith.addi %select_n3A_615, %add3A_667 : i32
        %select_n3A_669 = arith.select %eq3A_660, %add3A_668, %select_n3A_615 : i32
        %slice3A_670 = vector.extract_strided_slice %get3A_179 {offsets = [9], sizes = [1], strides = [1]} : vector<16xf32> to vector<1xf32>
        %squeeze3A_671 = vector.extract %slice3A_670[0] : f32 from vector<1xf32>
        %broadcast_in_dim3A_672 = vector.broadcast %squeeze3A_671 : f32 to vector<16xf32>
        %mul3A_673 = arith.constant 16 : i32
        %mul3A_674 = arith.muli %scan3A_144, %mul3A_673 : i32
        %add3A_675 = arith.constant 9 : i32
        %add3A_676 = arith.addi %mul3A_674, %add3A_675 : i32
        %select_n3A_677 = arith.select %eq3A_660, %broadcast_in_dim3A_5, %add3A_629 : vector<16xf32>
        %get3A_678 = arith.index_cast %add3A_676 : i32 to index
        %get3A_679 = arith.constant 0 : index
        %get3A_680 = tpu.vector_load %arg10[%get3A_678, %get3A_679] {strides = array<i32>} : memref<128x64xf32, #tpu.memory_space<vmem>>, vector<1x16xf32>,
        %get3A_681 = vector.shape_cast %get3A_680 : vector<1x16xf32> to vector<16xf32>
        %mul3A_682 = arith.mulf %get3A_681, %broadcast_in_dim3A_672 : vector<16xf32>
        %add3A_683 = arith.addf %select_n3A_677, %mul3A_682 : vector<16xf32>
        %select_n3A_684 = arith.select %eq3A_660, %broadcast_in_dim3A_5, %add3A_636 : vector<16xf32>
        %get3A_685 = arith.index_cast %add3A_676 : i32 to index
        %get3A_686 = arith.constant 16 : index
        %get3A_687 = tpu.vector_load %arg10[%get3A_685, %get3A_686] {strides = array<i32>} : memref<128x64xf32, #tpu.memory_space<vmem>>, vector<1x16xf32>,
        %get3A_688 = vector.shape_cast %get3A_687 : vector<1x16xf32> to vector<16xf32>
        %mul3A_689 = arith.mulf %get3A_688, %broadcast_in_dim3A_672 : vector<16xf32>
        %add3A_690 = arith.addf %select_n3A_684, %mul3A_689 : vector<16xf32>
        %select_n3A_691 = arith.select %eq3A_660, %broadcast_in_dim3A_5, %add3A_643 : vector<16xf32>
        %get3A_692 = arith.index_cast %add3A_676 : i32 to index
        %get3A_693 = arith.constant 32 : index
        %get3A_694 = tpu.vector_load %arg10[%get3A_692, %get3A_693] {strides = array<i32>} : memref<128x64xf32, #tpu.memory_space<vmem>>, vector<1x16xf32>,
        %get3A_695 = vector.shape_cast %get3A_694 : vector<1x16xf32> to vector<16xf32>
        %mul3A_696 = arith.mulf %get3A_695, %broadcast_in_dim3A_672 : vector<16xf32>
        %add3A_697 = arith.addf %select_n3A_691, %mul3A_696 : vector<16xf32>
        %select_n3A_698 = arith.select %eq3A_660, %broadcast_in_dim3A_5, %add3A_650 : vector<16xf32>
        %get3A_699 = arith.index_cast %add3A_676 : i32 to index
        %get3A_700 = arith.constant 48 : index
        %get3A_701 = tpu.vector_load %arg10[%get3A_699, %get3A_700] {strides = array<i32>} : memref<128x64xf32, #tpu.memory_space<vmem>>, vector<1x16xf32>,
        %get3A_702 = vector.shape_cast %get3A_701 : vector<1x16xf32> to vector<16xf32>
        %mul3A_703 = arith.mulf %get3A_702, %broadcast_in_dim3A_672 : vector<16xf32>
        %add3A_704 = arith.addf %select_n3A_698, %mul3A_703 : vector<16xf32>
        %select_n3A_705 = arith.select %eq3A_660, %broadcast_in_dim3A_5, %add3A_652 : vector<16xf32>
        %add3A_706 = arith.addf %select_n3A_705, %broadcast_in_dim3A_672 : vector<16xf32>
        %eq3A_707 = arith.constant 49 : i32
        %eq3A_708 = arith.cmpi eq, %select_n3A_658, %eq3A_707 : i32
        %add3A_709 = arith.constant 1 : i32
        %add3A_710 = arith.addi %select_n3A_658, %add3A_709 : i32
        %jit3A_711 = arith.constant 0 : i32
        %select_n3A_712 = arith.select %eq3A_708, %jit3A_711, %add3A_710 : i32
        %eq3A_713 = arith.constant 0 : i32
        %eq3A_714 = arith.cmpi eq, %select_n3A_712, %eq3A_713 : i32
        %ge3A_715 = arith.constant 0 : i32
        %ge3A_716 = arith.cmpi sge, %select_n3A_669, %ge3A_715 : i32
        %and3A_717 = arith.andi %eq3A_714, %ge3A_716 : i1
        %convert_element_type3A_718 = arith.extui %and3A_717 : i1 to i32
        %cond3A_719 = arith.constant 0 : i32
        %cond3A_720 = arith.cmpi ne, %convert_element_type3A_718, %cond3A_719 : i32
        scf.if %cond3A_720 {
          %swap3A_1067 = arith.index_cast %select_n3A_669 : i32 to index
          %swap3A_1068 = arith.constant 0 : index
          %swap3A_1069 = tpu.vector_load %arg11[%swap3A_1067, %swap3A_1068] {strides = array<i32>} : memref<128x64xf32, #tpu.memory_space<vmem>>, vector<1x16xf32>,
          %swap3A_1070 = vector.shape_cast %swap3A_1069 : vector<1x16xf32> to vector<16xf32>
          %swap3A_1071 = vector.shape_cast %add3A_683 : vector<16xf32> to vector<1x16xf32>
          tpu.vector_store %arg11[%swap3A_1067, %swap3A_1068], %swap3A_1071 {strides = array<i32>} : memref<128x64xf32, #tpu.memory_space<vmem>>, vector<1x16xf32>,
          %swap3A_1072 = arith.index_cast %select_n3A_669 : i32 to index
          %swap3A_1073 = arith.constant 16 : index
          %swap3A_1074 = tpu.vector_load %arg11[%swap3A_1072, %swap3A_1073] {strides = array<i32>} : memref<128x64xf32, #tpu.memory_space<vmem>>, vector<1x16xf32>,
          %swap3A_1075 = vector.shape_cast %swap3A_1074 : vector<1x16xf32> to vector<16xf32>
          %swap3A_1076 = vector.shape_cast %add3A_690 : vector<16xf32> to vector<1x16xf32>
          tpu.vector_store %arg11[%swap3A_1072, %swap3A_1073], %swap3A_1076 {strides = array<i32>} : memref<128x64xf32, #tpu.memory_space<vmem>>, vector<1x16xf32>,
          %swap3A_1077 = arith.index_cast %select_n3A_669 : i32 to index
          %swap3A_1078 = arith.constant 32 : index
          %swap3A_1079 = tpu.vector_load %arg11[%swap3A_1077, %swap3A_1078] {strides = array<i32>} : memref<128x64xf32, #tpu.memory_space<vmem>>, vector<1x16xf32>,
          %swap3A_1080 = vector.shape_cast %swap3A_1079 : vector<1x16xf32> to vector<16xf32>
          %swap3A_1081 = vector.shape_cast %add3A_697 : vector<16xf32> to vector<1x16xf32>
          tpu.vector_store %arg11[%swap3A_1077, %swap3A_1078], %swap3A_1081 {strides = array<i32>} : memref<128x64xf32, #tpu.memory_space<vmem>>, vector<1x16xf32>,
          %swap3A_1082 = arith.index_cast %select_n3A_669 : i32 to index
          %swap3A_1083 = arith.constant 48 : index
          %swap3A_1084 = tpu.vector_load %arg11[%swap3A_1082, %swap3A_1083] {strides = array<i32>} : memref<128x64xf32, #tpu.memory_space<vmem>>, vector<1x16xf32>,
          %swap3A_1085 = vector.shape_cast %swap3A_1084 : vector<1x16xf32> to vector<16xf32>
          %swap3A_1086 = vector.shape_cast %add3A_704 : vector<16xf32> to vector<1x16xf32>
          tpu.vector_store %arg11[%swap3A_1082, %swap3A_1083], %swap3A_1086 {strides = array<i32>} : memref<128x64xf32, #tpu.memory_space<vmem>>, vector<1x16xf32>,
          %swap3A_1087 = arith.index_cast %select_n3A_669 : i32 to index
          %swap3A_1088 = arith.constant 0 : index
          %swap3A_1089 = tpu.vector_load %arg12[%swap3A_1087, %swap3A_1088] {strides = array<i32>} : memref<128x64xf32, #tpu.memory_space<vmem>>, vector<1x16xf32>,
          %swap3A_1090 = vector.shape_cast %swap3A_1089 : vector<1x16xf32> to vector<16xf32>
          %swap3A_1091 = vector.shape_cast %add3A_706 : vector<16xf32> to vector<1x16xf32>
          tpu.vector_store %arg12[%swap3A_1087, %swap3A_1088], %swap3A_1091 {strides = array<i32>} : memref<128x64xf32, #tpu.memory_space<vmem>>, vector<1x16xf32>,
        } else {
        }
        %add3A_721 = arith.constant 1 : i32
        %add3A_722 = arith.addi %select_n3A_669, %add3A_721 : i32
        %select_n3A_723 = arith.select %eq3A_714, %add3A_722, %select_n3A_669 : i32
        %slice3A_724 = vector.extract_strided_slice %get3A_179 {offsets = [10], sizes = [1], strides = [1]} : vector<16xf32> to vector<1xf32>
        %squeeze3A_725 = vector.extract %slice3A_724[0] : f32 from vector<1xf32>
        %broadcast_in_dim3A_726 = vector.broadcast %squeeze3A_725 : f32 to vector<16xf32>
        %mul3A_727 = arith.constant 16 : i32
        %mul3A_728 = arith.muli %scan3A_144, %mul3A_727 : i32
        %add3A_729 = arith.constant 10 : i32
        %add3A_730 = arith.addi %mul3A_728, %add3A_729 : i32
        %select_n3A_731 = arith.select %eq3A_714, %broadcast_in_dim3A_5, %add3A_683 : vector<16xf32>
        %get3A_732 = arith.index_cast %add3A_730 : i32 to index
        %get3A_733 = arith.constant 0 : index
        %get3A_734 = tpu.vector_load %arg10[%get3A_732, %get3A_733] {strides = array<i32>} : memref<128x64xf32, #tpu.memory_space<vmem>>, vector<1x16xf32>,
        %get3A_735 = vector.shape_cast %get3A_734 : vector<1x16xf32> to vector<16xf32>
        %mul3A_736 = arith.mulf %get3A_735, %broadcast_in_dim3A_726 : vector<16xf32>
        %add3A_737 = arith.addf %select_n3A_731, %mul3A_736 : vector<16xf32>
        %select_n3A_738 = arith.select %eq3A_714, %broadcast_in_dim3A_5, %add3A_690 : vector<16xf32>
        %get3A_739 = arith.index_cast %add3A_730 : i32 to index
        %get3A_740 = arith.constant 16 : index
        %get3A_741 = tpu.vector_load %arg10[%get3A_739, %get3A_740] {strides = array<i32>} : memref<128x64xf32, #tpu.memory_space<vmem>>, vector<1x16xf32>,
        %get3A_742 = vector.shape_cast %get3A_741 : vector<1x16xf32> to vector<16xf32>
        %mul3A_743 = arith.mulf %get3A_742, %broadcast_in_dim3A_726 : vector<16xf32>
        %add3A_744 = arith.addf %select_n3A_738, %mul3A_743 : vector<16xf32>
        %select_n3A_745 = arith.select %eq3A_714, %broadcast_in_dim3A_5, %add3A_697 : vector<16xf32>
        %get3A_746 = arith.index_cast %add3A_730 : i32 to index
        %get3A_747 = arith.constant 32 : index
        %get3A_748 = tpu.vector_load %arg10[%get3A_746, %get3A_747] {strides = array<i32>} : memref<128x64xf32, #tpu.memory_space<vmem>>, vector<1x16xf32>,
        %get3A_749 = vector.shape_cast %get3A_748 : vector<1x16xf32> to vector<16xf32>
        %mul3A_750 = arith.mulf %get3A_749, %broadcast_in_dim3A_726 : vector<16xf32>
        %add3A_751 = arith.addf %select_n3A_745, %mul3A_750 : vector<16xf32>
        %select_n3A_752 = arith.select %eq3A_714, %broadcast_in_dim3A_5, %add3A_704 : vector<16xf32>
        %get3A_753 = arith.index_cast %add3A_730 : i32 to index
        %get3A_754 = arith.constant 48 : index
        %get3A_755 = tpu.vector_load %arg10[%get3A_753, %get3A_754] {strides = array<i32>} : memref<128x64xf32, #tpu.memory_space<vmem>>, vector<1x16xf32>,
        %get3A_756 = vector.shape_cast %get3A_755 : vector<1x16xf32> to vector<16xf32>
        %mul3A_757 = arith.mulf %get3A_756, %broadcast_in_dim3A_726 : vector<16xf32>
        %add3A_758 = arith.addf %select_n3A_752, %mul3A_757 : vector<16xf32>
        %select_n3A_759 = arith.select %eq3A_714, %broadcast_in_dim3A_5, %add3A_706 : vector<16xf32>
        %add3A_760 = arith.addf %select_n3A_759, %broadcast_in_dim3A_726 : vector<16xf32>
        %eq3A_761 = arith.constant 49 : i32
        %eq3A_762 = arith.cmpi eq, %select_n3A_712, %eq3A_761 : i32
        %add3A_763 = arith.constant 1 : i32
        %add3A_764 = arith.addi %select_n3A_712, %add3A_763 : i32
        %jit3A_765 = arith.constant 0 : i32
        %select_n3A_766 = arith.select %eq3A_762, %jit3A_765, %add3A_764 : i32
        %eq3A_767 = arith.constant 0 : i32
        %eq3A_768 = arith.cmpi eq, %select_n3A_766, %eq3A_767 : i32
        %ge3A_769 = arith.constant 0 : i32
        %ge3A_770 = arith.cmpi sge, %select_n3A_723, %ge3A_769 : i32
        %and3A_771 = arith.andi %eq3A_768, %ge3A_770 : i1
        %convert_element_type3A_772 = arith.extui %and3A_771 : i1 to i32
        %cond3A_773 = arith.constant 0 : i32
        %cond3A_774 = arith.cmpi ne, %convert_element_type3A_772, %cond3A_773 : i32
        scf.if %cond3A_774 {
          %swap3A_1067 = arith.index_cast %select_n3A_723 : i32 to index
          %swap3A_1068 = arith.constant 0 : index
          %swap3A_1069 = tpu.vector_load %arg11[%swap3A_1067, %swap3A_1068] {strides = array<i32>} : memref<128x64xf32, #tpu.memory_space<vmem>>, vector<1x16xf32>,
          %swap3A_1070 = vector.shape_cast %swap3A_1069 : vector<1x16xf32> to vector<16xf32>
          %swap3A_1071 = vector.shape_cast %add3A_737 : vector<16xf32> to vector<1x16xf32>
          tpu.vector_store %arg11[%swap3A_1067, %swap3A_1068], %swap3A_1071 {strides = array<i32>} : memref<128x64xf32, #tpu.memory_space<vmem>>, vector<1x16xf32>,
          %swap3A_1072 = arith.index_cast %select_n3A_723 : i32 to index
          %swap3A_1073 = arith.constant 16 : index
          %swap3A_1074 = tpu.vector_load %arg11[%swap3A_1072, %swap3A_1073] {strides = array<i32>} : memref<128x64xf32, #tpu.memory_space<vmem>>, vector<1x16xf32>,
          %swap3A_1075 = vector.shape_cast %swap3A_1074 : vector<1x16xf32> to vector<16xf32>
          %swap3A_1076 = vector.shape_cast %add3A_744 : vector<16xf32> to vector<1x16xf32>
          tpu.vector_store %arg11[%swap3A_1072, %swap3A_1073], %swap3A_1076 {strides = array<i32>} : memref<128x64xf32, #tpu.memory_space<vmem>>, vector<1x16xf32>,
          %swap3A_1077 = arith.index_cast %select_n3A_723 : i32 to index
          %swap3A_1078 = arith.constant 32 : index
          %swap3A_1079 = tpu.vector_load %arg11[%swap3A_1077, %swap3A_1078] {strides = array<i32>} : memref<128x64xf32, #tpu.memory_space<vmem>>, vector<1x16xf32>,
          %swap3A_1080 = vector.shape_cast %swap3A_1079 : vector<1x16xf32> to vector<16xf32>
          %swap3A_1081 = vector.shape_cast %add3A_751 : vector<16xf32> to vector<1x16xf32>
          tpu.vector_store %arg11[%swap3A_1077, %swap3A_1078], %swap3A_1081 {strides = array<i32>} : memref<128x64xf32, #tpu.memory_space<vmem>>, vector<1x16xf32>,
          %swap3A_1082 = arith.index_cast %select_n3A_723 : i32 to index
          %swap3A_1083 = arith.constant 48 : index
          %swap3A_1084 = tpu.vector_load %arg11[%swap3A_1082, %swap3A_1083] {strides = array<i32>} : memref<128x64xf32, #tpu.memory_space<vmem>>, vector<1x16xf32>,
          %swap3A_1085 = vector.shape_cast %swap3A_1084 : vector<1x16xf32> to vector<16xf32>
          %swap3A_1086 = vector.shape_cast %add3A_758 : vector<16xf32> to vector<1x16xf32>
          tpu.vector_store %arg11[%swap3A_1082, %swap3A_1083], %swap3A_1086 {strides = array<i32>} : memref<128x64xf32, #tpu.memory_space<vmem>>, vector<1x16xf32>,
          %swap3A_1087 = arith.index_cast %select_n3A_723 : i32 to index
          %swap3A_1088 = arith.constant 0 : index
          %swap3A_1089 = tpu.vector_load %arg12[%swap3A_1087, %swap3A_1088] {strides = array<i32>} : memref<128x64xf32, #tpu.memory_space<vmem>>, vector<1x16xf32>,
          %swap3A_1090 = vector.shape_cast %swap3A_1089 : vector<1x16xf32> to vector<16xf32>
          %swap3A_1091 = vector.shape_cast %add3A_760 : vector<16xf32> to vector<1x16xf32>
          tpu.vector_store %arg12[%swap3A_1087, %swap3A_1088], %swap3A_1091 {strides = array<i32>} : memref<128x64xf32, #tpu.memory_space<vmem>>, vector<1x16xf32>,
        } else {
        }
        %add3A_775 = arith.constant 1 : i32
        %add3A_776 = arith.addi %select_n3A_723, %add3A_775 : i32
        %select_n3A_777 = arith.select %eq3A_768, %add3A_776, %select_n3A_723 : i32
        %slice3A_778 = vector.extract_strided_slice %get3A_179 {offsets = [11], sizes = [1], strides = [1]} : vector<16xf32> to vector<1xf32>
        %squeeze3A_779 = vector.extract %slice3A_778[0] : f32 from vector<1xf32>
        %broadcast_in_dim3A_780 = vector.broadcast %squeeze3A_779 : f32 to vector<16xf32>
        %mul3A_781 = arith.constant 16 : i32
        %mul3A_782 = arith.muli %scan3A_144, %mul3A_781 : i32
        %add3A_783 = arith.constant 11 : i32
        %add3A_784 = arith.addi %mul3A_782, %add3A_783 : i32
        %select_n3A_785 = arith.select %eq3A_768, %broadcast_in_dim3A_5, %add3A_737 : vector<16xf32>
        %get3A_786 = arith.index_cast %add3A_784 : i32 to index
        %get3A_787 = arith.constant 0 : index
        %get3A_788 = tpu.vector_load %arg10[%get3A_786, %get3A_787] {strides = array<i32>} : memref<128x64xf32, #tpu.memory_space<vmem>>, vector<1x16xf32>,
        %get3A_789 = vector.shape_cast %get3A_788 : vector<1x16xf32> to vector<16xf32>
        %mul3A_790 = arith.mulf %get3A_789, %broadcast_in_dim3A_780 : vector<16xf32>
        %add3A_791 = arith.addf %select_n3A_785, %mul3A_790 : vector<16xf32>
        %select_n3A_792 = arith.select %eq3A_768, %broadcast_in_dim3A_5, %add3A_744 : vector<16xf32>
        %get3A_793 = arith.index_cast %add3A_784 : i32 to index
        %get3A_794 = arith.constant 16 : index
        %get3A_795 = tpu.vector_load %arg10[%get3A_793, %get3A_794] {strides = array<i32>} : memref<128x64xf32, #tpu.memory_space<vmem>>, vector<1x16xf32>,
        %get3A_796 = vector.shape_cast %get3A_795 : vector<1x16xf32> to vector<16xf32>
        %mul3A_797 = arith.mulf %get3A_796, %broadcast_in_dim3A_780 : vector<16xf32>
        %add3A_798 = arith.addf %select_n3A_792, %mul3A_797 : vector<16xf32>
        %select_n3A_799 = arith.select %eq3A_768, %broadcast_in_dim3A_5, %add3A_751 : vector<16xf32>
        %get3A_800 = arith.index_cast %add3A_784 : i32 to index
        %get3A_801 = arith.constant 32 : index
        %get3A_802 = tpu.vector_load %arg10[%get3A_800, %get3A_801] {strides = array<i32>} : memref<128x64xf32, #tpu.memory_space<vmem>>, vector<1x16xf32>,
        %get3A_803 = vector.shape_cast %get3A_802 : vector<1x16xf32> to vector<16xf32>
        %mul3A_804 = arith.mulf %get3A_803, %broadcast_in_dim3A_780 : vector<16xf32>
        %add3A_805 = arith.addf %select_n3A_799, %mul3A_804 : vector<16xf32>
        %select_n3A_806 = arith.select %eq3A_768, %broadcast_in_dim3A_5, %add3A_758 : vector<16xf32>
        %get3A_807 = arith.index_cast %add3A_784 : i32 to index
        %get3A_808 = arith.constant 48 : index
        %get3A_809 = tpu.vector_load %arg10[%get3A_807, %get3A_808] {strides = array<i32>} : memref<128x64xf32, #tpu.memory_space<vmem>>, vector<1x16xf32>,
        %get3A_810 = vector.shape_cast %get3A_809 : vector<1x16xf32> to vector<16xf32>
        %mul3A_811 = arith.mulf %get3A_810, %broadcast_in_dim3A_780 : vector<16xf32>
        %add3A_812 = arith.addf %select_n3A_806, %mul3A_811 : vector<16xf32>
        %select_n3A_813 = arith.select %eq3A_768, %broadcast_in_dim3A_5, %add3A_760 : vector<16xf32>
        %add3A_814 = arith.addf %select_n3A_813, %broadcast_in_dim3A_780 : vector<16xf32>
        %eq3A_815 = arith.constant 49 : i32
        %eq3A_816 = arith.cmpi eq, %select_n3A_766, %eq3A_815 : i32
        %add3A_817 = arith.constant 1 : i32
        %add3A_818 = arith.addi %select_n3A_766, %add3A_817 : i32
        %jit3A_819 = arith.constant 0 : i32
        %select_n3A_820 = arith.select %eq3A_816, %jit3A_819, %add3A_818 : i32
        %eq3A_821 = arith.constant 0 : i32
        %eq3A_822 = arith.cmpi eq, %select_n3A_820, %eq3A_821 : i32
        %ge3A_823 = arith.constant 0 : i32
        %ge3A_824 = arith.cmpi sge, %select_n3A_777, %ge3A_823 : i32
        %and3A_825 = arith.andi %eq3A_822, %ge3A_824 : i1
        %convert_element_type3A_826 = arith.extui %and3A_825 : i1 to i32
        %cond3A_827 = arith.constant 0 : i32
        %cond3A_828 = arith.cmpi ne, %convert_element_type3A_826, %cond3A_827 : i32
        scf.if %cond3A_828 {
          %swap3A_1067 = arith.index_cast %select_n3A_777 : i32 to index
          %swap3A_1068 = arith.constant 0 : index
          %swap3A_1069 = tpu.vector_load %arg11[%swap3A_1067, %swap3A_1068] {strides = array<i32>} : memref<128x64xf32, #tpu.memory_space<vmem>>, vector<1x16xf32>,
          %swap3A_1070 = vector.shape_cast %swap3A_1069 : vector<1x16xf32> to vector<16xf32>
          %swap3A_1071 = vector.shape_cast %add3A_791 : vector<16xf32> to vector<1x16xf32>
          tpu.vector_store %arg11[%swap3A_1067, %swap3A_1068], %swap3A_1071 {strides = array<i32>} : memref<128x64xf32, #tpu.memory_space<vmem>>, vector<1x16xf32>,
          %swap3A_1072 = arith.index_cast %select_n3A_777 : i32 to index
          %swap3A_1073 = arith.constant 16 : index
          %swap3A_1074 = tpu.vector_load %arg11[%swap3A_1072, %swap3A_1073] {strides = array<i32>} : memref<128x64xf32, #tpu.memory_space<vmem>>, vector<1x16xf32>,
          %swap3A_1075 = vector.shape_cast %swap3A_1074 : vector<1x16xf32> to vector<16xf32>
          %swap3A_1076 = vector.shape_cast %add3A_798 : vector<16xf32> to vector<1x16xf32>
          tpu.vector_store %arg11[%swap3A_1072, %swap3A_1073], %swap3A_1076 {strides = array<i32>} : memref<128x64xf32, #tpu.memory_space<vmem>>, vector<1x16xf32>,
          %swap3A_1077 = arith.index_cast %select_n3A_777 : i32 to index
          %swap3A_1078 = arith.constant 32 : index
          %swap3A_1079 = tpu.vector_load %arg11[%swap3A_1077, %swap3A_1078] {strides = array<i32>} : memref<128x64xf32, #tpu.memory_space<vmem>>, vector<1x16xf32>,
          %swap3A_1080 = vector.shape_cast %swap3A_1079 : vector<1x16xf32> to vector<16xf32>
          %swap3A_1081 = vector.shape_cast %add3A_805 : vector<16xf32> to vector<1x16xf32>
          tpu.vector_store %arg11[%swap3A_1077, %swap3A_1078], %swap3A_1081 {strides = array<i32>} : memref<128x64xf32, #tpu.memory_space<vmem>>, vector<1x16xf32>,
          %swap3A_1082 = arith.index_cast %select_n3A_777 : i32 to index
          %swap3A_1083 = arith.constant 48 : index
          %swap3A_1084 = tpu.vector_load %arg11[%swap3A_1082, %swap3A_1083] {strides = array<i32>} : memref<128x64xf32, #tpu.memory_space<vmem>>, vector<1x16xf32>,
          %swap3A_1085 = vector.shape_cast %swap3A_1084 : vector<1x16xf32> to vector<16xf32>
          %swap3A_1086 = vector.shape_cast %add3A_812 : vector<16xf32> to vector<1x16xf32>
          tpu.vector_store %arg11[%swap3A_1082, %swap3A_1083], %swap3A_1086 {strides = array<i32>} : memref<128x64xf32, #tpu.memory_space<vmem>>, vector<1x16xf32>,
          %swap3A_1087 = arith.index_cast %select_n3A_777 : i32 to index
          %swap3A_1088 = arith.constant 0 : index
          %swap3A_1089 = tpu.vector_load %arg12[%swap3A_1087, %swap3A_1088] {strides = array<i32>} : memref<128x64xf32, #tpu.memory_space<vmem>>, vector<1x16xf32>,
          %swap3A_1090 = vector.shape_cast %swap3A_1089 : vector<1x16xf32> to vector<16xf32>
          %swap3A_1091 = vector.shape_cast %add3A_814 : vector<16xf32> to vector<1x16xf32>
          tpu.vector_store %arg12[%swap3A_1087, %swap3A_1088], %swap3A_1091 {strides = array<i32>} : memref<128x64xf32, #tpu.memory_space<vmem>>, vector<1x16xf32>,
        } else {
        }
        %add3A_829 = arith.constant 1 : i32
        %add3A_830 = arith.addi %select_n3A_777, %add3A_829 : i32
        %select_n3A_831 = arith.select %eq3A_822, %add3A_830, %select_n3A_777 : i32
        %slice3A_832 = vector.extract_strided_slice %get3A_179 {offsets = [12], sizes = [1], strides = [1]} : vector<16xf32> to vector<1xf32>
        %squeeze3A_833 = vector.extract %slice3A_832[0] : f32 from vector<1xf32>
        %broadcast_in_dim3A_834 = vector.broadcast %squeeze3A_833 : f32 to vector<16xf32>
        %mul3A_835 = arith.constant 16 : i32
        %mul3A_836 = arith.muli %scan3A_144, %mul3A_835 : i32
        %add3A_837 = arith.constant 12 : i32
        %add3A_838 = arith.addi %mul3A_836, %add3A_837 : i32
        %select_n3A_839 = arith.select %eq3A_822, %broadcast_in_dim3A_5, %add3A_791 : vector<16xf32>
        %get3A_840 = arith.index_cast %add3A_838 : i32 to index
        %get3A_841 = arith.constant 0 : index
        %get3A_842 = tpu.vector_load %arg10[%get3A_840, %get3A_841] {strides = array<i32>} : memref<128x64xf32, #tpu.memory_space<vmem>>, vector<1x16xf32>,
        %get3A_843 = vector.shape_cast %get3A_842 : vector<1x16xf32> to vector<16xf32>
        %mul3A_844 = arith.mulf %get3A_843, %broadcast_in_dim3A_834 : vector<16xf32>
        %add3A_845 = arith.addf %select_n3A_839, %mul3A_844 : vector<16xf32>
        %select_n3A_846 = arith.select %eq3A_822, %broadcast_in_dim3A_5, %add3A_798 : vector<16xf32>
        %get3A_847 = arith.index_cast %add3A_838 : i32 to index
        %get3A_848 = arith.constant 16 : index
        %get3A_849 = tpu.vector_load %arg10[%get3A_847, %get3A_848] {strides = array<i32>} : memref<128x64xf32, #tpu.memory_space<vmem>>, vector<1x16xf32>,
        %get3A_850 = vector.shape_cast %get3A_849 : vector<1x16xf32> to vector<16xf32>
        %mul3A_851 = arith.mulf %get3A_850, %broadcast_in_dim3A_834 : vector<16xf32>
        %add3A_852 = arith.addf %select_n3A_846, %mul3A_851 : vector<16xf32>
        %select_n3A_853 = arith.select %eq3A_822, %broadcast_in_dim3A_5, %add3A_805 : vector<16xf32>
        %get3A_854 = arith.index_cast %add3A_838 : i32 to index
        %get3A_855 = arith.constant 32 : index
        %get3A_856 = tpu.vector_load %arg10[%get3A_854, %get3A_855] {strides = array<i32>} : memref<128x64xf32, #tpu.memory_space<vmem>>, vector<1x16xf32>,
        %get3A_857 = vector.shape_cast %get3A_856 : vector<1x16xf32> to vector<16xf32>
        %mul3A_858 = arith.mulf %get3A_857, %broadcast_in_dim3A_834 : vector<16xf32>
        %add3A_859 = arith.addf %select_n3A_853, %mul3A_858 : vector<16xf32>
        %select_n3A_860 = arith.select %eq3A_822, %broadcast_in_dim3A_5, %add3A_812 : vector<16xf32>
        %get3A_861 = arith.index_cast %add3A_838 : i32 to index
        %get3A_862 = arith.constant 48 : index
        %get3A_863 = tpu.vector_load %arg10[%get3A_861, %get3A_862] {strides = array<i32>} : memref<128x64xf32, #tpu.memory_space<vmem>>, vector<1x16xf32>,
        %get3A_864 = vector.shape_cast %get3A_863 : vector<1x16xf32> to vector<16xf32>
        %mul3A_865 = arith.mulf %get3A_864, %broadcast_in_dim3A_834 : vector<16xf32>
        %add3A_866 = arith.addf %select_n3A_860, %mul3A_865 : vector<16xf32>
        %select_n3A_867 = arith.select %eq3A_822, %broadcast_in_dim3A_5, %add3A_814 : vector<16xf32>
        %add3A_868 = arith.addf %select_n3A_867, %broadcast_in_dim3A_834 : vector<16xf32>
        %eq3A_869 = arith.constant 49 : i32
        %eq3A_870 = arith.cmpi eq, %select_n3A_820, %eq3A_869 : i32
        %add3A_871 = arith.constant 1 : i32
        %add3A_872 = arith.addi %select_n3A_820, %add3A_871 : i32
        %jit3A_873 = arith.constant 0 : i32
        %select_n3A_874 = arith.select %eq3A_870, %jit3A_873, %add3A_872 : i32
        %eq3A_875 = arith.constant 0 : i32
        %eq3A_876 = arith.cmpi eq, %select_n3A_874, %eq3A_875 : i32
        %ge3A_877 = arith.constant 0 : i32
        %ge3A_878 = arith.cmpi sge, %select_n3A_831, %ge3A_877 : i32
        %and3A_879 = arith.andi %eq3A_876, %ge3A_878 : i1
        %convert_element_type3A_880 = arith.extui %and3A_879 : i1 to i32
        %cond3A_881 = arith.constant 0 : i32
        %cond3A_882 = arith.cmpi ne, %convert_element_type3A_880, %cond3A_881 : i32
        scf.if %cond3A_882 {
          %swap3A_1067 = arith.index_cast %select_n3A_831 : i32 to index
          %swap3A_1068 = arith.constant 0 : index
          %swap3A_1069 = tpu.vector_load %arg11[%swap3A_1067, %swap3A_1068] {strides = array<i32>} : memref<128x64xf32, #tpu.memory_space<vmem>>, vector<1x16xf32>,
          %swap3A_1070 = vector.shape_cast %swap3A_1069 : vector<1x16xf32> to vector<16xf32>
          %swap3A_1071 = vector.shape_cast %add3A_845 : vector<16xf32> to vector<1x16xf32>
          tpu.vector_store %arg11[%swap3A_1067, %swap3A_1068], %swap3A_1071 {strides = array<i32>} : memref<128x64xf32, #tpu.memory_space<vmem>>, vector<1x16xf32>,
          %swap3A_1072 = arith.index_cast %select_n3A_831 : i32 to index
          %swap3A_1073 = arith.constant 16 : index
          %swap3A_1074 = tpu.vector_load %arg11[%swap3A_1072, %swap3A_1073] {strides = array<i32>} : memref<128x64xf32, #tpu.memory_space<vmem>>, vector<1x16xf32>,
          %swap3A_1075 = vector.shape_cast %swap3A_1074 : vector<1x16xf32> to vector<16xf32>
          %swap3A_1076 = vector.shape_cast %add3A_852 : vector<16xf32> to vector<1x16xf32>
          tpu.vector_store %arg11[%swap3A_1072, %swap3A_1073], %swap3A_1076 {strides = array<i32>} : memref<128x64xf32, #tpu.memory_space<vmem>>, vector<1x16xf32>,
          %swap3A_1077 = arith.index_cast %select_n3A_831 : i32 to index
          %swap3A_1078 = arith.constant 32 : index
          %swap3A_1079 = tpu.vector_load %arg11[%swap3A_1077, %swap3A_1078] {strides = array<i32>} : memref<128x64xf32, #tpu.memory_space<vmem>>, vector<1x16xf32>,
          %swap3A_1080 = vector.shape_cast %swap3A_1079 : vector<1x16xf32> to vector<16xf32>
          %swap3A_1081 = vector.shape_cast %add3A_859 : vector<16xf32> to vector<1x16xf32>
          tpu.vector_store %arg11[%swap3A_1077, %swap3A_1078], %swap3A_1081 {strides = array<i32>} : memref<128x64xf32, #tpu.memory_space<vmem>>, vector<1x16xf32>,
          %swap3A_1082 = arith.index_cast %select_n3A_831 : i32 to index
          %swap3A_1083 = arith.constant 48 : index
          %swap3A_1084 = tpu.vector_load %arg11[%swap3A_1082, %swap3A_1083] {strides = array<i32>} : memref<128x64xf32, #tpu.memory_space<vmem>>, vector<1x16xf32>,
          %swap3A_1085 = vector.shape_cast %swap3A_1084 : vector<1x16xf32> to vector<16xf32>
          %swap3A_1086 = vector.shape_cast %add3A_866 : vector<16xf32> to vector<1x16xf32>
          tpu.vector_store %arg11[%swap3A_1082, %swap3A_1083], %swap3A_1086 {strides = array<i32>} : memref<128x64xf32, #tpu.memory_space<vmem>>, vector<1x16xf32>,
          %swap3A_1087 = arith.index_cast %select_n3A_831 : i32 to index
          %swap3A_1088 = arith.constant 0 : index
          %swap3A_1089 = tpu.vector_load %arg12[%swap3A_1087, %swap3A_1088] {strides = array<i32>} : memref<128x64xf32, #tpu.memory_space<vmem>>, vector<1x16xf32>,
          %swap3A_1090 = vector.shape_cast %swap3A_1089 : vector<1x16xf32> to vector<16xf32>
          %swap3A_1091 = vector.shape_cast %add3A_868 : vector<16xf32> to vector<1x16xf32>
          tpu.vector_store %arg12[%swap3A_1087, %swap3A_1088], %swap3A_1091 {strides = array<i32>} : memref<128x64xf32, #tpu.memory_space<vmem>>, vector<1x16xf32>,
        } else {
        }
        %add3A_883 = arith.constant 1 : i32
        %add3A_884 = arith.addi %select_n3A_831, %add3A_883 : i32
        %select_n3A_885 = arith.select %eq3A_876, %add3A_884, %select_n3A_831 : i32
        %slice3A_886 = vector.extract_strided_slice %get3A_179 {offsets = [13], sizes = [1], strides = [1]} : vector<16xf32> to vector<1xf32>
        %squeeze3A_887 = vector.extract %slice3A_886[0] : f32 from vector<1xf32>
        %broadcast_in_dim3A_888 = vector.broadcast %squeeze3A_887 : f32 to vector<16xf32>
        %mul3A_889 = arith.constant 16 : i32
        %mul3A_890 = arith.muli %scan3A_144, %mul3A_889 : i32
        %add3A_891 = arith.constant 13 : i32
        %add3A_892 = arith.addi %mul3A_890, %add3A_891 : i32
        %select_n3A_893 = arith.select %eq3A_876, %broadcast_in_dim3A_5, %add3A_845 : vector<16xf32>
        %get3A_894 = arith.index_cast %add3A_892 : i32 to index
        %get3A_895 = arith.constant 0 : index
        %get3A_896 = tpu.vector_load %arg10[%get3A_894, %get3A_895] {strides = array<i32>} : memref<128x64xf32, #tpu.memory_space<vmem>>, vector<1x16xf32>,
        %get3A_897 = vector.shape_cast %get3A_896 : vector<1x16xf32> to vector<16xf32>
        %mul3A_898 = arith.mulf %get3A_897, %broadcast_in_dim3A_888 : vector<16xf32>
        %add3A_899 = arith.addf %select_n3A_893, %mul3A_898 : vector<16xf32>
        %select_n3A_900 = arith.select %eq3A_876, %broadcast_in_dim3A_5, %add3A_852 : vector<16xf32>
        %get3A_901 = arith.index_cast %add3A_892 : i32 to index
        %get3A_902 = arith.constant 16 : index
        %get3A_903 = tpu.vector_load %arg10[%get3A_901, %get3A_902] {strides = array<i32>} : memref<128x64xf32, #tpu.memory_space<vmem>>, vector<1x16xf32>,
        %get3A_904 = vector.shape_cast %get3A_903 : vector<1x16xf32> to vector<16xf32>
        %mul3A_905 = arith.mulf %get3A_904, %broadcast_in_dim3A_888 : vector<16xf32>
        %add3A_906 = arith.addf %select_n3A_900, %mul3A_905 : vector<16xf32>
        %select_n3A_907 = arith.select %eq3A_876, %broadcast_in_dim3A_5, %add3A_859 : vector<16xf32>
        %get3A_908 = arith.index_cast %add3A_892 : i32 to index
        %get3A_909 = arith.constant 32 : index
        %get3A_910 = tpu.vector_load %arg10[%get3A_908, %get3A_909] {strides = array<i32>} : memref<128x64xf32, #tpu.memory_space<vmem>>, vector<1x16xf32>,
        %get3A_911 = vector.shape_cast %get3A_910 : vector<1x16xf32> to vector<16xf32>
        %mul3A_912 = arith.mulf %get3A_911, %broadcast_in_dim3A_888 : vector<16xf32>
        %add3A_913 = arith.addf %select_n3A_907, %mul3A_912 : vector<16xf32>
        %select_n3A_914 = arith.select %eq3A_876, %broadcast_in_dim3A_5, %add3A_866 : vector<16xf32>
        %get3A_915 = arith.index_cast %add3A_892 : i32 to index
        %get3A_916 = arith.constant 48 : index
        %get3A_917 = tpu.vector_load %arg10[%get3A_915, %get3A_916] {strides = array<i32>} : memref<128x64xf32, #tpu.memory_space<vmem>>, vector<1x16xf32>,
        %get3A_918 = vector.shape_cast %get3A_917 : vector<1x16xf32> to vector<16xf32>
        %mul3A_919 = arith.mulf %get3A_918, %broadcast_in_dim3A_888 : vector<16xf32>
        %add3A_920 = arith.addf %select_n3A_914, %mul3A_919 : vector<16xf32>
        %select_n3A_921 = arith.select %eq3A_876, %broadcast_in_dim3A_5, %add3A_868 : vector<16xf32>
        %add3A_922 = arith.addf %select_n3A_921, %broadcast_in_dim3A_888 : vector<16xf32>
        %eq3A_923 = arith.constant 49 : i32
        %eq3A_924 = arith.cmpi eq, %select_n3A_874, %eq3A_923 : i32
        %add3A_925 = arith.constant 1 : i32
        %add3A_926 = arith.addi %select_n3A_874, %add3A_925 : i32
        %jit3A_927 = arith.constant 0 : i32
        %select_n3A_928 = arith.select %eq3A_924, %jit3A_927, %add3A_926 : i32
        %eq3A_929 = arith.constant 0 : i32
        %eq3A_930 = arith.cmpi eq, %select_n3A_928, %eq3A_929 : i32
        %ge3A_931 = arith.constant 0 : i32
        %ge3A_932 = arith.cmpi sge, %select_n3A_885, %ge3A_931 : i32
        %and3A_933 = arith.andi %eq3A_930, %ge3A_932 : i1
        %convert_element_type3A_934 = arith.extui %and3A_933 : i1 to i32
        %cond3A_935 = arith.constant 0 : i32
        %cond3A_936 = arith.cmpi ne, %convert_element_type3A_934, %cond3A_935 : i32
        scf.if %cond3A_936 {
          %swap3A_1067 = arith.index_cast %select_n3A_885 : i32 to index
          %swap3A_1068 = arith.constant 0 : index
          %swap3A_1069 = tpu.vector_load %arg11[%swap3A_1067, %swap3A_1068] {strides = array<i32>} : memref<128x64xf32, #tpu.memory_space<vmem>>, vector<1x16xf32>,
          %swap3A_1070 = vector.shape_cast %swap3A_1069 : vector<1x16xf32> to vector<16xf32>
          %swap3A_1071 = vector.shape_cast %add3A_899 : vector<16xf32> to vector<1x16xf32>
          tpu.vector_store %arg11[%swap3A_1067, %swap3A_1068], %swap3A_1071 {strides = array<i32>} : memref<128x64xf32, #tpu.memory_space<vmem>>, vector<1x16xf32>,
          %swap3A_1072 = arith.index_cast %select_n3A_885 : i32 to index
          %swap3A_1073 = arith.constant 16 : index
          %swap3A_1074 = tpu.vector_load %arg11[%swap3A_1072, %swap3A_1073] {strides = array<i32>} : memref<128x64xf32, #tpu.memory_space<vmem>>, vector<1x16xf32>,
          %swap3A_1075 = vector.shape_cast %swap3A_1074 : vector<1x16xf32> to vector<16xf32>
          %swap3A_1076 = vector.shape_cast %add3A_906 : vector<16xf32> to vector<1x16xf32>
          tpu.vector_store %arg11[%swap3A_1072, %swap3A_1073], %swap3A_1076 {strides = array<i32>} : memref<128x64xf32, #tpu.memory_space<vmem>>, vector<1x16xf32>,
          %swap3A_1077 = arith.index_cast %select_n3A_885 : i32 to index
          %swap3A_1078 = arith.constant 32 : index
          %swap3A_1079 = tpu.vector_load %arg11[%swap3A_1077, %swap3A_1078] {strides = array<i32>} : memref<128x64xf32, #tpu.memory_space<vmem>>, vector<1x16xf32>,
          %swap3A_1080 = vector.shape_cast %swap3A_1079 : vector<1x16xf32> to vector<16xf32>
          %swap3A_1081 = vector.shape_cast %add3A_913 : vector<16xf32> to vector<1x16xf32>
          tpu.vector_store %arg11[%swap3A_1077, %swap3A_1078], %swap3A_1081 {strides = array<i32>} : memref<128x64xf32, #tpu.memory_space<vmem>>, vector<1x16xf32>,
          %swap3A_1082 = arith.index_cast %select_n3A_885 : i32 to index
          %swap3A_1083 = arith.constant 48 : index
          %swap3A_1084 = tpu.vector_load %arg11[%swap3A_1082, %swap3A_1083] {strides = array<i32>} : memref<128x64xf32, #tpu.memory_space<vmem>>, vector<1x16xf32>,
          %swap3A_1085 = vector.shape_cast %swap3A_1084 : vector<1x16xf32> to vector<16xf32>
          %swap3A_1086 = vector.shape_cast %add3A_920 : vector<16xf32> to vector<1x16xf32>
          tpu.vector_store %arg11[%swap3A_1082, %swap3A_1083], %swap3A_1086 {strides = array<i32>} : memref<128x64xf32, #tpu.memory_space<vmem>>, vector<1x16xf32>,
          %swap3A_1087 = arith.index_cast %select_n3A_885 : i32 to index
          %swap3A_1088 = arith.constant 0 : index
          %swap3A_1089 = tpu.vector_load %arg12[%swap3A_1087, %swap3A_1088] {strides = array<i32>} : memref<128x64xf32, #tpu.memory_space<vmem>>, vector<1x16xf32>,
          %swap3A_1090 = vector.shape_cast %swap3A_1089 : vector<1x16xf32> to vector<16xf32>
          %swap3A_1091 = vector.shape_cast %add3A_922 : vector<16xf32> to vector<1x16xf32>
          tpu.vector_store %arg12[%swap3A_1087, %swap3A_1088], %swap3A_1091 {strides = array<i32>} : memref<128x64xf32, #tpu.memory_space<vmem>>, vector<1x16xf32>,
        } else {
        }
        %add3A_937 = arith.constant 1 : i32
        %add3A_938 = arith.addi %select_n3A_885, %add3A_937 : i32
        %select_n3A_939 = arith.select %eq3A_930, %add3A_938, %select_n3A_885 : i32
        %slice3A_940 = vector.extract_strided_slice %get3A_179 {offsets = [14], sizes = [1], strides = [1]} : vector<16xf32> to vector<1xf32>
        %squeeze3A_941 = vector.extract %slice3A_940[0] : f32 from vector<1xf32>
        %broadcast_in_dim3A_942 = vector.broadcast %squeeze3A_941 : f32 to vector<16xf32>
        %mul3A_943 = arith.constant 16 : i32
        %mul3A_944 = arith.muli %scan3A_144, %mul3A_943 : i32
        %add3A_945 = arith.constant 14 : i32
        %add3A_946 = arith.addi %mul3A_944, %add3A_945 : i32
        %select_n3A_947 = arith.select %eq3A_930, %broadcast_in_dim3A_5, %add3A_899 : vector<16xf32>
        %get3A_948 = arith.index_cast %add3A_946 : i32 to index
        %get3A_949 = arith.constant 0 : index
        %get3A_950 = tpu.vector_load %arg10[%get3A_948, %get3A_949] {strides = array<i32>} : memref<128x64xf32, #tpu.memory_space<vmem>>, vector<1x16xf32>,
        %get3A_951 = vector.shape_cast %get3A_950 : vector<1x16xf32> to vector<16xf32>
        %mul3A_952 = arith.mulf %get3A_951, %broadcast_in_dim3A_942 : vector<16xf32>
        %add3A_953 = arith.addf %select_n3A_947, %mul3A_952 : vector<16xf32>
        %select_n3A_954 = arith.select %eq3A_930, %broadcast_in_dim3A_5, %add3A_906 : vector<16xf32>
        %get3A_955 = arith.index_cast %add3A_946 : i32 to index
        %get3A_956 = arith.constant 16 : index
        %get3A_957 = tpu.vector_load %arg10[%get3A_955, %get3A_956] {strides = array<i32>} : memref<128x64xf32, #tpu.memory_space<vmem>>, vector<1x16xf32>,
        %get3A_958 = vector.shape_cast %get3A_957 : vector<1x16xf32> to vector<16xf32>
        %mul3A_959 = arith.mulf %get3A_958, %broadcast_in_dim3A_942 : vector<16xf32>
        %add3A_960 = arith.addf %select_n3A_954, %mul3A_959 : vector<16xf32>
        %select_n3A_961 = arith.select %eq3A_930, %broadcast_in_dim3A_5, %add3A_913 : vector<16xf32>
        %get3A_962 = arith.index_cast %add3A_946 : i32 to index
        %get3A_963 = arith.constant 32 : index
        %get3A_964 = tpu.vector_load %arg10[%get3A_962, %get3A_963] {strides = array<i32>} : memref<128x64xf32, #tpu.memory_space<vmem>>, vector<1x16xf32>,
        %get3A_965 = vector.shape_cast %get3A_964 : vector<1x16xf32> to vector<16xf32>
        %mul3A_966 = arith.mulf %get3A_965, %broadcast_in_dim3A_942 : vector<16xf32>
        %add3A_967 = arith.addf %select_n3A_961, %mul3A_966 : vector<16xf32>
        %select_n3A_968 = arith.select %eq3A_930, %broadcast_in_dim3A_5, %add3A_920 : vector<16xf32>
        %get3A_969 = arith.index_cast %add3A_946 : i32 to index
        %get3A_970 = arith.constant 48 : index
        %get3A_971 = tpu.vector_load %arg10[%get3A_969, %get3A_970] {strides = array<i32>} : memref<128x64xf32, #tpu.memory_space<vmem>>, vector<1x16xf32>,
        %get3A_972 = vector.shape_cast %get3A_971 : vector<1x16xf32> to vector<16xf32>
        %mul3A_973 = arith.mulf %get3A_972, %broadcast_in_dim3A_942 : vector<16xf32>
        %add3A_974 = arith.addf %select_n3A_968, %mul3A_973 : vector<16xf32>
        %select_n3A_975 = arith.select %eq3A_930, %broadcast_in_dim3A_5, %add3A_922 : vector<16xf32>
        %add3A_976 = arith.addf %select_n3A_975, %broadcast_in_dim3A_942 : vector<16xf32>
        %eq3A_977 = arith.constant 49 : i32
        %eq3A_978 = arith.cmpi eq, %select_n3A_928, %eq3A_977 : i32
        %add3A_979 = arith.constant 1 : i32
        %add3A_980 = arith.addi %select_n3A_928, %add3A_979 : i32
        %jit3A_981 = arith.constant 0 : i32
        %select_n3A_982 = arith.select %eq3A_978, %jit3A_981, %add3A_980 : i32
        %eq3A_983 = arith.constant 0 : i32
        %eq3A_984 = arith.cmpi eq, %select_n3A_982, %eq3A_983 : i32
        %ge3A_985 = arith.constant 0 : i32
        %ge3A_986 = arith.cmpi sge, %select_n3A_939, %ge3A_985 : i32
        %and3A_987 = arith.andi %eq3A_984, %ge3A_986 : i1
        %convert_element_type3A_988 = arith.extui %and3A_987 : i1 to i32
        %cond3A_989 = arith.constant 0 : i32
        %cond3A_990 = arith.cmpi ne, %convert_element_type3A_988, %cond3A_989 : i32
        scf.if %cond3A_990 {
          %swap3A_1067 = arith.index_cast %select_n3A_939 : i32 to index
          %swap3A_1068 = arith.constant 0 : index
          %swap3A_1069 = tpu.vector_load %arg11[%swap3A_1067, %swap3A_1068] {strides = array<i32>} : memref<128x64xf32, #tpu.memory_space<vmem>>, vector<1x16xf32>,
          %swap3A_1070 = vector.shape_cast %swap3A_1069 : vector<1x16xf32> to vector<16xf32>
          %swap3A_1071 = vector.shape_cast %add3A_953 : vector<16xf32> to vector<1x16xf32>
          tpu.vector_store %arg11[%swap3A_1067, %swap3A_1068], %swap3A_1071 {strides = array<i32>} : memref<128x64xf32, #tpu.memory_space<vmem>>, vector<1x16xf32>,
          %swap3A_1072 = arith.index_cast %select_n3A_939 : i32 to index
          %swap3A_1073 = arith.constant 16 : index
          %swap3A_1074 = tpu.vector_load %arg11[%swap3A_1072, %swap3A_1073] {strides = array<i32>} : memref<128x64xf32, #tpu.memory_space<vmem>>, vector<1x16xf32>,
          %swap3A_1075 = vector.shape_cast %swap3A_1074 : vector<1x16xf32> to vector<16xf32>
          %swap3A_1076 = vector.shape_cast %add3A_960 : vector<16xf32> to vector<1x16xf32>
          tpu.vector_store %arg11[%swap3A_1072, %swap3A_1073], %swap3A_1076 {strides = array<i32>} : memref<128x64xf32, #tpu.memory_space<vmem>>, vector<1x16xf32>,
          %swap3A_1077 = arith.index_cast %select_n3A_939 : i32 to index
          %swap3A_1078 = arith.constant 32 : index
          %swap3A_1079 = tpu.vector_load %arg11[%swap3A_1077, %swap3A_1078] {strides = array<i32>} : memref<128x64xf32, #tpu.memory_space<vmem>>, vector<1x16xf32>,
          %swap3A_1080 = vector.shape_cast %swap3A_1079 : vector<1x16xf32> to vector<16xf32>
          %swap3A_1081 = vector.shape_cast %add3A_967 : vector<16xf32> to vector<1x16xf32>
          tpu.vector_store %arg11[%swap3A_1077, %swap3A_1078], %swap3A_1081 {strides = array<i32>} : memref<128x64xf32, #tpu.memory_space<vmem>>, vector<1x16xf32>,
          %swap3A_1082 = arith.index_cast %select_n3A_939 : i32 to index
          %swap3A_1083 = arith.constant 48 : index
          %swap3A_1084 = tpu.vector_load %arg11[%swap3A_1082, %swap3A_1083] {strides = array<i32>} : memref<128x64xf32, #tpu.memory_space<vmem>>, vector<1x16xf32>,
          %swap3A_1085 = vector.shape_cast %swap3A_1084 : vector<1x16xf32> to vector<16xf32>
          %swap3A_1086 = vector.shape_cast %add3A_974 : vector<16xf32> to vector<1x16xf32>
          tpu.vector_store %arg11[%swap3A_1082, %swap3A_1083], %swap3A_1086 {strides = array<i32>} : memref<128x64xf32, #tpu.memory_space<vmem>>, vector<1x16xf32>,
          %swap3A_1087 = arith.index_cast %select_n3A_939 : i32 to index
          %swap3A_1088 = arith.constant 0 : index
          %swap3A_1089 = tpu.vector_load %arg12[%swap3A_1087, %swap3A_1088] {strides = array<i32>} : memref<128x64xf32, #tpu.memory_space<vmem>>, vector<1x16xf32>,
          %swap3A_1090 = vector.shape_cast %swap3A_1089 : vector<1x16xf32> to vector<16xf32>
          %swap3A_1091 = vector.shape_cast %add3A_976 : vector<16xf32> to vector<1x16xf32>
          tpu.vector_store %arg12[%swap3A_1087, %swap3A_1088], %swap3A_1091 {strides = array<i32>} : memref<128x64xf32, #tpu.memory_space<vmem>>, vector<1x16xf32>,
        } else {
        }
        %add3A_991 = arith.constant 1 : i32
        %add3A_992 = arith.addi %select_n3A_939, %add3A_991 : i32
        %select_n3A_993 = arith.select %eq3A_984, %add3A_992, %select_n3A_939 : i32
        %slice3A_994 = vector.extract_strided_slice %get3A_179 {offsets = [15], sizes = [1], strides = [1]} : vector<16xf32> to vector<1xf32>
        %squeeze3A_995 = vector.extract %slice3A_994[0] : f32 from vector<1xf32>
        %broadcast_in_dim3A_996 = vector.broadcast %squeeze3A_995 : f32 to vector<16xf32>
        %mul3A_997 = arith.constant 16 : i32
        %mul3A_998 = arith.muli %scan3A_144, %mul3A_997 : i32
        %add3A_999 = arith.constant 15 : i32
        %add3A_1000 = arith.addi %mul3A_998, %add3A_999 : i32
        %select_n3A_1001 = arith.select %eq3A_984, %broadcast_in_dim3A_5, %add3A_953 : vector<16xf32>
        %get3A_1002 = arith.index_cast %add3A_1000 : i32 to index
        %get3A_1003 = arith.constant 0 : index
        %get3A_1004 = tpu.vector_load %arg10[%get3A_1002, %get3A_1003] {strides = array<i32>} : memref<128x64xf32, #tpu.memory_space<vmem>>, vector<1x16xf32>,
        %get3A_1005 = vector.shape_cast %get3A_1004 : vector<1x16xf32> to vector<16xf32>
        %mul3A_1006 = arith.mulf %get3A_1005, %broadcast_in_dim3A_996 : vector<16xf32>
        %add3A_1007 = arith.addf %select_n3A_1001, %mul3A_1006 : vector<16xf32>
        %select_n3A_1008 = arith.select %eq3A_984, %broadcast_in_dim3A_5, %add3A_960 : vector<16xf32>
        %get3A_1009 = arith.index_cast %add3A_1000 : i32 to index
        %get3A_1010 = arith.constant 16 : index
        %get3A_1011 = tpu.vector_load %arg10[%get3A_1009, %get3A_1010] {strides = array<i32>} : memref<128x64xf32, #tpu.memory_space<vmem>>, vector<1x16xf32>,
        %get3A_1012 = vector.shape_cast %get3A_1011 : vector<1x16xf32> to vector<16xf32>
        %mul3A_1013 = arith.mulf %get3A_1012, %broadcast_in_dim3A_996 : vector<16xf32>
        %add3A_1014 = arith.addf %select_n3A_1008, %mul3A_1013 : vector<16xf32>
        %select_n3A_1015 = arith.select %eq3A_984, %broadcast_in_dim3A_5, %add3A_967 : vector<16xf32>
        %get3A_1016 = arith.index_cast %add3A_1000 : i32 to index
        %get3A_1017 = arith.constant 32 : index
        %get3A_1018 = tpu.vector_load %arg10[%get3A_1016, %get3A_1017] {strides = array<i32>} : memref<128x64xf32, #tpu.memory_space<vmem>>, vector<1x16xf32>,
        %get3A_1019 = vector.shape_cast %get3A_1018 : vector<1x16xf32> to vector<16xf32>
        %mul3A_1020 = arith.mulf %get3A_1019, %broadcast_in_dim3A_996 : vector<16xf32>
        %add3A_1021 = arith.addf %select_n3A_1015, %mul3A_1020 : vector<16xf32>
        %select_n3A_1022 = arith.select %eq3A_984, %broadcast_in_dim3A_5, %add3A_974 : vector<16xf32>
        %get3A_1023 = arith.index_cast %add3A_1000 : i32 to index
        %get3A_1024 = arith.constant 48 : index
        %get3A_1025 = tpu.vector_load %arg10[%get3A_1023, %get3A_1024] {strides = array<i32>} : memref<128x64xf32, #tpu.memory_space<vmem>>, vector<1x16xf32>,
        %get3A_1026 = vector.shape_cast %get3A_1025 : vector<1x16xf32> to vector<16xf32>
        %mul3A_1027 = arith.mulf %get3A_1026, %broadcast_in_dim3A_996 : vector<16xf32>
        %add3A_1028 = arith.addf %select_n3A_1022, %mul3A_1027 : vector<16xf32>
        %select_n3A_1029 = arith.select %eq3A_984, %broadcast_in_dim3A_5, %add3A_976 : vector<16xf32>
        %add3A_1030 = arith.addf %select_n3A_1029, %broadcast_in_dim3A_996 : vector<16xf32>
        %eq3A_1031 = arith.constant 49 : i32
        %eq3A_1032 = arith.cmpi eq, %select_n3A_982, %eq3A_1031 : i32
        %add3A_1033 = arith.constant 1 : i32
        %add3A_1034 = arith.addi %select_n3A_982, %add3A_1033 : i32
        %jit3A_1035 = arith.constant 0 : i32
        %select_n3A_1036 = arith.select %eq3A_1032, %jit3A_1035, %add3A_1034 : i32
        %swap3A_1037 = arith.constant 0 : i32
        %swap3A_1038 = arith.index_cast %swap3A_1037 : i32 to index
        %swap3A_1039 = arith.constant 0 : index
        %swap3A_1040 = tpu.vector_load %arg13[%swap3A_1038, %swap3A_1039] {strides = array<i32>} : memref<8x64xf32, #tpu.memory_space<vmem>>, vector<1x16xf32>,
        %swap3A_1041 = vector.shape_cast %swap3A_1040 : vector<1x16xf32> to vector<16xf32>
        %swap3A_1042 = vector.shape_cast %add3A_1007 : vector<16xf32> to vector<1x16xf32>
        tpu.vector_store %arg13[%swap3A_1038, %swap3A_1039], %swap3A_1042 {strides = array<i32>} : memref<8x64xf32, #tpu.memory_space<vmem>>, vector<1x16xf32>,
        %swap3A_1043 = arith.constant 1 : i32
        %swap3A_1044 = arith.index_cast %swap3A_1043 : i32 to index
        %swap3A_1045 = arith.constant 0 : index
        %swap3A_1046 = tpu.vector_load %arg13[%swap3A_1044, %swap3A_1045] {strides = array<i32>} : memref<8x64xf32, #tpu.memory_space<vmem>>, vector<1x16xf32>,
        %swap3A_1047 = vector.shape_cast %swap3A_1046 : vector<1x16xf32> to vector<16xf32>
        %swap3A_1048 = vector.shape_cast %add3A_1014 : vector<16xf32> to vector<1x16xf32>
        tpu.vector_store %arg13[%swap3A_1044, %swap3A_1045], %swap3A_1048 {strides = array<i32>} : memref<8x64xf32, #tpu.memory_space<vmem>>, vector<1x16xf32>,
        %swap3A_1049 = arith.constant 2 : i32
        %swap3A_1050 = arith.index_cast %swap3A_1049 : i32 to index
        %swap3A_1051 = arith.constant 0 : index
        %swap3A_1052 = tpu.vector_load %arg13[%swap3A_1050, %swap3A_1051] {strides = array<i32>} : memref<8x64xf32, #tpu.memory_space<vmem>>, vector<1x16xf32>,
        %swap3A_1053 = vector.shape_cast %swap3A_1052 : vector<1x16xf32> to vector<16xf32>
        %swap3A_1054 = vector.shape_cast %add3A_1021 : vector<16xf32> to vector<1x16xf32>
        tpu.vector_store %arg13[%swap3A_1050, %swap3A_1051], %swap3A_1054 {strides = array<i32>} : memref<8x64xf32, #tpu.memory_space<vmem>>, vector<1x16xf32>,
        %swap3A_1055 = arith.constant 3 : i32
        %swap3A_1056 = arith.index_cast %swap3A_1055 : i32 to index
        %swap3A_1057 = arith.constant 0 : index
        %swap3A_1058 = tpu.vector_load %arg13[%swap3A_1056, %swap3A_1057] {strides = array<i32>} : memref<8x64xf32, #tpu.memory_space<vmem>>, vector<1x16xf32>,
        %swap3A_1059 = vector.shape_cast %swap3A_1058 : vector<1x16xf32> to vector<16xf32>
        %swap3A_1060 = vector.shape_cast %add3A_1028 : vector<16xf32> to vector<1x16xf32>
        tpu.vector_store %arg13[%swap3A_1056, %swap3A_1057], %swap3A_1060 {strides = array<i32>} : memref<8x64xf32, #tpu.memory_space<vmem>>, vector<1x16xf32>,
        %swap3A_1061 = arith.constant 4 : i32
        %swap3A_1062 = arith.index_cast %swap3A_1061 : i32 to index
        %swap3A_1063 = arith.constant 0 : index
        %swap3A_1064 = tpu.vector_load %arg13[%swap3A_1062, %swap3A_1063] {strides = array<i32>} : memref<8x64xf32, #tpu.memory_space<vmem>>, vector<1x16xf32>,
        %swap3A_1065 = vector.shape_cast %swap3A_1064 : vector<1x16xf32> to vector<16xf32>
        %swap3A_1066 = vector.shape_cast %add3A_1030 : vector<16xf32> to vector<1x16xf32>
        tpu.vector_store %arg13[%swap3A_1062, %swap3A_1063], %swap3A_1066 {strides = array<i32>} : memref<8x64xf32, #tpu.memory_space<vmem>>, vector<1x16xf32>,
        scf.yield %select_n3A_1036, %select_n3A_993 : i32, i32
      }
      %scan3A_138 = arith.constant 8 : i32
      %lt3A_139 = arith.constant 24 : i32
      %lt3A_140 = arith.cmpi slt, %scan3A_90, %lt3A_139 : i32
      %convert_element_type3A_141 = arith.extui %lt3A_140 : i1 to i32
      %cond3A_142 = arith.constant 0 : i32
      %cond3A_143 = arith.cmpi ne, %convert_element_type3A_141, %cond3A_142 : i32
      scf.if %cond3A_143 {
        %dma_wait3A_144 = arith.constant 0 : i32
        %dma_wait3A_145 = tpu.memref_slice %arg5[%add3A_128, %dma_wait3A_144] : memref<204800x64xf32, #tpu.memory_space<hbm>> -> memref<128x64xf32, #tpu.memory_space<hbm>>
        %dma_wait3A_146 = arith.constant 0 : i32
        %dma_wait3A_147 = tpu.memref_slice %arg5[%add3A_128, %dma_wait3A_146] : memref<204800x64xf32, #tpu.memory_space<hbm>> -> memref<128x64xf32, #tpu.memory_space<hbm>>
        tpu.wait_dma2 semaphore(%arg17 : memref<!tpu.dma_semaphore, #tpu.memory_space<semaphore_mem>>) src(%arg10 : memref<128x64xf32, #tpu.memory_space<vmem>>) dst(%dma_wait3A_147 : memref<128x64xf32, #tpu.memory_space<hbm>>)
        %add3A_148 = arith.constant 2 : i32
        %add3A_149 = arith.addi %add3A_98, %add3A_148 : i32
        %mul3A_150 = arith.constant 128 : i32
        %mul3A_151 = arith.muli %add3A_149, %mul3A_150 : i32
        %dma_start3A_152 = tpu.memref_slice %arg7[%mul3A_151] : memref<6400xi32, #tpu.memory_space<vmem>> -> memref<128xi32, #tpu.memory_space<vmem>>
        %dma_start3A_153 = arith.constant 0 : i32
        %dma_start3A_154 = arith.constant 0 : i32
        %dma_start3A_155 = tpu.memref_slice %arg4[%dma_start3A_153, %dma_start3A_154] : memref<100000x64xf32, #tpu.memory_space<hbm>> -> memref<100000x64xf32, #tpu.memory_space<hbm>>
        tpu.enqueue_indirect_dma source(%dma_start3A_155 : memref<100000x64xf32, #tpu.memory_space<hbm>>) target(%arg10 : memref<128x64xf32, #tpu.memory_space<vmem>>) offsets(%dma_start3A_152 : memref<128xi32, #tpu.memory_space<vmem>>) semaphore(%arg15 : memref<!tpu.dma_semaphore, #tpu.memory_space<semaphore_mem>>)
      } else {
      }
      scf.yield %scan3A_137#0, %scan3A_137#1 : i32, i32
    }
    %scan3A_24 = arith.constant 25 : i32
    %get3A = arith.constant 0 : i32
    %get3A_25 = arith.index_cast %get3A : i32 to index
    %get3A_26 = arith.constant 0 : index
    %get3A_27 = tpu.vector_load %arg13[%get3A_25, %get3A_26] {strides = array<i32>} : memref<8x64xf32, #tpu.memory_space<vmem>>, vector<1x16xf32>,
    %get3A_28 = vector.shape_cast %get3A_27 : vector<1x16xf32> to vector<16xf32>
    %get3A_29 = arith.constant 1 : i32
    %get3A_30 = arith.index_cast %get3A_29 : i32 to index
    %get3A_31 = arith.constant 0 : index
    %get3A_32 = tpu.vector_load %arg13[%get3A_30, %get3A_31] {strides = array<i32>} : memref<8x64xf32, #tpu.memory_space<vmem>>, vector<1x16xf32>,
    %get3A_33 = vector.shape_cast %get3A_32 : vector<1x16xf32> to vector<16xf32>
    %get3A_34 = arith.constant 2 : i32
    %get3A_35 = arith.index_cast %get3A_34 : i32 to index
    %get3A_36 = arith.constant 0 : index
    %get3A_37 = tpu.vector_load %arg13[%get3A_35, %get3A_36] {strides = array<i32>} : memref<8x64xf32, #tpu.memory_space<vmem>>, vector<1x16xf32>,
    %get3A_38 = vector.shape_cast %get3A_37 : vector<1x16xf32> to vector<16xf32>
    %get3A_39 = arith.constant 3 : i32
    %get3A_40 = arith.index_cast %get3A_39 : i32 to index
    %get3A_41 = arith.constant 0 : index
    %get3A_42 = tpu.vector_load %arg13[%get3A_40, %get3A_41] {strides = array<i32>} : memref<8x64xf32, #tpu.memory_space<vmem>>, vector<1x16xf32>,
    %get3A_43 = vector.shape_cast %get3A_42 : vector<1x16xf32> to vector<16xf32>
    %get3A_44 = arith.constant 4 : i32
    %get3A_45 = arith.index_cast %get3A_44 : i32 to index
    %get3A_46 = arith.constant 0 : index
    %get3A_47 = tpu.vector_load %arg13[%get3A_45, %get3A_46] {strides = array<i32>} : memref<8x64xf32, #tpu.memory_space<vmem>>, vector<1x16xf32>,
    %get3A_48 = vector.shape_cast %get3A_47 : vector<1x16xf32> to vector<16xf32>
    %swap3A = arith.index_cast %scan3A_23#1 : i32 to index
    %swap3A_49 = arith.constant 0 : index
    %swap3A_50 = tpu.vector_load %arg11[%swap3A, %swap3A_49] {strides = array<i32>} : memref<128x64xf32, #tpu.memory_space<vmem>>, vector<1x16xf32>,
    %swap3A_51 = vector.shape_cast %swap3A_50 : vector<1x16xf32> to vector<16xf32>
    %swap3A_52 = vector.shape_cast %get3A_28 : vector<16xf32> to vector<1x16xf32>
    tpu.vector_store %arg11[%swap3A, %swap3A_49], %swap3A_52 {strides = array<i32>} : memref<128x64xf32, #tpu.memory_space<vmem>>, vector<1x16xf32>,
    %swap3A_53 = arith.index_cast %scan3A_23#1 : i32 to index
    %swap3A_54 = arith.constant 16 : index
    %swap3A_55 = tpu.vector_load %arg11[%swap3A_53, %swap3A_54] {strides = array<i32>} : memref<128x64xf32, #tpu.memory_space<vmem>>, vector<1x16xf32>,
    %swap3A_56 = vector.shape_cast %swap3A_55 : vector<1x16xf32> to vector<16xf32>
    %swap3A_57 = vector.shape_cast %get3A_33 : vector<16xf32> to vector<1x16xf32>
    tpu.vector_store %arg11[%swap3A_53, %swap3A_54], %swap3A_57 {strides = array<i32>} : memref<128x64xf32, #tpu.memory_space<vmem>>, vector<1x16xf32>,
    %swap3A_58 = arith.index_cast %scan3A_23#1 : i32 to index
    %swap3A_59 = arith.constant 32 : index
    %swap3A_60 = tpu.vector_load %arg11[%swap3A_58, %swap3A_59] {strides = array<i32>} : memref<128x64xf32, #tpu.memory_space<vmem>>, vector<1x16xf32>,
    %swap3A_61 = vector.shape_cast %swap3A_60 : vector<1x16xf32> to vector<16xf32>
    %swap3A_62 = vector.shape_cast %get3A_38 : vector<16xf32> to vector<1x16xf32>
    tpu.vector_store %arg11[%swap3A_58, %swap3A_59], %swap3A_62 {strides = array<i32>} : memref<128x64xf32, #tpu.memory_space<vmem>>, vector<1x16xf32>,
    %swap3A_63 = arith.index_cast %scan3A_23#1 : i32 to index
    %swap3A_64 = arith.constant 48 : index
    %swap3A_65 = tpu.vector_load %arg11[%swap3A_63, %swap3A_64] {strides = array<i32>} : memref<128x64xf32, #tpu.memory_space<vmem>>, vector<1x16xf32>,
    %swap3A_66 = vector.shape_cast %swap3A_65 : vector<1x16xf32> to vector<16xf32>
    %swap3A_67 = vector.shape_cast %get3A_43 : vector<16xf32> to vector<1x16xf32>
    tpu.vector_store %arg11[%swap3A_63, %swap3A_64], %swap3A_67 {strides = array<i32>} : memref<128x64xf32, #tpu.memory_space<vmem>>, vector<1x16xf32>,
    %swap3A_68 = arith.index_cast %scan3A_23#1 : i32 to index
    %swap3A_69 = arith.constant 0 : index
    %swap3A_70 = tpu.vector_load %arg12[%swap3A_68, %swap3A_69] {strides = array<i32>} : memref<128x64xf32, #tpu.memory_space<vmem>>, vector<1x16xf32>,
    %swap3A_71 = vector.shape_cast %swap3A_70 : vector<1x16xf32> to vector<16xf32>
    %swap3A_72 = vector.shape_cast %get3A_48 : vector<16xf32> to vector<1x16xf32>
    tpu.vector_store %arg12[%swap3A_68, %swap3A_69], %swap3A_72 {strides = array<i32>} : memref<128x64xf32, #tpu.memory_space<vmem>>, vector<1x16xf32>,
    %add3A_73 = arith.constant 6144 : i32
    %add3A_74 = arith.addi %mul3A_2, %add3A_73 : i32
    %dma_wait3A = arith.constant 0 : i32
    %dma_wait3A_75 = tpu.memref_slice %arg5[%add3A_74, %dma_wait3A] : memref<204800x64xf32, #tpu.memory_space<hbm>> -> memref<128x64xf32, #tpu.memory_space<hbm>>
    %dma_wait3A_76 = arith.constant 0 : i32
    %dma_wait3A_77 = tpu.memref_slice %arg5[%add3A_74, %dma_wait3A_76] : memref<204800x64xf32, #tpu.memory_space<hbm>> -> memref<128x64xf32, #tpu.memory_space<hbm>>
    tpu.wait_dma2 semaphore(%arg16 : memref<!tpu.dma_semaphore, #tpu.memory_space<semaphore_mem>>) src(%arg9 : memref<128x64xf32, #tpu.memory_space<vmem>>) dst(%dma_wait3A_77 : memref<128x64xf32, #tpu.memory_space<hbm>>)
    %add3A_78 = arith.constant 6272 : i32
    %add3A_79 = arith.addi %mul3A_2, %add3A_78 : i32
    %dma_wait3A_80 = arith.constant 0 : i32
    %dma_wait3A_81 = tpu.memref_slice %arg5[%add3A_79, %dma_wait3A_80] : memref<204800x64xf32, #tpu.memory_space<hbm>> -> memref<128x64xf32, #tpu.memory_space<hbm>>
    %dma_wait3A_82 = arith.constant 0 : i32
    %dma_wait3A_83 = tpu.memref_slice %arg5[%add3A_79, %dma_wait3A_82] : memref<204800x64xf32, #tpu.memory_space<hbm>> -> memref<128x64xf32, #tpu.memory_space<hbm>>
    tpu.wait_dma2 semaphore(%arg17 : memref<!tpu.dma_semaphore, #tpu.memory_space<semaphore_mem>>) src(%arg10 : memref<128x64xf32, #tpu.memory_space<vmem>>) dst(%dma_wait3A_83 : memref<128x64xf32, #tpu.memory_space<hbm>>)
    %scan3A_84 = arith.constant 0 : i32
    %scan3A_85 = arith.constant 0 : i32
    %scan3A_86 = arith.constant 128 : i32
    %scan3A_87 = arith.addi %scan3A_85, %scan3A_86 : i32
    %scan3A_88 = arith.constant 1 : i32
    scf.for %scan3A_90 = %scan3A_85 to %scan3A_87 step %scan3A_88  : i32 {
      %get3A_91 = arith.index_cast %scan3A_90 : i32 to index
      %get3A_92 = arith.constant 0 : index
      %get3A_93 = tpu.vector_load %arg12[%get3A_91, %get3A_92] {strides = array<i32>} : memref<128x64xf32, #tpu.memory_space<vmem>>, vector<1x16xf32>,
      %get3A_94 = vector.shape_cast %get3A_93 : vector<1x16xf32> to vector<16xf32>
      %max3A = arith.maximumf %get3A_94, %add3A_8 : vector<16xf32>
      %div3A = arith.divf %add3A_8, %max3A : vector<16xf32>
      %get3A_95 = arith.index_cast %scan3A_90 : i32 to index
      %get3A_96 = arith.constant 0 : index
      %get3A_97 = tpu.vector_load %arg11[%get3A_95, %get3A_96] {strides = array<i32>} : memref<128x64xf32, #tpu.memory_space<vmem>>, vector<1x16xf32>,
      %get3A_98 = vector.shape_cast %get3A_97 : vector<1x16xf32> to vector<16xf32>
      %mul3A_99 = arith.mulf %get3A_98, %div3A : vector<16xf32>
      %swap3A_100 = arith.index_cast %scan3A_90 : i32 to index
      %swap3A_101 = arith.constant 0 : index
      %swap3A_102 = tpu.vector_load %arg11[%swap3A_100, %swap3A_101] {strides = array<i32>} : memref<128x64xf32, #tpu.memory_space<vmem>>, vector<1x16xf32>,
      %swap3A_103 = vector.shape_cast %swap3A_102 : vector<1x16xf32> to vector<16xf32>
      %swap3A_104 = vector.shape_cast %mul3A_99 : vector<16xf32> to vector<1x16xf32>
      tpu.vector_store %arg11[%swap3A_100, %swap3A_101], %swap3A_104 {strides = array<i32>} : memref<128x64xf32, #tpu.memory_space<vmem>>, vector<1x16xf32>,
      %get3A_105 = arith.index_cast %scan3A_90 : i32 to index
      %get3A_106 = arith.constant 16 : index
      %get3A_107 = tpu.vector_load %arg11[%get3A_105, %get3A_106] {strides = array<i32>} : memref<128x64xf32, #tpu.memory_space<vmem>>, vector<1x16xf32>,
      %get3A_108 = vector.shape_cast %get3A_107 : vector<1x16xf32> to vector<16xf32>
      %mul3A_109 = arith.mulf %get3A_108, %div3A : vector<16xf32>
      %swap3A_110 = arith.index_cast %scan3A_90 : i32 to index
      %swap3A_111 = arith.constant 16 : index
      %swap3A_112 = tpu.vector_load %arg11[%swap3A_110, %swap3A_111] {strides = array<i32>} : memref<128x64xf32, #tpu.memory_space<vmem>>, vector<1x16xf32>,
      %swap3A_113 = vector.shape_cast %swap3A_112 : vector<1x16xf32> to vector<16xf32>
      %swap3A_114 = vector.shape_cast %mul3A_109 : vector<16xf32> to vector<1x16xf32>
      tpu.vector_store %arg11[%swap3A_110, %swap3A_111], %swap3A_114 {strides = array<i32>} : memref<128x64xf32, #tpu.memory_space<vmem>>, vector<1x16xf32>,
      %get3A_115 = arith.index_cast %scan3A_90 : i32 to index
      %get3A_116 = arith.constant 32 : index
      %get3A_117 = tpu.vector_load %arg11[%get3A_115, %get3A_116] {strides = array<i32>} : memref<128x64xf32, #tpu.memory_space<vmem>>, vector<1x16xf32>,
      %get3A_118 = vector.shape_cast %get3A_117 : vector<1x16xf32> to vector<16xf32>
      %mul3A_119 = arith.mulf %get3A_118, %div3A : vector<16xf32>
      %swap3A_120 = arith.index_cast %scan3A_90 : i32 to index
      %swap3A_121 = arith.constant 32 : index
      %swap3A_122 = tpu.vector_load %arg11[%swap3A_120, %swap3A_121] {strides = array<i32>} : memref<128x64xf32, #tpu.memory_space<vmem>>, vector<1x16xf32>,
      %swap3A_123 = vector.shape_cast %swap3A_122 : vector<1x16xf32> to vector<16xf32>
      %swap3A_124 = vector.shape_cast %mul3A_119 : vector<16xf32> to vector<1x16xf32>
      tpu.vector_store %arg11[%swap3A_120, %swap3A_121], %swap3A_124 {strides = array<i32>} : memref<128x64xf32, #tpu.memory_space<vmem>>, vector<1x16xf32>,
      %get3A_125 = arith.index_cast %scan3A_90 : i32 to index
      %get3A_126 = arith.constant 48 : index
      %get3A_127 = tpu.vector_load %arg11[%get3A_125, %get3A_126] {strides = array<i32>} : memref<128x64xf32, #tpu.memory_space<vmem>>, vector<1x16xf32>,
      %get3A_128 = vector.shape_cast %get3A_127 : vector<1x16xf32> to vector<16xf32>
      %mul3A_129 = arith.mulf %get3A_128, %div3A : vector<16xf32>
      %swap3A_130 = arith.index_cast %scan3A_90 : i32 to index
      %swap3A_131 = arith.constant 48 : index
      %swap3A_132 = tpu.vector_load %arg11[%swap3A_130, %swap3A_131] {strides = array<i32>} : memref<128x64xf32, #tpu.memory_space<vmem>>, vector<1x16xf32>,
      %swap3A_133 = vector.shape_cast %swap3A_132 : vector<1x16xf32> to vector<16xf32>
      %swap3A_134 = vector.shape_cast %mul3A_129 : vector<16xf32> to vector<1x16xf32>
      tpu.vector_store %arg11[%swap3A_130, %swap3A_131], %swap3A_134 {strides = array<i32>} : memref<128x64xf32, #tpu.memory_space<vmem>>, vector<1x16xf32>,
    }
    %scan3A_89 = arith.constant 128 : i32
    "tpu.region"() ({
      %run_scoped3A = tpu.sem_alloc : memref<!tpu.dma_semaphore, #tpu.memory_space<semaphore_mem>>
      %dma_start3A_90 = arith.constant 0 : i32
      %dma_start3A_91 = tpu.memref_slice %arg6[%mul3A_4, %dma_start3A_90] : memref<4096x64xf32, #tpu.memory_space<hbm>> -> memref<128x64xf32, #tpu.memory_space<hbm>>
      %dma_start3A_92 = arith.constant 0 : i32
      %dma_start3A_93 = tpu.memref_slice %arg6[%mul3A_4, %dma_start3A_92] : memref<4096x64xf32, #tpu.memory_space<hbm>> -> memref<128x64xf32, #tpu.memory_space<hbm>>
      tpu.enqueue_dma source(%arg11 : memref<128x64xf32, #tpu.memory_space<vmem>>) target(%dma_start3A_93 : memref<128x64xf32, #tpu.memory_space<hbm>>) target_semaphore(%run_scoped3A : memref<!tpu.dma_semaphore, #tpu.memory_space<semaphore_mem>>)
      %dma_wait3A_94 = arith.constant 0 : i32
      %dma_wait3A_95 = tpu.memref_slice %arg6[%mul3A_4, %dma_wait3A_94] : memref<4096x64xf32, #tpu.memory_space<hbm>> -> memref<128x64xf32, #tpu.memory_space<hbm>>
      %dma_wait3A_96 = arith.constant 0 : i32
      %dma_wait3A_97 = tpu.memref_slice %arg6[%mul3A_4, %dma_wait3A_96] : memref<4096x64xf32, #tpu.memory_space<hbm>> -> memref<128x64xf32, #tpu.memory_space<hbm>>
      tpu.wait_dma2 semaphore(%run_scoped3A : memref<!tpu.dma_semaphore, #tpu.memory_space<semaphore_mem>>) src(%arg11 : memref<128x64xf32, #tpu.memory_space<vmem>>) dst(%dma_wait3A_97 : memref<128x64xf32, #tpu.memory_space<hbm>>)
      tpu.yield
    }) : () -> ()
    return
  }
}

</mosaic_0001>

<sc_bundles>
// kernel: kernel.3.cloned.1.call-start
scs
__scs_entry_jumppad:
0x0: {  	(pc) =	sbr.rel $0x88, $3  }
0x1: {  	(tag) =	ssettag $0x0;
	lr =	simm.s32 $0x1  }
0x2: {  	[smem:$0x3F9E] =	sst lr;
	_ =	strace $0xD0000000  }
0x3: {  	_ = 	snop  }
0x4: {  	_ = 	snop  }
0x5: {  	_ = 	snop  }
0x6: {  	_ = 	snop  }
0x7: {  	_ = 	snop  }
__scs_overlays_trampoline_lowered:
0x8: {  	[smem:$0x3FAD] =	sst s0  }
0x9: {  	[smem:$0x3FAE] =	sst s1  }
0xa: {  	[smem:$0x3FAF] =	sst s2  }
0xb: {  	[smem:$0x3FB0] =	sst s3  }
0xc: {  	[smem:$0x3FB1] =	sst s4  }
0xd: {  	[smem:$0x3FB2] =	sst s5  }
0xe: {  	[smem:$0x3FB3] =	sst s6  }
0xf: {  	[smem:$0x3FB4] =	sst s7  }
0x10: {  	[smem:$0x3FB5] =	sst s8  }
0x11: {  	[smem:$0x3FB6] =	sst s9;
	s0 =	simm.s32 @!p0 $0x0  }
0x12: {  	s1 =	sld [smem:$0x3F9C];
	s0 =	simm.s32 @p0 $0x1  }
0x13: {  	[smem:$0x3FB7] =	sst s0;
	s0 =	simm.s32 @!p1 $0x0  }
0x14: {  	s2 =	sld [smem:$0x3F9B];
	s0 =	simm.s32 @p1 $0x1  }
0x15: {  	[smem:$0x3FB8] =	sst s0;
	s0 =	simm.s32 @!p2 $0x0  }
0x16: {  	s3 =	sld [smem:$0x3FDB];
	s0 =	simm.s32 @p2 $0x1  }
0x17: {  	s4 =	simm.s32 $0x1BF5;
	[smem:$0x3FBA] =	sst s0  }
0x18: {  	s0 =	sld [smem:$0x3F9D];
	_ =	swait.ge [sflag:s4], $0x0  }
0x19: {  	s7 =	sld [smem:$0x3F9E]  }
0x1a: {  	s8 =	sadd.s32 $0xFFFFE003, lr  }
0x1b: {  	s9 =	sadd.s32 $0xFFFFFEF7, lr;
	s5 =	simm.s32 $0xFFFFFFFF;
	p2 =	slt.u32 s8, $0xFFFFF086  }
0x1c: {  	p1 =	slt.u32 s9, $0xF7A;
	s5 =	simm.s32 @!p2 $0x0  }
0x1d: {  	s5 =	simm.s32 @p1 $0x1;
	p0 =	seq.s32 s7, s2  }
0x1e: {  	s7 =	smul.u32 @!p0 $0xF7A, s2;
	p2 =	seq.s32 @!p0 s5, $0x0  }
0x1f: {  	s9 =	smul.u32 $0xF7A, s1;
	s8 =	simm.s32 @!p0 $0x1BF5;
	p2 =	por !p2, p0  }
0x20: {  	[sflag:s8] =	ssyncset.s32 @!p0 $0xFFFFF086;
	s6 =	sadd.s32 @!p0 s3, s7;
	s7 =	simm.s32 @!p0 $0x108  }
0x21: {  	s3 =	sadd.s32 s3, s9;
	s6 =	sadd.s32 @!p0 $0x88, s6;
	s7 =	simm.s32 @p2 $0x1082  }
0x22: {  	[simem:s7], [sflag:s8] =	dma.local @!p0 [hbm:s6], $0xF7A  }
0x23: {  	s9 =	sor.u32 $0xD0000000, s2;
	s6 =	simm.s32 $0x108;
	_ =	swait.ge @!p0 [sflag:s8], $0x0  }
0x24: {  	s3 =	sadd.s32 $0x88, s3;
	s6 =	simm.s32 @!p1 $0x1082;
	[sflag:s4] =	ssyncset.s32 $0xFFFFF086  }
0x25: {  	[simem:s6], [sflag:s4] =	dma.local [hbm:s3], $0xF7A  }
0x26: {  	[smem:$0x3F9E] =	sst s1;
	(tag) =	ssettag s2;
	_ =	strace s9  }
0x27: {  	s1 =	sld [smem:$0x3FAE]  }
0x28: {  	s2 =	sld [smem:$0x3FAF]  }
0x29: {  	s4 =	sld [smem:$0x3FB1]  }
0x2a: {  	p0 =	seq.s32 s5, $0x0;
	s5 =	sld [smem:$0x3FB2]  }
0x2b: {  	s6 =	sld [smem:$0x3FB3]  }
0x2c: {  	s7 =	sld [smem:$0x3FB4]  }
0x2d: {  	s3 =	simm.s32 $0x108;
	s8 =	sld [smem:$0x3FB5]  }
0x2e: {  	s3 =	simm.s32 @!p0 $0x1082;
	s9 =	sld [smem:$0x3FB6]  }
0x2f: {  	lr =	sadd.s32 s0, s3;
	s0 =	sld [smem:$0x3FAD]  }
0x30: {  	s3 =	sld [smem:$0x3FB0]  }
0x31: {  	[smem:$0x3FB9] =	sst s10  }
0x32: {  	s10 =	sld [smem:$0x3FB7];
	_ =	sdelay $0x3  }
0x33: {  	p0 =	seq.s32 s10, $0x1;
	s10 =	sld [smem:$0x3FB9];
	_ =	sdelay $0x3  }
0x34: {  	[smem:$0x3FB9] =	sst s10  }
0x35: {  	s10 =	sld [smem:$0x3FB8];
	_ =	sdelay $0x3  }
0x36: {  	p1 =	seq.s32 s10, $0x1;
	s10 =	sld [smem:$0x3FB9];
	_ =	sdelay $0x3  }
0x37: {  	[smem:$0x3FB9] =	sst s10  }
0x38: {  	s10 =	sld [smem:$0x3FBA]  }
0x39: {  	_ = 	snop;
	(pc) =	sbr.ind lr, $3  }
0x3a: {  	_ = 	snop  }
0x3b: {  	_ = 	snop  }
0x3c: {  	p2 =	seq.s32 s10, $0x1;
	s10 =	sld [smem:$0x3FB9]  }
0x3d: {  	_ =	shalt  }
0x3e: {  	_ =	shalt  }
0x3f: {  	_ =	shalt  }
0x40: {  	_ =	shalt  }
0x41: {  	_ =	shalt  }
0x42: {  	_ =	shalt  }
0x43: {  	_ =	shalt  }
0x44: {  	_ =	shalt  }
0x45: {  	_ =	shalt  }
0x46: {  	_ =	shalt  }
0x47: {  	_ =	shalt  }
0x48: {  	_ =	shalt  }
0x49: {  	_ =	shalt  }
0x4a: {  	_ =	shalt  }
0x4b: {  	_ =	shalt  }
0x4c: {  	_ =	shalt  }
0x4d: {  	_ =	shalt  }
0x4e: {  	_ =	shalt  }
0x4f: {  	_ =	shalt  }
0x50: {  	_ =	shalt  }
0x51: {  	_ =	shalt  }
0x52: {  	_ =	shalt  }
0x53: {  	_ =	shalt  }
0x54: {  	_ =	shalt  }
0x55: {  	_ =	shalt  }
0x56: {  	_ =	shalt  }
0x57: {  	_ =	shalt  }
0x58: {  	_ =	shalt  }
0x59: {  	_ =	shalt  }
0x5a: {  	_ =	shalt  }
0x5b: {  	_ =	shalt  }
0x5c: {  	_ =	shalt  }
0x5d: {  	_ =	shalt  }
0x5e: {  	_ =	shalt  }
0x5f: {  	_ =	shalt  }
0x60: {  	_ =	shalt  }
0x61: {  	_ =	shalt  }
0x62: {  	_ =	shalt  }
0x63: {  	_ =	shalt  }
0x64: {  	_ =	shalt  }
0x65: {  	_ =	shalt  }
0x66: {  	_ =	shalt  }
0x67: {  	_ =	shalt  }
0x68: {  	_ =	shalt  }
0x69: {  	_ =	shalt  }
0x6a: {  	_ =	shalt  }
0x6b: {  	_ =	shalt  }
0x6c: {  	_ =	shalt  }
0x6d: {  	_ =	shalt  }
0x6e: {  	_ =	shalt  }
0x6f: {  	_ =	shalt  }
0x70: {  	_ =	shalt  }
0x71: {  	_ =	shalt  }
0x72: {  	_ =	shalt  }
0x73: {  	_ =	shalt  }
0x74: {  	_ =	shalt  }
0x75: {  	_ =	shalt  }
0x76: {  	_ =	shalt  }
0x77: {  	_ =	shalt  }
0x78: {  	_ =	shalt  }
0x79: {  	_ =	shalt  }
0x7a: {  	_ =	shalt  }
0x7b: {  	_ =	shalt  }
0x7c: {  	_ =	shalt  }
0x7d: {  	_ =	shalt  }
0x7e: {  	_ =	shalt  }
0x7f: {  	_ =	shalt  }
0x80: {  	_ =	shalt  }
0x81: {  	_ =	shalt  }
0x82: {  	_ =	shalt  }
0x83: {  	_ =	shalt  }
0x84: {  	_ =	shalt  }
0x85: {  	_ =	shalt  }
0x86: {  	_ =	shalt  }
0x87: {  	_ =	shalt  }
.Lfunc_end0:
.L_simem_size_0:
called_computation.1_lowered:
.L_overlay_start_0:
0x88: {  	s2 =	sld [smem:$0x3FD9]  }
0x89: {  	s3 =	sld [smem:$0x3FFE];
	_ =	sdelay $0x1  }
0x8a: {  	s1 =	srdreg.scid  }
0x8b: {  	s0 =	sand.u32 $0x1, s1  }
0x8c: {  	s14 =	sshll.u32 s0, $0xA;
	s2 =	sadd.s32 s3, s2  }
0x8d: {  	s2 =	sadd.s32 s2, s14  }
0x8e: {  	[smem:$0x3FC5] =	sst s2  }
0x8f: {  	_ = 	snop  }
0x90: {  	s2 =	sld [smem:$0x3FD0];
	_ =	sdelay $0x2  }
0x91: {  	s15 =	simm.s32 $0xA;
	s4 =	simm.s32 $0x10  }
0x92: {  	[smem:s4], [sflag:s15] =	dma.local [hbm:s2], $0x1  }
0x93: {  	_ =	swait.eq [sflag:s15], $0x1  }
0x94: {  	[sflag:s15] =	ssyncset.done $0x0  }
0x95: {  	s16 =	sld [smem:$0x10];
	[sflag:s15] =	ssyncadd.s32 $0xFFFFFFFF  }
0x96: {  	s17 =	sld [smem:$0x11];
	(tm) =	ssettm $0x1  }
0x97: {  	s18 =	sld [smem:$0x3FFB];
	_ =	sdelay $0x3  }
0x98: {  	_ =	strace s18  }
0x99: {  	s4 =	sld [smem:$0x3FFC];
	_ =	sdelay $0x3  }
0x9a: {  	_ =	strace s4  }
0x9b: {  	s4 =	sld [smem:$0x3FFD];
	_ =	sdelay $0x3  }
0x9c: {  	_ =	strace s4  }
0x9d: {  	_ =	strace $0x8FFFFFFF  }
0x9e: {  	s19 =	sld [smem:$0x3FDB];
	_ =	sdelay $0x1  }
0x9f: {  	s5 =	simm.s32 $_scs_section_size  }
0xa0: {  	s6 =	simm.s32 $_size__tile_overlayer_lowered;
	s7 =	simm.s32 $_tile_overlayer_lowered  }
0xa1: {  	s22 =	simm.s32 $0x1BFF;
	s21 =	sshll.u32 s7, $0x1;
	s4 =	sadd.s32 s5, s19  }
0xa2: {  	s8 =	simm.s32 $0x0;
	s20 =	sshll.u32 s6, $0x1;
	s6 =	sadd.s32 s21, s4  }
0xa3: {  	[timem:s8], [sflag:s22] =	dma.local [hbm:s6], s20  }
0xa4: {  	_ =	swait.ge [sflag:s22], s20  }
0xa5: {  	s5 =	ssub.s32 $0x0, s20;
	[sflag:s22] =	ssyncset.done $0x0  }
0xa6: {  	[sflag:s22] =	ssyncadd.s32 s5;
	_ =	sdelay $0x1  }
0xa7: {  	s23 =	simm.s32 $0x1B8B  }
0xa8: {  	_ =	swait.ge [sflag:s23], $0x1  }
0xa9: {  	[sflag:s23] =	ssyncset.done $0x0  }
0xaa: {  	s25 =	simm.s32 $0x1B8E;
	s24 =	sld [smem:$0x3FFE];
	[sflag:s23] =	ssyncadd.s32 $0xFFFFFFFF  }
0xab: {  	s26 =	simm.s32 $execute0_lowered;
	[smem:$0x3FD2] =	sst s25  }
0xac: {  	s6 =	sshll.u32 s26, $0x1;
	_ =	strace $0x80000046;
	[dreg:$0x1] =	wrdreg $0xFFFFFFFF  }
0xad: {  	s28 =	simm.s32 $_size_execute0_lowered;
	s4 =	sadd.s32 s4, s6;
	[dreg:$0x0] =	wrdreg $0x0  }
0xae: {  	s6 =	sshll.u32 s28, $0x1;
	[dreg:$0x2] =	wrdreg s4  }
0xaf: {  	[dreg:$0x3] =	wrdreg s6  }
0xb0: {  	[dreg:$0x4] =	wrdreg $0xC0  }
0xb1: {  	_ =	task [dreg:s8], $0x5FFFF  }
0xb2: {  	[dreg:$0x1] =	wrdreg $0xFFFFFFFF  }
0xb3: {  	[dreg:$0x0] =	wrdreg $0x60  }
0xb4: {  	[dreg:$0x2] =	wrdreg s24  }
0xb5: {  	[dreg:$0x3] =	wrdreg s17  }
0xb6: {  	[dreg:$0x4] =	wrdreg s16  }
0xb7: {  	[dreg:$0x5] =	wrdreg $0x9  }
0xb8: {  	_ =	task.clear_ibuf [dreg:s8], $0x6FFFF;
	_ =	strace $0x90000046  }
0xb9: {  	s29 =	simm.s32 $0x9;
	_ =	strace $0x80000048  }
0xba: {  	_ =	swait.ge [sflag:s29], $0x1  }
0xbb: {  	[sflag:s29] =	ssyncadd.s32 $0xFFFFFFFF  }
0xbc: {  	_ =	strace $0x90000048  }
0xbd: {  	_ =	sfence  }
0xbe: {  	s30 =	sld [smem:$0x0];
	_ =	sdelay $0x2  }
0xbf: {  	s31 =	sshll.u32 s1, $0xD;
	s1 =	sshrl.u32 s1, $0x2  }
0xc0: {  	s3 =	sand.u32 $0x4000, s31;
	s1 =	sadd.s32 s1, s30  }
0xc1: {  	s0 =	sor.u32 s3, s0;
	s1 =	sshll.u32 s1, $0x11  }
0xc2: {  	s0 =	sor.u32 s1, s0  }
0xc3: {  	s0 =	sadd.s32 $0x8F2B, s0  }
0xc4: {  	[sflag:s0] =	ssyncadd.remote.s32 $0x1  }
0xc5: {  	_ =	sfence.sel $0xFFFF  }
0xc6: {  	[dreg:$0x0] =	wrdreg $0xFFFFFFFF;
	(pc) =	sbr.abs _section_cstart, $3  }
0xc7: {  	[dreg:$0x1] =	wrdreg $0xFFFFFFFF  }
0xc8: {  	_ =	task.clear_ibuf [dreg:s8], $0x2FFFF;
	_ =	strace $0x9FFFFFFF  }
0xc9: {  	(tm) =	ssettm $0x7FFFFFFF  }
tec
execute0_lowered:
.L_overlay_start_1:
0x0: {  	(tag) =	ssettag $0x1  }
0x1: {  	s5 =	rddreg [dreg:$0x0];
	s1 =	srdreg.scid  }
0x2: {  	s0 =	stileid.u32;
	s2 =	rddreg [dreg:$0x1]  }
0x3: {  	s8 =	rddreg [dreg:$0x2];
	s3 =	simm.s32 $0x0;
	s11 =	simm.s32 $0x80  }
0x4: {  	s12 =	simm.s32 $0x3200;
	s13 =	simm.s32 $0x5200;
	s14 =	simm.s32 $0x1  }
0x5: {  	s15 =	simm.s32 $0x2;
	s16 =	simm.s32 $0x3;
	s17 =	simm.s32 $0x4  }
0x6: {  	s18 =	simm.s32 $0x7200;
	s6 =	sand.u32 $0x1, s1;
	s31 =	sshll.u32 s0, $0x1  }
0x7: {  	s19 =	simm.s32 $0x0;
	s1 =	rddreg [dreg:$0x3];
	s9 =	sor.u32 s6, s31  }
0x8: {  	[smem:$0x7FF] =	sst s3;
	s6 =	ssub.s32 $0x2, s6;
	s4 =	smul.u32 $0x1900, s9  }
0x9: {  	_ =	strace $0x80000047;
	s10 =	sshrl.u32 s6, $0x1;
	s9 =	sshll.u32 s9, $0xA  }
0xa: {  	s10 =	ssub.s32 s6, s10;
	s8 =	sadd.s32 s8, s9;
	s7 =	sshrl.u32 s4, $0x3  }
0xb: {  	s9 =	smax.u32 s10, $0x1;
	s10 =	simm.s32 $0x5;
	s7 =	sadd.s32 s7, s5  }
0xc: {  	s5 =	sadd.s32 $0xD600, s5;
	s6 =	sadd.s32 $0x7200, s7;
	s7 =	sadd.s32 $0xE00, s7  }
.LBB2_1:
0xd: {  	[tilespmem:s3], [sflag:$0x5] =	stream.linear.gather [hbm4b:s6+s3], $0x1900, $0x38;
	[tilespmem:$0xB400] =	vst v63  }
0xe: {  	_ =	swait.ge [sflag:s10], $0x1900  }
0xf: {  	[sflag:s10] =	ssyncset.done $0x0  }
0x10: {  	s20 =	simm.s32 $0x1900;
	[sflag:s10] =	ssyncadd.s32 $0xFFFFE700  }
0x11: {  	[tilespmem:s20], [sflag:$0x5] =	stream.linear.gather [hbm4b:s7+s3], $0x1900, $0x38;
	[tilespmem:$0xB400] =	vst v63  }
0x12: {  	_ =	swait.ge [sflag:s10], $0x1900  }
0x13: {  	[sflag:s10] =	ssyncset.done $0x0  }
0x14: {  	s26 =	simm.s32 $0xFFFFFFFF;
	[sflag:s10] =	ssyncadd.s32 $0xFFFFE700  }
0x15: {  	[tilespmem:s12], [sflag:$0x1] =	stream.indirect.gather [hbm4b:s5+s11], $0x40, s3, s11, $0xb8;
	[tilespmem:$0xB400] =	vst v63  }
0x16: {  	s21 =	simm.s32 $0x1980;
	s28 =	simm.s32 $0x0;
	s22 =	simm.s32 $0x0  }
0x17: {  	[tilespmem:s13], [sflag:$0x2] =	stream.indirect.gather [hbm4b:s5+s11], $0x40, s11, s11, $0xb8;
	[tilespmem:$0xB400] =	vst v63  }
.LBB2_2:
0x18: {  	s23 =	sshll.u32 s22, $0x8  }
0x19: {  	_ =	swait.ge [sflag:s14], $0x2000;
	s24 =	sadd.s32 s4, s23  }
0x1a: {  	[sflag:s14] =	ssyncset.done $0x0;
	s24 =	sshll.u32 s24, $0x3  }
0x1b: {  	[sflag:s14] =	ssyncadd.s32 $0xFFFFE000;
	s25 =	sadd.s32 s2, s24;
	s24 =	simm.s32 $0x0  }
0x1c: {  	[hbm4b:s25+s24] =	stream.linear.scatter [tilespmem:s12], [sflag:$0x3], $0x2000, $0x38;
	[tilespmem:$0xB400] =	vst v63  }
0x1d: {  	v0 =	vmov s20;
	s25 =	simm.s32 $0x3400  }
.LBB2_3:
0x1e: {  	v2 =	vld [tilespmem:$0xB200]  }
0x1f: {  	v3 =	vld [tilespmem:$0xB240]  }
0x20: {  	v4 =	vld [tilespmem:$0xB280];
	p0 =	sne.s32 s28, $0x0  }
0x21: {  	v5 =	vld [tilespmem:$0xB2C0];
	p1 =	slt.s32 @!p0 s26, $0x0  }
0x22: {  	v6 =	vld [tilespmem:$0xB300];
	s29 =	sshra.s32 s24, $0x2;
	p0 =	por p1, p0  }
0x23: {  	v1 =	vld.idx.msk [tilespmem:v0+s29+$0x0 ss:$0x1], $0xffff;
	s29 =	sshll.u32 @!p0 s26, $0x6  }
0x24: {  	[tilespmem:s29+$0x7200] =	vst @!p0 v2  }
0x25: {  	[tilespmem:s29+$0x7210] =	vst @!p0 v3  }
0x26: {  	[tilespmem:s29+$0x7220] =	vst @!p0 v4  }
0x27: {  	[tilespmem:s29+$0x7230] =	vst @!p0 v5  }
0x28: {  	[tilespmem:s29+$0x9200] =	vst @!p0 v6  }
0x29: {  	v7 =	vld [tilespmem:s25+$0xFFFFFE00]  }
0x2a: {  	p1 =	seq.s32 s28, $0x31;
	v8 =	vld [tilespmem:s25+$0xFFFFFE10]  }
0x2b: {  	p0 =	seq.s32 s28, $0x0;
	s29 =	simm.s32 $0x1;
	s28 =	sadd.s32 $0x1, s28;
	v9 =	vld [tilespmem:s25+$0xFFFFFE20]  }
0x2c: {  	v10 =	vbroadcast v1, $0x0;
	v11 =	vld [tilespmem:s25+$0xFFFFFE30];
	s29 =	simm.s32 @!p0 $0x0;
	s28 =	simm.s32 @p1 $0x0  }
0x2d: {  	s26 =	sadd.s32 s29, s26;
	p1 =	sne.s32 s28, $0x0  }
0x2e: {  	v6 =	vpsel p0, $0x0, v6;
	p2 =	slt.s32 @!p1 s26, $0x0;
	v7 =	vmul.f32 v7, v10  }
0x2f: {  	v2 =	vpsel p0, $0x0, v2;
	v6 =	vadd.f32 v10, v6;
	p1 =	por p2, p1;
	v8 =	vmul.f32 v8, v10  }
0x30: {  	v3 =	vpsel p0, $0x0, v3;
	s29 =	sshll.u32 @!p1 s26, $0x6;
	v61 =	vmul.f32 v9, v10;
	v2 =	vadd.f32 v7, v2  }
0x31: {  	v4 =	vpsel p0, $0x0, v4;
	v62 =	vmul.f32 v11, v10;
	[tilespmem:s29+$0x9200] =	vst @!p1 v6;
	v3 =	vadd.f32 v8, v3  }
0x32: {  	v5 =	vpsel p0, $0x0, v5;
	v4 =	vadd.f32 v61, v4;
	[tilespmem:s29+$0x7200] =	vst @!p1 v2  }
0x33: {  	v5 =	vadd.f32 v62, v5;
	[tilespmem:s29+$0x7210] =	vst @!p1 v3  }
0x34: {  	[tilespmem:s29+$0x7220] =	vst @!p1 v4  }
0x35: {  	[tilespmem:s29+$0x7230] =	vst @!p1 v5  }
0x36: {  	v63 =	vld [tilespmem:s25+$0xFFFFFE40]  }
0x37: {  	p0 =	seq.s32 s28, $0x0;
	v12 =	vld [tilespmem:s25+$0xFFFFFE50]  }
0x38: {  	s29 =	simm.s32 $0x1;
	p1 =	seq.s32 s28, $0x31;
	s28 =	sadd.s32 $0x1, s28;
	v13 =	vld [tilespmem:s25+$0xFFFFFE60]  }
0x39: {  	v14 =	vbroadcast v1, $0x1;
	v15 =	vld [tilespmem:s25+$0xFFFFFE70];
	s29 =	simm.s32 @!p0 $0x0;
	s28 =	simm.s32 @p1 $0x0  }
0x3a: {  	s26 =	sadd.s32 s29, s26;
	p1 =	sne.s32 s28, $0x0  }
0x3b: {  	v6 =	vpsel p0, $0x0, v6;
	p2 =	slt.s32 @!p1 s26, $0x0;
	v7 =	vmul.f32 v63, v14  }
0x3c: {  	v6 =	vadd.f32 v6, v14;
	v2 =	vpsel p0, $0x0, v2;
	p1 =	por p2, p1;
	v8 =	vmul.f32 v12, v14  }
0x3d: {  	v3 =	vpsel p0, $0x0, v3;
	s29 =	sshll.u32 @!p1 s26, $0x6;
	v16 =	vmul.f32 v13, v14;
	v2 =	vadd.f32 v7, v2  }
0x3e: {  	v4 =	vpsel p0, $0x0, v4;
	v17 =	vmul.f32 v15, v14;
	[tilespmem:s29+$0x9200] =	vst @!p1 v6;
	v3 =	vadd.f32 v8, v3  }
0x3f: {  	v5 =	vpsel p0, $0x0, v5;
	v4 =	vadd.f32 v16, v4;
	[tilespmem:s29+$0x7200] =	vst @!p1 v2  }
0x40: {  	v5 =	vadd.f32 v17, v5;
	[tilespmem:s29+$0x7210] =	vst @!p1 v3  }
0x41: {  	[tilespmem:s29+$0x7220] =	vst @!p1 v4  }
0x42: {  	[tilespmem:s29+$0x7230] =	vst @!p1 v5  }
0x43: {  	v18 =	vld [tilespmem:s25+$0xFFFFFE80]  }
0x44: {  	p0 =	seq.s32 s28, $0x0;
	v19 =	vld [tilespmem:s25+$0xFFFFFE90]  }
0x45: {  	s29 =	simm.s32 $0x1;
	p1 =	seq.s32 s28, $0x31;
	s28 =	sadd.s32 $0x1, s28;
	v20 =	vld [tilespmem:s25+$0xFFFFFEA0]  }
0x46: {  	v21 =	vbroadcast v1, $0x2;
	v22 =	vld [tilespmem:s25+$0xFFFFFEB0];
	s29 =	simm.s32 @!p0 $0x0;
	s28 =	simm.s32 @p1 $0x0  }
0x47: {  	s26 =	sadd.s32 s29, s26;
	p1 =	sne.s32 s28, $0x0  }
0x48: {  	v6 =	vpsel p0, $0x0, v6;
	p2 =	slt.s32 @!p1 s26, $0x0;
	v7 =	vmul.f32 v18, v21  }
0x49: {  	v6 =	vadd.f32 v6, v21;
	v2 =	vpsel p0, $0x0, v2;
	p1 =	por p2, p1;
	v8 =	vmul.f32 v19, v21  }
0x4a: {  	v3 =	vpsel p0, $0x0, v3;
	s29 =	sshll.u32 @!p1 s26, $0x6;
	v23 =	vmul.f32 v20, v21;
	v2 =	vadd.f32 v7, v2  }
0x4b: {  	v4 =	vpsel p0, $0x0, v4;
	v24 =	vmul.f32 v22, v21;
	[tilespmem:s29+$0x9200] =	vst @!p1 v6;
	v3 =	vadd.f32 v8, v3  }
0x4c: {  	v5 =	vpsel p0, $0x0, v5;
	v4 =	vadd.f32 v23, v4;
	[tilespmem:s29+$0x7200] =	vst @!p1 v2  }
0x4d: {  	v5 =	vadd.f32 v24, v5;
	[tilespmem:s29+$0x7210] =	vst @!p1 v3  }
0x4e: {  	[tilespmem:s29+$0x7220] =	vst @!p1 v4  }
0x4f: {  	[tilespmem:s29+$0x7230] =	vst @!p1 v5  }
0x50: {  	v25 =	vld [tilespmem:s25+$0xFFFFFEC0]  }
0x51: {  	p0 =	seq.s32 s28, $0x0;
	v26 =	vld [tilespmem:s25+$0xFFFFFED0]  }
0x52: {  	s29 =	simm.s32 $0x1;
	p1 =	seq.s32 s28, $0x31;
	s28 =	sadd.s32 $0x1, s28;
	v27 =	vld [tilespmem:s25+$0xFFFFFEE0]  }
0x53: {  	v28 =	vbroadcast v1, $0x3;
	v29 =	vld [tilespmem:s25+$0xFFFFFEF0];
	s29 =	simm.s32 @!p0 $0x0;
	s28 =	simm.s32 @p1 $0x0  }
0x54: {  	s26 =	sadd.s32 s29, s26;
	p1 =	sne.s32 s28, $0x0  }
0x55: {  	v6 =	vpsel p0, $0x0, v6;
	p2 =	slt.s32 @!p1 s26, $0x0;
	v7 =	vmul.f32 v25, v28  }
0x56: {  	v6 =	vadd.f32 v6, v28;
	v2 =	vpsel p0, $0x0, v2;
	p1 =	por p2, p1;
	v8 =	vmul.f32 v26, v28  }
0x57: {  	v3 =	vpsel p0, $0x0, v3;
	s29 =	sshll.u32 @!p1 s26, $0x6;
	v30 =	vmul.f32 v27, v28;
	v2 =	vadd.f32 v7, v2  }
0x58: {  	v4 =	vpsel p0, $0x0, v4;
	v31 =	vmul.f32 v29, v28;
	[tilespmem:s29+$0x9200] =	vst @!p1 v6;
	v3 =	vadd.f32 v8, v3  }
0x59: {  	v5 =	vpsel p0, $0x0, v5;
	v4 =	vadd.f32 v30, v4;
	[tilespmem:s29+$0x7200] =	vst @!p1 v2  }
0x5a: {  	v5 =	vadd.f32 v31, v5;
	[tilespmem:s29+$0x7210] =	vst @!p1 v3  }
0x5b: {  	[tilespmem:s29+$0x7220] =	vst @!p1 v4  }
0x5c: {  	[tilespmem:s29+$0x7230] =	vst @!p1 v5  }
0x5d: {  	v32 =	vld [tilespmem:s25+$0xFFFFFF00]  }
0x5e: {  	p0 =	seq.s32 s28, $0x0;
	v33 =	vld [tilespmem:s25+$0xFFFFFF10]  }
0x5f: {  	s29 =	simm.s32 $0x1;
	p1 =	seq.s32 s28, $0x31;
	s28 =	sadd.s32 $0x1, s28;
	v34 =	vld [tilespmem:s25+$0xFFFFFF20]  }
0x60: {  	v35 =	vbroadcast v1, $0x4;
	v36 =	vld [tilespmem:s25+$0xFFFFFF30];
	s29 =	simm.s32 @!p0 $0x0;
	s28 =	simm.s32 @p1 $0x0  }
0x61: {  	s26 =	sadd.s32 s29, s26;
	p1 =	sne.s32 s28, $0x0  }
0x62: {  	v6 =	vpsel p0, $0x0, v6;
	p2 =	slt.s32 @!p1 s26, $0x0;
	v7 =	vmul.f32 v32, v35  }
0x63: {  	v6 =	vadd.f32 v6, v35;
	v2 =	vpsel p0, $0x0, v2;
	p1 =	por p2, p1;
	v8 =	vmul.f32 v33, v35  }
0x64: {  	v3 =	vpsel p0, $0x0, v3;
	s29 =	sshll.u32 @!p1 s26, $0x6;
	v37 =	vmul.f32 v34, v35;
	v2 =	vadd.f32 v7, v2  }
0x65: {  	v4 =	vpsel p0, $0x0, v4;
	v38 =	vmul.f32 v36, v35;
	[tilespmem:s29+$0x9200] =	vst @!p1 v6;
	v3 =	vadd.f32 v8, v3  }
0x66: {  	v5 =	vpsel p0, $0x0, v5;
	v4 =	vadd.f32 v37, v4;
	[tilespmem:s29+$0x7200] =	vst @!p1 v2  }
0x67: {  	v5 =	vadd.f32 v38, v5;
	[tilespmem:s29+$0x7210] =	vst @!p1 v3  }
0x68: {  	[tilespmem:s29+$0x7220] =	vst @!p1 v4  }
0x69: {  	[tilespmem:s29+$0x7230] =	vst @!p1 v5  }
0x6a: {  	v39 =	vld [tilespmem:s25+$0xFFFFFF40]  }
0x6b: {  	p0 =	seq.s32 s28, $0x0;
	v40 =	vld [tilespmem:s25+$0xFFFFFF50]  }
0x6c: {  	s29 =	simm.s32 $0x1;
	p1 =	seq.s32 s28, $0x31;
	s28 =	sadd.s32 $0x1, s28;
	v41 =	vld [tilespmem:s25+$0xFFFFFF60]  }
0x6d: {  	v42 =	vbroadcast v1, $0x5;
	v43 =	vld [tilespmem:s25+$0xFFFFFF70];
	s29 =	simm.s32 @!p0 $0x0;
	s28 =	simm.s32 @p1 $0x0  }
0x6e: {  	s26 =	sadd.s32 s29, s26;
	p1 =	sne.s32 s28, $0x0  }
0x6f: {  	v6 =	vpsel p0, $0x0, v6;
	p2 =	slt.s32 @!p1 s26, $0x0;
	v7 =	vmul.f32 v39, v42  }
0x70: {  	v6 =	vadd.f32 v6, v42;
	v2 =	vpsel p0, $0x0, v2;
	p1 =	por p2, p1;
	v8 =	vmul.f32 v40, v42  }
0x71: {  	v3 =	vpsel p0, $0x0, v3;
	s29 =	sshll.u32 @!p1 s26, $0x6;
	v44 =	vmul.f32 v41, v42;
	v2 =	vadd.f32 v7, v2  }
0x72: {  	v4 =	vpsel p0, $0x0, v4;
	v45 =	vmul.f32 v43, v42;
	[tilespmem:s29+$0x9200] =	vst @!p1 v6;
	v3 =	vadd.f32 v8, v3  }
0x73: {  	v5 =	vpsel p0, $0x0, v5;
	v4 =	vadd.f32 v44, v4;
	[tilespmem:s29+$0x7200] =	vst @!p1 v2  }
0x74: {  	v5 =	vadd.f32 v45, v5;
	[tilespmem:s29+$0x7210] =	vst @!p1 v3  }
0x75: {  	[tilespmem:s29+$0x7220] =	vst @!p1 v4  }
0x76: {  	[tilespmem:s29+$0x7230] =	vst @!p1 v5  }
0x77: {  	v46 =	vld [tilespmem:s25+$0xFFFFFF80]  }
0x78: {  	p0 =	seq.s32 s28, $0x0;
	v47 =	vld [tilespmem:s25+$0xFFFFFF90]  }
0x79: {  	s29 =	simm.s32 $0x1;
	p1 =	seq.s32 s28, $0x31;
	s28 =	sadd.s32 $0x1, s28;
	v48 =	vld [tilespmem:s25+$0xFFFFFFA0]  }
0x7a: {  	v49 =	vbroadcast v1, $0x6;
	v50 =	vld [tilespmem:s25+$0xFFFFFFB0];
	s29 =	simm.s32 @!p0 $0x0;
	s28 =	simm.s32 @p1 $0x0  }
0x7b: {  	s26 =	sadd.s32 s29, s26;
	p1 =	sne.s32 s28, $0x0  }
0x7c: {  	v6 =	vpsel p0, $0x0, v6;
	p2 =	slt.s32 @!p1 s26, $0x0;
	v7 =	vmul.f32 v46, v49  }
0x7d: {  	v6 =	vadd.f32 v6, v49;
	v2 =	vpsel p0, $0x0, v2;
	p1 =	por p2, p1;
	v8 =	vmul.f32 v47, v49  }
0x7e: {  	v3 =	vpsel p0, $0x0, v3;
	s29 =	sshll.u32 @!p1 s26, $0x6;
	v51 =	vmul.f32 v48, v49;
	v2 =	vadd.f32 v7, v2  }
0x7f: {  	v4 =	vpsel p0, $0x0, v4;
	v52 =	vmul.f32 v50, v49;
	[tilespmem:s29+$0x9200] =	vst @!p1 v6;
	v3 =	vadd.f32 v8, v3  }
0x80: {  	v5 =	vpsel p0, $0x0, v5;
	v4 =	vadd.f32 v51, v4;
	[tilespmem:s29+$0x7200] =	vst @!p1 v2  }
0x81: {  	v5 =	vadd.f32 v52, v5;
	[tilespmem:s29+$0x7210] =	vst @!p1 v3  }
0x82: {  	[tilespmem:s29+$0x7220] =	vst @!p1 v4  }
0x83: {  	[tilespmem:s29+$0x7230] =	vst @!p1 v5  }
0x84: {  	v53 =	vld [tilespmem:s25+$0xFFFFFFC0]  }
0x85: {  	p0 =	seq.s32 s28, $0x0;
	v54 =	vld [tilespmem:s25+$0xFFFFFFD0]  }
0x86: {  	s29 =	simm.s32 $0x1;
	p1 =	seq.s32 s28, $0x31;
	s28 =	sadd.s32 $0x1, s28;
	v55 =	vld [tilespmem:s25+$0xFFFFFFE0]  }
0x87: {  	v56 =	vbroadcast v1, $0x7;
	v57 =	vld [tilespmem:s25+$0xFFFFFFF0];
	s29 =	simm.s32 @!p0 $0x0;
	s28 =	simm.s32 @p1 $0x0  }
0x88: {  	s26 =	sadd.s32 s29, s26;
	p1 =	sne.s32 s28, $0x0  }
0x89: {  	v6 =	vpsel p0, $0x0, v6;
	p2 =	slt.s32 @!p1 s26, $0x0;
	v7 =	vmul.f32 v53, v56  }
0x8a: {  	v6 =	vadd.f32 v6, v56;
	v2 =	vpsel p0, $0x0, v2;
	p1 =	por p2, p1;
	v8 =	vmul.f32 v54, v56  }
0x8b: {  	v3 =	vpsel p0, $0x0, v3;
	s29 =	sshll.u32 @!p1 s26, $0x6;
	v58 =	vmul.f32 v55, v56;
	v2 =	vadd.f32 v7, v2  }
0x8c: {  	v4 =	vpsel p0, $0x0, v4;
	v59 =	vmul.f32 v57, v56;
	[tilespmem:s29+$0x9200] =	vst @!p1 v6;
	v3 =	vadd.f32 v8, v3  }
0x8d: {  	v5 =	vpsel p0, $0x0, v5;
	v4 =	vadd.f32 v58, v4;
	[tilespmem:s29+$0x7200] =	vst @!p1 v2  }
0x8e: {  	v5 =	vadd.f32 v59, v5;
	[tilespmem:s29+$0x7210] =	vst @!p1 v3  }
0x8f: {  	[tilespmem:s29+$0x7220] =	vst @!p1 v4  }
0x90: {  	[tilespmem:s29+$0x7230] =	vst @!p1 v5  }
0x91: {  	v60 =	vld [tilespmem:s25+$0x0]  }
0x92: {  	p0 =	seq.s32 s28, $0x0;
	v61 =	vld [tilespmem:s25+$0x10]  }
0x93: {  	s29 =	simm.s32 $0x1;
	p1 =	seq.s32 s28, $0x31;
	s28 =	sadd.s32 $0x1, s28;
	v62 =	vld [tilespmem:s25+$0x20]  }
0x94: {  	v63 =	vbroadcast v1, $0x8;
	v12 =	vld [tilespmem:s25+$0x30];
	s29 =	simm.s32 @!p0 $0x0;
	s28 =	simm.s32 @p1 $0x0  }
0x95: {  	s26 =	sadd.s32 s29, s26;
	p1 =	sne.s32 s28, $0x0  }
0x96: {  	v6 =	vpsel p0, $0x0, v6;
	p2 =	slt.s32 @!p1 s26, $0x0;
	v7 =	vmul.f32 v60, v63  }
0x97: {  	v6 =	vadd.f32 v6, v63;
	v2 =	vpsel p0, $0x0, v2;
	p1 =	por p2, p1;
	v8 =	vmul.f32 v61, v63  }
0x98: {  	v3 =	vpsel p0, $0x0, v3;
	s29 =	sshll.u32 @!p1 s26, $0x6;
	v13 =	vmul.f32 v62, v63;
	v2 =	vadd.f32 v7, v2  }
0x99: {  	v4 =	vpsel p0, $0x0, v4;
	v14 =	vmul.f32 v12, v63;
	[tilespmem:s29+$0x9200] =	vst @!p1 v6;
	v3 =	vadd.f32 v8, v3  }
0x9a: {  	v5 =	vpsel p0, $0x0, v5;
	v4 =	vadd.f32 v13, v4;
	[tilespmem:s29+$0x7200] =	vst @!p1 v2  }
0x9b: {  	v5 =	vadd.f32 v14, v5;
	[tilespmem:s29+$0x7210] =	vst @!p1 v3  }
0x9c: {  	[tilespmem:s29+$0x7220] =	vst @!p1 v4  }
0x9d: {  	[tilespmem:s29+$0x7230] =	vst @!p1 v5  }
0x9e: {  	v15 =	vld [tilespmem:s25+$0x40]  }
0x9f: {  	p0 =	seq.s32 s28, $0x0;
	v16 =	vld [tilespmem:s25+$0x50]  }
0xa0: {  	s29 =	simm.s32 $0x1;
	p1 =	seq.s32 s28, $0x31;
	s28 =	sadd.s32 $0x1, s28;
	v17 =	vld [tilespmem:s25+$0x60]  }
0xa1: {  	v18 =	vbroadcast v1, $0x9;
	v19 =	vld [tilespmem:s25+$0x70];
	s29 =	simm.s32 @!p0 $0x0;
	s28 =	simm.s32 @p1 $0x0  }
0xa2: {  	s26 =	sadd.s32 s29, s26;
	p1 =	sne.s32 s28, $0x0  }
0xa3: {  	v6 =	vpsel p0, $0x0, v6;
	p2 =	slt.s32 @!p1 s26, $0x0;
	v7 =	vmul.f32 v15, v18  }
0xa4: {  	v6 =	vadd.f32 v6, v18;
	v2 =	vpsel p0, $0x0, v2;
	p1 =	por p2, p1;
	v8 =	vmul.f32 v16, v18  }
0xa5: {  	v3 =	vpsel p0, $0x0, v3;
	s29 =	sshll.u32 @!p1 s26, $0x6;
	v20 =	vmul.f32 v17, v18;
	v2 =	vadd.f32 v7, v2  }
0xa6: {  	v4 =	vpsel p0, $0x0, v4;
	v21 =	vmul.f32 v19, v18;
	[tilespmem:s29+$0x9200] =	vst @!p1 v6;
	v3 =	vadd.f32 v8, v3  }
0xa7: {  	v5 =	vpsel p0, $0x0, v5;
	v4 =	vadd.f32 v20, v4;
	[tilespmem:s29+$0x7200] =	vst @!p1 v2  }
0xa8: {  	v5 =	vadd.f32 v21, v5;
	[tilespmem:s29+$0x7210] =	vst @!p1 v3  }
0xa9: {  	[tilespmem:s29+$0x7220] =	vst @!p1 v4  }
0xaa: {  	[tilespmem:s29+$0x7230] =	vst @!p1 v5  }
0xab: {  	v22 =	vld [tilespmem:s25+$0x80]  }
0xac: {  	p0 =	seq.s32 s28, $0x0;
	v23 =	vld [tilespmem:s25+$0x90]  }
0xad: {  	s29 =	simm.s32 $0x1;
	p1 =	seq.s32 s28, $0x31;
	s28 =	sadd.s32 $0x1, s28;
	v24 =	vld [tilespmem:s25+$0xA0]  }
0xae: {  	v25 =	vbroadcast v1, $0xA;
	v26 =	vld [tilespmem:s25+$0xB0];
	s29 =	simm.s32 @!p0 $0x0;
	s28 =	simm.s32 @p1 $0x0  }
0xaf: {  	s26 =	sadd.s32 s29, s26;
	p1 =	sne.s32 s28, $0x0  }
0xb0: {  	v6 =	vpsel p0, $0x0, v6;
	p2 =	slt.s32 @!p1 s26, $0x0;
	v7 =	vmul.f32 v22, v25  }
0xb1: {  	v6 =	vadd.f32 v6, v25;
	v2 =	vpsel p0, $0x0, v2;
	p1 =	por p2, p1;
	v8 =	vmul.f32 v23, v25  }
0xb2: {  	v3 =	vpsel p0, $0x0, v3;
	s29 =	sshll.u32 @!p1 s26, $0x6;
	v27 =	vmul.f32 v24, v25;
	v2 =	vadd.f32 v7, v2  }
0xb3: {  	v4 =	vpsel p0, $0x0, v4;
	v28 =	vmul.f32 v26, v25;
	[tilespmem:s29+$0x9200] =	vst @!p1 v6;
	v3 =	vadd.f32 v8, v3  }
0xb4: {  	v5 =	vpsel p0, $0x0, v5;
	v4 =	vadd.f32 v27, v4;
	[tilespmem:s29+$0x7200] =	vst @!p1 v2  }
0xb5: {  	v5 =	vadd.f32 v28, v5;
	[tilespmem:s29+$0x7210] =	vst @!p1 v3  }
0xb6: {  	[tilespmem:s29+$0x7220] =	vst @!p1 v4  }
0xb7: {  	[tilespmem:s29+$0x7230] =	vst @!p1 v5  }
0xb8: {  	v29 =	vld [tilespmem:s25+$0xC0]  }
0xb9: {  	p0 =	seq.s32 s28, $0x0;
	v30 =	vld [tilespmem:s25+$0xD0]  }
0xba: {  	s29 =	simm.s32 $0x1;
	p1 =	seq.s32 s28, $0x31;
	s28 =	sadd.s32 $0x1, s28;
	v31 =	vld [tilespmem:s25+$0xE0]  }
0xbb: {  	v32 =	vbroadcast v1, $0xB;
	v33 =	vld [tilespmem:s25+$0xF0];
	s29 =	simm.s32 @!p0 $0x0;
	s28 =	simm.s32 @p1 $0x0  }
0xbc: {  	s26 =	sadd.s32 s29, s26;
	p1 =	sne.s32 s28, $0x0  }
0xbd: {  	v6 =	vpsel p0, $0x0, v6;
	p2 =	slt.s32 @!p1 s26, $0x0;
	v7 =	vmul.f32 v29, v32  }
0xbe: {  	v6 =	vadd.f32 v6, v32;
	v2 =	vpsel p0, $0x0, v2;
	p1 =	por p2, p1;
	v8 =	vmul.f32 v30, v32  }
0xbf: {  	v3 =	vpsel p0, $0x0, v3;
	s29 =	sshll.u32 @!p1 s26, $0x6;
	v34 =	vmul.f32 v31, v32;
	v2 =	vadd.f32 v7, v2  }
0xc0: {  	v4 =	vpsel p0, $0x0, v4;
	v35 =	vmul.f32 v33, v32;
	[tilespmem:s29+$0x9200] =	vst @!p1 v6;
	v3 =	vadd.f32 v8, v3  }
0xc1: {  	v5 =	vpsel p0, $0x0, v5;
	v4 =	vadd.f32 v34, v4;
	[tilespmem:s29+$0x7200] =	vst @!p1 v2  }
0xc2: {  	v5 =	vadd.f32 v35, v5;
	[tilespmem:s29+$0x7210] =	vst @!p1 v3  }
0xc3: {  	[tilespmem:s29+$0x7220] =	vst @!p1 v4  }
0xc4: {  	[tilespmem:s29+$0x7230] =	vst @!p1 v5  }
0xc5: {  	v36 =	vld [tilespmem:s25+$0x100]  }
0xc6: {  	p0 =	seq.s32 s28, $0x0;
	v37 =	vld [tilespmem:s25+$0x110]  }
0xc7: {  	s29 =	simm.s32 $0x1;
	p1 =	seq.s32 s28, $0x31;
	s28 =	sadd.s32 $0x1, s28;
	v38 =	vld [tilespmem:s25+$0x120]  }
0xc8: {  	v39 =	vbroadcast v1, $0xC;
	v40 =	vld [tilespmem:s25+$0x130];
	s29 =	simm.s32 @!p0 $0x0;
	s28 =	simm.s32 @p1 $0x0  }
0xc9: {  	s26 =	sadd.s32 s29, s26;
	p1 =	sne.s32 s28, $0x0  }
0xca: {  	v6 =	vpsel p0, $0x0, v6;
	p2 =	slt.s32 @!p1 s26, $0x0;
	v7 =	vmul.f32 v36, v39  }
0xcb: {  	v6 =	vadd.f32 v6, v39;
	v2 =	vpsel p0, $0x0, v2;
	p1 =	por p2, p1;
	v8 =	vmul.f32 v37, v39  }
0xcc: {  	v3 =	vpsel p0, $0x0, v3;
	s29 =	sshll.u32 @!p1 s26, $0x6;
	v41 =	vmul.f32 v38, v39;
	v2 =	vadd.f32 v7, v2  }
0xcd: {  	v4 =	vpsel p0, $0x0, v4;
	v42 =	vmul.f32 v40, v39;
	[tilespmem:s29+$0x9200] =	vst @!p1 v6;
	v3 =	vadd.f32 v8, v3  }
0xce: {  	v5 =	vpsel p0, $0x0, v5;
	v4 =	vadd.f32 v41, v4;
	[tilespmem:s29+$0x7200] =	vst @!p1 v2  }
0xcf: {  	v5 =	vadd.f32 v42, v5;
	[tilespmem:s29+$0x7210] =	vst @!p1 v3  }
0xd0: {  	[tilespmem:s29+$0x7220] =	vst @!p1 v4  }
0xd1: {  	[tilespmem:s29+$0x7230] =	vst @!p1 v5  }
0xd2: {  	v43 =	vld [tilespmem:s25+$0x140]  }
0xd3: {  	p0 =	seq.s32 s28, $0x0;
	v44 =	vld [tilespmem:s25+$0x150]  }
0xd4: {  	s29 =	simm.s32 $0x1;
	p1 =	seq.s32 s28, $0x31;
	s28 =	sadd.s32 $0x1, s28;
	v45 =	vld [tilespmem:s25+$0x160]  }
0xd5: {  	v46 =	vbroadcast v1, $0xD;
	v47 =	vld [tilespmem:s25+$0x170];
	s29 =	simm.s32 @!p0 $0x0;
	s28 =	simm.s32 @p1 $0x0  }
0xd6: {  	s26 =	sadd.s32 s29, s26;
	p1 =	sne.s32 s28, $0x0  }
0xd7: {  	v6 =	vpsel p0, $0x0, v6;
	p2 =	slt.s32 @!p1 s26, $0x0;
	v7 =	vmul.f32 v43, v46  }
0xd8: {  	v6 =	vadd.f32 v6, v46;
	v2 =	vpsel p0, $0x0, v2;
	p1 =	por p2, p1;
	v8 =	vmul.f32 v44, v46  }
0xd9: {  	v3 =	vpsel p0, $0x0, v3;
	s29 =	sshll.u32 @!p1 s26, $0x6;
	v48 =	vmul.f32 v45, v46;
	v2 =	vadd.f32 v7, v2  }
0xda: {  	v4 =	vpsel p0, $0x0, v4;
	v49 =	vmul.f32 v47, v46;
	[tilespmem:s29+$0x9200] =	vst @!p1 v6;
	v3 =	vadd.f32 v8, v3  }
0xdb: {  	v5 =	vpsel p0, $0x0, v5;
	v4 =	vadd.f32 v48, v4;
	[tilespmem:s29+$0x7200] =	vst @!p1 v2  }
0xdc: {  	v5 =	vadd.f32 v49, v5;
	[tilespmem:s29+$0x7210] =	vst @!p1 v3  }
0xdd: {  	[tilespmem:s29+$0x7220] =	vst @!p1 v4  }
0xde: {  	[tilespmem:s29+$0x7230] =	vst @!p1 v5  }
0xdf: {  	v50 =	vld [tilespmem:s25+$0x180]  }
0xe0: {  	p0 =	seq.s32 s28, $0x0;
	v51 =	vld [tilespmem:s25+$0x190]  }
0xe1: {  	s29 =	simm.s32 $0x1;
	p1 =	seq.s32 s28, $0x31;
	s28 =	sadd.s32 $0x1, s28;
	v52 =	vld [tilespmem:s25+$0x1A0]  }
0xe2: {  	v53 =	vbroadcast v1, $0xE;
	v54 =	vld [tilespmem:s25+$0x1B0];
	s29 =	simm.s32 @!p0 $0x0;
	s28 =	simm.s32 @p1 $0x0  }
0xe3: {  	s26 =	sadd.s32 s29, s26;
	p1 =	sne.s32 s28, $0x0  }
0xe4: {  	v6 =	vpsel p0, $0x0, v6;
	p2 =	slt.s32 @!p1 s26, $0x0;
	v7 =	vmul.f32 v50, v53  }
0xe5: {  	v6 =	vadd.f32 v6, v53;
	v2 =	vpsel p0, $0x0, v2;
	p1 =	por p2, p1;
	v8 =	vmul.f32 v51, v53  }
0xe6: {  	v3 =	vpsel p0, $0x0, v3;
	s29 =	sshll.u32 @!p1 s26, $0x6;
	v55 =	vmul.f32 v52, v53;
	v2 =	vadd.f32 v7, v2  }
0xe7: {  	v4 =	vpsel p0, $0x0, v4;
	v56 =	vmul.f32 v54, v53;
	[tilespmem:s29+$0x9200] =	vst @!p1 v6;
	v3 =	vadd.f32 v8, v3  }
0xe8: {  	v5 =	vpsel p0, $0x0, v5;
	v4 =	vadd.f32 v55, v4;
	[tilespmem:s29+$0x7200] =	vst @!p1 v2  }
0xe9: {  	v5 =	vadd.f32 v56, v5;
	[tilespmem:s29+$0x7210] =	vst @!p1 v3  }
0xea: {  	[tilespmem:s29+$0x7220] =	vst @!p1 v4  }
0xeb: {  	[tilespmem:s29+$0x7230] =	vst @!p1 v5  }
0xec: {  	v57 =	vld [tilespmem:s25+$0x1C0]  }
0xed: {  	v58 =	vld [tilespmem:s25+$0x1D0]  }
0xee: {  	v59 =	vld [tilespmem:s25+$0x1E0]  }
0xef: {  	v60 =	vld [tilespmem:s25+$0x1F0];
	_ =	sdelay $0x1  }
0xf0: {  	v1 =	vbroadcast v1, $0xF;
	p0 =	seq.s32 s28, $0x0  }
0xf1: {  	v63 =	vpsel p0, $0x0, v6  }
0xf2: {  	v2 =	vpsel p0, $0x0, v2;
	v7 =	vmul.f32 v57, v1;
	v8 =	vmul.f32 v58, v1  }
0xf3: {  	s24 =	sadd.s32 $0x40, s24;
	v61 =	vmul.f32 v59, v1;
	v62 =	vmul.f32 v60, v1;
	v1 =	vadd.f32 v63, v1  }
0xf4: {  	v3 =	vpsel p0, $0x0, v3;
	p1 =	sne.s32 s24, $0x200;
	v2 =	vadd.f32 v7, v2  }
.Ltmp0:
0xf5: {  	v4 =	vpsel p0, $0x0, v4;
	v3 =	vadd.f32 v8, v3;
	[tilespmem:$0xB300] =	vst v1;
	(pc) =	sbr.rel @p1 .LBB2_3-.Ltmp0, $4  }
0xf6: {  	v5 =	vpsel p0, $0x0, v5;
	v4 =	vadd.f32 v61, v4;
	[tilespmem:$0xB200] =	vst v2  }
0xf7: {  	s29 =	simm.s32 $0x1;
	v2 =	vadd.f32 v62, v5;
	[tilespmem:$0xB240] =	vst v3  }
0xf8: {  	s29 =	simm.s32 @!p0 $0x0;
	p0 =	seq.s32 s28, $0x31;
	s28 =	sadd.s32 $0x1, s28;
	[tilespmem:$0xB280] =	vst v4  }
0xf9: {  	s25 =	sadd.s32 $0x400, s25;
	s26 =	sadd.s32 s29, s26;
	s28 =	simm.s32 @p0 $0x0;
	[tilespmem:$0xB2C0] =	vst v2  }
0xfa: {  	p0 =	seq.s32 s22, $0x18  }
0xfb: {  	s24 =	simm.s32 @!p0 $0x3  }
0xfc: {  	_ =	swait.ge @!p0 [sflag:s24], $0x2000  }
0xfd: {  	s25 =	sshll.u32 @!p0 s22, $0x8;
	[sflag:s24] =	ssyncset.done @!p0 $0x0  }
0xfe: {  	s30 =	sadd.s32 s23, s4;
	[sflag:s24] =	ssyncadd.s32 @!p0 $0xFFFFE000;
	s24 =	sand.u32 @!p0 $0x3FFFFF00, s25  }
0xff: {  	s29 =	simm.s32 @!p0 $0x3200;
	s25 =	simm.s32 @!p0 $0x80;
	s24 =	sadd.s32 @!p0 $0x100, s24  }
0x100: {  	[tilespmem:s29], [sflag:$0x1] =	stream.indirect.gather @!p0 [hbm4b:s5+s25], $0x40, s24, s25, $0xb8;
	[tilespmem:$0xB400] =	vst v63  }
0x101: {  	s24 =	sshll.u32 s30, $0x3  }
0x102: {  	_ =	swait.ge [sflag:s15], $0x2000;
	s24 =	sadd.s32 $0x400, s24  }
0x103: {  	s25 =	simm.s32 $0x5400;
	[sflag:s15] =	ssyncset.done $0x0;
	s24 =	sand.u32 $0x1FFFFC00, s24  }
0x104: {  	[sflag:s15] =	ssyncadd.s32 $0xFFFFE000;
	s31 =	sadd.s32 s2, s24;
	s24 =	simm.s32 $0x0  }
0x105: {  	v0 =	vmov s21;
	[hbm4b:s31+s24] =	stream.linear.scatter [tilespmem:s13], [sflag:$0x4], $0x2000, $0x38;
	[tilespmem:$0xB400] =	vst v63  }
.LBB2_5:
0x106: {  	v2 =	vld [tilespmem:$0xB200]  }
0x107: {  	v3 =	vld [tilespmem:$0xB240]  }
0x108: {  	v4 =	vld [tilespmem:$0xB280];
	p1 =	sne.s32 s28, $0x0  }
0x109: {  	v5 =	vld [tilespmem:$0xB2C0];
	p2 =	slt.s32 @!p1 s26, $0x0  }
0x10a: {  	v6 =	vld [tilespmem:$0xB300];
	s29 =	sshra.s32 s24, $0x2;
	p1 =	por p2, p1  }
0x10b: {  	v1 =	vld.idx.msk [tilespmem:v0+s29+$0x0 ss:$0x1], $0xffff;
	s29 =	sshll.u32 @!p1 s26, $0x6  }
0x10c: {  	[tilespmem:s29+$0x7200] =	vst @!p1 v2  }
0x10d: {  	[tilespmem:s29+$0x7210] =	vst @!p1 v3  }
0x10e: {  	[tilespmem:s29+$0x7220] =	vst @!p1 v4  }
0x10f: {  	[tilespmem:s29+$0x7230] =	vst @!p1 v5  }
0x110: {  	[tilespmem:s29+$0x9200] =	vst @!p1 v6  }
0x111: {  	v7 =	vld [tilespmem:s25+$0xFFFFFE00]  }
0x112: {  	p2 =	seq.s32 s28, $0x31;
	v8 =	vld [tilespmem:s25+$0xFFFFFE10]  }
0x113: {  	p1 =	seq.s32 s28, $0x0;
	s29 =	simm.s32 $0x1;
	s28 =	sadd.s32 $0x1, s28;
	v9 =	vld [tilespmem:s25+$0xFFFFFE20]  }
0x114: {  	v10 =	vbroadcast v1, $0x0;
	v11 =	vld [tilespmem:s25+$0xFFFFFE30];
	s29 =	simm.s32 @!p1 $0x0;
	s28 =	simm.s32 @p2 $0x0  }
0x115: {  	s26 =	sadd.s32 s29, s26;
	p2 =	sne.s32 s28, $0x0  }
0x116: {  	v6 =	vpsel p1, $0x0, v6;
	p3 =	slt.s32 @!p2 s26, $0x0;
	v7 =	vmul.f32 v7, v10  }
0x117: {  	v2 =	vpsel p1, $0x0, v2;
	v6 =	vadd.f32 v10, v6;
	p2 =	por p3, p2;
	v8 =	vmul.f32 v8, v10  }
0x118: {  	v3 =	vpsel p1, $0x0, v3;
	s29 =	sshll.u32 @!p2 s26, $0x6;
	v61 =	vmul.f32 v9, v10;
	v2 =	vadd.f32 v7, v2  }
0x119: {  	v4 =	vpsel p1, $0x0, v4;
	v62 =	vmul.f32 v11, v10;
	[tilespmem:s29+$0x9200] =	vst @!p2 v6;
	v3 =	vadd.f32 v8, v3  }
0x11a: {  	v5 =	vpsel p1, $0x0, v5;
	v4 =	vadd.f32 v61, v4;
	[tilespmem:s29+$0x7200] =	vst @!p2 v2  }
0x11b: {  	v5 =	vadd.f32 v62, v5;
	[tilespmem:s29+$0x7210] =	vst @!p2 v3  }
0x11c: {  	[tilespmem:s29+$0x7220] =	vst @!p2 v4  }
0x11d: {  	[tilespmem:s29+$0x7230] =	vst @!p2 v5  }
0x11e: {  	v63 =	vld [tilespmem:s25+$0xFFFFFE40]  }
0x11f: {  	p1 =	seq.s32 s28, $0x0;
	v12 =	vld [tilespmem:s25+$0xFFFFFE50]  }
0x120: {  	s29 =	simm.s32 $0x1;
	p2 =	seq.s32 s28, $0x31;
	s28 =	sadd.s32 $0x1, s28;
	v13 =	vld [tilespmem:s25+$0xFFFFFE60]  }
0x121: {  	v14 =	vbroadcast v1, $0x1;
	v15 =	vld [tilespmem:s25+$0xFFFFFE70];
	s29 =	simm.s32 @!p1 $0x0;
	s28 =	simm.s32 @p2 $0x0  }
0x122: {  	s26 =	sadd.s32 s29, s26;
	p2 =	sne.s32 s28, $0x0  }
0x123: {  	v6 =	vpsel p1, $0x0, v6;
	p3 =	slt.s32 @!p2 s26, $0x0;
	v7 =	vmul.f32 v63, v14  }
0x124: {  	v6 =	vadd.f32 v6, v14;
	v2 =	vpsel p1, $0x0, v2;
	p2 =	por p3, p2;
	v8 =	vmul.f32 v12, v14  }
0x125: {  	v3 =	vpsel p1, $0x0, v3;
	s29 =	sshll.u32 @!p2 s26, $0x6;
	v16 =	vmul.f32 v13, v14;
	v2 =	vadd.f32 v7, v2  }
0x126: {  	v4 =	vpsel p1, $0x0, v4;
	v17 =	vmul.f32 v15, v14;
	[tilespmem:s29+$0x9200] =	vst @!p2 v6;
	v3 =	vadd.f32 v8, v3  }
0x127: {  	v5 =	vpsel p1, $0x0, v5;
	v4 =	vadd.f32 v16, v4;
	[tilespmem:s29+$0x7200] =	vst @!p2 v2  }
0x128: {  	v5 =	vadd.f32 v17, v5;
	[tilespmem:s29+$0x7210] =	vst @!p2 v3  }
0x129: {  	[tilespmem:s29+$0x7220] =	vst @!p2 v4  }
0x12a: {  	[tilespmem:s29+$0x7230] =	vst @!p2 v5  }
0x12b: {  	v18 =	vld [tilespmem:s25+$0xFFFFFE80]  }
0x12c: {  	p1 =	seq.s32 s28, $0x0;
	v19 =	vld [tilespmem:s25+$0xFFFFFE90]  }
0x12d: {  	s29 =	simm.s32 $0x1;
	p2 =	seq.s32 s28, $0x31;
	s28 =	sadd.s32 $0x1, s28;
	v20 =	vld [tilespmem:s25+$0xFFFFFEA0]  }
0x12e: {  	v21 =	vbroadcast v1, $0x2;
	v22 =	vld [tilespmem:s25+$0xFFFFFEB0];
	s29 =	simm.s32 @!p1 $0x0;
	s28 =	simm.s32 @p2 $0x0  }
0x12f: {  	s26 =	sadd.s32 s29, s26;
	p2 =	sne.s32 s28, $0x0  }
0x130: {  	v6 =	vpsel p1, $0x0, v6;
	p3 =	slt.s32 @!p2 s26, $0x0;
	v7 =	vmul.f32 v18, v21  }
0x131: {  	v6 =	vadd.f32 v6, v21;
	v2 =	vpsel p1, $0x0, v2;
	p2 =	por p3, p2;
	v8 =	vmul.f32 v19, v21  }
0x132: {  	v3 =	vpsel p1, $0x0, v3;
	s29 =	sshll.u32 @!p2 s26, $0x6;
	v23 =	vmul.f32 v20, v21;
	v2 =	vadd.f32 v7, v2  }
0x133: {  	v4 =	vpsel p1, $0x0, v4;
	v24 =	vmul.f32 v22, v21;
	[tilespmem:s29+$0x9200] =	vst @!p2 v6;
	v3 =	vadd.f32 v8, v3  }
0x134: {  	v5 =	vpsel p1, $0x0, v5;
	v4 =	vadd.f32 v23, v4;
	[tilespmem:s29+$0x7200] =	vst @!p2 v2  }
0x135: {  	v5 =	vadd.f32 v24, v5;
	[tilespmem:s29+$0x7210] =	vst @!p2 v3  }
0x136: {  	[tilespmem:s29+$0x7220] =	vst @!p2 v4  }
0x137: {  	[tilespmem:s29+$0x7230] =	vst @!p2 v5  }
0x138: {  	v25 =	vld [tilespmem:s25+$0xFFFFFEC0]  }
0x139: {  	p1 =	seq.s32 s28, $0x0;
	v26 =	vld [tilespmem:s25+$0xFFFFFED0]  }
0x13a: {  	s29 =	simm.s32 $0x1;
	p2 =	seq.s32 s28, $0x31;
	s28 =	sadd.s32 $0x1, s28;
	v27 =	vld [tilespmem:s25+$0xFFFFFEE0]  }
0x13b: {  	v28 =	vbroadcast v1, $0x3;
	v29 =	vld [tilespmem:s25+$0xFFFFFEF0];
	s29 =	simm.s32 @!p1 $0x0;
	s28 =	simm.s32 @p2 $0x0  }
0x13c: {  	s26 =	sadd.s32 s29, s26;
	p2 =	sne.s32 s28, $0x0  }
0x13d: {  	v6 =	vpsel p1, $0x0, v6;
	p3 =	slt.s32 @!p2 s26, $0x0;
	v7 =	vmul.f32 v25, v28  }
0x13e: {  	v6 =	vadd.f32 v6, v28;
	v2 =	vpsel p1, $0x0, v2;
	p2 =	por p3, p2;
	v8 =	vmul.f32 v26, v28  }
0x13f: {  	v3 =	vpsel p1, $0x0, v3;
	s29 =	sshll.u32 @!p2 s26, $0x6;
	v30 =	vmul.f32 v27, v28;
	v2 =	vadd.f32 v7, v2  }
0x140: {  	v4 =	vpsel p1, $0x0, v4;
	v31 =	vmul.f32 v29, v28;
	[tilespmem:s29+$0x9200] =	vst @!p2 v6;
	v3 =	vadd.f32 v8, v3  }
0x141: {  	v5 =	vpsel p1, $0x0, v5;
	v4 =	vadd.f32 v30, v4;
	[tilespmem:s29+$0x7200] =	vst @!p2 v2  }
0x142: {  	v5 =	vadd.f32 v31, v5;
	[tilespmem:s29+$0x7210] =	vst @!p2 v3  }
0x143: {  	[tilespmem:s29+$0x7220] =	vst @!p2 v4  }
0x144: {  	[tilespmem:s29+$0x7230] =	vst @!p2 v5  }
0x145: {  	v32 =	vld [tilespmem:s25+$0xFFFFFF00]  }
0x146: {  	p1 =	seq.s32 s28, $0x0;
	v33 =	vld [tilespmem:s25+$0xFFFFFF10]  }
0x147: {  	s29 =	simm.s32 $0x1;
	p2 =	seq.s32 s28, $0x31;
	s28 =	sadd.s32 $0x1, s28;
	v34 =	vld [tilespmem:s25+$0xFFFFFF20]  }
0x148: {  	v35 =	vbroadcast v1, $0x4;
	v36 =	vld [tilespmem:s25+$0xFFFFFF30];
	s29 =	simm.s32 @!p1 $0x0;
	s28 =	simm.s32 @p2 $0x0  }
0x149: {  	s26 =	sadd.s32 s29, s26;
	p2 =	sne.s32 s28, $0x0  }
0x14a: {  	v6 =	vpsel p1, $0x0, v6;
	p3 =	slt.s32 @!p2 s26, $0x0;
	v7 =	vmul.f32 v32, v35  }
0x14b: {  	v6 =	vadd.f32 v6, v35;
	v2 =	vpsel p1, $0x0, v2;
	p2 =	por p3, p2;
	v8 =	vmul.f32 v33, v35  }
0x14c: {  	v3 =	vpsel p1, $0x0, v3;
	s29 =	sshll.u32 @!p2 s26, $0x6;
	v37 =	vmul.f32 v34, v35;
	v2 =	vadd.f32 v7, v2  }
0x14d: {  	v4 =	vpsel p1, $0x0, v4;
	v38 =	vmul.f32 v36, v35;
	[tilespmem:s29+$0x9200] =	vst @!p2 v6;
	v3 =	vadd.f32 v8, v3  }
0x14e: {  	v5 =	vpsel p1, $0x0, v5;
	v4 =	vadd.f32 v37, v4;
	[tilespmem:s29+$0x7200] =	vst @!p2 v2  }
0x14f: {  	v5 =	vadd.f32 v38, v5;
	[tilespmem:s29+$0x7210] =	vst @!p2 v3  }
0x150: {  	[tilespmem:s29+$0x7220] =	vst @!p2 v4  }
0x151: {  	[tilespmem:s29+$0x7230] =	vst @!p2 v5  }
0x152: {  	v39 =	vld [tilespmem:s25+$0xFFFFFF40]  }
0x153: {  	p1 =	seq.s32 s28, $0x0;
	v40 =	vld [tilespmem:s25+$0xFFFFFF50]  }
0x154: {  	s29 =	simm.s32 $0x1;
	p2 =	seq.s32 s28, $0x31;
	s28 =	sadd.s32 $0x1, s28;
	v41 =	vld [tilespmem:s25+$0xFFFFFF60]  }
0x155: {  	v42 =	vbroadcast v1, $0x5;
	v43 =	vld [tilespmem:s25+$0xFFFFFF70];
	s29 =	simm.s32 @!p1 $0x0;
	s28 =	simm.s32 @p2 $0x0  }
0x156: {  	s26 =	sadd.s32 s29, s26;
	p2 =	sne.s32 s28, $0x0  }
0x157: {  	v6 =	vpsel p1, $0x0, v6;
	p3 =	slt.s32 @!p2 s26, $0x0;
	v7 =	vmul.f32 v39, v42  }
0x158: {  	v6 =	vadd.f32 v6, v42;
	v2 =	vpsel p1, $0x0, v2;
	p2 =	por p3, p2;
	v8 =	vmul.f32 v40, v42  }
0x159: {  	v3 =	vpsel p1, $0x0, v3;
	s29 =	sshll.u32 @!p2 s26, $0x6;
	v44 =	vmul.f32 v41, v42;
	v2 =	vadd.f32 v7, v2  }
0x15a: {  	v4 =	vpsel p1, $0x0, v4;
	v45 =	vmul.f32 v43, v42;
	[tilespmem:s29+$0x9200] =	vst @!p2 v6;
	v3 =	vadd.f32 v8, v3  }
0x15b: {  	v5 =	vpsel p1, $0x0, v5;
	v4 =	vadd.f32 v44, v4;
	[tilespmem:s29+$0x7200] =	vst @!p2 v2  }
0x15c: {  	v5 =	vadd.f32 v45, v5;
	[tilespmem:s29+$0x7210] =	vst @!p2 v3  }
0x15d: {  	[tilespmem:s29+$0x7220] =	vst @!p2 v4  }
0x15e: {  	[tilespmem:s29+$0x7230] =	vst @!p2 v5  }
0x15f: {  	v46 =	vld [tilespmem:s25+$0xFFFFFF80]  }
0x160: {  	p1 =	seq.s32 s28, $0x0;
	v47 =	vld [tilespmem:s25+$0xFFFFFF90]  }
0x161: {  	s29 =	simm.s32 $0x1;
	p2 =	seq.s32 s28, $0x31;
	s28 =	sadd.s32 $0x1, s28;
	v48 =	vld [tilespmem:s25+$0xFFFFFFA0]  }
0x162: {  	v49 =	vbroadcast v1, $0x6;
	v50 =	vld [tilespmem:s25+$0xFFFFFFB0];
	s29 =	simm.s32 @!p1 $0x0;
	s28 =	simm.s32 @p2 $0x0  }
0x163: {  	s26 =	sadd.s32 s29, s26;
	p2 =	sne.s32 s28, $0x0  }
0x164: {  	v6 =	vpsel p1, $0x0, v6;
	p3 =	slt.s32 @!p2 s26, $0x0;
	v7 =	vmul.f32 v46, v49  }
0x165: {  	v6 =	vadd.f32 v6, v49;
	v2 =	vpsel p1, $0x0, v2;
	p2 =	por p3, p2;
	v8 =	vmul.f32 v47, v49  }
0x166: {  	v3 =	vpsel p1, $0x0, v3;
	s29 =	sshll.u32 @!p2 s26, $0x6;
	v51 =	vmul.f32 v48, v49;
	v2 =	vadd.f32 v7, v2  }
0x167: {  	v4 =	vpsel p1, $0x0, v4;
	v52 =	vmul.f32 v50, v49;
	[tilespmem:s29+$0x9200] =	vst @!p2 v6;
	v3 =	vadd.f32 v8, v3  }
0x168: {  	v5 =	vpsel p1, $0x0, v5;
	v4 =	vadd.f32 v51, v4;
	[tilespmem:s29+$0x7200] =	vst @!p2 v2  }
0x169: {  	v5 =	vadd.f32 v52, v5;
	[tilespmem:s29+$0x7210] =	vst @!p2 v3  }
0x16a: {  	[tilespmem:s29+$0x7220] =	vst @!p2 v4  }
0x16b: {  	[tilespmem:s29+$0x7230] =	vst @!p2 v5  }
0x16c: {  	v53 =	vld [tilespmem:s25+$0xFFFFFFC0]  }
0x16d: {  	p1 =	seq.s32 s28, $0x0;
	v54 =	vld [tilespmem:s25+$0xFFFFFFD0]  }
0x16e: {  	s29 =	simm.s32 $0x1;
	p2 =	seq.s32 s28, $0x31;
	s28 =	sadd.s32 $0x1, s28;
	v55 =	vld [tilespmem:s25+$0xFFFFFFE0]  }
0x16f: {  	v56 =	vbroadcast v1, $0x7;
	v57 =	vld [tilespmem:s25+$0xFFFFFFF0];
	s29 =	simm.s32 @!p1 $0x0;
	s28 =	simm.s32 @p2 $0x0  }
0x170: {  	s26 =	sadd.s32 s29, s26;
	p2 =	sne.s32 s28, $0x0  }
0x171: {  	v6 =	vpsel p1, $0x0, v6;
	p3 =	slt.s32 @!p2 s26, $0x0;
	v7 =	vmul.f32 v53, v56  }
0x172: {  	v6 =	vadd.f32 v6, v56;
	v2 =	vpsel p1, $0x0, v2;
	p2 =	por p3, p2;
	v8 =	vmul.f32 v54, v56  }
0x173: {  	v3 =	vpsel p1, $0x0, v3;
	s29 =	sshll.u32 @!p2 s26, $0x6;
	v58 =	vmul.f32 v55, v56;
	v2 =	vadd.f32 v7, v2  }
0x174: {  	v4 =	vpsel p1, $0x0, v4;
	v59 =	vmul.f32 v57, v56;
	[tilespmem:s29+$0x9200] =	vst @!p2 v6;
	v3 =	vadd.f32 v8, v3  }
0x175: {  	v5 =	vpsel p1, $0x0, v5;
	v4 =	vadd.f32 v58, v4;
	[tilespmem:s29+$0x7200] =	vst @!p2 v2  }
0x176: {  	v5 =	vadd.f32 v59, v5;
	[tilespmem:s29+$0x7210] =	vst @!p2 v3  }
0x177: {  	[tilespmem:s29+$0x7220] =	vst @!p2 v4  }
0x178: {  	[tilespmem:s29+$0x7230] =	vst @!p2 v5  }
0x179: {  	v60 =	vld [tilespmem:s25+$0x0]  }
0x17a: {  	p1 =	seq.s32 s28, $0x0;
	v61 =	vld [tilespmem:s25+$0x10]  }
0x17b: {  	s29 =	simm.s32 $0x1;
	p2 =	seq.s32 s28, $0x31;
	s28 =	sadd.s32 $0x1, s28;
	v62 =	vld [tilespmem:s25+$0x20]  }
0x17c: {  	v63 =	vbroadcast v1, $0x8;
	v12 =	vld [tilespmem:s25+$0x30];
	s29 =	simm.s32 @!p1 $0x0;
	s28 =	simm.s32 @p2 $0x0  }
0x17d: {  	s26 =	sadd.s32 s29, s26;
	p2 =	sne.s32 s28, $0x0  }
0x17e: {  	v6 =	vpsel p1, $0x0, v6;
	p3 =	slt.s32 @!p2 s26, $0x0;
	v7 =	vmul.f32 v60, v63  }
0x17f: {  	v6 =	vadd.f32 v6, v63;
	v2 =	vpsel p1, $0x0, v2;
	p2 =	por p3, p2;
	v8 =	vmul.f32 v61, v63  }
0x180: {  	v3 =	vpsel p1, $0x0, v3;
	s29 =	sshll.u32 @!p2 s26, $0x6;
	v13 =	vmul.f32 v62, v63;
	v2 =	vadd.f32 v7, v2  }
0x181: {  	v4 =	vpsel p1, $0x0, v4;
	v14 =	vmul.f32 v12, v63;
	[tilespmem:s29+$0x9200] =	vst @!p2 v6;
	v3 =	vadd.f32 v8, v3  }
0x182: {  	v5 =	vpsel p1, $0x0, v5;
	v4 =	vadd.f32 v13, v4;
	[tilespmem:s29+$0x7200] =	vst @!p2 v2  }
0x183: {  	v5 =	vadd.f32 v14, v5;
	[tilespmem:s29+$0x7210] =	vst @!p2 v3  }
0x184: {  	[tilespmem:s29+$0x7220] =	vst @!p2 v4  }
0x185: {  	[tilespmem:s29+$0x7230] =	vst @!p2 v5  }
0x186: {  	v15 =	vld [tilespmem:s25+$0x40]  }
0x187: {  	p1 =	seq.s32 s28, $0x0;
	v16 =	vld [tilespmem:s25+$0x50]  }
0x188: {  	s29 =	simm.s32 $0x1;
	p2 =	seq.s32 s28, $0x31;
	s28 =	sadd.s32 $0x1, s28;
	v17 =	vld [tilespmem:s25+$0x60]  }
0x189: {  	v18 =	vbroadcast v1, $0x9;
	v19 =	vld [tilespmem:s25+$0x70];
	s29 =	simm.s32 @!p1 $0x0;
	s28 =	simm.s32 @p2 $0x0  }
0x18a: {  	s26 =	sadd.s32 s29, s26;
	p2 =	sne.s32 s28, $0x0  }
0x18b: {  	v6 =	vpsel p1, $0x0, v6;
	p3 =	slt.s32 @!p2 s26, $0x0;
	v7 =	vmul.f32 v15, v18  }
0x18c: {  	v6 =	vadd.f32 v6, v18;
	v2 =	vpsel p1, $0x0, v2;
	p2 =	por p3, p2;
	v8 =	vmul.f32 v16, v18  }
0x18d: {  	v3 =	vpsel p1, $0x0, v3;
	s29 =	sshll.u32 @!p2 s26, $0x6;
	v20 =	vmul.f32 v17, v18;
	v2 =	vadd.f32 v7, v2  }
0x18e: {  	v4 =	vpsel p1, $0x0, v4;
	v21 =	vmul.f32 v19, v18;
	[tilespmem:s29+$0x9200] =	vst @!p2 v6;
	v3 =	vadd.f32 v8, v3  }
0x18f: {  	v5 =	vpsel p1, $0x0, v5;
	v4 =	vadd.f32 v20, v4;
	[tilespmem:s29+$0x7200] =	vst @!p2 v2  }
0x190: {  	v5 =	vadd.f32 v21, v5;
	[tilespmem:s29+$0x7210] =	vst @!p2 v3  }
0x191: {  	[tilespmem:s29+$0x7220] =	vst @!p2 v4  }
0x192: {  	[tilespmem:s29+$0x7230] =	vst @!p2 v5  }
0x193: {  	v22 =	vld [tilespmem:s25+$0x80]  }
0x194: {  	p1 =	seq.s32 s28, $0x0;
	v23 =	vld [tilespmem:s25+$0x90]  }
0x195: {  	s29 =	simm.s32 $0x1;
	p2 =	seq.s32 s28, $0x31;
	s28 =	sadd.s32 $0x1, s28;
	v24 =	vld [tilespmem:s25+$0xA0]  }
0x196: {  	v25 =	vbroadcast v1, $0xA;
	v26 =	vld [tilespmem:s25+$0xB0];
	s29 =	simm.s32 @!p1 $0x0;
	s28 =	simm.s32 @p2 $0x0  }
0x197: {  	s26 =	sadd.s32 s29, s26;
	p2 =	sne.s32 s28, $0x0  }
0x198: {  	v6 =	vpsel p1, $0x0, v6;
	p3 =	slt.s32 @!p2 s26, $0x0;
	v7 =	vmul.f32 v22, v25  }
0x199: {  	v6 =	vadd.f32 v6, v25;
	v2 =	vpsel p1, $0x0, v2;
	p2 =	por p3, p2;
	v8 =	vmul.f32 v23, v25  }
0x19a: {  	v3 =	vpsel p1, $0x0, v3;
	s29 =	sshll.u32 @!p2 s26, $0x6;
	v27 =	vmul.f32 v24, v25;
	v2 =	vadd.f32 v7, v2  }
0x19b: {  	v4 =	vpsel p1, $0x0, v4;
	v28 =	vmul.f32 v26, v25;
	[tilespmem:s29+$0x9200] =	vst @!p2 v6;
	v3 =	vadd.f32 v8, v3  }
0x19c: {  	v5 =	vpsel p1, $0x0, v5;
	v4 =	vadd.f32 v27, v4;
	[tilespmem:s29+$0x7200] =	vst @!p2 v2  }
0x19d: {  	v5 =	vadd.f32 v28, v5;
	[tilespmem:s29+$0x7210] =	vst @!p2 v3  }
0x19e: {  	[tilespmem:s29+$0x7220] =	vst @!p2 v4  }
0x19f: {  	[tilespmem:s29+$0x7230] =	vst @!p2 v5  }
0x1a0: {  	v29 =	vld [tilespmem:s25+$0xC0]  }
0x1a1: {  	p1 =	seq.s32 s28, $0x0;
	v30 =	vld [tilespmem:s25+$0xD0]  }
0x1a2: {  	s29 =	simm.s32 $0x1;
	p2 =	seq.s32 s28, $0x31;
	s28 =	sadd.s32 $0x1, s28;
	v31 =	vld [tilespmem:s25+$0xE0]  }
0x1a3: {  	v32 =	vbroadcast v1, $0xB;
	v33 =	vld [tilespmem:s25+$0xF0];
	s29 =	simm.s32 @!p1 $0x0;
	s28 =	simm.s32 @p2 $0x0  }
0x1a4: {  	s26 =	sadd.s32 s29, s26;
	p2 =	sne.s32 s28, $0x0  }
0x1a5: {  	v6 =	vpsel p1, $0x0, v6;
	p3 =	slt.s32 @!p2 s26, $0x0;
	v7 =	vmul.f32 v29, v32  }
0x1a6: {  	v6 =	vadd.f32 v6, v32;
	v2 =	vpsel p1, $0x0, v2;
	p2 =	por p3, p2;
	v8 =	vmul.f32 v30, v32  }
0x1a7: {  	v3 =	vpsel p1, $0x0, v3;
	s29 =	sshll.u32 @!p2 s26, $0x6;
	v34 =	vmul.f32 v31, v32;
	v2 =	vadd.f32 v7, v2  }
0x1a8: {  	v4 =	vpsel p1, $0x0, v4;
	v35 =	vmul.f32 v33, v32;
	[tilespmem:s29+$0x9200] =	vst @!p2 v6;
	v3 =	vadd.f32 v8, v3  }
0x1a9: {  	v5 =	vpsel p1, $0x0, v5;
	v4 =	vadd.f32 v34, v4;
	[tilespmem:s29+$0x7200] =	vst @!p2 v2  }
0x1aa: {  	v5 =	vadd.f32 v35, v5;
	[tilespmem:s29+$0x7210] =	vst @!p2 v3  }
0x1ab: {  	[tilespmem:s29+$0x7220] =	vst @!p2 v4  }
0x1ac: {  	[tilespmem:s29+$0x7230] =	vst @!p2 v5  }
0x1ad: {  	v36 =	vld [tilespmem:s25+$0x100]  }
0x1ae: {  	p1 =	seq.s32 s28, $0x0;
	v37 =	vld [tilespmem:s25+$0x110]  }
0x1af: {  	s29 =	simm.s32 $0x1;
	p2 =	seq.s32 s28, $0x31;
	s28 =	sadd.s32 $0x1, s28;
	v38 =	vld [tilespmem:s25+$0x120]  }
0x1b0: {  	v39 =	vbroadcast v1, $0xC;
	v40 =	vld [tilespmem:s25+$0x130];
	s29 =	simm.s32 @!p1 $0x0;
	s28 =	simm.s32 @p2 $0x0  }
0x1b1: {  	s26 =	sadd.s32 s29, s26;
	p2 =	sne.s32 s28, $0x0  }
0x1b2: {  	v6 =	vpsel p1, $0x0, v6;
	p3 =	slt.s32 @!p2 s26, $0x0;
	v7 =	vmul.f32 v36, v39  }
0x1b3: {  	v6 =	vadd.f32 v6, v39;
	v2 =	vpsel p1, $0x0, v2;
	p2 =	por p3, p2;
	v8 =	vmul.f32 v37, v39  }
0x1b4: {  	v3 =	vpsel p1, $0x0, v3;
	s29 =	sshll.u32 @!p2 s26, $0x6;
	v41 =	vmul.f32 v38, v39;
	v2 =	vadd.f32 v7, v2  }
0x1b5: {  	v4 =	vpsel p1, $0x0, v4;
	v42 =	vmul.f32 v40, v39;
	[tilespmem:s29+$0x9200] =	vst @!p2 v6;
	v3 =	vadd.f32 v8, v3  }
0x1b6: {  	v5 =	vpsel p1, $0x0, v5;
	v4 =	vadd.f32 v41, v4;
	[tilespmem:s29+$0x7200] =	vst @!p2 v2  }
0x1b7: {  	v5 =	vadd.f32 v42, v5;
	[tilespmem:s29+$0x7210] =	vst @!p2 v3  }
0x1b8: {  	[tilespmem:s29+$0x7220] =	vst @!p2 v4  }
0x1b9: {  	[tilespmem:s29+$0x7230] =	vst @!p2 v5  }
0x1ba: {  	v43 =	vld [tilespmem:s25+$0x140]  }
0x1bb: {  	p1 =	seq.s32 s28, $0x0;
	v44 =	vld [tilespmem:s25+$0x150]  }
0x1bc: {  	s29 =	simm.s32 $0x1;
	p2 =	seq.s32 s28, $0x31;
	s28 =	sadd.s32 $0x1, s28;
	v45 =	vld [tilespmem:s25+$0x160]  }
0x1bd: {  	v46 =	vbroadcast v1, $0xD;
	v47 =	vld [tilespmem:s25+$0x170];
	s29 =	simm.s32 @!p1 $0x0;
	s28 =	simm.s32 @p2 $0x0  }
0x1be: {  	s26 =	sadd.s32 s29, s26;
	p2 =	sne.s32 s28, $0x0  }
0x1bf: {  	v6 =	vpsel p1, $0x0, v6;
	p3 =	slt.s32 @!p2 s26, $0x0;
	v7 =	vmul.f32 v43, v46  }
0x1c0: {  	v6 =	vadd.f32 v6, v46;
	v2 =	vpsel p1, $0x0, v2;
	p2 =	por p3, p2;
	v8 =	vmul.f32 v44, v46  }
0x1c1: {  	v3 =	vpsel p1, $0x0, v3;
	s29 =	sshll.u32 @!p2 s26, $0x6;
	v48 =	vmul.f32 v45, v46;
	v2 =	vadd.f32 v7, v2  }
0x1c2: {  	v4 =	vpsel p1, $0x0, v4;
	v49 =	vmul.f32 v47, v46;
	[tilespmem:s29+$0x9200] =	vst @!p2 v6;
	v3 =	vadd.f32 v8, v3  }
0x1c3: {  	v5 =	vpsel p1, $0x0, v5;
	v4 =	vadd.f32 v48, v4;
	[tilespmem:s29+$0x7200] =	vst @!p2 v2  }
0x1c4: {  	v5 =	vadd.f32 v49, v5;
	[tilespmem:s29+$0x7210] =	vst @!p2 v3  }
0x1c5: {  	[tilespmem:s29+$0x7220] =	vst @!p2 v4  }
0x1c6: {  	[tilespmem:s29+$0x7230] =	vst @!p2 v5  }
0x1c7: {  	v50 =	vld [tilespmem:s25+$0x180]  }
0x1c8: {  	p1 =	seq.s32 s28, $0x0;
	v51 =	vld [tilespmem:s25+$0x190]  }
0x1c9: {  	s29 =	simm.s32 $0x1;
	p2 =	seq.s32 s28, $0x31;
	s28 =	sadd.s32 $0x1, s28;
	v52 =	vld [tilespmem:s25+$0x1A0]  }
0x1ca: {  	v53 =	vbroadcast v1, $0xE;
	v54 =	vld [tilespmem:s25+$0x1B0];
	s29 =	simm.s32 @!p1 $0x0;
	s28 =	simm.s32 @p2 $0x0  }
0x1cb: {  	s26 =	sadd.s32 s29, s26;
	p2 =	sne.s32 s28, $0x0  }
0x1cc: {  	v6 =	vpsel p1, $0x0, v6;
	p3 =	slt.s32 @!p2 s26, $0x0;
	v7 =	vmul.f32 v50, v53  }
0x1cd: {  	v6 =	vadd.f32 v6, v53;
	v2 =	vpsel p1, $0x0, v2;
	p2 =	por p3, p2;
	v8 =	vmul.f32 v51, v53  }
0x1ce: {  	v3 =	vpsel p1, $0x0, v3;
	s29 =	sshll.u32 @!p2 s26, $0x6;
	v55 =	vmul.f32 v52, v53;
	v2 =	vadd.f32 v7, v2  }
0x1cf: {  	v4 =	vpsel p1, $0x0, v4;
	v56 =	vmul.f32 v54, v53;
	[tilespmem:s29+$0x9200] =	vst @!p2 v6;
	v3 =	vadd.f32 v8, v3  }
0x1d0: {  	v5 =	vpsel p1, $0x0, v5;
	v4 =	vadd.f32 v55, v4;
	[tilespmem:s29+$0x7200] =	vst @!p2 v2  }
0x1d1: {  	v5 =	vadd.f32 v56, v5;
	[tilespmem:s29+$0x7210] =	vst @!p2 v3  }
0x1d2: {  	[tilespmem:s29+$0x7220] =	vst @!p2 v4  }
0x1d3: {  	[tilespmem:s29+$0x7230] =	vst @!p2 v5  }
0x1d4: {  	v57 =	vld [tilespmem:s25+$0x1C0]  }
0x1d5: {  	v58 =	vld [tilespmem:s25+$0x1D0]  }
0x1d6: {  	v59 =	vld [tilespmem:s25+$0x1E0]  }
0x1d7: {  	v60 =	vld [tilespmem:s25+$0x1F0];
	_ =	sdelay $0x1  }
0x1d8: {  	v1 =	vbroadcast v1, $0xF;
	p1 =	seq.s32 s28, $0x0  }
0x1d9: {  	v63 =	vpsel p1, $0x0, v6  }
0x1da: {  	v2 =	vpsel p1, $0x0, v2;
	v7 =	vmul.f32 v57, v1;
	v8 =	vmul.f32 v58, v1  }
0x1db: {  	s24 =	sadd.s32 $0x40, s24;
	v61 =	vmul.f32 v59, v1;
	v62 =	vmul.f32 v60, v1;
	v1 =	vadd.f32 v63, v1  }
0x1dc: {  	v3 =	vpsel p1, $0x0, v3;
	p2 =	sne.s32 s24, $0x200;
	v2 =	vadd.f32 v7, v2  }
.Ltmp1:
0x1dd: {  	v4 =	vpsel p1, $0x0, v4;
	v3 =	vadd.f32 v8, v3;
	[tilespmem:$0xB300] =	vst v1;
	(pc) =	sbr.rel @p2 .LBB2_5-.Ltmp1, $4  }
0x1de: {  	v5 =	vpsel p1, $0x0, v5;
	v4 =	vadd.f32 v61, v4;
	[tilespmem:$0xB200] =	vst v2  }
0x1df: {  	s29 =	simm.s32 $0x1;
	v2 =	vadd.f32 v62, v5;
	[tilespmem:$0xB240] =	vst v3  }
0x1e0: {  	s29 =	simm.s32 @!p1 $0x0;
	p1 =	seq.s32 s28, $0x31;
	s28 =	sadd.s32 $0x1, s28;
	[tilespmem:$0xB280] =	vst v4  }
0x1e1: {  	s25 =	sadd.s32 $0x400, s25;
	s26 =	sadd.s32 s29, s26;
	s28 =	simm.s32 @p1 $0x0;
	[tilespmem:$0xB2C0] =	vst v2  }
.Ltmp2:
0x1e2: {  	(pc) =	sbr.rel @p0 .LBB2_8-.Ltmp2, $1  }
0x1e3: {  	_ =	sdelay $0x3  }
.Ltmp3:
0x1e4: {  	(pc) =	sbr.rel .LBB2_2-.Ltmp3, $4  }
0x1e5: {  	_ =	swait.ge [sflag:s17], $0x2000;
	s23 =	sand.u32 $0x3FFFFF00, s23  }
0x1e6: {  	s22 =	sadd.s32 $0x1, s22;
	s20 =	sadd.s32 $0x100, s20;
	[sflag:s17] =	ssyncset.done $0x0  }
0x1e7: {  	s21 =	sadd.s32 $0x100, s21;
	s23 =	sadd.s32 $0x180, s23;
	[sflag:s17] =	ssyncadd.s32 $0xFFFFE000  }
0x1e8: {  	[tilespmem:s13], [sflag:$0x2] =	stream.indirect.gather [hbm4b:s5+s11], $0x40, s23, s11, $0xb8;
	[tilespmem:$0xB400] =	vst v63  }
.LBB2_8:
0x1e9: {  	v0 =	vld [tilespmem:$0xB200]  }
0x1ea: {  	v2 =	vld [tilespmem:$0xB240]  }
0x1eb: {  	v3 =	vld [tilespmem:$0xB280]  }
0x1ec: {  	v4 =	vld [tilespmem:$0xB2C0];
	s20 =	sshll.u32 s26, $0x6  }
0x1ed: {  	[tilespmem:s20+$0x9200] =	vst v1  }
0x1ee: {  	[tilespmem:s20+$0x7200] =	vst v0  }
0x1ef: {  	[tilespmem:s20+$0x7210] =	vst v2  }
0x1f0: {  	[tilespmem:s20+$0x7220] =	vst v3  }
0x1f1: {  	[tilespmem:s20+$0x7230] =	vst v4  }
0x1f2: {  	_ =	swait.ge [sflag:s16], $0x2000  }
0x1f3: {  	[sflag:s16] =	ssyncset.done $0x0  }
0x1f4: {  	[sflag:s16] =	ssyncadd.s32 $0xFFFFE000  }
0x1f5: {  	_ =	swait.ge [sflag:s17], $0x2000  }
0x1f6: {  	[sflag:s17] =	ssyncset.done $0x0  }
0x1f7: {  	s22 =	simm.s32 $0x0;
	[sflag:s17] =	ssyncadd.s32 $0xFFFFE000  }
0x1f8: {  	v0 =	vld [tilespmem:s22+$0x9200];
	_ =	sdelay $0x4  }
0x1f9: {  	v0 =	vmax.f32 v0, $1.000000000e+00  }
0x1fa: {  	(erf) = vrcp.f32 v0;
	_ =	sdelay $0x1  }
0x1fb: {  	s20 =	simm.s32 $0x40  }
0x1fc: {  	v0 =	vld [tilespmem:s20+$0x9200];
	_ =	sdelay $0x2  }
0x1fd: {  	v1 =	vld [tilespmem:s22+$0x7200]  }
0x1fe: {  	v3 =	vld [tilespmem:s22+$0x7210]  }
0x1ff: {  	v4 =	vld [tilespmem:s22+$0x7220];
	v5 =	vmax.f32 v0, $1.000000000e+00  }
0x200: {  	v0 =	vld [tilespmem:s22+$0x7230];
	v2 =	vpop (erf);
	(erf) = vrcp.f32 v5  }
0x201: {  	s21 =	simm.s32 $0x80  }
0x202: {  	v6 =	vmul.f32 v2, v1;
	v1 =	vld [tilespmem:s21+$0x9200]  }
0x203: {  	v3 =	vmul.f32 v3, v2  }
0x204: {  	s23 =	simm.s32 $0x300;
	v4 =	vmul.f32 v4, v2;
	[tilespmem:s22+$0x7200] =	vst v6  }
.LBB2_9:
0x205: {  	p0 =	sne.s32 s23, $0x7F00;
	v5 =	vld [tilespmem:s20+$0x7200];
	[tilespmem:s22+$0x7210] =	vst v3;
	v0 =	vmul.f32 v0, v2  }
0x206: {  	v3 =	vld [tilespmem:s20+$0x7210];
	[tilespmem:s22+$0x7220] =	vst v4  }
0x207: {  	v1 =	vmax.f32 v1, $1.000000000e+00;
	v4 =	vld [tilespmem:s20+$0x7220];
	[tilespmem:s22+$0x7230] =	vst v0;
	s22 =	smov.u32 s20;
	s20 =	smov.u32 s21  }
.Ltmp4:
0x208: {  	(erf) = vrcp.f32 v1;
	v0 =	vld [tilespmem:s22+$0x7230];
	(pc) =	sbr.rel @p0 .LBB2_9-.Ltmp4, $4  }
0x209: {  	s21 =	sshra.s32 s23, $0x2;
	v2 =	vpop (erf)  }
0x20a: {  	v1 =	vld [tilespmem:s21+$0x9200];
	v5 =	vmul.f32 v2, v5  }
0x20b: {  	v3 =	vmul.f32 v3, v2  }
0x20c: {  	s23 =	sadd.s32 $0x100, s23;
	[tilespmem:s22+$0x7200] =	vst v5;
	v4 =	vmul.f32 v4, v2  }
0x20d: {  	_ = 	snop  }
0x20e: {  	v5 =	vld [tilespmem:s20+$0x7200];
	[tilespmem:s22+$0x7210] =	vst v3;
	v0 =	vmul.f32 v0, v2  }
0x20f: {  	v3 =	vld [tilespmem:s20+$0x7210];
	[tilespmem:s22+$0x7220] =	vst v4  }
0x210: {  	v58 =	vld [tilespmem:s20+$0x7220];
	v1 =	vmax.f32 v1, $1.000000000e+00;
	[tilespmem:s22+$0x7230] =	vst v0  }
0x211: {  	v61 =	vld [tilespmem:s20+$0x7230];
	v59 =	vpop (erf);
	(erf) = vrcp.f32 v1;
	_ =	sdelay $0x1  }
0x212: {  	v60 =	vmul.f32 v59, v5  }
0x213: {  	v3 =	vmul.f32 v3, v59  }
0x214: {  	[tilespmem:s20+$0x7200] =	vst v60;
	v2 =	vmul.f32 v58, v59  }
0x215: {  	v0 =	vld [tilespmem:s21+$0x7200];
	[tilespmem:s20+$0x7210] =	vst v3;
	v1 =	vmul.f32 v61, v59  }
0x216: {  	v3 =	vld [tilespmem:s21+$0x7210];
	[tilespmem:s20+$0x7220] =	vst v2  }
0x217: {  	v2 =	vld [tilespmem:s21+$0x7220];
	[tilespmem:s20+$0x7230] =	vst v1  }
0x218: {  	v1 =	vld [tilespmem:s21+$0x7230]  }
0x219: {  	v62 =	vpop (erf)  }
0x21a: {  	v0 =	vmul.f32 v62, v0  }
0x21b: {  	v3 =	vmul.f32 v3, v62  }
0x21c: {  	v63 =	vmul.f32 v2, v62;
	[tilespmem:s21+$0x7200] =	vst v0  }
0x21d: {  	s19 =	sadd.s32 $0x1, s19;
	[tilespmem:s21+$0x7210] =	vst v3;
	v1 =	vmul.f32 v1, v62  }
0x21e: {  	p0 =	sne.s32 s19, s9;
	[tilespmem:s21+$0x7220] =	vst v63  }
.Ltmp5:
0x21f: {  	[tilespmem:s21+$0x7230] =	vst v1;
	(pc) =	sbr.rel @p0 .LBB2_1-.Ltmp5, $4  }
0x220: {  	[hbm4b:s8+s3] =	stream.linear.scatter [tilespmem:s18], [sflag:$0x5], $0x2000, $0x38;
	[tilespmem:$0xB400] =	vst v63  }
0x221: {  	_ =	swait.ge [sflag:s10], $0x2000  }
0x222: {  	[sflag:s10] =	ssyncset.done $0x0  }
0x223: {  	[sflag:s10] =	ssyncadd.s32 $0xFFFFE000  }
0x224: {  	_ =	sfence.sel $0x180000  }
0x225: {  	[bflag:$0x0] =	sbarrier.arrive $0xFFFF  }
0x226: {  	p0 =	sne.s32 s0, $0x0;
	_ =	strace $0x90000047  }
0x227: {  	s0 =	sadd.s32 @!p0 $0x100000, s1;
	[bflag:$0x2] =	sbarrier.arrive $0xFFFF  }
0x228: {  	[sflag:s0] =	ssyncadd.tile.s32 @!p0 $0x1;
	_ =	shalt  }
.Lfunc_end2:
_tile_overlayer_lowered:
.L_overlay_start_2:
0x229: {  	(tag) =	ssettag $0x2  }
0x22a: {  	s0 =	rddreg [dreg:$0x0];
	s2 =	stileid.u32  }
0x22b: {  	s1 =	rddreg [dreg:$0x1];
	p0 =	sne.s32 s2, $0x0  }
0x22c: {  	s3 =	rddreg [dreg:$0x2];
	[bflag:$0x3] =	sbarrier.arrive $0xFFFF;
	s2 =	simm.s32 @!p0 $0x1C05  }
0x22d: {  	[timem:s3], [sflag:s2] =	dma.local @!p0 [hbm:s0], s1  }
0x22e: {  	s0 =	simm.s32 @!p0 $0x5  }
0x22f: {  	_ =	swait.ge @!p0 [sflag:s0], s1  }
0x230: {  	s1 =	ssub.s32 @!p0 $0x0, s1;
	[sflag:s0] =	ssyncset.done @!p0 $0x0  }
0x231: {  	[sflag:s0] =	ssyncadd.s32 @!p0 s1  }
0x232: {  	[bflag:$0x3] =	sbarrier.arrive $0xFFFF  }
0x233: {  	_ =	shalt  }

// kernel: sparse-core-data-format-call.cloned.1.call-start
scs
called_computation_lowered:
.L_overlay_start_0:
0x0: {  	s2 =	sld [smem:$0x3FD9]  }
0x1: {  	s3 =	sld [smem:$0x3FFE];
	_ =	sdelay $0x1  }
0x2: {  	s1 =	srdreg.scid  }
0x3: {  	s0 =	sand.u32 $0x1, s1  }
0x4: {  	s15 =	sshll.u32 s0, $0xA;
	s2 =	sadd.s32 s3, s2  }
0x5: {  	s2 =	sadd.s32 s2, s15  }
0x6: {  	[smem:$0x3FC5] =	sst s2  }
0x7: {  	_ = 	snop  }
0x8: {  	s2 =	sld [smem:$0x3FD0];
	_ =	sdelay $0x2  }
0x9: {  	s16 =	simm.s32 $0xA;
	s4 =	simm.s32 $0x10  }
0xa: {  	[smem:s4], [sflag:s16] =	dma.local [hbm:s2], $0x1  }
0xb: {  	_ =	swait.eq [sflag:s16], $0x1  }
0xc: {  	[sflag:s16] =	ssyncset.done $0x0  }
0xd: {  	[sflag:s16] =	ssyncadd.s32 $0xFFFFFFFF  }
0xe: {  	s17 =	sld [smem:$0x11];
	(tm) =	ssettm $0x1  }
0xf: {  	s18 =	sld [smem:$0x3FFB];
	_ =	sdelay $0x3  }
0x10: {  	_ =	strace s18  }
0x11: {  	s3 =	sld [smem:$0x3FFC];
	_ =	sdelay $0x3  }
0x12: {  	_ =	strace s3  }
0x13: {  	s3 =	sld [smem:$0x3FFD];
	_ =	sdelay $0x3  }
0x14: {  	_ =	strace s3  }
0x15: {  	_ =	strace $0x8FFFFFFF  }
0x16: {  	s19 =	sld [smem:$0x3FDB];
	_ =	sdelay $0x1  }
0x17: {  	s20 =	simm.s32 $_scs_section_size  }
0x18: {  	s5 =	simm.s32 $_size__tile_overlayer_lowered;
	s6 =	simm.s32 $_tile_overlayer_lowered  }
0x19: {  	s23 =	simm.s32 $0x1BFF;
	s22 =	sshll.u32 s6, $0x1;
	s3 =	sadd.s32 s20, s19  }
0x1a: {  	s7 =	simm.s32 $0x0;
	s21 =	sshll.u32 s5, $0x1;
	s5 =	sadd.s32 s22, s3  }
0x1b: {  	[timem:s7], [sflag:s23] =	dma.local [hbm:s5], s21  }
0x1c: {  	_ =	swait.ge [sflag:s23], s21  }
0x1d: {  	s4 =	ssub.s32 $0x0, s21;
	[sflag:s23] =	ssyncset.done $0x0  }
0x1e: {  	[sflag:s23] =	ssyncadd.s32 s4;
	_ =	sdelay $0x1  }
0x1f: {  	s24 =	simm.s32 $0x1B8B  }
0x20: {  	_ =	swait.ge [sflag:s24], $0x1  }
0x21: {  	[sflag:s24] =	ssyncset.done $0x0  }
0x22: {  	s26 =	simm.s32 $0x1B8E;
	s25 =	sld [smem:$0x3FFE];
	[sflag:s24] =	ssyncadd.s32 $0xFFFFFFFF  }
0x23: {  	s27 =	simm.s32 $execute0_lowered;
	[smem:$0x3FD2] =	sst s26  }
0x24: {  	s5 =	sshll.u32 s27, $0x1;
	_ =	strace $0x80000049;
	[dreg:$0x1] =	wrdreg $0xFFFFFFFF  }
0x25: {  	s28 =	simm.s32 $_size_execute0_lowered;
	s3 =	sadd.s32 s3, s5;
	[dreg:$0x0] =	wrdreg $0x0  }
0x26: {  	s5 =	sshll.u32 s28, $0x1;
	[dreg:$0x2] =	wrdreg s3  }
0x27: {  	[dreg:$0x3] =	wrdreg s5  }
0x28: {  	[dreg:$0x4] =	wrdreg $0xC0  }
0x29: {  	_ =	task [dreg:s7], $0x5FFFF  }
0x2a: {  	[dreg:$0x1] =	wrdreg $0xFFFFFFFF  }
0x2b: {  	[dreg:$0x0] =	wrdreg $0x60  }
0x2c: {  	[dreg:$0x2] =	wrdreg s25  }
0x2d: {  	[dreg:$0x3] =	wrdreg s17  }
0x2e: {  	[dreg:$0x4] =	wrdreg $0x9  }
0x2f: {  	_ =	task.clear_ibuf [dreg:s7], $0x5FFFF;
	_ =	strace $0x90000049  }
0x30: {  	s29 =	simm.s32 $0x9;
	_ =	strace $0x8000004B  }
0x31: {  	_ =	swait.ge [sflag:s29], $0x1  }
0x32: {  	[sflag:s29] =	ssyncadd.s32 $0xFFFFFFFF  }
0x33: {  	_ =	strace $0x9000004B  }
0x34: {  	_ =	sfence  }
0x35: {  	s30 =	sld [smem:$0x0];
	_ =	sdelay $0x2  }
0x36: {  	s31 =	sshll.u32 s1, $0xD;
	s1 =	sshrl.u32 s1, $0x2  }
0x37: {  	s3 =	sand.u32 $0x4000, s31;
	s1 =	sadd.s32 s1, s30  }
0x38: {  	s0 =	sor.u32 s3, s0;
	s1 =	sshll.u32 s1, $0x11  }
0x39: {  	s0 =	sor.u32 s1, s0  }
0x3a: {  	s0 =	sadd.s32 $0x8F2B, s0  }
0x3b: {  	[sflag:s0] =	ssyncadd.remote.s32 $0x1  }
0x3c: {  	_ =	sfence.sel $0xFFFF  }
0x3d: {  	[dreg:$0x0] =	wrdreg $0xFFFFFFFF;
	(pc) =	sbr.abs _section_cstart, $3  }
0x3e: {  	[dreg:$0x1] =	wrdreg $0xFFFFFFFF  }
0x3f: {  	_ =	task.clear_ibuf [dreg:s7], $0x2FFFF;
	_ =	strace $0x9FFFFFFF  }
0x40: {  	(tm) =	ssettm $0x7FFFFFFF  }
0x41: {  	_ =	shalt  }
tec
execute0_lowered:
.L_overlay_start_1:
0x0: {  	(tag) =	ssettag $0x1  }
0x1: {  	s0 =	srdreg.scid  }
0x2: {  	s1 =	sshll.u32 s0, $0x4  }
0x3: {  	s0 =	stileid.u32;
	s1 =	sand.u32 $0x10, s1  }
0x4: {  	s1 =	sor.u32 s0, s1  }
0x5: {  	s6 =	rddreg [dreg:$0x0];
	s4 =	simm.s32 $0x1;
	s2 =	sshll.u32 s1, $0x7  }
0x6: {  	s7 =	simm.s32 $0x2;
	s12 =	simm.s32 $0x0;
	s1 =	ssub.s32 $0x1000, s2  }
0x7: {  	s8 =	simm.s32 $0x8000;
	s13 =	simm.s32 $0x0;
	s3 =	sand.u32 $0xF80, s1  }
0x8: {  	s9 =	simm.s32 $0x0;
	s5 =	sshrl.u32 s1, $0xC;
	p0 =	sne.s32 s3, $0x0  }
.Ltmp0:
0x9: {  	s1 =	rddreg [dreg:$0x2];
	s4 =	simm.s32 @!p0 $0x0;
	(pc) =	sbr.rel .LBB1_1-.Ltmp0, $4  }
0xa: {  	s11 =	simm.s32 $0x0;
	s3 =	rddreg [dreg:$0x1];
	s5 =	sadd.s32 s4, s5  }
0xb: {  	_ =	strace $0x8000004A;
	s4 =	simm.s32 $0x1;
	s5 =	smul.u32 $0x32, s5  }
0xc: {  	s6 =	sadd.s32 $0xE00, s6;
	s10 =	smov.u32 s2;
	[sflag:s4] =	ssyncpa.u1 $0x0  }
0xd: {  	p0 =	por $0x0, $0x0;
	[sflag:s7] =	ssyncpa.u1 $0x0;
	s7 =	sor.u32 $0x1, s5  }
.LBB1_4:
0xe: {  	s16 =	sshll.u32 s13, $0x3;
	s17 =	sand.u32 $0x78, s13  }
0xf: {  	s30 =	sand.u32 $0x7E00, s13;
	s12 =	sshll.u32 s12, $0xF;
	s16 =	sand.u32 $0xC00, s16  }
0x10: {  	[tilespmem:s15+$0x810 ss:$0x81] =	vst.msk $0xffff, v2;
	s31 =	sand.u32 $0x7, s13;
	s16 =	sor.u32 s17, s16;
	s17 =	sadd.s32 s3, s30  }
0x11: {  	[tilespmem:s15+$0x1020 ss:$0x81] =	vst.msk $0xffff, v0;
	s13 =	sshll.u32 s31, $0x12;
	s12 =	sadd.s32 s12, s17;
	s16 =	sshrl.u32 s16, $0x3  }
0x12: {  	[tilespmem:s15+$0x0 ss:$0x81] =	vst.msk $0xffff, v1;
	s13 =	sor.u32 $0x400, s13;
	s12 =	sadd.s32 s16, s12  }
0x13: {  	[hbm4b:s12+s13] =	stream.strided.scatter [tilespmem:s14], [sflag:$0x2], $0x2000, s8, s13, $0x20;
	[tilespmem:$0x8080] =	vst v63  }
.LBB1_5:
0x14: {  	s14 =	sadd.s32 $0x1, s9  }
0x15: {  	s12 =	sadd.s32 $0x1000, s10;
	s16 =	smov.u32 s10;
	p2 =	sgt.s32 s14, $0x31  }
0x16: {  	s16 =	smov.u32 @p2 s12  }
0x17: {  	s14 =	simm.s32 @p2 $0x0;
	p2 =	sgt.s32 s16, $0xFFF  }
0x18: {  	s16 =	smov.u32 @p2 s2;
	p2 =	sne.s32 s11, s7  }
.Ltmp1:
0x19: {  	p1 =	slt.u32 s11, $0x2;
	(pc) =	sbr.rel @!p2 .LBB1_6-.Ltmp1, $4  }
0x1a: {  	s15 =	simm.s32 @!p1 $0x2  }
0x1b: {  	s13 =	smov.u32 s10;
	p0 =	por !p0, !p0;
	_ =	swait.ge @!p1 [sflag:s15], $0x2000  }
0x1c: {  	s12 =	smov.u32 s9;
	[sflag:s15] =	ssyncset.done @!p1 $0x0;
	s9 =	smov.u32 s14  }
0x1d: {  	s11 =	sadd.s32 $0x1, s11;
	[sflag:s15] =	ssyncadd.s32 @!p1 $0xFFFFE000;
	s10 =	smov.u32 s16  }
.LBB1_1:
0x1e: {  	p1 =	sge.u32 s11, s5  }
0x1f: {  	s14 =	sand.u32 @!p1 $0x1FFFFFF, s9  }
0x20: {  	s15 =	smulhi.u32 @!p1 $0x4924925, s14;
	_ =	sdelay $0x1  }
0x21: {  	s15 =	smul.u32 @!p1 $0x38, s15  }
0x22: {  	s16 =	sxor.u32 @!p1 $0xFFFFFFFF, s11;
	s17 =	smul.u32 @!p1 $0x380, s10  }
0x23: {  	s31 =	sadd.s32 $0xFFFFFFFF, s11;
	s16 =	sshll.u32 @!p1 s16, $0xD;
	s14 =	ssub.s32 @!p1 s14, s15  }
0x24: {  	s15 =	sand.u32 @!p1 $0x2000, s16;
	s16 =	sadd.s32 @!p1 s6, s17;
	s14 =	sshll.u32 @!p1 s14, $0x4  }
0x25: {  	s17 =	simm.s32 @!p1 $0x1C00;
	s14 =	sadd.s32 @!p1 s14, s16;
	s16 =	simm.s32 @!p1 $0x40  }
0x26: {  	[tilespmem:s15], [sflag:$0x1] =	stream.strided.gather @!p1 [hbm4b:s14+s16], $0x2000, s17, s16, $0x38;
	[tilespmem:$0x8080] =	vst v63  }
0x27: {  	p1 =	sge.u32 s31, s5  }
.Ltmp2:
0x28: {  	_ = 	snop;
	(pc) =	sbr.rel @p1 .LBB1_5-.Ltmp2, $1  }
0x29: {  	_ =	sdelay $0x3  }
0x2a: {  	s14 =	simm.s32 $0x1  }
0x2b: {  	_ =	swait.ge [sflag:s4], $0x2000;
	s14 =	simm.s32 @!p0 $0x0  }
0x2c: {  	[sflag:s4] =	ssyncset.done $0x0;
	s15 =	sshll.u32 s14, $0xD  }
0x2d: {  	[sflag:s4] =	ssyncadd.s32 $0xFFFFE000;
	s18 =	sor.u32 $0x20, s15  }
0x2e: {  	s14 =	smul.u32 $0x8100, s14;
	v3 =	vld [tilespmem:s18+$0x10]  }
0x2f: {  	s30 =	sand.u32 $0x1, s11;
	v2 =	vld [tilespmem:s18+$0xFFFFFFF0]  }
0x30: {  	s15 =	smul.u32 $0x8100, s30;
	s14 =	sshrl.u32 s14, $0x2;
	v0 =	vld [tilespmem:s18+$0x0]  }
0x31: {  	v1 =	vld [tilespmem:s18+$0xFFFFFFE0];
	s16 =	sor.u32 $0x4000, s14  }
0x32: {  	s31 =	sshrl.u32 s15, $0x2;
	s15 =	sadd.s32 $0x0, s16  }
0x33: {  	s17 =	simm.s32 $0x4;
	s18 =	sadd.s32 $0x40, s18;
	s14 =	sor.u32 $0x4000, s31;
	[tilespmem:s15+$0x1830 ss:$0x81] =	vst.msk $0xffff, v3  }
.LBB1_3:
0x34: {  	v3 =	vld [tilespmem:s18+$0x10];
	p1 =	sne.s32 s17, $0x1FC;
	[tilespmem:s15+$0x810 ss:$0x81] =	vst.msk $0xffff, v2;
	s19 =	smov.u32 s17;
	s17 =	sadd.s32 $0x4, s17  }
.Ltmp3:
0x35: {  	v2 =	vld [tilespmem:s18+$0xFFFFFFF0];
	[tilespmem:s15+$0x1020 ss:$0x81] =	vst.msk $0xffff, v0;
	(pc) =	sbr.rel @p1 .LBB1_3-.Ltmp3, $4  }
0x36: {  	v0 =	vld [tilespmem:s18+$0x0];
	[tilespmem:s15+$0x0 ss:$0x81] =	vst.msk $0xffff, v1  }
0x37: {  	s15 =	sshra.s32 s19, $0x2;
	v1 =	vld [tilespmem:s18+$0xFFFFFFE0]  }
0x38: {  	s15 =	sadd.s32 s15, s16  }
0x39: {  	s18 =	sadd.s32 $0x40, s18;
	[tilespmem:s15+$0x1830 ss:$0x81] =	vst.msk $0xffff, v3  }
.Ltmp4:
0x3a: {  	_ = 	snop;
	(pc) =	sbr.rel .LBB1_4-.Ltmp4, $1  }
0x3b: {  	_ =	sdelay $0x3  }
.LBB1_6:
0x3c: {  	_ =	sfence.sel $0x180000  }
0x3d: {  	s2 =	simm.s32 $0x1;
	[bflag:$0x0] =	sbarrier.arrive $0xFFFF  }
0x3e: {  	s31 =	simm.s32 $0x2;
	[sflag:s2] =	ssyncpa.u1 $0x1  }
0x3f: {  	[sflag:s31] =	ssyncpa.u1 $0x1  }
0x40: {  	p0 =	sne.s32 s0, $0x0;
	_ =	strace $0x9000004A  }
0x41: {  	s0 =	sadd.s32 @!p0 $0x100000, s1;
	[bflag:$0x2] =	sbarrier.arrive $0xFFFF  }
0x42: {  	[sflag:s0] =	ssyncadd.tile.s32 @!p0 $0x1;
	_ =	shalt  }
.Lfunc_end1:
_tile_overlayer_lowered:
.L_overlay_start_2:
0x43: {  	(tag) =	ssettag $0x2  }
0x44: {  	s0 =	rddreg [dreg:$0x0];
	s2 =	stileid.u32  }
0x45: {  	s1 =	rddreg [dreg:$0x1];
	p0 =	sne.s32 s2, $0x0  }
0x46: {  	s3 =	rddreg [dreg:$0x2];
	[bflag:$0x3] =	sbarrier.arrive $0xFFFF;
	s2 =	simm.s32 @!p0 $0x1C01  }
0x47: {  	[timem:s3], [sflag:s2] =	dma.local @!p0 [hbm:s0], s1  }
0x48: {  	s0 =	simm.s32 @!p0 $0x1  }
0x49: {  	_ =	swait.ge @!p0 [sflag:s0], s1  }
0x4a: {  	s1 =	ssub.s32 @!p0 $0x0, s1;
	[sflag:s0] =	ssyncset.done @!p0 $0x0  }
0x4b: {  	[sflag:s0] =	ssyncadd.s32 @!p0 s1  }
0x4c: {  	[bflag:$0x3] =	sbarrier.arrive $0xFFFF  }
0x4d: {  	_ =	shalt  }

</sc_bundles>
